<compile_context>
chip_gen: v7x
topology: tpu7x:2x2x1
jax: 0.10.2.dev20260603
libtpu: 0.0.44.dev20260713+nightly
codegen_flags: <defaults>
</compile_context>

<pallas_src>
import functools

import jax
import jax.numpy as jnp
from jax import lax
from jax.experimental import pallas as pl
from jax.experimental.pallas import tpu as pltpu
from jax.experimental.pallas import tpu_sc as plsc

_B = 4
_S = 8192
_EMB = 512
_RED = 64
_TOP_K_RATIO = 0.3
_SINK = 4
_TS = 1024

_NSEL = max(int(_S * _TOP_K_RATIO), _SINK + 1)
_KREM = _NSEL - _SINK
_ROWS = _S // 128
_LOGS = 13
_GPAD = 2560
_RPW = _GPAD // 32


def _qk_body(x_ref, wqt_ref, wkt_ref, q_ref, k_ref):
    xb = x_ref[0]
    q_ref[0] = jnp.dot(xb, wqt_ref[...], preferred_element_type=jnp.float32)
    k_ref[0] = jnp.dot(xb, wkt_ref[...], preferred_element_type=jnp.float32)


def _qk_pallas(x, Wq, Wk):
    grid = (_B, _S // _TS)
    shp = jax.ShapeDtypeStruct((_B, _S, _RED), jnp.float32)
    return pl.pallas_call(
        _qk_body,
        grid=grid,
        in_specs=[
            pl.BlockSpec((1, _TS, _EMB), lambda b, s: (b, s, 0)),
            pl.BlockSpec((_EMB, _RED), lambda b, s: (0, 0)),
            pl.BlockSpec((_EMB, _RED), lambda b, s: (0, 0)),
        ],
        out_specs=[
            pl.BlockSpec((1, _TS, _RED), lambda b, s: (b, s, 0)),
            pl.BlockSpec((1, _TS, _RED), lambda b, s: (b, s, 0)),
        ],
        out_shape=[shp, shp],
    )(x, Wq.T, Wk.T)


def _sort_body(s_ref, sel_ref, gidx_ref, mask_ref):
    b = pl.program_id(0)
    row = s_ref[0, 0, :]
    srt = jnp.concatenate([row[_SINK:], jnp.full((_SINK,), -2.0, jnp.float32)])
    s = srt.reshape(_ROWS, 128)
    lane = jax.lax.broadcasted_iota(jnp.int32, (_ROWS, 128), 1)
    rowi = jax.lax.broadcasted_iota(jnp.int32, (_ROWS, 128), 0)
    lin = rowi * 128 + lane
    idx = lin

    for L in range(1, _LOGS + 1):
        desc = ((lin >> L) & 1) != 0
        for j in range(L):
            d = 1 << (L - 1 - j)
            if d >= 128:
                r = d // 128
                sp = jnp.roll(s, r, axis=0)
                sm = jnp.roll(s, -r, axis=0)
                ip = jnp.roll(idx, r, axis=0)
                im = jnp.roll(idx, -r, axis=0)
            else:
                sp = jnp.roll(s, d, axis=1)
                sm = jnp.roll(s, -d, axis=1)
                ip = jnp.roll(idx, d, axis=1)
                im = jnp.roll(idx, -d, axis=1)
            upper = (lin & d) != 0
            ps = jnp.where(upper, sp, sm)
            pi = jnp.where(upper, ip, im)
            cb = (ps > s) | ((ps == s) & (pi < idx))
            take = (cb != upper) != desc
            s = jnp.where(take, ps, s)
            idx = jnp.where(take, pi, idx)

    gsorted = (idx + _SINK).reshape(_S)
    sel = jnp.concatenate(
        [jnp.arange(_SINK, dtype=jnp.int32), gsorted[:_KREM]])
    sel_ref[0, 0, :] = sel

    bs = s[(_KREM - 1) // 128, (_KREM - 1) % 128]
    bi = idx[(_KREM - 1) // 128, (_KREM - 1) % 128]

    last = gsorted[_NSEL - _SINK - 1]
    pads = jnp.zeros((_GPAD - _NSEL,), jnp.int32) + last
    gidx_ref[0, 0, :] = jnp.concatenate([sel, pads]) + b * _S
    full = row.reshape(_ROWS, 128)
    msk = (lin < _SINK) | (full > bs) | ((full == bs) & (lin < bi + _SINK + 1))
    mask_ref[0, 0, :] = msk.astype(jnp.int32).reshape(_S)


def _sort_pallas(scores):
    s3 = scores.reshape(_B, 1, _S)
    return pl.pallas_call(
        _sort_body,
        grid=(_B,),
        in_specs=[pl.BlockSpec((1, 1, _S), lambda b: (b, 0, 0))],
        out_specs=[
            pl.BlockSpec((1, 1, _NSEL), lambda b: (b, 0, 0)),
            pl.BlockSpec((1, 1, _GPAD), lambda b: (b, 0, 0)),
            pl.BlockSpec((1, 1, _S), lambda b: (b, 0, 0)),
        ],
        out_shape=[
            jax.ShapeDtypeStruct((_B, 1, _NSEL), jnp.int32),
            jax.ShapeDtypeStruct((_B, 1, _GPAD), jnp.int32),
            jax.ShapeDtypeStruct((_B, 1, _S), jnp.int32),
        ],
    )(s3)


def _make_gather():
    mesh = plsc.VectorSubcoreMesh(core_axis_name="c", subcore_axis_name="s")
    info = plsc.get_sparse_core_info()
    nc = info.num_cores

    @functools.partial(
        pl.kernel,
        mesh=mesh,
        out_type=jax.ShapeDtypeStruct((_B * _NSEL, _EMB), jnp.float32),
        scratch_types=[
            pltpu.VMEM((_RPW,), jnp.int32),
            pltpu.VMEM((_RPW,), jnp.int32),
            pltpu.VMEM((_RPW,), jnp.int32),
            pltpu.VMEM((_RPW,), jnp.int32),
            pltpu.VMEM((_RPW,), jnp.int32),
            pltpu.VMEM((_RPW,), jnp.int32),
            pltpu.VMEM((_RPW, _EMB), jnp.float32),
            pltpu.VMEM((_RPW, _EMB), jnp.float32),
            pltpu.SemaphoreType.DMA,
            pltpu.SemaphoreType.DMA,
        ],
    )
    def gather(xflat_hbm, gidx_hbm, out_hbm,
               i0, i1, i2, i3, o0, o1, r0, r1, gsem, ssem):
        wid = lax.axis_index("s") * nc + lax.axis_index("c")
        base = wid * _RPW
        for b in range(_B):
            src = pl.multiple_of(b * _GPAD + base, 8)
            pltpu.sync_copy(gidx_hbm.at[pl.ds(src, _RPW)], i0)
            pltpu.async_copy(xflat_hbm.at[i0], r0, gsem).wait()
            for j in range(_RPW // 16):
                pos = lax.iota(jnp.int32, 16) + (base + j * 16)
                pos = jnp.minimum(pos, _NSEL - 1) + b * _NSEL
                o0[pl.ds(j * 16, 16)] = pos
            pltpu.async_copy(r0, out_hbm.at[o0], ssem).wait()

    return gather


_gather_rows = _make_gather()


def kernel(x, Wq, Wk, sv):
    q = jnp.einsum('bse,re->bsr', x, Wq)
    k = jnp.einsum('bse,re->bsr', x, Wk)
    q_n = q / (jnp.linalg.norm(q, axis=-1, keepdims=True) + 1e-08)
    k_n = k / (jnp.linalg.norm(k, axis=-1, keepdims=True) + 1e-08)
    sv_n = sv / (jnp.linalg.norm(sv) + 1e-08)
    scores_q = jnp.sum(q_n * sv_n[None, None, :], axis=-1)
    scores_k = jnp.sum(k_n * sv_n[None, None, :], axis=-1)
    scores = (scores_q + scores_k) / 2.0

    sel3, gidx3, mask3 = _sort_pallas(scores)
    selected_indices = sel3.reshape(_B, _NSEL)
    mask = mask3.reshape(_B, _S).astype(bool)

    selected_x = _gather_rows(x.reshape(_B * _S, _EMB),
                              gidx3.reshape(_B * _GPAD))
    return (selected_x.reshape(_B, _NSEL, _EMB), selected_indices, mask)

# --- scband reference (transcript-rebuilt; emitter-appended) ---
"""Pipeline reference for scband-dynamic-token-selector-75514114998345 (READ-ONLY COPY).

The authoritative reference and input builder live on the scoring server;
editing this copy changes nothing except your own understanding.
"""

import jax, jax.numpy as jnp
import numpy as np

B = 4
S = 8192
EMB = 512
RED = 64
TOP_K_RATIO = 0.3
SINK = 4


def setup_inputs(seed: int = 0) -> dict:
    key = jax.random.key(seed)
    k1, k2, k3, k4 = jax.random.split(key, 4)
    x = jax.random.normal(k1, (B, S, EMB), dtype=jnp.float32)
    # xavier_uniform with gain=0.1 for the two projection matrices [RED, EMB]
    bound = 0.1 * np.sqrt(6.0 / (EMB + RED))
    Wq = jax.random.uniform(k2, (RED, EMB), dtype=jnp.float32, minval=-bound, maxval=bound)
    Wk = jax.random.uniform(k3, (RED, EMB), dtype=jnp.float32, minval=-bound, maxval=bound)
    sv = jax.random.normal(k4, (RED,), dtype=jnp.float32) * 0.01
    return {"x": x, "Wq": Wq, "Wk": Wk, "sv": sv}


def _importance_scores(x, Wq, Wk, sv):
    q = jnp.einsum('bse,re->bsr', x, Wq)
    k = jnp.einsum('bse,re->bsr', x, Wk)
    q_n = q / (jnp.linalg.norm(q, axis=-1, keepdims=True) + 1e-08)
    k_n = k / (jnp.linalg.norm(k, axis=-1, keepdims=True) + 1e-08)
    sv_n = sv / (jnp.linalg.norm(sv) + 1e-08)
    scores_q = jnp.sum(q_n * sv_n[None, None, :], axis=-1)
    scores_k = jnp.sum(k_n * sv_n[None, None, :], axis=-1)
    return (scores_q + scores_k) / 2.0


def reference(x, Wq, Wk, sv):
    batch, seq_len, emb_size = x.shape
    importance_scores = _importance_scores(x, Wq, Wk, sv)
    num_select = max(int(seq_len * TOP_K_RATIO), SINK + 1)
    num_select = min(num_select, seq_len)
    # seq_len > SINK branch
    remaining_scores = importance_scores[:, SINK:]
    num_remaining_select = num_select - SINK
    k_sel = min(num_remaining_select, remaining_scores.shape[1])
    _, top_k_indices = jax.lax.top_k(remaining_scores, k_sel)
    top_k_indices = top_k_indices + SINK
    sink_indices = jnp.broadcast_to(jnp.arange(SINK, dtype=top_k_indices.dtype)[None, :], (batch, SINK))
    selected_indices = jnp.concatenate([sink_indices, top_k_indices], axis=-1)
    mask = jnp.zeros((batch, seq_len), dtype=bool)
    mask = mask.at[jnp.arange(batch)[:, None], selected_indices].set(True)
    selected_x = jnp.take_along_axis(x, selected_indices[:, :, None], axis=1)
    return (selected_x, selected_indices, mask)

if __name__ == "__main__":
    import jax
    _d = setup_inputs()
    print(jax.jit(kernel)(*tuple(_d.values())))

</pallas_src>

<mosaic_0001>
#map = affine_map<(d0, d1) -> (0, 0)>
#map1 = affine_map<(d0, d1) -> (0)>
module attributes {stable_mosaic.version = 14 : i64} {
  func.func @gather(%arg0: i32, %arg1: i32, %arg2: memref<32768x512xf32, #tpu.memory_space<hbm>>, %arg3: memref<10240xi32, #tpu.memory_space<hbm>>, %arg4: memref<9828x512xf32, #tpu.memory_space<hbm>>, %arg5: memref<80xi32, #tpu.memory_space<vmem>>, %arg6: memref<80xi32, #tpu.memory_space<vmem>>, %arg7: memref<80xi32, #tpu.memory_space<vmem>>, %arg8: memref<80xi32, #tpu.memory_space<vmem>>, %arg9: memref<80xi32, #tpu.memory_space<vmem>>, %arg10: memref<80xi32, #tpu.memory_space<vmem>>, %arg11: memref<80x512xf32, #tpu.memory_space<vmem>>, %arg12: memref<80x512xf32, #tpu.memory_space<vmem>>, %arg13: memref<!tpu.dma_semaphore, #tpu.memory_space<semaphore_mem>>, %arg14: memref<!tpu.dma_semaphore, #tpu.memory_space<semaphore_mem>>) attributes {dimension_semantics = [#tpu.dimension_semantics<core_parallel>, #tpu.dimension_semantics<subcore_parallel>], iteration_bounds = array<i64: 2, 16>, scalar_prefetch = 0 : i64, scratch_operands = 10 : i64, tpu.core_type = #tpu.core_type<sc_vector_subcore>, window_params = [{transform_indices = #map}, {transform_indices = #map1}, {transform_indices = #map}]} {
    %mul3A = arith.constant 2 : i32
    %mul3A_0 = arith.muli %arg1, %mul3A : i32
    %add3A = arith.addi %mul3A_0, %arg0 : i32
    %mul3A_1 = arith.constant 80 : i32
    %mul3A_2 = arith.muli %add3A, %mul3A_1 : i32
    %add3A_3 = arith.constant 0 : i32
    %add3A_4 = arith.addi %add3A_3, %mul3A_2 : i32
    %multiple_of3A = tpu.assume_multiple %add3A_4, 8 : i32
    "tpu.region"() ({
      %run_scoped3A = tpu.sem_alloc : memref<!tpu.dma_semaphore, #tpu.memory_space<semaphore_mem>>
      %dma_start3A_357 = tpu.memref_slice %arg3[%multiple_of3A] : memref<10240xi32, #tpu.memory_space<hbm>> -> memref<80xi32, #tpu.memory_space<hbm>>
      %dma_start3A_358 = tpu.memref_slice %arg3[%multiple_of3A] : memref<10240xi32, #tpu.memory_space<hbm>> -> memref<80xi32, #tpu.memory_space<hbm>>
      tpu.enqueue_dma source(%dma_start3A_358 : memref<80xi32, #tpu.memory_space<hbm>>) target(%arg5 : memref<80xi32, #tpu.memory_space<vmem>>) target_semaphore(%run_scoped3A : memref<!tpu.dma_semaphore, #tpu.memory_space<semaphore_mem>>)
      %dma_wait3A_359 = tpu.memref_slice %arg3[%multiple_of3A] : memref<10240xi32, #tpu.memory_space<hbm>> -> memref<80xi32, #tpu.memory_space<hbm>>
      %dma_wait3A_360 = tpu.memref_slice %arg3[%multiple_of3A] : memref<10240xi32, #tpu.memory_space<hbm>> -> memref<80xi32, #tpu.memory_space<hbm>>
      tpu.wait_dma2 semaphore(%run_scoped3A : memref<!tpu.dma_semaphore, #tpu.memory_space<semaphore_mem>>) src(%dma_wait3A_360 : memref<80xi32, #tpu.memory_space<hbm>>) dst(%arg5 : memref<80xi32, #tpu.memory_space<vmem>>)
      tpu.yield
    }) : () -> ()
    %dma_start3A = arith.constant 0 : i32
    %dma_start3A_5 = arith.constant 0 : i32
    %dma_start3A_6 = tpu.memref_slice %arg2[%dma_start3A, %dma_start3A_5] : memref<32768x512xf32, #tpu.memory_space<hbm>> -> memref<32768x512xf32, #tpu.memory_space<hbm>>
    tpu.enqueue_indirect_dma source(%dma_start3A_6 : memref<32768x512xf32, #tpu.memory_space<hbm>>) target(%arg11 : memref<80x512xf32, #tpu.memory_space<vmem>>) offsets(%arg5 : memref<80xi32, #tpu.memory_space<vmem>>) semaphore(%arg13 : memref<!tpu.dma_semaphore, #tpu.memory_space<semaphore_mem>>)
    %dma_wait3A = arith.constant 0 : i32
    %dma_wait3A_7 = arith.constant 0 : i32
    %dma_wait3A_8 = tpu.memref_slice %arg2[%dma_wait3A, %dma_wait3A_7] : memref<32768x512xf32, #tpu.memory_space<hbm>> -> memref<32768x512xf32, #tpu.memory_space<hbm>>
    tpu.wait_indirect_dma semaphore(%arg13 : memref<!tpu.dma_semaphore, #tpu.memory_space<semaphore_mem>>) src(%dma_wait3A_8 : memref<32768x512xf32, #tpu.memory_space<hbm>>) dst(%arg11 : memref<80x512xf32, #tpu.memory_space<vmem>>)
    %iota3A = tpu.iota {dimensions = array<i32: 0>} : vector<16xi32>
    %add3A_9 = arith.constant 0 : i32
    %add3A_10 = arith.addi %mul3A_2, %add3A_9 : i32
    %add3A_11 = vector.broadcast %add3A_10 : i32 to vector<16xi32>
    %add3A_12 = arith.addi %iota3A, %add3A_11 : vector<16xi32>
    %min3A = arith.constant 2456 : i32
    %min3A_13 = vector.broadcast %min3A : i32 to vector<16xi32>
    %min3A_14 = arith.minsi %add3A_12, %min3A_13 : vector<16xi32>
    %add3A_15 = arith.constant 0 : i32
    %add3A_16 = vector.broadcast %add3A_15 : i32 to vector<16xi32>
    %add3A_17 = arith.addi %min3A_14, %add3A_16 : vector<16xi32>
    %swap3A = arith.constant 0 : index
    %swap3A_18 = tpu.vector_load %arg9[%swap3A] {strides = array<i32>} : memref<80xi32, #tpu.memory_space<vmem>>, vector<16xi32>,
    %swap3A_19 = vector.shape_cast %swap3A_18 : vector<16xi32> to vector<16xi32>
    %swap3A_20 = vector.shape_cast %add3A_17 : vector<16xi32> to vector<16xi32>
    tpu.vector_store %arg9[%swap3A], %swap3A_20 {strides = array<i32>} : memref<80xi32, #tpu.memory_space<vmem>>, vector<16xi32>,
    %iota3A_21 = tpu.iota {dimensions = array<i32: 0>} : vector<16xi32>
    %add3A_22 = arith.constant 16 : i32
    %add3A_23 = arith.addi %mul3A_2, %add3A_22 : i32
    %add3A_24 = vector.broadcast %add3A_23 : i32 to vector<16xi32>
    %add3A_25 = arith.addi %iota3A_21, %add3A_24 : vector<16xi32>
    %min3A_26 = arith.constant 2456 : i32
    %min3A_27 = vector.broadcast %min3A_26 : i32 to vector<16xi32>
    %min3A_28 = arith.minsi %add3A_25, %min3A_27 : vector<16xi32>
    %add3A_29 = arith.constant 0 : i32
    %add3A_30 = vector.broadcast %add3A_29 : i32 to vector<16xi32>
    %add3A_31 = arith.addi %min3A_28, %add3A_30 : vector<16xi32>
    %swap3A_32 = arith.constant 16 : index
    %swap3A_33 = tpu.vector_load %arg9[%swap3A_32] {strides = array<i32>} : memref<80xi32, #tpu.memory_space<vmem>>, vector<16xi32>,
    %swap3A_34 = vector.shape_cast %swap3A_33 : vector<16xi32> to vector<16xi32>
    %swap3A_35 = vector.shape_cast %add3A_31 : vector<16xi32> to vector<16xi32>
    tpu.vector_store %arg9[%swap3A_32], %swap3A_35 {strides = array<i32>} : memref<80xi32, #tpu.memory_space<vmem>>, vector<16xi32>,
    %iota3A_36 = tpu.iota {dimensions = array<i32: 0>} : vector<16xi32>
    %add3A_37 = arith.constant 32 : i32
    %add3A_38 = arith.addi %mul3A_2, %add3A_37 : i32
    %add3A_39 = vector.broadcast %add3A_38 : i32 to vector<16xi32>
    %add3A_40 = arith.addi %iota3A_36, %add3A_39 : vector<16xi32>
    %min3A_41 = arith.constant 2456 : i32
    %min3A_42 = vector.broadcast %min3A_41 : i32 to vector<16xi32>
    %min3A_43 = arith.minsi %add3A_40, %min3A_42 : vector<16xi32>
    %add3A_44 = arith.constant 0 : i32
    %add3A_45 = vector.broadcast %add3A_44 : i32 to vector<16xi32>
    %add3A_46 = arith.addi %min3A_43, %add3A_45 : vector<16xi32>
    %swap3A_47 = arith.constant 32 : index
    %swap3A_48 = tpu.vector_load %arg9[%swap3A_47] {strides = array<i32>} : memref<80xi32, #tpu.memory_space<vmem>>, vector<16xi32>,
    %swap3A_49 = vector.shape_cast %swap3A_48 : vector<16xi32> to vector<16xi32>
    %swap3A_50 = vector.shape_cast %add3A_46 : vector<16xi32> to vector<16xi32>
    tpu.vector_store %arg9[%swap3A_47], %swap3A_50 {strides = array<i32>} : memref<80xi32, #tpu.memory_space<vmem>>, vector<16xi32>,
    %iota3A_51 = tpu.iota {dimensions = array<i32: 0>} : vector<16xi32>
    %add3A_52 = arith.constant 48 : i32
    %add3A_53 = arith.addi %mul3A_2, %add3A_52 : i32
    %add3A_54 = vector.broadcast %add3A_53 : i32 to vector<16xi32>
    %add3A_55 = arith.addi %iota3A_51, %add3A_54 : vector<16xi32>
    %min3A_56 = arith.constant 2456 : i32
    %min3A_57 = vector.broadcast %min3A_56 : i32 to vector<16xi32>
    %min3A_58 = arith.minsi %add3A_55, %min3A_57 : vector<16xi32>
    %add3A_59 = arith.constant 0 : i32
    %add3A_60 = vector.broadcast %add3A_59 : i32 to vector<16xi32>
    %add3A_61 = arith.addi %min3A_58, %add3A_60 : vector<16xi32>
    %swap3A_62 = arith.constant 48 : index
    %swap3A_63 = tpu.vector_load %arg9[%swap3A_62] {strides = array<i32>} : memref<80xi32, #tpu.memory_space<vmem>>, vector<16xi32>,
    %swap3A_64 = vector.shape_cast %swap3A_63 : vector<16xi32> to vector<16xi32>
    %swap3A_65 = vector.shape_cast %add3A_61 : vector<16xi32> to vector<16xi32>
    tpu.vector_store %arg9[%swap3A_62], %swap3A_65 {strides = array<i32>} : memref<80xi32, #tpu.memory_space<vmem>>, vector<16xi32>,
    %iota3A_66 = tpu.iota {dimensions = array<i32: 0>} : vector<16xi32>
    %add3A_67 = arith.constant 64 : i32
    %add3A_68 = arith.addi %mul3A_2, %add3A_67 : i32
    %add3A_69 = vector.broadcast %add3A_68 : i32 to vector<16xi32>
    %add3A_70 = arith.addi %iota3A_66, %add3A_69 : vector<16xi32>
    %min3A_71 = arith.constant 2456 : i32
    %min3A_72 = vector.broadcast %min3A_71 : i32 to vector<16xi32>
    %min3A_73 = arith.minsi %add3A_70, %min3A_72 : vector<16xi32>
    %add3A_74 = arith.constant 0 : i32
    %add3A_75 = vector.broadcast %add3A_74 : i32 to vector<16xi32>
    %add3A_76 = arith.addi %min3A_73, %add3A_75 : vector<16xi32>
    %swap3A_77 = arith.constant 64 : index
    %swap3A_78 = tpu.vector_load %arg9[%swap3A_77] {strides = array<i32>} : memref<80xi32, #tpu.memory_space<vmem>>, vector<16xi32>,
    %swap3A_79 = vector.shape_cast %swap3A_78 : vector<16xi32> to vector<16xi32>
    %swap3A_80 = vector.shape_cast %add3A_76 : vector<16xi32> to vector<16xi32>
    tpu.vector_store %arg9[%swap3A_77], %swap3A_80 {strides = array<i32>} : memref<80xi32, #tpu.memory_space<vmem>>, vector<16xi32>,
    %dma_start3A_81 = arith.constant 0 : i32
    %dma_start3A_82 = arith.constant 0 : i32
    %dma_start3A_83 = tpu.memref_slice %arg4[%dma_start3A_81, %dma_start3A_82] : memref<9828x512xf32, #tpu.memory_space<hbm>> -> memref<9828x512xf32, #tpu.memory_space<hbm>>
    tpu.enqueue_indirect_dma source(%arg11 : memref<80x512xf32, #tpu.memory_space<vmem>>) target(%dma_start3A_83 : memref<9828x512xf32, #tpu.memory_space<hbm>>) offsets(%arg9 : memref<80xi32, #tpu.memory_space<vmem>>) semaphore(%arg14 : memref<!tpu.dma_semaphore, #tpu.memory_space<semaphore_mem>>)
    %dma_wait3A_84 = arith.constant 0 : i32
    %dma_wait3A_85 = arith.constant 0 : i32
    %dma_wait3A_86 = tpu.memref_slice %arg4[%dma_wait3A_84, %dma_wait3A_85] : memref<9828x512xf32, #tpu.memory_space<hbm>> -> memref<9828x512xf32, #tpu.memory_space<hbm>>
    tpu.wait_indirect_dma semaphore(%arg14 : memref<!tpu.dma_semaphore, #tpu.memory_space<semaphore_mem>>) src(%arg11 : memref<80x512xf32, #tpu.memory_space<vmem>>) dst(%dma_wait3A_86 : memref<9828x512xf32, #tpu.memory_space<hbm>>)
    %add3A_87 = arith.constant 2560 : i32
    %add3A_88 = arith.addi %add3A_87, %mul3A_2 : i32
    %multiple_of3A_89 = tpu.assume_multiple %add3A_88, 8 : i32
    "tpu.region"() ({
      %run_scoped3A = tpu.sem_alloc : memref<!tpu.dma_semaphore, #tpu.memory_space<semaphore_mem>>
      %dma_start3A_357 = tpu.memref_slice %arg3[%multiple_of3A_89] : memref<10240xi32, #tpu.memory_space<hbm>> -> memref<80xi32, #tpu.memory_space<hbm>>
      %dma_start3A_358 = tpu.memref_slice %arg3[%multiple_of3A_89] : memref<10240xi32, #tpu.memory_space<hbm>> -> memref<80xi32, #tpu.memory_space<hbm>>
      tpu.enqueue_dma source(%dma_start3A_358 : memref<80xi32, #tpu.memory_space<hbm>>) target(%arg5 : memref<80xi32, #tpu.memory_space<vmem>>) target_semaphore(%run_scoped3A : memref<!tpu.dma_semaphore, #tpu.memory_space<semaphore_mem>>)
      %dma_wait3A_359 = tpu.memref_slice %arg3[%multiple_of3A_89] : memref<10240xi32, #tpu.memory_space<hbm>> -> memref<80xi32, #tpu.memory_space<hbm>>
      %dma_wait3A_360 = tpu.memref_slice %arg3[%multiple_of3A_89] : memref<10240xi32, #tpu.memory_space<hbm>> -> memref<80xi32, #tpu.memory_space<hbm>>
      tpu.wait_dma2 semaphore(%run_scoped3A : memref<!tpu.dma_semaphore, #tpu.memory_space<semaphore_mem>>) src(%dma_wait3A_360 : memref<80xi32, #tpu.memory_space<hbm>>) dst(%arg5 : memref<80xi32, #tpu.memory_space<vmem>>)
      tpu.yield
    }) : () -> ()
    %dma_start3A_90 = arith.constant 0 : i32
    %dma_start3A_91 = arith.constant 0 : i32
    %dma_start3A_92 = tpu.memref_slice %arg2[%dma_start3A_90, %dma_start3A_91] : memref<32768x512xf32, #tpu.memory_space<hbm>> -> memref<32768x512xf32, #tpu.memory_space<hbm>>
    tpu.enqueue_indirect_dma source(%dma_start3A_92 : memref<32768x512xf32, #tpu.memory_space<hbm>>) target(%arg11 : memref<80x512xf32, #tpu.memory_space<vmem>>) offsets(%arg5 : memref<80xi32, #tpu.memory_space<vmem>>) semaphore(%arg13 : memref<!tpu.dma_semaphore, #tpu.memory_space<semaphore_mem>>)
    %dma_wait3A_93 = arith.constant 0 : i32
    %dma_wait3A_94 = arith.constant 0 : i32
    %dma_wait3A_95 = tpu.memref_slice %arg2[%dma_wait3A_93, %dma_wait3A_94] : memref<32768x512xf32, #tpu.memory_space<hbm>> -> memref<32768x512xf32, #tpu.memory_space<hbm>>
    tpu.wait_indirect_dma semaphore(%arg13 : memref<!tpu.dma_semaphore, #tpu.memory_space<semaphore_mem>>) src(%dma_wait3A_95 : memref<32768x512xf32, #tpu.memory_space<hbm>>) dst(%arg11 : memref<80x512xf32, #tpu.memory_space<vmem>>)
    %iota3A_96 = tpu.iota {dimensions = array<i32: 0>} : vector<16xi32>
    %add3A_97 = arith.constant 0 : i32
    %add3A_98 = arith.addi %mul3A_2, %add3A_97 : i32
    %add3A_99 = vector.broadcast %add3A_98 : i32 to vector<16xi32>
    %add3A_100 = arith.addi %iota3A_96, %add3A_99 : vector<16xi32>
    %min3A_101 = arith.constant 2456 : i32
    %min3A_102 = vector.broadcast %min3A_101 : i32 to vector<16xi32>
    %min3A_103 = arith.minsi %add3A_100, %min3A_102 : vector<16xi32>
    %add3A_104 = arith.constant 2457 : i32
    %add3A_105 = vector.broadcast %add3A_104 : i32 to vector<16xi32>
    %add3A_106 = arith.addi %min3A_103, %add3A_105 : vector<16xi32>
    %swap3A_107 = arith.constant 0 : index
    %swap3A_108 = tpu.vector_load %arg9[%swap3A_107] {strides = array<i32>} : memref<80xi32, #tpu.memory_space<vmem>>, vector<16xi32>,
    %swap3A_109 = vector.shape_cast %swap3A_108 : vector<16xi32> to vector<16xi32>
    %swap3A_110 = vector.shape_cast %add3A_106 : vector<16xi32> to vector<16xi32>
    tpu.vector_store %arg9[%swap3A_107], %swap3A_110 {strides = array<i32>} : memref<80xi32, #tpu.memory_space<vmem>>, vector<16xi32>,
    %iota3A_111 = tpu.iota {dimensions = array<i32: 0>} : vector<16xi32>
    %add3A_112 = arith.constant 16 : i32
    %add3A_113 = arith.addi %mul3A_2, %add3A_112 : i32
    %add3A_114 = vector.broadcast %add3A_113 : i32 to vector<16xi32>
    %add3A_115 = arith.addi %iota3A_111, %add3A_114 : vector<16xi32>
    %min3A_116 = arith.constant 2456 : i32
    %min3A_117 = vector.broadcast %min3A_116 : i32 to vector<16xi32>
    %min3A_118 = arith.minsi %add3A_115, %min3A_117 : vector<16xi32>
    %add3A_119 = arith.constant 2457 : i32
    %add3A_120 = vector.broadcast %add3A_119 : i32 to vector<16xi32>
    %add3A_121 = arith.addi %min3A_118, %add3A_120 : vector<16xi32>
    %swap3A_122 = arith.constant 16 : index
    %swap3A_123 = tpu.vector_load %arg9[%swap3A_122] {strides = array<i32>} : memref<80xi32, #tpu.memory_space<vmem>>, vector<16xi32>,
    %swap3A_124 = vector.shape_cast %swap3A_123 : vector<16xi32> to vector<16xi32>
    %swap3A_125 = vector.shape_cast %add3A_121 : vector<16xi32> to vector<16xi32>
    tpu.vector_store %arg9[%swap3A_122], %swap3A_125 {strides = array<i32>} : memref<80xi32, #tpu.memory_space<vmem>>, vector<16xi32>,
    %iota3A_126 = tpu.iota {dimensions = array<i32: 0>} : vector<16xi32>
    %add3A_127 = arith.constant 32 : i32
    %add3A_128 = arith.addi %mul3A_2, %add3A_127 : i32
    %add3A_129 = vector.broadcast %add3A_128 : i32 to vector<16xi32>
    %add3A_130 = arith.addi %iota3A_126, %add3A_129 : vector<16xi32>
    %min3A_131 = arith.constant 2456 : i32
    %min3A_132 = vector.broadcast %min3A_131 : i32 to vector<16xi32>
    %min3A_133 = arith.minsi %add3A_130, %min3A_132 : vector<16xi32>
    %add3A_134 = arith.constant 2457 : i32
    %add3A_135 = vector.broadcast %add3A_134 : i32 to vector<16xi32>
    %add3A_136 = arith.addi %min3A_133, %add3A_135 : vector<16xi32>
    %swap3A_137 = arith.constant 32 : index
    %swap3A_138 = tpu.vector_load %arg9[%swap3A_137] {strides = array<i32>} : memref<80xi32, #tpu.memory_space<vmem>>, vector<16xi32>,
    %swap3A_139 = vector.shape_cast %swap3A_138 : vector<16xi32> to vector<16xi32>
    %swap3A_140 = vector.shape_cast %add3A_136 : vector<16xi32> to vector<16xi32>
    tpu.vector_store %arg9[%swap3A_137], %swap3A_140 {strides = array<i32>} : memref<80xi32, #tpu.memory_space<vmem>>, vector<16xi32>,
    %iota3A_141 = tpu.iota {dimensions = array<i32: 0>} : vector<16xi32>
    %add3A_142 = arith.constant 48 : i32
    %add3A_143 = arith.addi %mul3A_2, %add3A_142 : i32
    %add3A_144 = vector.broadcast %add3A_143 : i32 to vector<16xi32>
    %add3A_145 = arith.addi %iota3A_141, %add3A_144 : vector<16xi32>
    %min3A_146 = arith.constant 2456 : i32
    %min3A_147 = vector.broadcast %min3A_146 : i32 to vector<16xi32>
    %min3A_148 = arith.minsi %add3A_145, %min3A_147 : vector<16xi32>
    %add3A_149 = arith.constant 2457 : i32
    %add3A_150 = vector.broadcast %add3A_149 : i32 to vector<16xi32>
    %add3A_151 = arith.addi %min3A_148, %add3A_150 : vector<16xi32>
    %swap3A_152 = arith.constant 48 : index
    %swap3A_153 = tpu.vector_load %arg9[%swap3A_152] {strides = array<i32>} : memref<80xi32, #tpu.memory_space<vmem>>, vector<16xi32>,
    %swap3A_154 = vector.shape_cast %swap3A_153 : vector<16xi32> to vector<16xi32>
    %swap3A_155 = vector.shape_cast %add3A_151 : vector<16xi32> to vector<16xi32>
    tpu.vector_store %arg9[%swap3A_152], %swap3A_155 {strides = array<i32>} : memref<80xi32, #tpu.memory_space<vmem>>, vector<16xi32>,
    %iota3A_156 = tpu.iota {dimensions = array<i32: 0>} : vector<16xi32>
    %add3A_157 = arith.constant 64 : i32
    %add3A_158 = arith.addi %mul3A_2, %add3A_157 : i32
    %add3A_159 = vector.broadcast %add3A_158 : i32 to vector<16xi32>
    %add3A_160 = arith.addi %iota3A_156, %add3A_159 : vector<16xi32>
    %min3A_161 = arith.constant 2456 : i32
    %min3A_162 = vector.broadcast %min3A_161 : i32 to vector<16xi32>
    %min3A_163 = arith.minsi %add3A_160, %min3A_162 : vector<16xi32>
    %add3A_164 = arith.constant 2457 : i32
    %add3A_165 = vector.broadcast %add3A_164 : i32 to vector<16xi32>
    %add3A_166 = arith.addi %min3A_163, %add3A_165 : vector<16xi32>
    %swap3A_167 = arith.constant 64 : index
    %swap3A_168 = tpu.vector_load %arg9[%swap3A_167] {strides = array<i32>} : memref<80xi32, #tpu.memory_space<vmem>>, vector<16xi32>,
    %swap3A_169 = vector.shape_cast %swap3A_168 : vector<16xi32> to vector<16xi32>
    %swap3A_170 = vector.shape_cast %add3A_166 : vector<16xi32> to vector<16xi32>
    tpu.vector_store %arg9[%swap3A_167], %swap3A_170 {strides = array<i32>} : memref<80xi32, #tpu.memory_space<vmem>>, vector<16xi32>,
    %dma_start3A_171 = arith.constant 0 : i32
    %dma_start3A_172 = arith.constant 0 : i32
    %dma_start3A_173 = tpu.memref_slice %arg4[%dma_start3A_171, %dma_start3A_172] : memref<9828x512xf32, #tpu.memory_space<hbm>> -> memref<9828x512xf32, #tpu.memory_space<hbm>>
    tpu.enqueue_indirect_dma source(%arg11 : memref<80x512xf32, #tpu.memory_space<vmem>>) target(%dma_start3A_173 : memref<9828x512xf32, #tpu.memory_space<hbm>>) offsets(%arg9 : memref<80xi32, #tpu.memory_space<vmem>>) semaphore(%arg14 : memref<!tpu.dma_semaphore, #tpu.memory_space<semaphore_mem>>)
    %dma_wait3A_174 = arith.constant 0 : i32
    %dma_wait3A_175 = arith.constant 0 : i32
    %dma_wait3A_176 = tpu.memref_slice %arg4[%dma_wait3A_174, %dma_wait3A_175] : memref<9828x512xf32, #tpu.memory_space<hbm>> -> memref<9828x512xf32, #tpu.memory_space<hbm>>
    tpu.wait_indirect_dma semaphore(%arg14 : memref<!tpu.dma_semaphore, #tpu.memory_space<semaphore_mem>>) src(%arg11 : memref<80x512xf32, #tpu.memory_space<vmem>>) dst(%dma_wait3A_176 : memref<9828x512xf32, #tpu.memory_space<hbm>>)
    %add3A_177 = arith.constant 5120 : i32
    %add3A_178 = arith.addi %add3A_177, %mul3A_2 : i32
    %multiple_of3A_179 = tpu.assume_multiple %add3A_178, 8 : i32
    "tpu.region"() ({
      %run_scoped3A = tpu.sem_alloc : memref<!tpu.dma_semaphore, #tpu.memory_space<semaphore_mem>>
      %dma_start3A_357 = tpu.memref_slice %arg3[%multiple_of3A_179] : memref<10240xi32, #tpu.memory_space<hbm>> -> memref<80xi32, #tpu.memory_space<hbm>>
      %dma_start3A_358 = tpu.memref_slice %arg3[%multiple_of3A_179] : memref<10240xi32, #tpu.memory_space<hbm>> -> memref<80xi32, #tpu.memory_space<hbm>>
      tpu.enqueue_dma source(%dma_start3A_358 : memref<80xi32, #tpu.memory_space<hbm>>) target(%arg5 : memref<80xi32, #tpu.memory_space<vmem>>) target_semaphore(%run_scoped3A : memref<!tpu.dma_semaphore, #tpu.memory_space<semaphore_mem>>)
      %dma_wait3A_359 = tpu.memref_slice %arg3[%multiple_of3A_179] : memref<10240xi32, #tpu.memory_space<hbm>> -> memref<80xi32, #tpu.memory_space<hbm>>
      %dma_wait3A_360 = tpu.memref_slice %arg3[%multiple_of3A_179] : memref<10240xi32, #tpu.memory_space<hbm>> -> memref<80xi32, #tpu.memory_space<hbm>>
      tpu.wait_dma2 semaphore(%run_scoped3A : memref<!tpu.dma_semaphore, #tpu.memory_space<semaphore_mem>>) src(%dma_wait3A_360 : memref<80xi32, #tpu.memory_space<hbm>>) dst(%arg5 : memref<80xi32, #tpu.memory_space<vmem>>)
      tpu.yield
    }) : () -> ()
    %dma_start3A_180 = arith.constant 0 : i32
    %dma_start3A_181 = arith.constant 0 : i32
    %dma_start3A_182 = tpu.memref_slice %arg2[%dma_start3A_180, %dma_start3A_181] : memref<32768x512xf32, #tpu.memory_space<hbm>> -> memref<32768x512xf32, #tpu.memory_space<hbm>>
    tpu.enqueue_indirect_dma source(%dma_start3A_182 : memref<32768x512xf32, #tpu.memory_space<hbm>>) target(%arg11 : memref<80x512xf32, #tpu.memory_space<vmem>>) offsets(%arg5 : memref<80xi32, #tpu.memory_space<vmem>>) semaphore(%arg13 : memref<!tpu.dma_semaphore, #tpu.memory_space<semaphore_mem>>)
    %dma_wait3A_183 = arith.constant 0 : i32
    %dma_wait3A_184 = arith.constant 0 : i32
    %dma_wait3A_185 = tpu.memref_slice %arg2[%dma_wait3A_183, %dma_wait3A_184] : memref<32768x512xf32, #tpu.memory_space<hbm>> -> memref<32768x512xf32, #tpu.memory_space<hbm>>
    tpu.wait_indirect_dma semaphore(%arg13 : memref<!tpu.dma_semaphore, #tpu.memory_space<semaphore_mem>>) src(%dma_wait3A_185 : memref<32768x512xf32, #tpu.memory_space<hbm>>) dst(%arg11 : memref<80x512xf32, #tpu.memory_space<vmem>>)
    %iota3A_186 = tpu.iota {dimensions = array<i32: 0>} : vector<16xi32>
    %add3A_187 = arith.constant 0 : i32
    %add3A_188 = arith.addi %mul3A_2, %add3A_187 : i32
    %add3A_189 = vector.broadcast %add3A_188 : i32 to vector<16xi32>
    %add3A_190 = arith.addi %iota3A_186, %add3A_189 : vector<16xi32>
    %min3A_191 = arith.constant 2456 : i32
    %min3A_192 = vector.broadcast %min3A_191 : i32 to vector<16xi32>
    %min3A_193 = arith.minsi %add3A_190, %min3A_192 : vector<16xi32>
    %add3A_194 = arith.constant 4914 : i32
    %add3A_195 = vector.broadcast %add3A_194 : i32 to vector<16xi32>
    %add3A_196 = arith.addi %min3A_193, %add3A_195 : vector<16xi32>
    %swap3A_197 = arith.constant 0 : index
    %swap3A_198 = tpu.vector_load %arg9[%swap3A_197] {strides = array<i32>} : memref<80xi32, #tpu.memory_space<vmem>>, vector<16xi32>,
    %swap3A_199 = vector.shape_cast %swap3A_198 : vector<16xi32> to vector<16xi32>
    %swap3A_200 = vector.shape_cast %add3A_196 : vector<16xi32> to vector<16xi32>
    tpu.vector_store %arg9[%swap3A_197], %swap3A_200 {strides = array<i32>} : memref<80xi32, #tpu.memory_space<vmem>>, vector<16xi32>,
    %iota3A_201 = tpu.iota {dimensions = array<i32: 0>} : vector<16xi32>
    %add3A_202 = arith.constant 16 : i32
    %add3A_203 = arith.addi %mul3A_2, %add3A_202 : i32
    %add3A_204 = vector.broadcast %add3A_203 : i32 to vector<16xi32>
    %add3A_205 = arith.addi %iota3A_201, %add3A_204 : vector<16xi32>
    %min3A_206 = arith.constant 2456 : i32
    %min3A_207 = vector.broadcast %min3A_206 : i32 to vector<16xi32>
    %min3A_208 = arith.minsi %add3A_205, %min3A_207 : vector<16xi32>
    %add3A_209 = arith.constant 4914 : i32
    %add3A_210 = vector.broadcast %add3A_209 : i32 to vector<16xi32>
    %add3A_211 = arith.addi %min3A_208, %add3A_210 : vector<16xi32>
    %swap3A_212 = arith.constant 16 : index
    %swap3A_213 = tpu.vector_load %arg9[%swap3A_212] {strides = array<i32>} : memref<80xi32, #tpu.memory_space<vmem>>, vector<16xi32>,
    %swap3A_214 = vector.shape_cast %swap3A_213 : vector<16xi32> to vector<16xi32>
    %swap3A_215 = vector.shape_cast %add3A_211 : vector<16xi32> to vector<16xi32>
    tpu.vector_store %arg9[%swap3A_212], %swap3A_215 {strides = array<i32>} : memref<80xi32, #tpu.memory_space<vmem>>, vector<16xi32>,
    %iota3A_216 = tpu.iota {dimensions = array<i32: 0>} : vector<16xi32>
    %add3A_217 = arith.constant 32 : i32
    %add3A_218 = arith.addi %mul3A_2, %add3A_217 : i32
    %add3A_219 = vector.broadcast %add3A_218 : i32 to vector<16xi32>
    %add3A_220 = arith.addi %iota3A_216, %add3A_219 : vector<16xi32>
    %min3A_221 = arith.constant 2456 : i32
    %min3A_222 = vector.broadcast %min3A_221 : i32 to vector<16xi32>
    %min3A_223 = arith.minsi %add3A_220, %min3A_222 : vector<16xi32>
    %add3A_224 = arith.constant 4914 : i32
    %add3A_225 = vector.broadcast %add3A_224 : i32 to vector<16xi32>
    %add3A_226 = arith.addi %min3A_223, %add3A_225 : vector<16xi32>
    %swap3A_227 = arith.constant 32 : index
    %swap3A_228 = tpu.vector_load %arg9[%swap3A_227] {strides = array<i32>} : memref<80xi32, #tpu.memory_space<vmem>>, vector<16xi32>,
    %swap3A_229 = vector.shape_cast %swap3A_228 : vector<16xi32> to vector<16xi32>
    %swap3A_230 = vector.shape_cast %add3A_226 : vector<16xi32> to vector<16xi32>
    tpu.vector_store %arg9[%swap3A_227], %swap3A_230 {strides = array<i32>} : memref<80xi32, #tpu.memory_space<vmem>>, vector<16xi32>,
    %iota3A_231 = tpu.iota {dimensions = array<i32: 0>} : vector<16xi32>
    %add3A_232 = arith.constant 48 : i32
    %add3A_233 = arith.addi %mul3A_2, %add3A_232 : i32
    %add3A_234 = vector.broadcast %add3A_233 : i32 to vector<16xi32>
    %add3A_235 = arith.addi %iota3A_231, %add3A_234 : vector<16xi32>
    %min3A_236 = arith.constant 2456 : i32
    %min3A_237 = vector.broadcast %min3A_236 : i32 to vector<16xi32>
    %min3A_238 = arith.minsi %add3A_235, %min3A_237 : vector<16xi32>
    %add3A_239 = arith.constant 4914 : i32
    %add3A_240 = vector.broadcast %add3A_239 : i32 to vector<16xi32>
    %add3A_241 = arith.addi %min3A_238, %add3A_240 : vector<16xi32>
    %swap3A_242 = arith.constant 48 : index
    %swap3A_243 = tpu.vector_load %arg9[%swap3A_242] {strides = array<i32>} : memref<80xi32, #tpu.memory_space<vmem>>, vector<16xi32>,
    %swap3A_244 = vector.shape_cast %swap3A_243 : vector<16xi32> to vector<16xi32>
    %swap3A_245 = vector.shape_cast %add3A_241 : vector<16xi32> to vector<16xi32>
    tpu.vector_store %arg9[%swap3A_242], %swap3A_245 {strides = array<i32>} : memref<80xi32, #tpu.memory_space<vmem>>, vector<16xi32>,
    %iota3A_246 = tpu.iota {dimensions = array<i32: 0>} : vector<16xi32>
    %add3A_247 = arith.constant 64 : i32
    %add3A_248 = arith.addi %mul3A_2, %add3A_247 : i32
    %add3A_249 = vector.broadcast %add3A_248 : i32 to vector<16xi32>
    %add3A_250 = arith.addi %iota3A_246, %add3A_249 : vector<16xi32>
    %min3A_251 = arith.constant 2456 : i32
    %min3A_252 = vector.broadcast %min3A_251 : i32 to vector<16xi32>
    %min3A_253 = arith.minsi %add3A_250, %min3A_252 : vector<16xi32>
    %add3A_254 = arith.constant 4914 : i32
    %add3A_255 = vector.broadcast %add3A_254 : i32 to vector<16xi32>
    %add3A_256 = arith.addi %min3A_253, %add3A_255 : vector<16xi32>
    %swap3A_257 = arith.constant 64 : index
    %swap3A_258 = tpu.vector_load %arg9[%swap3A_257] {strides = array<i32>} : memref<80xi32, #tpu.memory_space<vmem>>, vector<16xi32>,
    %swap3A_259 = vector.shape_cast %swap3A_258 : vector<16xi32> to vector<16xi32>
    %swap3A_260 = vector.shape_cast %add3A_256 : vector<16xi32> to vector<16xi32>
    tpu.vector_store %arg9[%swap3A_257], %swap3A_260 {strides = array<i32>} : memref<80xi32, #tpu.memory_space<vmem>>, vector<16xi32>,
    %dma_start3A_261 = arith.constant 0 : i32
    %dma_start3A_262 = arith.constant 0 : i32
    %dma_start3A_263 = tpu.memref_slice %arg4[%dma_start3A_261, %dma_start3A_262] : memref<9828x512xf32, #tpu.memory_space<hbm>> -> memref<9828x512xf32, #tpu.memory_space<hbm>>
    tpu.enqueue_indirect_dma source(%arg11 : memref<80x512xf32, #tpu.memory_space<vmem>>) target(%dma_start3A_263 : memref<9828x512xf32, #tpu.memory_space<hbm>>) offsets(%arg9 : memref<80xi32, #tpu.memory_space<vmem>>) semaphore(%arg14 : memref<!tpu.dma_semaphore, #tpu.memory_space<semaphore_mem>>)
    %dma_wait3A_264 = arith.constant 0 : i32
    %dma_wait3A_265 = arith.constant 0 : i32
    %dma_wait3A_266 = tpu.memref_slice %arg4[%dma_wait3A_264, %dma_wait3A_265] : memref<9828x512xf32, #tpu.memory_space<hbm>> -> memref<9828x512xf32, #tpu.memory_space<hbm>>
    tpu.wait_indirect_dma semaphore(%arg14 : memref<!tpu.dma_semaphore, #tpu.memory_space<semaphore_mem>>) src(%arg11 : memref<80x512xf32, #tpu.memory_space<vmem>>) dst(%dma_wait3A_266 : memref<9828x512xf32, #tpu.memory_space<hbm>>)
    %add3A_267 = arith.constant 7680 : i32
    %add3A_268 = arith.addi %add3A_267, %mul3A_2 : i32
    %multiple_of3A_269 = tpu.assume_multiple %add3A_268, 8 : i32
    "tpu.region"() ({
      %run_scoped3A = tpu.sem_alloc : memref<!tpu.dma_semaphore, #tpu.memory_space<semaphore_mem>>
      %dma_start3A_357 = tpu.memref_slice %arg3[%multiple_of3A_269] : memref<10240xi32, #tpu.memory_space<hbm>> -> memref<80xi32, #tpu.memory_space<hbm>>
      %dma_start3A_358 = tpu.memref_slice %arg3[%multiple_of3A_269] : memref<10240xi32, #tpu.memory_space<hbm>> -> memref<80xi32, #tpu.memory_space<hbm>>
      tpu.enqueue_dma source(%dma_start3A_358 : memref<80xi32, #tpu.memory_space<hbm>>) target(%arg5 : memref<80xi32, #tpu.memory_space<vmem>>) target_semaphore(%run_scoped3A : memref<!tpu.dma_semaphore, #tpu.memory_space<semaphore_mem>>)
      %dma_wait3A_359 = tpu.memref_slice %arg3[%multiple_of3A_269] : memref<10240xi32, #tpu.memory_space<hbm>> -> memref<80xi32, #tpu.memory_space<hbm>>
      %dma_wait3A_360 = tpu.memref_slice %arg3[%multiple_of3A_269] : memref<10240xi32, #tpu.memory_space<hbm>> -> memref<80xi32, #tpu.memory_space<hbm>>
      tpu.wait_dma2 semaphore(%run_scoped3A : memref<!tpu.dma_semaphore, #tpu.memory_space<semaphore_mem>>) src(%dma_wait3A_360 : memref<80xi32, #tpu.memory_space<hbm>>) dst(%arg5 : memref<80xi32, #tpu.memory_space<vmem>>)
      tpu.yield
    }) : () -> ()
    %dma_start3A_270 = arith.constant 0 : i32
    %dma_start3A_271 = arith.constant 0 : i32
    %dma_start3A_272 = tpu.memref_slice %arg2[%dma_start3A_270, %dma_start3A_271] : memref<32768x512xf32, #tpu.memory_space<hbm>> -> memref<32768x512xf32, #tpu.memory_space<hbm>>
    tpu.enqueue_indirect_dma source(%dma_start3A_272 : memref<32768x512xf32, #tpu.memory_space<hbm>>) target(%arg11 : memref<80x512xf32, #tpu.memory_space<vmem>>) offsets(%arg5 : memref<80xi32, #tpu.memory_space<vmem>>) semaphore(%arg13 : memref<!tpu.dma_semaphore, #tpu.memory_space<semaphore_mem>>)
    %dma_wait3A_273 = arith.constant 0 : i32
    %dma_wait3A_274 = arith.constant 0 : i32
    %dma_wait3A_275 = tpu.memref_slice %arg2[%dma_wait3A_273, %dma_wait3A_274] : memref<32768x512xf32, #tpu.memory_space<hbm>> -> memref<32768x512xf32, #tpu.memory_space<hbm>>
    tpu.wait_indirect_dma semaphore(%arg13 : memref<!tpu.dma_semaphore, #tpu.memory_space<semaphore_mem>>) src(%dma_wait3A_275 : memref<32768x512xf32, #tpu.memory_space<hbm>>) dst(%arg11 : memref<80x512xf32, #tpu.memory_space<vmem>>)
    %iota3A_276 = tpu.iota {dimensions = array<i32: 0>} : vector<16xi32>
    %add3A_277 = arith.constant 0 : i32
    %add3A_278 = arith.addi %mul3A_2, %add3A_277 : i32
    %add3A_279 = vector.broadcast %add3A_278 : i32 to vector<16xi32>
    %add3A_280 = arith.addi %iota3A_276, %add3A_279 : vector<16xi32>
    %min3A_281 = arith.constant 2456 : i32
    %min3A_282 = vector.broadcast %min3A_281 : i32 to vector<16xi32>
    %min3A_283 = arith.minsi %add3A_280, %min3A_282 : vector<16xi32>
    %add3A_284 = arith.constant 7371 : i32
    %add3A_285 = vector.broadcast %add3A_284 : i32 to vector<16xi32>
    %add3A_286 = arith.addi %min3A_283, %add3A_285 : vector<16xi32>
    %swap3A_287 = arith.constant 0 : index
    %swap3A_288 = tpu.vector_load %arg9[%swap3A_287] {strides = array<i32>} : memref<80xi32, #tpu.memory_space<vmem>>, vector<16xi32>,
    %swap3A_289 = vector.shape_cast %swap3A_288 : vector<16xi32> to vector<16xi32>
    %swap3A_290 = vector.shape_cast %add3A_286 : vector<16xi32> to vector<16xi32>
    tpu.vector_store %arg9[%swap3A_287], %swap3A_290 {strides = array<i32>} : memref<80xi32, #tpu.memory_space<vmem>>, vector<16xi32>,
    %iota3A_291 = tpu.iota {dimensions = array<i32: 0>} : vector<16xi32>
    %add3A_292 = arith.constant 16 : i32
    %add3A_293 = arith.addi %mul3A_2, %add3A_292 : i32
    %add3A_294 = vector.broadcast %add3A_293 : i32 to vector<16xi32>
    %add3A_295 = arith.addi %iota3A_291, %add3A_294 : vector<16xi32>
    %min3A_296 = arith.constant 2456 : i32
    %min3A_297 = vector.broadcast %min3A_296 : i32 to vector<16xi32>
    %min3A_298 = arith.minsi %add3A_295, %min3A_297 : vector<16xi32>
    %add3A_299 = arith.constant 7371 : i32
    %add3A_300 = vector.broadcast %add3A_299 : i32 to vector<16xi32>
    %add3A_301 = arith.addi %min3A_298, %add3A_300 : vector<16xi32>
    %swap3A_302 = arith.constant 16 : index
    %swap3A_303 = tpu.vector_load %arg9[%swap3A_302] {strides = array<i32>} : memref<80xi32, #tpu.memory_space<vmem>>, vector<16xi32>,
    %swap3A_304 = vector.shape_cast %swap3A_303 : vector<16xi32> to vector<16xi32>
    %swap3A_305 = vector.shape_cast %add3A_301 : vector<16xi32> to vector<16xi32>
    tpu.vector_store %arg9[%swap3A_302], %swap3A_305 {strides = array<i32>} : memref<80xi32, #tpu.memory_space<vmem>>, vector<16xi32>,
    %iota3A_306 = tpu.iota {dimensions = array<i32: 0>} : vector<16xi32>
    %add3A_307 = arith.constant 32 : i32
    %add3A_308 = arith.addi %mul3A_2, %add3A_307 : i32
    %add3A_309 = vector.broadcast %add3A_308 : i32 to vector<16xi32>
    %add3A_310 = arith.addi %iota3A_306, %add3A_309 : vector<16xi32>
    %min3A_311 = arith.constant 2456 : i32
    %min3A_312 = vector.broadcast %min3A_311 : i32 to vector<16xi32>
    %min3A_313 = arith.minsi %add3A_310, %min3A_312 : vector<16xi32>
    %add3A_314 = arith.constant 7371 : i32
    %add3A_315 = vector.broadcast %add3A_314 : i32 to vector<16xi32>
    %add3A_316 = arith.addi %min3A_313, %add3A_315 : vector<16xi32>
    %swap3A_317 = arith.constant 32 : index
    %swap3A_318 = tpu.vector_load %arg9[%swap3A_317] {strides = array<i32>} : memref<80xi32, #tpu.memory_space<vmem>>, vector<16xi32>,
    %swap3A_319 = vector.shape_cast %swap3A_318 : vector<16xi32> to vector<16xi32>
    %swap3A_320 = vector.shape_cast %add3A_316 : vector<16xi32> to vector<16xi32>
    tpu.vector_store %arg9[%swap3A_317], %swap3A_320 {strides = array<i32>} : memref<80xi32, #tpu.memory_space<vmem>>, vector<16xi32>,
    %iota3A_321 = tpu.iota {dimensions = array<i32: 0>} : vector<16xi32>
    %add3A_322 = arith.constant 48 : i32
    %add3A_323 = arith.addi %mul3A_2, %add3A_322 : i32
    %add3A_324 = vector.broadcast %add3A_323 : i32 to vector<16xi32>
    %add3A_325 = arith.addi %iota3A_321, %add3A_324 : vector<16xi32>
    %min3A_326 = arith.constant 2456 : i32
    %min3A_327 = vector.broadcast %min3A_326 : i32 to vector<16xi32>
    %min3A_328 = arith.minsi %add3A_325, %min3A_327 : vector<16xi32>
    %add3A_329 = arith.constant 7371 : i32
    %add3A_330 = vector.broadcast %add3A_329 : i32 to vector<16xi32>
    %add3A_331 = arith.addi %min3A_328, %add3A_330 : vector<16xi32>
    %swap3A_332 = arith.constant 48 : index
    %swap3A_333 = tpu.vector_load %arg9[%swap3A_332] {strides = array<i32>} : memref<80xi32, #tpu.memory_space<vmem>>, vector<16xi32>,
    %swap3A_334 = vector.shape_cast %swap3A_333 : vector<16xi32> to vector<16xi32>
    %swap3A_335 = vector.shape_cast %add3A_331 : vector<16xi32> to vector<16xi32>
    tpu.vector_store %arg9[%swap3A_332], %swap3A_335 {strides = array<i32>} : memref<80xi32, #tpu.memory_space<vmem>>, vector<16xi32>,
    %iota3A_336 = tpu.iota {dimensions = array<i32: 0>} : vector<16xi32>
    %add3A_337 = arith.constant 64 : i32
    %add3A_338 = arith.addi %mul3A_2, %add3A_337 : i32
    %add3A_339 = vector.broadcast %add3A_338 : i32 to vector<16xi32>
    %add3A_340 = arith.addi %iota3A_336, %add3A_339 : vector<16xi32>
    %min3A_341 = arith.constant 2456 : i32
    %min3A_342 = vector.broadcast %min3A_341 : i32 to vector<16xi32>
    %min3A_343 = arith.minsi %add3A_340, %min3A_342 : vector<16xi32>
    %add3A_344 = arith.constant 7371 : i32
    %add3A_345 = vector.broadcast %add3A_344 : i32 to vector<16xi32>
    %add3A_346 = arith.addi %min3A_343, %add3A_345 : vector<16xi32>
    %swap3A_347 = arith.constant 64 : index
    %swap3A_348 = tpu.vector_load %arg9[%swap3A_347] {strides = array<i32>} : memref<80xi32, #tpu.memory_space<vmem>>, vector<16xi32>,
    %swap3A_349 = vector.shape_cast %swap3A_348 : vector<16xi32> to vector<16xi32>
    %swap3A_350 = vector.shape_cast %add3A_346 : vector<16xi32> to vector<16xi32>
    tpu.vector_store %arg9[%swap3A_347], %swap3A_350 {strides = array<i32>} : memref<80xi32, #tpu.memory_space<vmem>>, vector<16xi32>,
    %dma_start3A_351 = arith.constant 0 : i32
    %dma_start3A_352 = arith.constant 0 : i32
    %dma_start3A_353 = tpu.memref_slice %arg4[%dma_start3A_351, %dma_start3A_352] : memref<9828x512xf32, #tpu.memory_space<hbm>> -> memref<9828x512xf32, #tpu.memory_space<hbm>>
    tpu.enqueue_indirect_dma source(%arg11 : memref<80x512xf32, #tpu.memory_space<vmem>>) target(%dma_start3A_353 : memref<9828x512xf32, #tpu.memory_space<hbm>>) offsets(%arg9 : memref<80xi32, #tpu.memory_space<vmem>>) semaphore(%arg14 : memref<!tpu.dma_semaphore, #tpu.memory_space<semaphore_mem>>)
    %dma_wait3A_354 = arith.constant 0 : i32
    %dma_wait3A_355 = arith.constant 0 : i32
    %dma_wait3A_356 = tpu.memref_slice %arg4[%dma_wait3A_354, %dma_wait3A_355] : memref<9828x512xf32, #tpu.memory_space<hbm>> -> memref<9828x512xf32, #tpu.memory_space<hbm>>
    tpu.wait_indirect_dma semaphore(%arg14 : memref<!tpu.dma_semaphore, #tpu.memory_space<semaphore_mem>>) src(%arg11 : memref<80x512xf32, #tpu.memory_space<vmem>>) dst(%dma_wait3A_356 : memref<9828x512xf32, #tpu.memory_space<hbm>>)
    return
  }
}

module attributes {stable_mosaic.version = 14 : i64} {
  func.func @_sort_body(%arg0: i32, %arg1: memref<1x1x8192xf32, #tpu.memory_space<vmem>>, %arg2: memref<1x1x2457xi32, #tpu.memory_space<vmem>>, %arg3: memref<1x1x2560xi32, #tpu.memory_space<vmem>>, %arg4: memref<1x1x8192xi32, #tpu.memory_space<vmem>>) attributes {dimension_semantics = [#tpu.dimension_semantics<arbitrary>], iteration_bounds = array<i64: 4>, scalar_prefetch = 0 : i64, scratch_operands = 0 : i64, tpu.core_type = #tpu.core_type<tc>, window_params = [{transform_indices = @transform_0, window_bounds = array<i64: 1, 1, 8192>}, {transform_indices = @transform_1, window_bounds = array<i64: 1, 1, 2457>}, {transform_indices = @transform_2, window_bounds = array<i64: 1, 1, 2560>}, {transform_indices = @transform_3, window_bounds = array<i64: 1, 1, 8192>}]} {
    %get3A = arith.constant 0 : index
    %get3A_0 = arith.constant 0 : index
    %get3A_1 = arith.constant 0 : index
    %get3A_2 = vector.load %arg1[%get3A, %get3A_0, %get3A_1] : memref<1x1x8192xf32, #tpu.memory_space<vmem>>, vector<1x1x8192xf32>
    %get3A_3 = vector.shape_cast %get3A_2 : vector<1x1x8192xf32> to vector<8192xf32>
    %slice3A = vector.extract_strided_slice %get3A_3 {offsets = [4], sizes = [8188], strides = [1]} : vector<8192xf32> to vector<8188xf32>
    %broadcast_in_dim3A = arith.constant -2.000000e+00 : f32
    %broadcast_in_dim3A_4 = vector.broadcast %broadcast_in_dim3A : f32 to vector<4xf32>
    %concatenate3A = tpu.concatenate %slice3A, %broadcast_in_dim3A_4 in 0 : vector<8188xf32>, vector<4xf32> -> vector<8192xf32>
    %reshape3A = vector.shape_cast %concatenate3A : vector<8192xf32> to vector<64x128xf32>
    %iota3A = tpu.iota {dimensions = array<i32: 1>} : vector<64x128xi32>
    %iota3A_5 = tpu.iota {dimensions = array<i32: 0>} : vector<64x128xi32>
    %mul3A = arith.constant 128 : i32
    %mul3A_6 = vector.broadcast %mul3A : i32 to vector<64x128xi32>
    %mul3A_7 = arith.muli %iota3A_5, %mul3A_6 : vector<64x128xi32>
    %add3A = arith.addi %mul3A_7, %iota3A : vector<64x128xi32>
    %shift_right_arithmetic3A = arith.constant 1 : i32
    %shift_right_arithmetic3A_8 = vector.broadcast %shift_right_arithmetic3A : i32 to vector<64x128xi32>
    %shift_right_arithmetic3A_9 = arith.shrsi %add3A, %shift_right_arithmetic3A_8 : vector<64x128xi32>
    %and3A = arith.constant 1 : i32
    %and3A_10 = vector.broadcast %and3A : i32 to vector<64x128xi32>
    %and3A_11 = arith.andi %shift_right_arithmetic3A_9, %and3A_10 : vector<64x128xi32>
    %ne3A = arith.constant 0 : i32
    %ne3A_12 = vector.broadcast %ne3A : i32 to vector<64x128xi32>
    %ne3A_13 = arith.cmpi ne, %and3A_11, %ne3A_12 : vector<64x128xi32>
    %slice3A_14 = vector.extract_strided_slice %reshape3A {offsets = [0, 127], sizes = [64, 1], strides = [1, 1]} : vector<64x128xf32> to vector<64x1xf32>
    %slice3A_15 = vector.extract_strided_slice %reshape3A {offsets = [0, 0], sizes = [64, 127], strides = [1, 1]} : vector<64x128xf32> to vector<64x127xf32>
    %concatenate3A_16 = tpu.concatenate %slice3A_14, %slice3A_15 in 1 : vector<64x1xf32>, vector<64x127xf32> -> vector<64x128xf32>
    %slice3A_17 = vector.extract_strided_slice %reshape3A {offsets = [0, 1], sizes = [64, 127], strides = [1, 1]} : vector<64x128xf32> to vector<64x127xf32>
    %slice3A_18 = vector.extract_strided_slice %reshape3A {offsets = [0, 0], sizes = [64, 1], strides = [1, 1]} : vector<64x128xf32> to vector<64x1xf32>
    %concatenate3A_19 = tpu.concatenate %slice3A_17, %slice3A_18 in 1 : vector<64x127xf32>, vector<64x1xf32> -> vector<64x128xf32>
    %slice3A_20 = vector.extract_strided_slice %add3A {offsets = [0, 127], sizes = [64, 1], strides = [1, 1]} : vector<64x128xi32> to vector<64x1xi32>
    %slice3A_21 = vector.extract_strided_slice %add3A {offsets = [0, 0], sizes = [64, 127], strides = [1, 1]} : vector<64x128xi32> to vector<64x127xi32>
    %concatenate3A_22 = tpu.concatenate %slice3A_20, %slice3A_21 in 1 : vector<64x1xi32>, vector<64x127xi32> -> vector<64x128xi32>
    %slice3A_23 = vector.extract_strided_slice %add3A {offsets = [0, 1], sizes = [64, 127], strides = [1, 1]} : vector<64x128xi32> to vector<64x127xi32>
    %slice3A_24 = vector.extract_strided_slice %add3A {offsets = [0, 0], sizes = [64, 1], strides = [1, 1]} : vector<64x128xi32> to vector<64x1xi32>
    %concatenate3A_25 = tpu.concatenate %slice3A_23, %slice3A_24 in 1 : vector<64x127xi32>, vector<64x1xi32> -> vector<64x128xi32>
    %and3A_26 = arith.constant 1 : i32
    %and3A_27 = vector.broadcast %and3A_26 : i32 to vector<64x128xi32>
    %and3A_28 = arith.andi %add3A, %and3A_27 : vector<64x128xi32>
    %ne3A_29 = arith.constant 0 : i32
    %ne3A_30 = vector.broadcast %ne3A_29 : i32 to vector<64x128xi32>
    %ne3A_31 = arith.cmpi ne, %and3A_28, %ne3A_30 : vector<64x128xi32>
    %select_n3A = arith.select %ne3A_31, %concatenate3A_16, %concatenate3A_19 : vector<64x128xi1>, vector<64x128xf32>
    %select_n3A_32 = arith.select %ne3A_31, %concatenate3A_22, %concatenate3A_25 : vector<64x128xi1>, vector<64x128xi32>
    %gt3A = arith.cmpf ogt, %select_n3A, %reshape3A : vector<64x128xf32>
    %eq3A = arith.cmpf oeq, %select_n3A, %reshape3A : vector<64x128xf32>
    %lt3A = arith.cmpi slt, %select_n3A_32, %add3A : vector<64x128xi32>
    %and3A_33 = arith.andi %eq3A, %lt3A : vector<64x128xi1>
    %or3A = arith.ori %gt3A, %and3A_33 : vector<64x128xi1>
    %ne3A_34 = arith.xori %or3A, %ne3A_31 : vector<64x128xi1>
    %ne3A_35 = arith.xori %ne3A_34, %ne3A_13 : vector<64x128xi1>
    %select_n3A_36 = arith.select %ne3A_35, %select_n3A, %reshape3A : vector<64x128xi1>, vector<64x128xf32>
    %select_n3A_37 = arith.select %ne3A_35, %select_n3A_32, %add3A : vector<64x128xi1>, vector<64x128xi32>
    %shift_right_arithmetic3A_38 = arith.constant 2 : i32
    %shift_right_arithmetic3A_39 = vector.broadcast %shift_right_arithmetic3A_38 : i32 to vector<64x128xi32>
    %shift_right_arithmetic3A_40 = arith.shrsi %add3A, %shift_right_arithmetic3A_39 : vector<64x128xi32>
    %and3A_41 = arith.constant 1 : i32
    %and3A_42 = vector.broadcast %and3A_41 : i32 to vector<64x128xi32>
    %and3A_43 = arith.andi %shift_right_arithmetic3A_40, %and3A_42 : vector<64x128xi32>
    %ne3A_44 = arith.constant 0 : i32
    %ne3A_45 = vector.broadcast %ne3A_44 : i32 to vector<64x128xi32>
    %ne3A_46 = arith.cmpi ne, %and3A_43, %ne3A_45 : vector<64x128xi32>
    %slice3A_47 = vector.extract_strided_slice %select_n3A_36 {offsets = [0, 126], sizes = [64, 2], strides = [1, 1]} : vector<64x128xf32> to vector<64x2xf32>
    %slice3A_48 = vector.extract_strided_slice %select_n3A_36 {offsets = [0, 0], sizes = [64, 126], strides = [1, 1]} : vector<64x128xf32> to vector<64x126xf32>
    %concatenate3A_49 = tpu.concatenate %slice3A_47, %slice3A_48 in 1 : vector<64x2xf32>, vector<64x126xf32> -> vector<64x128xf32>
    %slice3A_50 = vector.extract_strided_slice %select_n3A_36 {offsets = [0, 2], sizes = [64, 126], strides = [1, 1]} : vector<64x128xf32> to vector<64x126xf32>
    %slice3A_51 = vector.extract_strided_slice %select_n3A_36 {offsets = [0, 0], sizes = [64, 2], strides = [1, 1]} : vector<64x128xf32> to vector<64x2xf32>
    %concatenate3A_52 = tpu.concatenate %slice3A_50, %slice3A_51 in 1 : vector<64x126xf32>, vector<64x2xf32> -> vector<64x128xf32>
    %slice3A_53 = vector.extract_strided_slice %select_n3A_37 {offsets = [0, 126], sizes = [64, 2], strides = [1, 1]} : vector<64x128xi32> to vector<64x2xi32>
    %slice3A_54 = vector.extract_strided_slice %select_n3A_37 {offsets = [0, 0], sizes = [64, 126], strides = [1, 1]} : vector<64x128xi32> to vector<64x126xi32>
    %concatenate3A_55 = tpu.concatenate %slice3A_53, %slice3A_54 in 1 : vector<64x2xi32>, vector<64x126xi32> -> vector<64x128xi32>
    %slice3A_56 = vector.extract_strided_slice %select_n3A_37 {offsets = [0, 2], sizes = [64, 126], strides = [1, 1]} : vector<64x128xi32> to vector<64x126xi32>
    %slice3A_57 = vector.extract_strided_slice %select_n3A_37 {offsets = [0, 0], sizes = [64, 2], strides = [1, 1]} : vector<64x128xi32> to vector<64x2xi32>
    %concatenate3A_58 = tpu.concatenate %slice3A_56, %slice3A_57 in 1 : vector<64x126xi32>, vector<64x2xi32> -> vector<64x128xi32>
    %and3A_59 = arith.constant 2 : i32
    %and3A_60 = vector.broadcast %and3A_59 : i32 to vector<64x128xi32>
    %and3A_61 = arith.andi %add3A, %and3A_60 : vector<64x128xi32>
    %ne3A_62 = arith.constant 0 : i32
    %ne3A_63 = vector.broadcast %ne3A_62 : i32 to vector<64x128xi32>
    %ne3A_64 = arith.cmpi ne, %and3A_61, %ne3A_63 : vector<64x128xi32>
    %select_n3A_65 = arith.select %ne3A_64, %concatenate3A_49, %concatenate3A_52 : vector<64x128xi1>, vector<64x128xf32>
    %select_n3A_66 = arith.select %ne3A_64, %concatenate3A_55, %concatenate3A_58 : vector<64x128xi1>, vector<64x128xi32>
    %gt3A_67 = arith.cmpf ogt, %select_n3A_65, %select_n3A_36 : vector<64x128xf32>
    %eq3A_68 = arith.cmpf oeq, %select_n3A_65, %select_n3A_36 : vector<64x128xf32>
    %lt3A_69 = arith.cmpi slt, %select_n3A_66, %select_n3A_37 : vector<64x128xi32>
    %and3A_70 = arith.andi %eq3A_68, %lt3A_69 : vector<64x128xi1>
    %or3A_71 = arith.ori %gt3A_67, %and3A_70 : vector<64x128xi1>
    %ne3A_72 = arith.xori %or3A_71, %ne3A_64 : vector<64x128xi1>
    %ne3A_73 = arith.xori %ne3A_72, %ne3A_46 : vector<64x128xi1>
    %select_n3A_74 = arith.select %ne3A_73, %select_n3A_65, %select_n3A_36 : vector<64x128xi1>, vector<64x128xf32>
    %select_n3A_75 = arith.select %ne3A_73, %select_n3A_66, %select_n3A_37 : vector<64x128xi1>, vector<64x128xi32>
    %slice3A_76 = vector.extract_strided_slice %select_n3A_74 {offsets = [0, 127], sizes = [64, 1], strides = [1, 1]} : vector<64x128xf32> to vector<64x1xf32>
    %slice3A_77 = vector.extract_strided_slice %select_n3A_74 {offsets = [0, 0], sizes = [64, 127], strides = [1, 1]} : vector<64x128xf32> to vector<64x127xf32>
    %concatenate3A_78 = tpu.concatenate %slice3A_76, %slice3A_77 in 1 : vector<64x1xf32>, vector<64x127xf32> -> vector<64x128xf32>
    %slice3A_79 = vector.extract_strided_slice %select_n3A_74 {offsets = [0, 1], sizes = [64, 127], strides = [1, 1]} : vector<64x128xf32> to vector<64x127xf32>
    %slice3A_80 = vector.extract_strided_slice %select_n3A_74 {offsets = [0, 0], sizes = [64, 1], strides = [1, 1]} : vector<64x128xf32> to vector<64x1xf32>
    %concatenate3A_81 = tpu.concatenate %slice3A_79, %slice3A_80 in 1 : vector<64x127xf32>, vector<64x1xf32> -> vector<64x128xf32>
    %slice3A_82 = vector.extract_strided_slice %select_n3A_75 {offsets = [0, 127], sizes = [64, 1], strides = [1, 1]} : vector<64x128xi32> to vector<64x1xi32>
    %slice3A_83 = vector.extract_strided_slice %select_n3A_75 {offsets = [0, 0], sizes = [64, 127], strides = [1, 1]} : vector<64x128xi32> to vector<64x127xi32>
    %concatenate3A_84 = tpu.concatenate %slice3A_82, %slice3A_83 in 1 : vector<64x1xi32>, vector<64x127xi32> -> vector<64x128xi32>
    %slice3A_85 = vector.extract_strided_slice %select_n3A_75 {offsets = [0, 1], sizes = [64, 127], strides = [1, 1]} : vector<64x128xi32> to vector<64x127xi32>
    %slice3A_86 = vector.extract_strided_slice %select_n3A_75 {offsets = [0, 0], sizes = [64, 1], strides = [1, 1]} : vector<64x128xi32> to vector<64x1xi32>
    %concatenate3A_87 = tpu.concatenate %slice3A_85, %slice3A_86 in 1 : vector<64x127xi32>, vector<64x1xi32> -> vector<64x128xi32>
    %and3A_88 = arith.constant 1 : i32
    %and3A_89 = vector.broadcast %and3A_88 : i32 to vector<64x128xi32>
    %and3A_90 = arith.andi %add3A, %and3A_89 : vector<64x128xi32>
    %ne3A_91 = arith.constant 0 : i32
    %ne3A_92 = vector.broadcast %ne3A_91 : i32 to vector<64x128xi32>
    %ne3A_93 = arith.cmpi ne, %and3A_90, %ne3A_92 : vector<64x128xi32>
    %select_n3A_94 = arith.select %ne3A_93, %concatenate3A_78, %concatenate3A_81 : vector<64x128xi1>, vector<64x128xf32>
    %select_n3A_95 = arith.select %ne3A_93, %concatenate3A_84, %concatenate3A_87 : vector<64x128xi1>, vector<64x128xi32>
    %gt3A_96 = arith.cmpf ogt, %select_n3A_94, %select_n3A_74 : vector<64x128xf32>
    %eq3A_97 = arith.cmpf oeq, %select_n3A_94, %select_n3A_74 : vector<64x128xf32>
    %lt3A_98 = arith.cmpi slt, %select_n3A_95, %select_n3A_75 : vector<64x128xi32>
    %and3A_99 = arith.andi %eq3A_97, %lt3A_98 : vector<64x128xi1>
    %or3A_100 = arith.ori %gt3A_96, %and3A_99 : vector<64x128xi1>
    %ne3A_101 = arith.xori %or3A_100, %ne3A_93 : vector<64x128xi1>
    %ne3A_102 = arith.xori %ne3A_101, %ne3A_46 : vector<64x128xi1>
    %select_n3A_103 = arith.select %ne3A_102, %select_n3A_94, %select_n3A_74 : vector<64x128xi1>, vector<64x128xf32>
    %select_n3A_104 = arith.select %ne3A_102, %select_n3A_95, %select_n3A_75 : vector<64x128xi1>, vector<64x128xi32>
    %shift_right_arithmetic3A_105 = arith.constant 3 : i32
    %shift_right_arithmetic3A_106 = vector.broadcast %shift_right_arithmetic3A_105 : i32 to vector<64x128xi32>
    %shift_right_arithmetic3A_107 = arith.shrsi %add3A, %shift_right_arithmetic3A_106 : vector<64x128xi32>
    %and3A_108 = arith.constant 1 : i32
    %and3A_109 = vector.broadcast %and3A_108 : i32 to vector<64x128xi32>
    %and3A_110 = arith.andi %shift_right_arithmetic3A_107, %and3A_109 : vector<64x128xi32>
    %ne3A_111 = arith.constant 0 : i32
    %ne3A_112 = vector.broadcast %ne3A_111 : i32 to vector<64x128xi32>
    %ne3A_113 = arith.cmpi ne, %and3A_110, %ne3A_112 : vector<64x128xi32>
    %slice3A_114 = vector.extract_strided_slice %select_n3A_103 {offsets = [0, 124], sizes = [64, 4], strides = [1, 1]} : vector<64x128xf32> to vector<64x4xf32>
    %slice3A_115 = vector.extract_strided_slice %select_n3A_103 {offsets = [0, 0], sizes = [64, 124], strides = [1, 1]} : vector<64x128xf32> to vector<64x124xf32>
    %concatenate3A_116 = tpu.concatenate %slice3A_114, %slice3A_115 in 1 : vector<64x4xf32>, vector<64x124xf32> -> vector<64x128xf32>
    %slice3A_117 = vector.extract_strided_slice %select_n3A_103 {offsets = [0, 4], sizes = [64, 124], strides = [1, 1]} : vector<64x128xf32> to vector<64x124xf32>
    %slice3A_118 = vector.extract_strided_slice %select_n3A_103 {offsets = [0, 0], sizes = [64, 4], strides = [1, 1]} : vector<64x128xf32> to vector<64x4xf32>
    %concatenate3A_119 = tpu.concatenate %slice3A_117, %slice3A_118 in 1 : vector<64x124xf32>, vector<64x4xf32> -> vector<64x128xf32>
    %slice3A_120 = vector.extract_strided_slice %select_n3A_104 {offsets = [0, 124], sizes = [64, 4], strides = [1, 1]} : vector<64x128xi32> to vector<64x4xi32>
    %slice3A_121 = vector.extract_strided_slice %select_n3A_104 {offsets = [0, 0], sizes = [64, 124], strides = [1, 1]} : vector<64x128xi32> to vector<64x124xi32>
    %concatenate3A_122 = tpu.concatenate %slice3A_120, %slice3A_121 in 1 : vector<64x4xi32>, vector<64x124xi32> -> vector<64x128xi32>
    %slice3A_123 = vector.extract_strided_slice %select_n3A_104 {offsets = [0, 4], sizes = [64, 124], strides = [1, 1]} : vector<64x128xi32> to vector<64x124xi32>
    %slice3A_124 = vector.extract_strided_slice %select_n3A_104 {offsets = [0, 0], sizes = [64, 4], strides = [1, 1]} : vector<64x128xi32> to vector<64x4xi32>
    %concatenate3A_125 = tpu.concatenate %slice3A_123, %slice3A_124 in 1 : vector<64x124xi32>, vector<64x4xi32> -> vector<64x128xi32>
    %and3A_126 = arith.constant 4 : i32
    %and3A_127 = vector.broadcast %and3A_126 : i32 to vector<64x128xi32>
    %and3A_128 = arith.andi %add3A, %and3A_127 : vector<64x128xi32>
    %ne3A_129 = arith.constant 0 : i32
    %ne3A_130 = vector.broadcast %ne3A_129 : i32 to vector<64x128xi32>
    %ne3A_131 = arith.cmpi ne, %and3A_128, %ne3A_130 : vector<64x128xi32>
    %select_n3A_132 = arith.select %ne3A_131, %concatenate3A_116, %concatenate3A_119 : vector<64x128xi1>, vector<64x128xf32>
    %select_n3A_133 = arith.select %ne3A_131, %concatenate3A_122, %concatenate3A_125 : vector<64x128xi1>, vector<64x128xi32>
    %gt3A_134 = arith.cmpf ogt, %select_n3A_132, %select_n3A_103 : vector<64x128xf32>
    %eq3A_135 = arith.cmpf oeq, %select_n3A_132, %select_n3A_103 : vector<64x128xf32>
    %lt3A_136 = arith.cmpi slt, %select_n3A_133, %select_n3A_104 : vector<64x128xi32>
    %and3A_137 = arith.andi %eq3A_135, %lt3A_136 : vector<64x128xi1>
    %or3A_138 = arith.ori %gt3A_134, %and3A_137 : vector<64x128xi1>
    %ne3A_139 = arith.xori %or3A_138, %ne3A_131 : vector<64x128xi1>
    %ne3A_140 = arith.xori %ne3A_139, %ne3A_113 : vector<64x128xi1>
    %select_n3A_141 = arith.select %ne3A_140, %select_n3A_132, %select_n3A_103 : vector<64x128xi1>, vector<64x128xf32>
    %select_n3A_142 = arith.select %ne3A_140, %select_n3A_133, %select_n3A_104 : vector<64x128xi1>, vector<64x128xi32>
    %slice3A_143 = vector.extract_strided_slice %select_n3A_141 {offsets = [0, 126], sizes = [64, 2], strides = [1, 1]} : vector<64x128xf32> to vector<64x2xf32>
    %slice3A_144 = vector.extract_strided_slice %select_n3A_141 {offsets = [0, 0], sizes = [64, 126], strides = [1, 1]} : vector<64x128xf32> to vector<64x126xf32>
    %concatenate3A_145 = tpu.concatenate %slice3A_143, %slice3A_144 in 1 : vector<64x2xf32>, vector<64x126xf32> -> vector<64x128xf32>
    %slice3A_146 = vector.extract_strided_slice %select_n3A_141 {offsets = [0, 2], sizes = [64, 126], strides = [1, 1]} : vector<64x128xf32> to vector<64x126xf32>
    %slice3A_147 = vector.extract_strided_slice %select_n3A_141 {offsets = [0, 0], sizes = [64, 2], strides = [1, 1]} : vector<64x128xf32> to vector<64x2xf32>
    %concatenate3A_148 = tpu.concatenate %slice3A_146, %slice3A_147 in 1 : vector<64x126xf32>, vector<64x2xf32> -> vector<64x128xf32>
    %slice3A_149 = vector.extract_strided_slice %select_n3A_142 {offsets = [0, 126], sizes = [64, 2], strides = [1, 1]} : vector<64x128xi32> to vector<64x2xi32>
    %slice3A_150 = vector.extract_strided_slice %select_n3A_142 {offsets = [0, 0], sizes = [64, 126], strides = [1, 1]} : vector<64x128xi32> to vector<64x126xi32>
    %concatenate3A_151 = tpu.concatenate %slice3A_149, %slice3A_150 in 1 : vector<64x2xi32>, vector<64x126xi32> -> vector<64x128xi32>
    %slice3A_152 = vector.extract_strided_slice %select_n3A_142 {offsets = [0, 2], sizes = [64, 126], strides = [1, 1]} : vector<64x128xi32> to vector<64x126xi32>
    %slice3A_153 = vector.extract_strided_slice %select_n3A_142 {offsets = [0, 0], sizes = [64, 2], strides = [1, 1]} : vector<64x128xi32> to vector<64x2xi32>
    %concatenate3A_154 = tpu.concatenate %slice3A_152, %slice3A_153 in 1 : vector<64x126xi32>, vector<64x2xi32> -> vector<64x128xi32>
    %and3A_155 = arith.constant 2 : i32
    %and3A_156 = vector.broadcast %and3A_155 : i32 to vector<64x128xi32>
    %and3A_157 = arith.andi %add3A, %and3A_156 : vector<64x128xi32>
    %ne3A_158 = arith.constant 0 : i32
    %ne3A_159 = vector.broadcast %ne3A_158 : i32 to vector<64x128xi32>
    %ne3A_160 = arith.cmpi ne, %and3A_157, %ne3A_159 : vector<64x128xi32>
    %select_n3A_161 = arith.select %ne3A_160, %concatenate3A_145, %concatenate3A_148 : vector<64x128xi1>, vector<64x128xf32>
    %select_n3A_162 = arith.select %ne3A_160, %concatenate3A_151, %concatenate3A_154 : vector<64x128xi1>, vector<64x128xi32>
    %gt3A_163 = arith.cmpf ogt, %select_n3A_161, %select_n3A_141 : vector<64x128xf32>
    %eq3A_164 = arith.cmpf oeq, %select_n3A_161, %select_n3A_141 : vector<64x128xf32>
    %lt3A_165 = arith.cmpi slt, %select_n3A_162, %select_n3A_142 : vector<64x128xi32>
    %and3A_166 = arith.andi %eq3A_164, %lt3A_165 : vector<64x128xi1>
    %or3A_167 = arith.ori %gt3A_163, %and3A_166 : vector<64x128xi1>
    %ne3A_168 = arith.xori %or3A_167, %ne3A_160 : vector<64x128xi1>
    %ne3A_169 = arith.xori %ne3A_168, %ne3A_113 : vector<64x128xi1>
    %select_n3A_170 = arith.select %ne3A_169, %select_n3A_161, %select_n3A_141 : vector<64x128xi1>, vector<64x128xf32>
    %select_n3A_171 = arith.select %ne3A_169, %select_n3A_162, %select_n3A_142 : vector<64x128xi1>, vector<64x128xi32>
    %slice3A_172 = vector.extract_strided_slice %select_n3A_170 {offsets = [0, 127], sizes = [64, 1], strides = [1, 1]} : vector<64x128xf32> to vector<64x1xf32>
    %slice3A_173 = vector.extract_strided_slice %select_n3A_170 {offsets = [0, 0], sizes = [64, 127], strides = [1, 1]} : vector<64x128xf32> to vector<64x127xf32>
    %concatenate3A_174 = tpu.concatenate %slice3A_172, %slice3A_173 in 1 : vector<64x1xf32>, vector<64x127xf32> -> vector<64x128xf32>
    %slice3A_175 = vector.extract_strided_slice %select_n3A_170 {offsets = [0, 1], sizes = [64, 127], strides = [1, 1]} : vector<64x128xf32> to vector<64x127xf32>
    %slice3A_176 = vector.extract_strided_slice %select_n3A_170 {offsets = [0, 0], sizes = [64, 1], strides = [1, 1]} : vector<64x128xf32> to vector<64x1xf32>
    %concatenate3A_177 = tpu.concatenate %slice3A_175, %slice3A_176 in 1 : vector<64x127xf32>, vector<64x1xf32> -> vector<64x128xf32>
    %slice3A_178 = vector.extract_strided_slice %select_n3A_171 {offsets = [0, 127], sizes = [64, 1], strides = [1, 1]} : vector<64x128xi32> to vector<64x1xi32>
    %slice3A_179 = vector.extract_strided_slice %select_n3A_171 {offsets = [0, 0], sizes = [64, 127], strides = [1, 1]} : vector<64x128xi32> to vector<64x127xi32>
    %concatenate3A_180 = tpu.concatenate %slice3A_178, %slice3A_179 in 1 : vector<64x1xi32>, vector<64x127xi32> -> vector<64x128xi32>
    %slice3A_181 = vector.extract_strided_slice %select_n3A_171 {offsets = [0, 1], sizes = [64, 127], strides = [1, 1]} : vector<64x128xi32> to vector<64x127xi32>
    %slice3A_182 = vector.extract_strided_slice %select_n3A_171 {offsets = [0, 0], sizes = [64, 1], strides = [1, 1]} : vector<64x128xi32> to vector<64x1xi32>
    %concatenate3A_183 = tpu.concatenate %slice3A_181, %slice3A_182 in 1 : vector<64x127xi32>, vector<64x1xi32> -> vector<64x128xi32>
    %and3A_184 = arith.constant 1 : i32
    %and3A_185 = vector.broadcast %and3A_184 : i32 to vector<64x128xi32>
    %and3A_186 = arith.andi %add3A, %and3A_185 : vector<64x128xi32>
    %ne3A_187 = arith.constant 0 : i32
    %ne3A_188 = vector.broadcast %ne3A_187 : i32 to vector<64x128xi32>
    %ne3A_189 = arith.cmpi ne, %and3A_186, %ne3A_188 : vector<64x128xi32>
    %select_n3A_190 = arith.select %ne3A_189, %concatenate3A_174, %concatenate3A_177 : vector<64x128xi1>, vector<64x128xf32>
    %select_n3A_191 = arith.select %ne3A_189, %concatenate3A_180, %concatenate3A_183 : vector<64x128xi1>, vector<64x128xi32>
    %gt3A_192 = arith.cmpf ogt, %select_n3A_190, %select_n3A_170 : vector<64x128xf32>
    %eq3A_193 = arith.cmpf oeq, %select_n3A_190, %select_n3A_170 : vector<64x128xf32>
    %lt3A_194 = arith.cmpi slt, %select_n3A_191, %select_n3A_171 : vector<64x128xi32>
    %and3A_195 = arith.andi %eq3A_193, %lt3A_194 : vector<64x128xi1>
    %or3A_196 = arith.ori %gt3A_192, %and3A_195 : vector<64x128xi1>
    %ne3A_197 = arith.xori %or3A_196, %ne3A_189 : vector<64x128xi1>
    %ne3A_198 = arith.xori %ne3A_197, %ne3A_113 : vector<64x128xi1>
    %select_n3A_199 = arith.select %ne3A_198, %select_n3A_190, %select_n3A_170 : vector<64x128xi1>, vector<64x128xf32>
    %select_n3A_200 = arith.select %ne3A_198, %select_n3A_191, %select_n3A_171 : vector<64x128xi1>, vector<64x128xi32>
    %shift_right_arithmetic3A_201 = arith.constant 4 : i32
    %shift_right_arithmetic3A_202 = vector.broadcast %shift_right_arithmetic3A_201 : i32 to vector<64x128xi32>
    %shift_right_arithmetic3A_203 = arith.shrsi %add3A, %shift_right_arithmetic3A_202 : vector<64x128xi32>
    %and3A_204 = arith.constant 1 : i32
    %and3A_205 = vector.broadcast %and3A_204 : i32 to vector<64x128xi32>
    %and3A_206 = arith.andi %shift_right_arithmetic3A_203, %and3A_205 : vector<64x128xi32>
    %ne3A_207 = arith.constant 0 : i32
    %ne3A_208 = vector.broadcast %ne3A_207 : i32 to vector<64x128xi32>
    %ne3A_209 = arith.cmpi ne, %and3A_206, %ne3A_208 : vector<64x128xi32>
    %slice3A_210 = vector.extract_strided_slice %select_n3A_199 {offsets = [0, 120], sizes = [64, 8], strides = [1, 1]} : vector<64x128xf32> to vector<64x8xf32>
    %slice3A_211 = vector.extract_strided_slice %select_n3A_199 {offsets = [0, 0], sizes = [64, 120], strides = [1, 1]} : vector<64x128xf32> to vector<64x120xf32>
    %concatenate3A_212 = tpu.concatenate %slice3A_210, %slice3A_211 in 1 : vector<64x8xf32>, vector<64x120xf32> -> vector<64x128xf32>
    %slice3A_213 = vector.extract_strided_slice %select_n3A_199 {offsets = [0, 8], sizes = [64, 120], strides = [1, 1]} : vector<64x128xf32> to vector<64x120xf32>
    %slice3A_214 = vector.extract_strided_slice %select_n3A_199 {offsets = [0, 0], sizes = [64, 8], strides = [1, 1]} : vector<64x128xf32> to vector<64x8xf32>
    %concatenate3A_215 = tpu.concatenate %slice3A_213, %slice3A_214 in 1 : vector<64x120xf32>, vector<64x8xf32> -> vector<64x128xf32>
    %slice3A_216 = vector.extract_strided_slice %select_n3A_200 {offsets = [0, 120], sizes = [64, 8], strides = [1, 1]} : vector<64x128xi32> to vector<64x8xi32>
    %slice3A_217 = vector.extract_strided_slice %select_n3A_200 {offsets = [0, 0], sizes = [64, 120], strides = [1, 1]} : vector<64x128xi32> to vector<64x120xi32>
    %concatenate3A_218 = tpu.concatenate %slice3A_216, %slice3A_217 in 1 : vector<64x8xi32>, vector<64x120xi32> -> vector<64x128xi32>
    %slice3A_219 = vector.extract_strided_slice %select_n3A_200 {offsets = [0, 8], sizes = [64, 120], strides = [1, 1]} : vector<64x128xi32> to vector<64x120xi32>
    %slice3A_220 = vector.extract_strided_slice %select_n3A_200 {offsets = [0, 0], sizes = [64, 8], strides = [1, 1]} : vector<64x128xi32> to vector<64x8xi32>
    %concatenate3A_221 = tpu.concatenate %slice3A_219, %slice3A_220 in 1 : vector<64x120xi32>, vector<64x8xi32> -> vector<64x128xi32>
    %and3A_222 = arith.constant 8 : i32
    %and3A_223 = vector.broadcast %and3A_222 : i32 to vector<64x128xi32>
    %and3A_224 = arith.andi %add3A, %and3A_223 : vector<64x128xi32>
    %ne3A_225 = arith.constant 0 : i32
    %ne3A_226 = vector.broadcast %ne3A_225 : i32 to vector<64x128xi32>
    %ne3A_227 = arith.cmpi ne, %and3A_224, %ne3A_226 : vector<64x128xi32>
    %select_n3A_228 = arith.select %ne3A_227, %concatenate3A_212, %concatenate3A_215 : vector<64x128xi1>, vector<64x128xf32>
    %select_n3A_229 = arith.select %ne3A_227, %concatenate3A_218, %concatenate3A_221 : vector<64x128xi1>, vector<64x128xi32>
    %gt3A_230 = arith.cmpf ogt, %select_n3A_228, %select_n3A_199 : vector<64x128xf32>
    %eq3A_231 = arith.cmpf oeq, %select_n3A_228, %select_n3A_199 : vector<64x128xf32>
    %lt3A_232 = arith.cmpi slt, %select_n3A_229, %select_n3A_200 : vector<64x128xi32>
    %and3A_233 = arith.andi %eq3A_231, %lt3A_232 : vector<64x128xi1>
    %or3A_234 = arith.ori %gt3A_230, %and3A_233 : vector<64x128xi1>
    %ne3A_235 = arith.xori %or3A_234, %ne3A_227 : vector<64x128xi1>
    %ne3A_236 = arith.xori %ne3A_235, %ne3A_209 : vector<64x128xi1>
    %select_n3A_237 = arith.select %ne3A_236, %select_n3A_228, %select_n3A_199 : vector<64x128xi1>, vector<64x128xf32>
    %select_n3A_238 = arith.select %ne3A_236, %select_n3A_229, %select_n3A_200 : vector<64x128xi1>, vector<64x128xi32>
    %slice3A_239 = vector.extract_strided_slice %select_n3A_237 {offsets = [0, 124], sizes = [64, 4], strides = [1, 1]} : vector<64x128xf32> to vector<64x4xf32>
    %slice3A_240 = vector.extract_strided_slice %select_n3A_237 {offsets = [0, 0], sizes = [64, 124], strides = [1, 1]} : vector<64x128xf32> to vector<64x124xf32>
    %concatenate3A_241 = tpu.concatenate %slice3A_239, %slice3A_240 in 1 : vector<64x4xf32>, vector<64x124xf32> -> vector<64x128xf32>
    %slice3A_242 = vector.extract_strided_slice %select_n3A_237 {offsets = [0, 4], sizes = [64, 124], strides = [1, 1]} : vector<64x128xf32> to vector<64x124xf32>
    %slice3A_243 = vector.extract_strided_slice %select_n3A_237 {offsets = [0, 0], sizes = [64, 4], strides = [1, 1]} : vector<64x128xf32> to vector<64x4xf32>
    %concatenate3A_244 = tpu.concatenate %slice3A_242, %slice3A_243 in 1 : vector<64x124xf32>, vector<64x4xf32> -> vector<64x128xf32>
    %slice3A_245 = vector.extract_strided_slice %select_n3A_238 {offsets = [0, 124], sizes = [64, 4], strides = [1, 1]} : vector<64x128xi32> to vector<64x4xi32>
    %slice3A_246 = vector.extract_strided_slice %select_n3A_238 {offsets = [0, 0], sizes = [64, 124], strides = [1, 1]} : vector<64x128xi32> to vector<64x124xi32>
    %concatenate3A_247 = tpu.concatenate %slice3A_245, %slice3A_246 in 1 : vector<64x4xi32>, vector<64x124xi32> -> vector<64x128xi32>
    %slice3A_248 = vector.extract_strided_slice %select_n3A_238 {offsets = [0, 4], sizes = [64, 124], strides = [1, 1]} : vector<64x128xi32> to vector<64x124xi32>
    %slice3A_249 = vector.extract_strided_slice %select_n3A_238 {offsets = [0, 0], sizes = [64, 4], strides = [1, 1]} : vector<64x128xi32> to vector<64x4xi32>
    %concatenate3A_250 = tpu.concatenate %slice3A_248, %slice3A_249 in 1 : vector<64x124xi32>, vector<64x4xi32> -> vector<64x128xi32>
    %and3A_251 = arith.constant 4 : i32
    %and3A_252 = vector.broadcast %and3A_251 : i32 to vector<64x128xi32>
    %and3A_253 = arith.andi %add3A, %and3A_252 : vector<64x128xi32>
    %ne3A_254 = arith.constant 0 : i32
    %ne3A_255 = vector.broadcast %ne3A_254 : i32 to vector<64x128xi32>
    %ne3A_256 = arith.cmpi ne, %and3A_253, %ne3A_255 : vector<64x128xi32>
    %select_n3A_257 = arith.select %ne3A_256, %concatenate3A_241, %concatenate3A_244 : vector<64x128xi1>, vector<64x128xf32>
    %select_n3A_258 = arith.select %ne3A_256, %concatenate3A_247, %concatenate3A_250 : vector<64x128xi1>, vector<64x128xi32>
    %gt3A_259 = arith.cmpf ogt, %select_n3A_257, %select_n3A_237 : vector<64x128xf32>
    %eq3A_260 = arith.cmpf oeq, %select_n3A_257, %select_n3A_237 : vector<64x128xf32>
    %lt3A_261 = arith.cmpi slt, %select_n3A_258, %select_n3A_238 : vector<64x128xi32>
    %and3A_262 = arith.andi %eq3A_260, %lt3A_261 : vector<64x128xi1>
    %or3A_263 = arith.ori %gt3A_259, %and3A_262 : vector<64x128xi1>
    %ne3A_264 = arith.xori %or3A_263, %ne3A_256 : vector<64x128xi1>
    %ne3A_265 = arith.xori %ne3A_264, %ne3A_209 : vector<64x128xi1>
    %select_n3A_266 = arith.select %ne3A_265, %select_n3A_257, %select_n3A_237 : vector<64x128xi1>, vector<64x128xf32>
    %select_n3A_267 = arith.select %ne3A_265, %select_n3A_258, %select_n3A_238 : vector<64x128xi1>, vector<64x128xi32>
    %slice3A_268 = vector.extract_strided_slice %select_n3A_266 {offsets = [0, 126], sizes = [64, 2], strides = [1, 1]} : vector<64x128xf32> to vector<64x2xf32>
    %slice3A_269 = vector.extract_strided_slice %select_n3A_266 {offsets = [0, 0], sizes = [64, 126], strides = [1, 1]} : vector<64x128xf32> to vector<64x126xf32>
    %concatenate3A_270 = tpu.concatenate %slice3A_268, %slice3A_269 in 1 : vector<64x2xf32>, vector<64x126xf32> -> vector<64x128xf32>
    %slice3A_271 = vector.extract_strided_slice %select_n3A_266 {offsets = [0, 2], sizes = [64, 126], strides = [1, 1]} : vector<64x128xf32> to vector<64x126xf32>
    %slice3A_272 = vector.extract_strided_slice %select_n3A_266 {offsets = [0, 0], sizes = [64, 2], strides = [1, 1]} : vector<64x128xf32> to vector<64x2xf32>
    %concatenate3A_273 = tpu.concatenate %slice3A_271, %slice3A_272 in 1 : vector<64x126xf32>, vector<64x2xf32> -> vector<64x128xf32>
    %slice3A_274 = vector.extract_strided_slice %select_n3A_267 {offsets = [0, 126], sizes = [64, 2], strides = [1, 1]} : vector<64x128xi32> to vector<64x2xi32>
    %slice3A_275 = vector.extract_strided_slice %select_n3A_267 {offsets = [0, 0], sizes = [64, 126], strides = [1, 1]} : vector<64x128xi32> to vector<64x126xi32>
    %concatenate3A_276 = tpu.concatenate %slice3A_274, %slice3A_275 in 1 : vector<64x2xi32>, vector<64x126xi32> -> vector<64x128xi32>
    %slice3A_277 = vector.extract_strided_slice %select_n3A_267 {offsets = [0, 2], sizes = [64, 126], strides = [1, 1]} : vector<64x128xi32> to vector<64x126xi32>
    %slice3A_278 = vector.extract_strided_slice %select_n3A_267 {offsets = [0, 0], sizes = [64, 2], strides = [1, 1]} : vector<64x128xi32> to vector<64x2xi32>
    %concatenate3A_279 = tpu.concatenate %slice3A_277, %slice3A_278 in 1 : vector<64x126xi32>, vector<64x2xi32> -> vector<64x128xi32>
    %and3A_280 = arith.constant 2 : i32
    %and3A_281 = vector.broadcast %and3A_280 : i32 to vector<64x128xi32>
    %and3A_282 = arith.andi %add3A, %and3A_281 : vector<64x128xi32>
    %ne3A_283 = arith.constant 0 : i32
    %ne3A_284 = vector.broadcast %ne3A_283 : i32 to vector<64x128xi32>
    %ne3A_285 = arith.cmpi ne, %and3A_282, %ne3A_284 : vector<64x128xi32>
    %select_n3A_286 = arith.select %ne3A_285, %concatenate3A_270, %concatenate3A_273 : vector<64x128xi1>, vector<64x128xf32>
    %select_n3A_287 = arith.select %ne3A_285, %concatenate3A_276, %concatenate3A_279 : vector<64x128xi1>, vector<64x128xi32>
    %gt3A_288 = arith.cmpf ogt, %select_n3A_286, %select_n3A_266 : vector<64x128xf32>
    %eq3A_289 = arith.cmpf oeq, %select_n3A_286, %select_n3A_266 : vector<64x128xf32>
    %lt3A_290 = arith.cmpi slt, %select_n3A_287, %select_n3A_267 : vector<64x128xi32>
    %and3A_291 = arith.andi %eq3A_289, %lt3A_290 : vector<64x128xi1>
    %or3A_292 = arith.ori %gt3A_288, %and3A_291 : vector<64x128xi1>
    %ne3A_293 = arith.xori %or3A_292, %ne3A_285 : vector<64x128xi1>
    %ne3A_294 = arith.xori %ne3A_293, %ne3A_209 : vector<64x128xi1>
    %select_n3A_295 = arith.select %ne3A_294, %select_n3A_286, %select_n3A_266 : vector<64x128xi1>, vector<64x128xf32>
    %select_n3A_296 = arith.select %ne3A_294, %select_n3A_287, %select_n3A_267 : vector<64x128xi1>, vector<64x128xi32>
    %slice3A_297 = vector.extract_strided_slice %select_n3A_295 {offsets = [0, 127], sizes = [64, 1], strides = [1, 1]} : vector<64x128xf32> to vector<64x1xf32>
    %slice3A_298 = vector.extract_strided_slice %select_n3A_295 {offsets = [0, 0], sizes = [64, 127], strides = [1, 1]} : vector<64x128xf32> to vector<64x127xf32>
    %concatenate3A_299 = tpu.concatenate %slice3A_297, %slice3A_298 in 1 : vector<64x1xf32>, vector<64x127xf32> -> vector<64x128xf32>
    %slice3A_300 = vector.extract_strided_slice %select_n3A_295 {offsets = [0, 1], sizes = [64, 127], strides = [1, 1]} : vector<64x128xf32> to vector<64x127xf32>
    %slice3A_301 = vector.extract_strided_slice %select_n3A_295 {offsets = [0, 0], sizes = [64, 1], strides = [1, 1]} : vector<64x128xf32> to vector<64x1xf32>
    %concatenate3A_302 = tpu.concatenate %slice3A_300, %slice3A_301 in 1 : vector<64x127xf32>, vector<64x1xf32> -> vector<64x128xf32>
    %slice3A_303 = vector.extract_strided_slice %select_n3A_296 {offsets = [0, 127], sizes = [64, 1], strides = [1, 1]} : vector<64x128xi32> to vector<64x1xi32>
    %slice3A_304 = vector.extract_strided_slice %select_n3A_296 {offsets = [0, 0], sizes = [64, 127], strides = [1, 1]} : vector<64x128xi32> to vector<64x127xi32>
    %concatenate3A_305 = tpu.concatenate %slice3A_303, %slice3A_304 in 1 : vector<64x1xi32>, vector<64x127xi32> -> vector<64x128xi32>
    %slice3A_306 = vector.extract_strided_slice %select_n3A_296 {offsets = [0, 1], sizes = [64, 127], strides = [1, 1]} : vector<64x128xi32> to vector<64x127xi32>
    %slice3A_307 = vector.extract_strided_slice %select_n3A_296 {offsets = [0, 0], sizes = [64, 1], strides = [1, 1]} : vector<64x128xi32> to vector<64x1xi32>
    %concatenate3A_308 = tpu.concatenate %slice3A_306, %slice3A_307 in 1 : vector<64x127xi32>, vector<64x1xi32> -> vector<64x128xi32>
    %and3A_309 = arith.constant 1 : i32
    %and3A_310 = vector.broadcast %and3A_309 : i32 to vector<64x128xi32>
    %and3A_311 = arith.andi %add3A, %and3A_310 : vector<64x128xi32>
    %ne3A_312 = arith.constant 0 : i32
    %ne3A_313 = vector.broadcast %ne3A_312 : i32 to vector<64x128xi32>
    %ne3A_314 = arith.cmpi ne, %and3A_311, %ne3A_313 : vector<64x128xi32>
    %select_n3A_315 = arith.select %ne3A_314, %concatenate3A_299, %concatenate3A_302 : vector<64x128xi1>, vector<64x128xf32>
    %select_n3A_316 = arith.select %ne3A_314, %concatenate3A_305, %concatenate3A_308 : vector<64x128xi1>, vector<64x128xi32>
    %gt3A_317 = arith.cmpf ogt, %select_n3A_315, %select_n3A_295 : vector<64x128xf32>
    %eq3A_318 = arith.cmpf oeq, %select_n3A_315, %select_n3A_295 : vector<64x128xf32>
    %lt3A_319 = arith.cmpi slt, %select_n3A_316, %select_n3A_296 : vector<64x128xi32>
    %and3A_320 = arith.andi %eq3A_318, %lt3A_319 : vector<64x128xi1>
    %or3A_321 = arith.ori %gt3A_317, %and3A_320 : vector<64x128xi1>
    %ne3A_322 = arith.xori %or3A_321, %ne3A_314 : vector<64x128xi1>
    %ne3A_323 = arith.xori %ne3A_322, %ne3A_209 : vector<64x128xi1>
    %select_n3A_324 = arith.select %ne3A_323, %select_n3A_315, %select_n3A_295 : vector<64x128xi1>, vector<64x128xf32>
    %select_n3A_325 = arith.select %ne3A_323, %select_n3A_316, %select_n3A_296 : vector<64x128xi1>, vector<64x128xi32>
    %shift_right_arithmetic3A_326 = arith.constant 5 : i32
    %shift_right_arithmetic3A_327 = vector.broadcast %shift_right_arithmetic3A_326 : i32 to vector<64x128xi32>
    %shift_right_arithmetic3A_328 = arith.shrsi %add3A, %shift_right_arithmetic3A_327 : vector<64x128xi32>
    %and3A_329 = arith.constant 1 : i32
    %and3A_330 = vector.broadcast %and3A_329 : i32 to vector<64x128xi32>
    %and3A_331 = arith.andi %shift_right_arithmetic3A_328, %and3A_330 : vector<64x128xi32>
    %ne3A_332 = arith.constant 0 : i32
    %ne3A_333 = vector.broadcast %ne3A_332 : i32 to vector<64x128xi32>
    %ne3A_334 = arith.cmpi ne, %and3A_331, %ne3A_333 : vector<64x128xi32>
    %slice3A_335 = vector.extract_strided_slice %select_n3A_324 {offsets = [0, 112], sizes = [64, 16], strides = [1, 1]} : vector<64x128xf32> to vector<64x16xf32>
    %slice3A_336 = vector.extract_strided_slice %select_n3A_324 {offsets = [0, 0], sizes = [64, 112], strides = [1, 1]} : vector<64x128xf32> to vector<64x112xf32>
    %concatenate3A_337 = tpu.concatenate %slice3A_335, %slice3A_336 in 1 : vector<64x16xf32>, vector<64x112xf32> -> vector<64x128xf32>
    %slice3A_338 = vector.extract_strided_slice %select_n3A_324 {offsets = [0, 16], sizes = [64, 112], strides = [1, 1]} : vector<64x128xf32> to vector<64x112xf32>
    %slice3A_339 = vector.extract_strided_slice %select_n3A_324 {offsets = [0, 0], sizes = [64, 16], strides = [1, 1]} : vector<64x128xf32> to vector<64x16xf32>
    %concatenate3A_340 = tpu.concatenate %slice3A_338, %slice3A_339 in 1 : vector<64x112xf32>, vector<64x16xf32> -> vector<64x128xf32>
    %slice3A_341 = vector.extract_strided_slice %select_n3A_325 {offsets = [0, 112], sizes = [64, 16], strides = [1, 1]} : vector<64x128xi32> to vector<64x16xi32>
    %slice3A_342 = vector.extract_strided_slice %select_n3A_325 {offsets = [0, 0], sizes = [64, 112], strides = [1, 1]} : vector<64x128xi32> to vector<64x112xi32>
    %concatenate3A_343 = tpu.concatenate %slice3A_341, %slice3A_342 in 1 : vector<64x16xi32>, vector<64x112xi32> -> vector<64x128xi32>
    %slice3A_344 = vector.extract_strided_slice %select_n3A_325 {offsets = [0, 16], sizes = [64, 112], strides = [1, 1]} : vector<64x128xi32> to vector<64x112xi32>
    %slice3A_345 = vector.extract_strided_slice %select_n3A_325 {offsets = [0, 0], sizes = [64, 16], strides = [1, 1]} : vector<64x128xi32> to vector<64x16xi32>
    %concatenate3A_346 = tpu.concatenate %slice3A_344, %slice3A_345 in 1 : vector<64x112xi32>, vector<64x16xi32> -> vector<64x128xi32>
    %and3A_347 = arith.constant 16 : i32
    %and3A_348 = vector.broadcast %and3A_347 : i32 to vector<64x128xi32>
    %and3A_349 = arith.andi %add3A, %and3A_348 : vector<64x128xi32>
    %ne3A_350 = arith.constant 0 : i32
    %ne3A_351 = vector.broadcast %ne3A_350 : i32 to vector<64x128xi32>
    %ne3A_352 = arith.cmpi ne, %and3A_349, %ne3A_351 : vector<64x128xi32>
    %select_n3A_353 = arith.select %ne3A_352, %concatenate3A_337, %concatenate3A_340 : vector<64x128xi1>, vector<64x128xf32>
    %select_n3A_354 = arith.select %ne3A_352, %concatenate3A_343, %concatenate3A_346 : vector<64x128xi1>, vector<64x128xi32>
    %gt3A_355 = arith.cmpf ogt, %select_n3A_353, %select_n3A_324 : vector<64x128xf32>
    %eq3A_356 = arith.cmpf oeq, %select_n3A_353, %select_n3A_324 : vector<64x128xf32>
    %lt3A_357 = arith.cmpi slt, %select_n3A_354, %select_n3A_325 : vector<64x128xi32>
    %and3A_358 = arith.andi %eq3A_356, %lt3A_357 : vector<64x128xi1>
    %or3A_359 = arith.ori %gt3A_355, %and3A_358 : vector<64x128xi1>
    %ne3A_360 = arith.xori %or3A_359, %ne3A_352 : vector<64x128xi1>
    %ne3A_361 = arith.xori %ne3A_360, %ne3A_334 : vector<64x128xi1>
    %select_n3A_362 = arith.select %ne3A_361, %select_n3A_353, %select_n3A_324 : vector<64x128xi1>, vector<64x128xf32>
    %select_n3A_363 = arith.select %ne3A_361, %select_n3A_354, %select_n3A_325 : vector<64x128xi1>, vector<64x128xi32>
    %slice3A_364 = vector.extract_strided_slice %select_n3A_362 {offsets = [0, 120], sizes = [64, 8], strides = [1, 1]} : vector<64x128xf32> to vector<64x8xf32>
    %slice3A_365 = vector.extract_strided_slice %select_n3A_362 {offsets = [0, 0], sizes = [64, 120], strides = [1, 1]} : vector<64x128xf32> to vector<64x120xf32>
    %concatenate3A_366 = tpu.concatenate %slice3A_364, %slice3A_365 in 1 : vector<64x8xf32>, vector<64x120xf32> -> vector<64x128xf32>
    %slice3A_367 = vector.extract_strided_slice %select_n3A_362 {offsets = [0, 8], sizes = [64, 120], strides = [1, 1]} : vector<64x128xf32> to vector<64x120xf32>
    %slice3A_368 = vector.extract_strided_slice %select_n3A_362 {offsets = [0, 0], sizes = [64, 8], strides = [1, 1]} : vector<64x128xf32> to vector<64x8xf32>
    %concatenate3A_369 = tpu.concatenate %slice3A_367, %slice3A_368 in 1 : vector<64x120xf32>, vector<64x8xf32> -> vector<64x128xf32>
    %slice3A_370 = vector.extract_strided_slice %select_n3A_363 {offsets = [0, 120], sizes = [64, 8], strides = [1, 1]} : vector<64x128xi32> to vector<64x8xi32>
    %slice3A_371 = vector.extract_strided_slice %select_n3A_363 {offsets = [0, 0], sizes = [64, 120], strides = [1, 1]} : vector<64x128xi32> to vector<64x120xi32>
    %concatenate3A_372 = tpu.concatenate %slice3A_370, %slice3A_371 in 1 : vector<64x8xi32>, vector<64x120xi32> -> vector<64x128xi32>
    %slice3A_373 = vector.extract_strided_slice %select_n3A_363 {offsets = [0, 8], sizes = [64, 120], strides = [1, 1]} : vector<64x128xi32> to vector<64x120xi32>
    %slice3A_374 = vector.extract_strided_slice %select_n3A_363 {offsets = [0, 0], sizes = [64, 8], strides = [1, 1]} : vector<64x128xi32> to vector<64x8xi32>
    %concatenate3A_375 = tpu.concatenate %slice3A_373, %slice3A_374 in 1 : vector<64x120xi32>, vector<64x8xi32> -> vector<64x128xi32>
    %and3A_376 = arith.constant 8 : i32
    %and3A_377 = vector.broadcast %and3A_376 : i32 to vector<64x128xi32>
    %and3A_378 = arith.andi %add3A, %and3A_377 : vector<64x128xi32>
    %ne3A_379 = arith.constant 0 : i32
    %ne3A_380 = vector.broadcast %ne3A_379 : i32 to vector<64x128xi32>
    %ne3A_381 = arith.cmpi ne, %and3A_378, %ne3A_380 : vector<64x128xi32>
    %select_n3A_382 = arith.select %ne3A_381, %concatenate3A_366, %concatenate3A_369 : vector<64x128xi1>, vector<64x128xf32>
    %select_n3A_383 = arith.select %ne3A_381, %concatenate3A_372, %concatenate3A_375 : vector<64x128xi1>, vector<64x128xi32>
    %gt3A_384 = arith.cmpf ogt, %select_n3A_382, %select_n3A_362 : vector<64x128xf32>
    %eq3A_385 = arith.cmpf oeq, %select_n3A_382, %select_n3A_362 : vector<64x128xf32>
    %lt3A_386 = arith.cmpi slt, %select_n3A_383, %select_n3A_363 : vector<64x128xi32>
    %and3A_387 = arith.andi %eq3A_385, %lt3A_386 : vector<64x128xi1>
    %or3A_388 = arith.ori %gt3A_384, %and3A_387 : vector<64x128xi1>
    %ne3A_389 = arith.xori %or3A_388, %ne3A_381 : vector<64x128xi1>
    %ne3A_390 = arith.xori %ne3A_389, %ne3A_334 : vector<64x128xi1>
    %select_n3A_391 = arith.select %ne3A_390, %select_n3A_382, %select_n3A_362 : vector<64x128xi1>, vector<64x128xf32>
    %select_n3A_392 = arith.select %ne3A_390, %select_n3A_383, %select_n3A_363 : vector<64x128xi1>, vector<64x128xi32>
    %slice3A_393 = vector.extract_strided_slice %select_n3A_391 {offsets = [0, 124], sizes = [64, 4], strides = [1, 1]} : vector<64x128xf32> to vector<64x4xf32>
    %slice3A_394 = vector.extract_strided_slice %select_n3A_391 {offsets = [0, 0], sizes = [64, 124], strides = [1, 1]} : vector<64x128xf32> to vector<64x124xf32>
    %concatenate3A_395 = tpu.concatenate %slice3A_393, %slice3A_394 in 1 : vector<64x4xf32>, vector<64x124xf32> -> vector<64x128xf32>
    %slice3A_396 = vector.extract_strided_slice %select_n3A_391 {offsets = [0, 4], sizes = [64, 124], strides = [1, 1]} : vector<64x128xf32> to vector<64x124xf32>
    %slice3A_397 = vector.extract_strided_slice %select_n3A_391 {offsets = [0, 0], sizes = [64, 4], strides = [1, 1]} : vector<64x128xf32> to vector<64x4xf32>
    %concatenate3A_398 = tpu.concatenate %slice3A_396, %slice3A_397 in 1 : vector<64x124xf32>, vector<64x4xf32> -> vector<64x128xf32>
    %slice3A_399 = vector.extract_strided_slice %select_n3A_392 {offsets = [0, 124], sizes = [64, 4], strides = [1, 1]} : vector<64x128xi32> to vector<64x4xi32>
    %slice3A_400 = vector.extract_strided_slice %select_n3A_392 {offsets = [0, 0], sizes = [64, 124], strides = [1, 1]} : vector<64x128xi32> to vector<64x124xi32>
    %concatenate3A_401 = tpu.concatenate %slice3A_399, %slice3A_400 in 1 : vector<64x4xi32>, vector<64x124xi32> -> vector<64x128xi32>
    %slice3A_402 = vector.extract_strided_slice %select_n3A_392 {offsets = [0, 4], sizes = [64, 124], strides = [1, 1]} : vector<64x128xi32> to vector<64x124xi32>
    %slice3A_403 = vector.extract_strided_slice %select_n3A_392 {offsets = [0, 0], sizes = [64, 4], strides = [1, 1]} : vector<64x128xi32> to vector<64x4xi32>
    %concatenate3A_404 = tpu.concatenate %slice3A_402, %slice3A_403 in 1 : vector<64x124xi32>, vector<64x4xi32> -> vector<64x128xi32>
    %and3A_405 = arith.constant 4 : i32
    %and3A_406 = vector.broadcast %and3A_405 : i32 to vector<64x128xi32>
    %and3A_407 = arith.andi %add3A, %and3A_406 : vector<64x128xi32>
    %ne3A_408 = arith.constant 0 : i32
    %ne3A_409 = vector.broadcast %ne3A_408 : i32 to vector<64x128xi32>
    %ne3A_410 = arith.cmpi ne, %and3A_407, %ne3A_409 : vector<64x128xi32>
    %select_n3A_411 = arith.select %ne3A_410, %concatenate3A_395, %concatenate3A_398 : vector<64x128xi1>, vector<64x128xf32>
    %select_n3A_412 = arith.select %ne3A_410, %concatenate3A_401, %concatenate3A_404 : vector<64x128xi1>, vector<64x128xi32>
    %gt3A_413 = arith.cmpf ogt, %select_n3A_411, %select_n3A_391 : vector<64x128xf32>
    %eq3A_414 = arith.cmpf oeq, %select_n3A_411, %select_n3A_391 : vector<64x128xf32>
    %lt3A_415 = arith.cmpi slt, %select_n3A_412, %select_n3A_392 : vector<64x128xi32>
    %and3A_416 = arith.andi %eq3A_414, %lt3A_415 : vector<64x128xi1>
    %or3A_417 = arith.ori %gt3A_413, %and3A_416 : vector<64x128xi1>
    %ne3A_418 = arith.xori %or3A_417, %ne3A_410 : vector<64x128xi1>
    %ne3A_419 = arith.xori %ne3A_418, %ne3A_334 : vector<64x128xi1>
    %select_n3A_420 = arith.select %ne3A_419, %select_n3A_411, %select_n3A_391 : vector<64x128xi1>, vector<64x128xf32>
    %select_n3A_421 = arith.select %ne3A_419, %select_n3A_412, %select_n3A_392 : vector<64x128xi1>, vector<64x128xi32>
    %slice3A_422 = vector.extract_strided_slice %select_n3A_420 {offsets = [0, 126], sizes = [64, 2], strides = [1, 1]} : vector<64x128xf32> to vector<64x2xf32>
    %slice3A_423 = vector.extract_strided_slice %select_n3A_420 {offsets = [0, 0], sizes = [64, 126], strides = [1, 1]} : vector<64x128xf32> to vector<64x126xf32>
    %concatenate3A_424 = tpu.concatenate %slice3A_422, %slice3A_423 in 1 : vector<64x2xf32>, vector<64x126xf32> -> vector<64x128xf32>
    %slice3A_425 = vector.extract_strided_slice %select_n3A_420 {offsets = [0, 2], sizes = [64, 126], strides = [1, 1]} : vector<64x128xf32> to vector<64x126xf32>
    %slice3A_426 = vector.extract_strided_slice %select_n3A_420 {offsets = [0, 0], sizes = [64, 2], strides = [1, 1]} : vector<64x128xf32> to vector<64x2xf32>
    %concatenate3A_427 = tpu.concatenate %slice3A_425, %slice3A_426 in 1 : vector<64x126xf32>, vector<64x2xf32> -> vector<64x128xf32>
    %slice3A_428 = vector.extract_strided_slice %select_n3A_421 {offsets = [0, 126], sizes = [64, 2], strides = [1, 1]} : vector<64x128xi32> to vector<64x2xi32>
    %slice3A_429 = vector.extract_strided_slice %select_n3A_421 {offsets = [0, 0], sizes = [64, 126], strides = [1, 1]} : vector<64x128xi32> to vector<64x126xi32>
    %concatenate3A_430 = tpu.concatenate %slice3A_428, %slice3A_429 in 1 : vector<64x2xi32>, vector<64x126xi32> -> vector<64x128xi32>
    %slice3A_431 = vector.extract_strided_slice %select_n3A_421 {offsets = [0, 2], sizes = [64, 126], strides = [1, 1]} : vector<64x128xi32> to vector<64x126xi32>
    %slice3A_432 = vector.extract_strided_slice %select_n3A_421 {offsets = [0, 0], sizes = [64, 2], strides = [1, 1]} : vector<64x128xi32> to vector<64x2xi32>
    %concatenate3A_433 = tpu.concatenate %slice3A_431, %slice3A_432 in 1 : vector<64x126xi32>, vector<64x2xi32> -> vector<64x128xi32>
    %and3A_434 = arith.constant 2 : i32
    %and3A_435 = vector.broadcast %and3A_434 : i32 to vector<64x128xi32>
    %and3A_436 = arith.andi %add3A, %and3A_435 : vector<64x128xi32>
    %ne3A_437 = arith.constant 0 : i32
    %ne3A_438 = vector.broadcast %ne3A_437 : i32 to vector<64x128xi32>
    %ne3A_439 = arith.cmpi ne, %and3A_436, %ne3A_438 : vector<64x128xi32>
    %select_n3A_440 = arith.select %ne3A_439, %concatenate3A_424, %concatenate3A_427 : vector<64x128xi1>, vector<64x128xf32>
    %select_n3A_441 = arith.select %ne3A_439, %concatenate3A_430, %concatenate3A_433 : vector<64x128xi1>, vector<64x128xi32>
    %gt3A_442 = arith.cmpf ogt, %select_n3A_440, %select_n3A_420 : vector<64x128xf32>
    %eq3A_443 = arith.cmpf oeq, %select_n3A_440, %select_n3A_420 : vector<64x128xf32>
    %lt3A_444 = arith.cmpi slt, %select_n3A_441, %select_n3A_421 : vector<64x128xi32>
    %and3A_445 = arith.andi %eq3A_443, %lt3A_444 : vector<64x128xi1>
    %or3A_446 = arith.ori %gt3A_442, %and3A_445 : vector<64x128xi1>
    %ne3A_447 = arith.xori %or3A_446, %ne3A_439 : vector<64x128xi1>
    %ne3A_448 = arith.xori %ne3A_447, %ne3A_334 : vector<64x128xi1>
    %select_n3A_449 = arith.select %ne3A_448, %select_n3A_440, %select_n3A_420 : vector<64x128xi1>, vector<64x128xf32>
    %select_n3A_450 = arith.select %ne3A_448, %select_n3A_441, %select_n3A_421 : vector<64x128xi1>, vector<64x128xi32>
    %slice3A_451 = vector.extract_strided_slice %select_n3A_449 {offsets = [0, 127], sizes = [64, 1], strides = [1, 1]} : vector<64x128xf32> to vector<64x1xf32>
    %slice3A_452 = vector.extract_strided_slice %select_n3A_449 {offsets = [0, 0], sizes = [64, 127], strides = [1, 1]} : vector<64x128xf32> to vector<64x127xf32>
    %concatenate3A_453 = tpu.concatenate %slice3A_451, %slice3A_452 in 1 : vector<64x1xf32>, vector<64x127xf32> -> vector<64x128xf32>
    %slice3A_454 = vector.extract_strided_slice %select_n3A_449 {offsets = [0, 1], sizes = [64, 127], strides = [1, 1]} : vector<64x128xf32> to vector<64x127xf32>
    %slice3A_455 = vector.extract_strided_slice %select_n3A_449 {offsets = [0, 0], sizes = [64, 1], strides = [1, 1]} : vector<64x128xf32> to vector<64x1xf32>
    %concatenate3A_456 = tpu.concatenate %slice3A_454, %slice3A_455 in 1 : vector<64x127xf32>, vector<64x1xf32> -> vector<64x128xf32>
    %slice3A_457 = vector.extract_strided_slice %select_n3A_450 {offsets = [0, 127], sizes = [64, 1], strides = [1, 1]} : vector<64x128xi32> to vector<64x1xi32>
    %slice3A_458 = vector.extract_strided_slice %select_n3A_450 {offsets = [0, 0], sizes = [64, 127], strides = [1, 1]} : vector<64x128xi32> to vector<64x127xi32>
    %concatenate3A_459 = tpu.concatenate %slice3A_457, %slice3A_458 in 1 : vector<64x1xi32>, vector<64x127xi32> -> vector<64x128xi32>
    %slice3A_460 = vector.extract_strided_slice %select_n3A_450 {offsets = [0, 1], sizes = [64, 127], strides = [1, 1]} : vector<64x128xi32> to vector<64x127xi32>
    %slice3A_461 = vector.extract_strided_slice %select_n3A_450 {offsets = [0, 0], sizes = [64, 1], strides = [1, 1]} : vector<64x128xi32> to vector<64x1xi32>
    %concatenate3A_462 = tpu.concatenate %slice3A_460, %slice3A_461 in 1 : vector<64x127xi32>, vector<64x1xi32> -> vector<64x128xi32>
    %and3A_463 = arith.constant 1 : i32
    %and3A_464 = vector.broadcast %and3A_463 : i32 to vector<64x128xi32>
    %and3A_465 = arith.andi %add3A, %and3A_464 : vector<64x128xi32>
    %ne3A_466 = arith.constant 0 : i32
    %ne3A_467 = vector.broadcast %ne3A_466 : i32 to vector<64x128xi32>
    %ne3A_468 = arith.cmpi ne, %and3A_465, %ne3A_467 : vector<64x128xi32>
    %select_n3A_469 = arith.select %ne3A_468, %concatenate3A_453, %concatenate3A_456 : vector<64x128xi1>, vector<64x128xf32>
    %select_n3A_470 = arith.select %ne3A_468, %concatenate3A_459, %concatenate3A_462 : vector<64x128xi1>, vector<64x128xi32>
    %gt3A_471 = arith.cmpf ogt, %select_n3A_469, %select_n3A_449 : vector<64x128xf32>
    %eq3A_472 = arith.cmpf oeq, %select_n3A_469, %select_n3A_449 : vector<64x128xf32>
    %lt3A_473 = arith.cmpi slt, %select_n3A_470, %select_n3A_450 : vector<64x128xi32>
    %and3A_474 = arith.andi %eq3A_472, %lt3A_473 : vector<64x128xi1>
    %or3A_475 = arith.ori %gt3A_471, %and3A_474 : vector<64x128xi1>
    %ne3A_476 = arith.xori %or3A_475, %ne3A_468 : vector<64x128xi1>
    %ne3A_477 = arith.xori %ne3A_476, %ne3A_334 : vector<64x128xi1>
    %select_n3A_478 = arith.select %ne3A_477, %select_n3A_469, %select_n3A_449 : vector<64x128xi1>, vector<64x128xf32>
    %select_n3A_479 = arith.select %ne3A_477, %select_n3A_470, %select_n3A_450 : vector<64x128xi1>, vector<64x128xi32>
    %shift_right_arithmetic3A_480 = arith.constant 6 : i32
    %shift_right_arithmetic3A_481 = vector.broadcast %shift_right_arithmetic3A_480 : i32 to vector<64x128xi32>
    %shift_right_arithmetic3A_482 = arith.shrsi %add3A, %shift_right_arithmetic3A_481 : vector<64x128xi32>
    %and3A_483 = arith.constant 1 : i32
    %and3A_484 = vector.broadcast %and3A_483 : i32 to vector<64x128xi32>
    %and3A_485 = arith.andi %shift_right_arithmetic3A_482, %and3A_484 : vector<64x128xi32>
    %ne3A_486 = arith.constant 0 : i32
    %ne3A_487 = vector.broadcast %ne3A_486 : i32 to vector<64x128xi32>
    %ne3A_488 = arith.cmpi ne, %and3A_485, %ne3A_487 : vector<64x128xi32>
    %slice3A_489 = vector.extract_strided_slice %select_n3A_478 {offsets = [0, 96], sizes = [64, 32], strides = [1, 1]} : vector<64x128xf32> to vector<64x32xf32>
    %slice3A_490 = vector.extract_strided_slice %select_n3A_478 {offsets = [0, 0], sizes = [64, 96], strides = [1, 1]} : vector<64x128xf32> to vector<64x96xf32>
    %concatenate3A_491 = tpu.concatenate %slice3A_489, %slice3A_490 in 1 : vector<64x32xf32>, vector<64x96xf32> -> vector<64x128xf32>
    %slice3A_492 = vector.extract_strided_slice %select_n3A_478 {offsets = [0, 32], sizes = [64, 96], strides = [1, 1]} : vector<64x128xf32> to vector<64x96xf32>
    %slice3A_493 = vector.extract_strided_slice %select_n3A_478 {offsets = [0, 0], sizes = [64, 32], strides = [1, 1]} : vector<64x128xf32> to vector<64x32xf32>
    %concatenate3A_494 = tpu.concatenate %slice3A_492, %slice3A_493 in 1 : vector<64x96xf32>, vector<64x32xf32> -> vector<64x128xf32>
    %slice3A_495 = vector.extract_strided_slice %select_n3A_479 {offsets = [0, 96], sizes = [64, 32], strides = [1, 1]} : vector<64x128xi32> to vector<64x32xi32>
    %slice3A_496 = vector.extract_strided_slice %select_n3A_479 {offsets = [0, 0], sizes = [64, 96], strides = [1, 1]} : vector<64x128xi32> to vector<64x96xi32>
    %concatenate3A_497 = tpu.concatenate %slice3A_495, %slice3A_496 in 1 : vector<64x32xi32>, vector<64x96xi32> -> vector<64x128xi32>
    %slice3A_498 = vector.extract_strided_slice %select_n3A_479 {offsets = [0, 32], sizes = [64, 96], strides = [1, 1]} : vector<64x128xi32> to vector<64x96xi32>
    %slice3A_499 = vector.extract_strided_slice %select_n3A_479 {offsets = [0, 0], sizes = [64, 32], strides = [1, 1]} : vector<64x128xi32> to vector<64x32xi32>
    %concatenate3A_500 = tpu.concatenate %slice3A_498, %slice3A_499 in 1 : vector<64x96xi32>, vector<64x32xi32> -> vector<64x128xi32>
    %and3A_501 = arith.constant 32 : i32
    %and3A_502 = vector.broadcast %and3A_501 : i32 to vector<64x128xi32>
    %and3A_503 = arith.andi %add3A, %and3A_502 : vector<64x128xi32>
    %ne3A_504 = arith.constant 0 : i32
    %ne3A_505 = vector.broadcast %ne3A_504 : i32 to vector<64x128xi32>
    %ne3A_506 = arith.cmpi ne, %and3A_503, %ne3A_505 : vector<64x128xi32>
    %select_n3A_507 = arith.select %ne3A_506, %concatenate3A_491, %concatenate3A_494 : vector<64x128xi1>, vector<64x128xf32>
    %select_n3A_508 = arith.select %ne3A_506, %concatenate3A_497, %concatenate3A_500 : vector<64x128xi1>, vector<64x128xi32>
    %gt3A_509 = arith.cmpf ogt, %select_n3A_507, %select_n3A_478 : vector<64x128xf32>
    %eq3A_510 = arith.cmpf oeq, %select_n3A_507, %select_n3A_478 : vector<64x128xf32>
    %lt3A_511 = arith.cmpi slt, %select_n3A_508, %select_n3A_479 : vector<64x128xi32>
    %and3A_512 = arith.andi %eq3A_510, %lt3A_511 : vector<64x128xi1>
    %or3A_513 = arith.ori %gt3A_509, %and3A_512 : vector<64x128xi1>
    %ne3A_514 = arith.xori %or3A_513, %ne3A_506 : vector<64x128xi1>
    %ne3A_515 = arith.xori %ne3A_514, %ne3A_488 : vector<64x128xi1>
    %select_n3A_516 = arith.select %ne3A_515, %select_n3A_507, %select_n3A_478 : vector<64x128xi1>, vector<64x128xf32>
    %select_n3A_517 = arith.select %ne3A_515, %select_n3A_508, %select_n3A_479 : vector<64x128xi1>, vector<64x128xi32>
    %slice3A_518 = vector.extract_strided_slice %select_n3A_516 {offsets = [0, 112], sizes = [64, 16], strides = [1, 1]} : vector<64x128xf32> to vector<64x16xf32>
    %slice3A_519 = vector.extract_strided_slice %select_n3A_516 {offsets = [0, 0], sizes = [64, 112], strides = [1, 1]} : vector<64x128xf32> to vector<64x112xf32>
    %concatenate3A_520 = tpu.concatenate %slice3A_518, %slice3A_519 in 1 : vector<64x16xf32>, vector<64x112xf32> -> vector<64x128xf32>
    %slice3A_521 = vector.extract_strided_slice %select_n3A_516 {offsets = [0, 16], sizes = [64, 112], strides = [1, 1]} : vector<64x128xf32> to vector<64x112xf32>
    %slice3A_522 = vector.extract_strided_slice %select_n3A_516 {offsets = [0, 0], sizes = [64, 16], strides = [1, 1]} : vector<64x128xf32> to vector<64x16xf32>
    %concatenate3A_523 = tpu.concatenate %slice3A_521, %slice3A_522 in 1 : vector<64x112xf32>, vector<64x16xf32> -> vector<64x128xf32>
    %slice3A_524 = vector.extract_strided_slice %select_n3A_517 {offsets = [0, 112], sizes = [64, 16], strides = [1, 1]} : vector<64x128xi32> to vector<64x16xi32>
    %slice3A_525 = vector.extract_strided_slice %select_n3A_517 {offsets = [0, 0], sizes = [64, 112], strides = [1, 1]} : vector<64x128xi32> to vector<64x112xi32>
    %concatenate3A_526 = tpu.concatenate %slice3A_524, %slice3A_525 in 1 : vector<64x16xi32>, vector<64x112xi32> -> vector<64x128xi32>
    %slice3A_527 = vector.extract_strided_slice %select_n3A_517 {offsets = [0, 16], sizes = [64, 112], strides = [1, 1]} : vector<64x128xi32> to vector<64x112xi32>
    %slice3A_528 = vector.extract_strided_slice %select_n3A_517 {offsets = [0, 0], sizes = [64, 16], strides = [1, 1]} : vector<64x128xi32> to vector<64x16xi32>
    %concatenate3A_529 = tpu.concatenate %slice3A_527, %slice3A_528 in 1 : vector<64x112xi32>, vector<64x16xi32> -> vector<64x128xi32>
    %and3A_530 = arith.constant 16 : i32
    %and3A_531 = vector.broadcast %and3A_530 : i32 to vector<64x128xi32>
    %and3A_532 = arith.andi %add3A, %and3A_531 : vector<64x128xi32>
    %ne3A_533 = arith.constant 0 : i32
    %ne3A_534 = vector.broadcast %ne3A_533 : i32 to vector<64x128xi32>
    %ne3A_535 = arith.cmpi ne, %and3A_532, %ne3A_534 : vector<64x128xi32>
    %select_n3A_536 = arith.select %ne3A_535, %concatenate3A_520, %concatenate3A_523 : vector<64x128xi1>, vector<64x128xf32>
    %select_n3A_537 = arith.select %ne3A_535, %concatenate3A_526, %concatenate3A_529 : vector<64x128xi1>, vector<64x128xi32>
    %gt3A_538 = arith.cmpf ogt, %select_n3A_536, %select_n3A_516 : vector<64x128xf32>
    %eq3A_539 = arith.cmpf oeq, %select_n3A_536, %select_n3A_516 : vector<64x128xf32>
    %lt3A_540 = arith.cmpi slt, %select_n3A_537, %select_n3A_517 : vector<64x128xi32>
    %and3A_541 = arith.andi %eq3A_539, %lt3A_540 : vector<64x128xi1>
    %or3A_542 = arith.ori %gt3A_538, %and3A_541 : vector<64x128xi1>
    %ne3A_543 = arith.xori %or3A_542, %ne3A_535 : vector<64x128xi1>
    %ne3A_544 = arith.xori %ne3A_543, %ne3A_488 : vector<64x128xi1>
    %select_n3A_545 = arith.select %ne3A_544, %select_n3A_536, %select_n3A_516 : vector<64x128xi1>, vector<64x128xf32>
    %select_n3A_546 = arith.select %ne3A_544, %select_n3A_537, %select_n3A_517 : vector<64x128xi1>, vector<64x128xi32>
    %slice3A_547 = vector.extract_strided_slice %select_n3A_545 {offsets = [0, 120], sizes = [64, 8], strides = [1, 1]} : vector<64x128xf32> to vector<64x8xf32>
    %slice3A_548 = vector.extract_strided_slice %select_n3A_545 {offsets = [0, 0], sizes = [64, 120], strides = [1, 1]} : vector<64x128xf32> to vector<64x120xf32>
    %concatenate3A_549 = tpu.concatenate %slice3A_547, %slice3A_548 in 1 : vector<64x8xf32>, vector<64x120xf32> -> vector<64x128xf32>
    %slice3A_550 = vector.extract_strided_slice %select_n3A_545 {offsets = [0, 8], sizes = [64, 120], strides = [1, 1]} : vector<64x128xf32> to vector<64x120xf32>
    %slice3A_551 = vector.extract_strided_slice %select_n3A_545 {offsets = [0, 0], sizes = [64, 8], strides = [1, 1]} : vector<64x128xf32> to vector<64x8xf32>
    %concatenate3A_552 = tpu.concatenate %slice3A_550, %slice3A_551 in 1 : vector<64x120xf32>, vector<64x8xf32> -> vector<64x128xf32>
    %slice3A_553 = vector.extract_strided_slice %select_n3A_546 {offsets = [0, 120], sizes = [64, 8], strides = [1, 1]} : vector<64x128xi32> to vector<64x8xi32>
    %slice3A_554 = vector.extract_strided_slice %select_n3A_546 {offsets = [0, 0], sizes = [64, 120], strides = [1, 1]} : vector<64x128xi32> to vector<64x120xi32>
    %concatenate3A_555 = tpu.concatenate %slice3A_553, %slice3A_554 in 1 : vector<64x8xi32>, vector<64x120xi32> -> vector<64x128xi32>
    %slice3A_556 = vector.extract_strided_slice %select_n3A_546 {offsets = [0, 8], sizes = [64, 120], strides = [1, 1]} : vector<64x128xi32> to vector<64x120xi32>
    %slice3A_557 = vector.extract_strided_slice %select_n3A_546 {offsets = [0, 0], sizes = [64, 8], strides = [1, 1]} : vector<64x128xi32> to vector<64x8xi32>
    %concatenate3A_558 = tpu.concatenate %slice3A_556, %slice3A_557 in 1 : vector<64x120xi32>, vector<64x8xi32> -> vector<64x128xi32>
    %and3A_559 = arith.constant 8 : i32
    %and3A_560 = vector.broadcast %and3A_559 : i32 to vector<64x128xi32>
    %and3A_561 = arith.andi %add3A, %and3A_560 : vector<64x128xi32>
    %ne3A_562 = arith.constant 0 : i32
    %ne3A_563 = vector.broadcast %ne3A_562 : i32 to vector<64x128xi32>
    %ne3A_564 = arith.cmpi ne, %and3A_561, %ne3A_563 : vector<64x128xi32>
    %select_n3A_565 = arith.select %ne3A_564, %concatenate3A_549, %concatenate3A_552 : vector<64x128xi1>, vector<64x128xf32>
    %select_n3A_566 = arith.select %ne3A_564, %concatenate3A_555, %concatenate3A_558 : vector<64x128xi1>, vector<64x128xi32>
    %gt3A_567 = arith.cmpf ogt, %select_n3A_565, %select_n3A_545 : vector<64x128xf32>
    %eq3A_568 = arith.cmpf oeq, %select_n3A_565, %select_n3A_545 : vector<64x128xf32>
    %lt3A_569 = arith.cmpi slt, %select_n3A_566, %select_n3A_546 : vector<64x128xi32>
    %and3A_570 = arith.andi %eq3A_568, %lt3A_569 : vector<64x128xi1>
    %or3A_571 = arith.ori %gt3A_567, %and3A_570 : vector<64x128xi1>
    %ne3A_572 = arith.xori %or3A_571, %ne3A_564 : vector<64x128xi1>
    %ne3A_573 = arith.xori %ne3A_572, %ne3A_488 : vector<64x128xi1>
    %select_n3A_574 = arith.select %ne3A_573, %select_n3A_565, %select_n3A_545 : vector<64x128xi1>, vector<64x128xf32>
    %select_n3A_575 = arith.select %ne3A_573, %select_n3A_566, %select_n3A_546 : vector<64x128xi1>, vector<64x128xi32>
    %slice3A_576 = vector.extract_strided_slice %select_n3A_574 {offsets = [0, 124], sizes = [64, 4], strides = [1, 1]} : vector<64x128xf32> to vector<64x4xf32>
    %slice3A_577 = vector.extract_strided_slice %select_n3A_574 {offsets = [0, 0], sizes = [64, 124], strides = [1, 1]} : vector<64x128xf32> to vector<64x124xf32>
    %concatenate3A_578 = tpu.concatenate %slice3A_576, %slice3A_577 in 1 : vector<64x4xf32>, vector<64x124xf32> -> vector<64x128xf32>
    %slice3A_579 = vector.extract_strided_slice %select_n3A_574 {offsets = [0, 4], sizes = [64, 124], strides = [1, 1]} : vector<64x128xf32> to vector<64x124xf32>
    %slice3A_580 = vector.extract_strided_slice %select_n3A_574 {offsets = [0, 0], sizes = [64, 4], strides = [1, 1]} : vector<64x128xf32> to vector<64x4xf32>
    %concatenate3A_581 = tpu.concatenate %slice3A_579, %slice3A_580 in 1 : vector<64x124xf32>, vector<64x4xf32> -> vector<64x128xf32>
    %slice3A_582 = vector.extract_strided_slice %select_n3A_575 {offsets = [0, 124], sizes = [64, 4], strides = [1, 1]} : vector<64x128xi32> to vector<64x4xi32>
    %slice3A_583 = vector.extract_strided_slice %select_n3A_575 {offsets = [0, 0], sizes = [64, 124], strides = [1, 1]} : vector<64x128xi32> to vector<64x124xi32>
    %concatenate3A_584 = tpu.concatenate %slice3A_582, %slice3A_583 in 1 : vector<64x4xi32>, vector<64x124xi32> -> vector<64x128xi32>
    %slice3A_585 = vector.extract_strided_slice %select_n3A_575 {offsets = [0, 4], sizes = [64, 124], strides = [1, 1]} : vector<64x128xi32> to vector<64x124xi32>
    %slice3A_586 = vector.extract_strided_slice %select_n3A_575 {offsets = [0, 0], sizes = [64, 4], strides = [1, 1]} : vector<64x128xi32> to vector<64x4xi32>
    %concatenate3A_587 = tpu.concatenate %slice3A_585, %slice3A_586 in 1 : vector<64x124xi32>, vector<64x4xi32> -> vector<64x128xi32>
    %and3A_588 = arith.constant 4 : i32
    %and3A_589 = vector.broadcast %and3A_588 : i32 to vector<64x128xi32>
    %and3A_590 = arith.andi %add3A, %and3A_589 : vector<64x128xi32>
    %ne3A_591 = arith.constant 0 : i32
    %ne3A_592 = vector.broadcast %ne3A_591 : i32 to vector<64x128xi32>
    %ne3A_593 = arith.cmpi ne, %and3A_590, %ne3A_592 : vector<64x128xi32>
    %select_n3A_594 = arith.select %ne3A_593, %concatenate3A_578, %concatenate3A_581 : vector<64x128xi1>, vector<64x128xf32>
    %select_n3A_595 = arith.select %ne3A_593, %concatenate3A_584, %concatenate3A_587 : vector<64x128xi1>, vector<64x128xi32>
    %gt3A_596 = arith.cmpf ogt, %select_n3A_594, %select_n3A_574 : vector<64x128xf32>
    %eq3A_597 = arith.cmpf oeq, %select_n3A_594, %select_n3A_574 : vector<64x128xf32>
    %lt3A_598 = arith.cmpi slt, %select_n3A_595, %select_n3A_575 : vector<64x128xi32>
    %and3A_599 = arith.andi %eq3A_597, %lt3A_598 : vector<64x128xi1>
    %or3A_600 = arith.ori %gt3A_596, %and3A_599 : vector<64x128xi1>
    %ne3A_601 = arith.xori %or3A_600, %ne3A_593 : vector<64x128xi1>
    %ne3A_602 = arith.xori %ne3A_601, %ne3A_488 : vector<64x128xi1>
    %select_n3A_603 = arith.select %ne3A_602, %select_n3A_594, %select_n3A_574 : vector<64x128xi1>, vector<64x128xf32>
    %select_n3A_604 = arith.select %ne3A_602, %select_n3A_595, %select_n3A_575 : vector<64x128xi1>, vector<64x128xi32>
    %slice3A_605 = vector.extract_strided_slice %select_n3A_603 {offsets = [0, 126], sizes = [64, 2], strides = [1, 1]} : vector<64x128xf32> to vector<64x2xf32>
    %slice3A_606 = vector.extract_strided_slice %select_n3A_603 {offsets = [0, 0], sizes = [64, 126], strides = [1, 1]} : vector<64x128xf32> to vector<64x126xf32>
    %concatenate3A_607 = tpu.concatenate %slice3A_605, %slice3A_606 in 1 : vector<64x2xf32>, vector<64x126xf32> -> vector<64x128xf32>
    %slice3A_608 = vector.extract_strided_slice %select_n3A_603 {offsets = [0, 2], sizes = [64, 126], strides = [1, 1]} : vector<64x128xf32> to vector<64x126xf32>
    %slice3A_609 = vector.extract_strided_slice %select_n3A_603 {offsets = [0, 0], sizes = [64, 2], strides = [1, 1]} : vector<64x128xf32> to vector<64x2xf32>
    %concatenate3A_610 = tpu.concatenate %slice3A_608, %slice3A_609 in 1 : vector<64x126xf32>, vector<64x2xf32> -> vector<64x128xf32>
    %slice3A_611 = vector.extract_strided_slice %select_n3A_604 {offsets = [0, 126], sizes = [64, 2], strides = [1, 1]} : vector<64x128xi32> to vector<64x2xi32>
    %slice3A_612 = vector.extract_strided_slice %select_n3A_604 {offsets = [0, 0], sizes = [64, 126], strides = [1, 1]} : vector<64x128xi32> to vector<64x126xi32>
    %concatenate3A_613 = tpu.concatenate %slice3A_611, %slice3A_612 in 1 : vector<64x2xi32>, vector<64x126xi32> -> vector<64x128xi32>
    %slice3A_614 = vector.extract_strided_slice %select_n3A_604 {offsets = [0, 2], sizes = [64, 126], strides = [1, 1]} : vector<64x128xi32> to vector<64x126xi32>
    %slice3A_615 = vector.extract_strided_slice %select_n3A_604 {offsets = [0, 0], sizes = [64, 2], strides = [1, 1]} : vector<64x128xi32> to vector<64x2xi32>
    %concatenate3A_616 = tpu.concatenate %slice3A_614, %slice3A_615 in 1 : vector<64x126xi32>, vector<64x2xi32> -> vector<64x128xi32>
    %and3A_617 = arith.constant 2 : i32
    %and3A_618 = vector.broadcast %and3A_617 : i32 to vector<64x128xi32>
    %and3A_619 = arith.andi %add3A, %and3A_618 : vector<64x128xi32>
    %ne3A_620 = arith.constant 0 : i32
    %ne3A_621 = vector.broadcast %ne3A_620 : i32 to vector<64x128xi32>
    %ne3A_622 = arith.cmpi ne, %and3A_619, %ne3A_621 : vector<64x128xi32>
    %select_n3A_623 = arith.select %ne3A_622, %concatenate3A_607, %concatenate3A_610 : vector<64x128xi1>, vector<64x128xf32>
    %select_n3A_624 = arith.select %ne3A_622, %concatenate3A_613, %concatenate3A_616 : vector<64x128xi1>, vector<64x128xi32>
    %gt3A_625 = arith.cmpf ogt, %select_n3A_623, %select_n3A_603 : vector<64x128xf32>
    %eq3A_626 = arith.cmpf oeq, %select_n3A_623, %select_n3A_603 : vector<64x128xf32>
    %lt3A_627 = arith.cmpi slt, %select_n3A_624, %select_n3A_604 : vector<64x128xi32>
    %and3A_628 = arith.andi %eq3A_626, %lt3A_627 : vector<64x128xi1>
    %or3A_629 = arith.ori %gt3A_625, %and3A_628 : vector<64x128xi1>
    %ne3A_630 = arith.xori %or3A_629, %ne3A_622 : vector<64x128xi1>
    %ne3A_631 = arith.xori %ne3A_630, %ne3A_488 : vector<64x128xi1>
    %select_n3A_632 = arith.select %ne3A_631, %select_n3A_623, %select_n3A_603 : vector<64x128xi1>, vector<64x128xf32>
    %select_n3A_633 = arith.select %ne3A_631, %select_n3A_624, %select_n3A_604 : vector<64x128xi1>, vector<64x128xi32>
    %slice3A_634 = vector.extract_strided_slice %select_n3A_632 {offsets = [0, 127], sizes = [64, 1], strides = [1, 1]} : vector<64x128xf32> to vector<64x1xf32>
    %slice3A_635 = vector.extract_strided_slice %select_n3A_632 {offsets = [0, 0], sizes = [64, 127], strides = [1, 1]} : vector<64x128xf32> to vector<64x127xf32>
    %concatenate3A_636 = tpu.concatenate %slice3A_634, %slice3A_635 in 1 : vector<64x1xf32>, vector<64x127xf32> -> vector<64x128xf32>
    %slice3A_637 = vector.extract_strided_slice %select_n3A_632 {offsets = [0, 1], sizes = [64, 127], strides = [1, 1]} : vector<64x128xf32> to vector<64x127xf32>
    %slice3A_638 = vector.extract_strided_slice %select_n3A_632 {offsets = [0, 0], sizes = [64, 1], strides = [1, 1]} : vector<64x128xf32> to vector<64x1xf32>
    %concatenate3A_639 = tpu.concatenate %slice3A_637, %slice3A_638 in 1 : vector<64x127xf32>, vector<64x1xf32> -> vector<64x128xf32>
    %slice3A_640 = vector.extract_strided_slice %select_n3A_633 {offsets = [0, 127], sizes = [64, 1], strides = [1, 1]} : vector<64x128xi32> to vector<64x1xi32>
    %slice3A_641 = vector.extract_strided_slice %select_n3A_633 {offsets = [0, 0], sizes = [64, 127], strides = [1, 1]} : vector<64x128xi32> to vector<64x127xi32>
    %concatenate3A_642 = tpu.concatenate %slice3A_640, %slice3A_641 in 1 : vector<64x1xi32>, vector<64x127xi32> -> vector<64x128xi32>
    %slice3A_643 = vector.extract_strided_slice %select_n3A_633 {offsets = [0, 1], sizes = [64, 127], strides = [1, 1]} : vector<64x128xi32> to vector<64x127xi32>
    %slice3A_644 = vector.extract_strided_slice %select_n3A_633 {offsets = [0, 0], sizes = [64, 1], strides = [1, 1]} : vector<64x128xi32> to vector<64x1xi32>
    %concatenate3A_645 = tpu.concatenate %slice3A_643, %slice3A_644 in 1 : vector<64x127xi32>, vector<64x1xi32> -> vector<64x128xi32>
    %and3A_646 = arith.constant 1 : i32
    %and3A_647 = vector.broadcast %and3A_646 : i32 to vector<64x128xi32>
    %and3A_648 = arith.andi %add3A, %and3A_647 : vector<64x128xi32>
    %ne3A_649 = arith.constant 0 : i32
    %ne3A_650 = vector.broadcast %ne3A_649 : i32 to vector<64x128xi32>
    %ne3A_651 = arith.cmpi ne, %and3A_648, %ne3A_650 : vector<64x128xi32>
    %select_n3A_652 = arith.select %ne3A_651, %concatenate3A_636, %concatenate3A_639 : vector<64x128xi1>, vector<64x128xf32>
    %select_n3A_653 = arith.select %ne3A_651, %concatenate3A_642, %concatenate3A_645 : vector<64x128xi1>, vector<64x128xi32>
    %gt3A_654 = arith.cmpf ogt, %select_n3A_652, %select_n3A_632 : vector<64x128xf32>
    %eq3A_655 = arith.cmpf oeq, %select_n3A_652, %select_n3A_632 : vector<64x128xf32>
    %lt3A_656 = arith.cmpi slt, %select_n3A_653, %select_n3A_633 : vector<64x128xi32>
    %and3A_657 = arith.andi %eq3A_655, %lt3A_656 : vector<64x128xi1>
    %or3A_658 = arith.ori %gt3A_654, %and3A_657 : vector<64x128xi1>
    %ne3A_659 = arith.xori %or3A_658, %ne3A_651 : vector<64x128xi1>
    %ne3A_660 = arith.xori %ne3A_659, %ne3A_488 : vector<64x128xi1>
    %select_n3A_661 = arith.select %ne3A_660, %select_n3A_652, %select_n3A_632 : vector<64x128xi1>, vector<64x128xf32>
    %select_n3A_662 = arith.select %ne3A_660, %select_n3A_653, %select_n3A_633 : vector<64x128xi1>, vector<64x128xi32>
    %shift_right_arithmetic3A_663 = arith.constant 7 : i32
    %shift_right_arithmetic3A_664 = vector.broadcast %shift_right_arithmetic3A_663 : i32 to vector<64x128xi32>
    %shift_right_arithmetic3A_665 = arith.shrsi %add3A, %shift_right_arithmetic3A_664 : vector<64x128xi32>
    %and3A_666 = arith.constant 1 : i32
    %and3A_667 = vector.broadcast %and3A_666 : i32 to vector<64x128xi32>
    %and3A_668 = arith.andi %shift_right_arithmetic3A_665, %and3A_667 : vector<64x128xi32>
    %ne3A_669 = arith.constant 0 : i32
    %ne3A_670 = vector.broadcast %ne3A_669 : i32 to vector<64x128xi32>
    %ne3A_671 = arith.cmpi ne, %and3A_668, %ne3A_670 : vector<64x128xi32>
    %slice3A_672 = vector.extract_strided_slice %select_n3A_661 {offsets = [0, 64], sizes = [64, 64], strides = [1, 1]} : vector<64x128xf32> to vector<64x64xf32>
    %slice3A_673 = vector.extract_strided_slice %select_n3A_661 {offsets = [0, 0], sizes = [64, 64], strides = [1, 1]} : vector<64x128xf32> to vector<64x64xf32>
    %concatenate3A_674 = tpu.concatenate %slice3A_672, %slice3A_673 in 1 : vector<64x64xf32>, vector<64x64xf32> -> vector<64x128xf32>
    %slice3A_675 = vector.extract_strided_slice %select_n3A_661 {offsets = [0, 64], sizes = [64, 64], strides = [1, 1]} : vector<64x128xf32> to vector<64x64xf32>
    %slice3A_676 = vector.extract_strided_slice %select_n3A_661 {offsets = [0, 0], sizes = [64, 64], strides = [1, 1]} : vector<64x128xf32> to vector<64x64xf32>
    %concatenate3A_677 = tpu.concatenate %slice3A_675, %slice3A_676 in 1 : vector<64x64xf32>, vector<64x64xf32> -> vector<64x128xf32>
    %slice3A_678 = vector.extract_strided_slice %select_n3A_662 {offsets = [0, 64], sizes = [64, 64], strides = [1, 1]} : vector<64x128xi32> to vector<64x64xi32>
    %slice3A_679 = vector.extract_strided_slice %select_n3A_662 {offsets = [0, 0], sizes = [64, 64], strides = [1, 1]} : vector<64x128xi32> to vector<64x64xi32>
    %concatenate3A_680 = tpu.concatenate %slice3A_678, %slice3A_679 in 1 : vector<64x64xi32>, vector<64x64xi32> -> vector<64x128xi32>
    %slice3A_681 = vector.extract_strided_slice %select_n3A_662 {offsets = [0, 64], sizes = [64, 64], strides = [1, 1]} : vector<64x128xi32> to vector<64x64xi32>
    %slice3A_682 = vector.extract_strided_slice %select_n3A_662 {offsets = [0, 0], sizes = [64, 64], strides = [1, 1]} : vector<64x128xi32> to vector<64x64xi32>
    %concatenate3A_683 = tpu.concatenate %slice3A_681, %slice3A_682 in 1 : vector<64x64xi32>, vector<64x64xi32> -> vector<64x128xi32>
    %and3A_684 = arith.constant 64 : i32
    %and3A_685 = vector.broadcast %and3A_684 : i32 to vector<64x128xi32>
    %and3A_686 = arith.andi %add3A, %and3A_685 : vector<64x128xi32>
    %ne3A_687 = arith.constant 0 : i32
    %ne3A_688 = vector.broadcast %ne3A_687 : i32 to vector<64x128xi32>
    %ne3A_689 = arith.cmpi ne, %and3A_686, %ne3A_688 : vector<64x128xi32>
    %select_n3A_690 = arith.select %ne3A_689, %concatenate3A_674, %concatenate3A_677 : vector<64x128xi1>, vector<64x128xf32>
    %select_n3A_691 = arith.select %ne3A_689, %concatenate3A_680, %concatenate3A_683 : vector<64x128xi1>, vector<64x128xi32>
    %gt3A_692 = arith.cmpf ogt, %select_n3A_690, %select_n3A_661 : vector<64x128xf32>
    %eq3A_693 = arith.cmpf oeq, %select_n3A_690, %select_n3A_661 : vector<64x128xf32>
    %lt3A_694 = arith.cmpi slt, %select_n3A_691, %select_n3A_662 : vector<64x128xi32>
    %and3A_695 = arith.andi %eq3A_693, %lt3A_694 : vector<64x128xi1>
    %or3A_696 = arith.ori %gt3A_692, %and3A_695 : vector<64x128xi1>
    %ne3A_697 = arith.xori %or3A_696, %ne3A_689 : vector<64x128xi1>
    %ne3A_698 = arith.xori %ne3A_697, %ne3A_671 : vector<64x128xi1>
    %select_n3A_699 = arith.select %ne3A_698, %select_n3A_690, %select_n3A_661 : vector<64x128xi1>, vector<64x128xf32>
    %select_n3A_700 = arith.select %ne3A_698, %select_n3A_691, %select_n3A_662 : vector<64x128xi1>, vector<64x128xi32>
    %slice3A_701 = vector.extract_strided_slice %select_n3A_699 {offsets = [0, 96], sizes = [64, 32], strides = [1, 1]} : vector<64x128xf32> to vector<64x32xf32>
    %slice3A_702 = vector.extract_strided_slice %select_n3A_699 {offsets = [0, 0], sizes = [64, 96], strides = [1, 1]} : vector<64x128xf32> to vector<64x96xf32>
    %concatenate3A_703 = tpu.concatenate %slice3A_701, %slice3A_702 in 1 : vector<64x32xf32>, vector<64x96xf32> -> vector<64x128xf32>
    %slice3A_704 = vector.extract_strided_slice %select_n3A_699 {offsets = [0, 32], sizes = [64, 96], strides = [1, 1]} : vector<64x128xf32> to vector<64x96xf32>
    %slice3A_705 = vector.extract_strided_slice %select_n3A_699 {offsets = [0, 0], sizes = [64, 32], strides = [1, 1]} : vector<64x128xf32> to vector<64x32xf32>
    %concatenate3A_706 = tpu.concatenate %slice3A_704, %slice3A_705 in 1 : vector<64x96xf32>, vector<64x32xf32> -> vector<64x128xf32>
    %slice3A_707 = vector.extract_strided_slice %select_n3A_700 {offsets = [0, 96], sizes = [64, 32], strides = [1, 1]} : vector<64x128xi32> to vector<64x32xi32>
    %slice3A_708 = vector.extract_strided_slice %select_n3A_700 {offsets = [0, 0], sizes = [64, 96], strides = [1, 1]} : vector<64x128xi32> to vector<64x96xi32>
    %concatenate3A_709 = tpu.concatenate %slice3A_707, %slice3A_708 in 1 : vector<64x32xi32>, vector<64x96xi32> -> vector<64x128xi32>
    %slice3A_710 = vector.extract_strided_slice %select_n3A_700 {offsets = [0, 32], sizes = [64, 96], strides = [1, 1]} : vector<64x128xi32> to vector<64x96xi32>
    %slice3A_711 = vector.extract_strided_slice %select_n3A_700 {offsets = [0, 0], sizes = [64, 32], strides = [1, 1]} : vector<64x128xi32> to vector<64x32xi32>
    %concatenate3A_712 = tpu.concatenate %slice3A_710, %slice3A_711 in 1 : vector<64x96xi32>, vector<64x32xi32> -> vector<64x128xi32>
    %and3A_713 = arith.constant 32 : i32
    %and3A_714 = vector.broadcast %and3A_713 : i32 to vector<64x128xi32>
    %and3A_715 = arith.andi %add3A, %and3A_714 : vector<64x128xi32>
    %ne3A_716 = arith.constant 0 : i32
    %ne3A_717 = vector.broadcast %ne3A_716 : i32 to vector<64x128xi32>
    %ne3A_718 = arith.cmpi ne, %and3A_715, %ne3A_717 : vector<64x128xi32>
    %select_n3A_719 = arith.select %ne3A_718, %concatenate3A_703, %concatenate3A_706 : vector<64x128xi1>, vector<64x128xf32>
    %select_n3A_720 = arith.select %ne3A_718, %concatenate3A_709, %concatenate3A_712 : vector<64x128xi1>, vector<64x128xi32>
    %gt3A_721 = arith.cmpf ogt, %select_n3A_719, %select_n3A_699 : vector<64x128xf32>
    %eq3A_722 = arith.cmpf oeq, %select_n3A_719, %select_n3A_699 : vector<64x128xf32>
    %lt3A_723 = arith.cmpi slt, %select_n3A_720, %select_n3A_700 : vector<64x128xi32>
    %and3A_724 = arith.andi %eq3A_722, %lt3A_723 : vector<64x128xi1>
    %or3A_725 = arith.ori %gt3A_721, %and3A_724 : vector<64x128xi1>
    %ne3A_726 = arith.xori %or3A_725, %ne3A_718 : vector<64x128xi1>
    %ne3A_727 = arith.xori %ne3A_726, %ne3A_671 : vector<64x128xi1>
    %select_n3A_728 = arith.select %ne3A_727, %select_n3A_719, %select_n3A_699 : vector<64x128xi1>, vector<64x128xf32>
    %select_n3A_729 = arith.select %ne3A_727, %select_n3A_720, %select_n3A_700 : vector<64x128xi1>, vector<64x128xi32>
    %slice3A_730 = vector.extract_strided_slice %select_n3A_728 {offsets = [0, 112], sizes = [64, 16], strides = [1, 1]} : vector<64x128xf32> to vector<64x16xf32>
    %slice3A_731 = vector.extract_strided_slice %select_n3A_728 {offsets = [0, 0], sizes = [64, 112], strides = [1, 1]} : vector<64x128xf32> to vector<64x112xf32>
    %concatenate3A_732 = tpu.concatenate %slice3A_730, %slice3A_731 in 1 : vector<64x16xf32>, vector<64x112xf32> -> vector<64x128xf32>
    %slice3A_733 = vector.extract_strided_slice %select_n3A_728 {offsets = [0, 16], sizes = [64, 112], strides = [1, 1]} : vector<64x128xf32> to vector<64x112xf32>
    %slice3A_734 = vector.extract_strided_slice %select_n3A_728 {offsets = [0, 0], sizes = [64, 16], strides = [1, 1]} : vector<64x128xf32> to vector<64x16xf32>
    %concatenate3A_735 = tpu.concatenate %slice3A_733, %slice3A_734 in 1 : vector<64x112xf32>, vector<64x16xf32> -> vector<64x128xf32>
    %slice3A_736 = vector.extract_strided_slice %select_n3A_729 {offsets = [0, 112], sizes = [64, 16], strides = [1, 1]} : vector<64x128xi32> to vector<64x16xi32>
    %slice3A_737 = vector.extract_strided_slice %select_n3A_729 {offsets = [0, 0], sizes = [64, 112], strides = [1, 1]} : vector<64x128xi32> to vector<64x112xi32>
    %concatenate3A_738 = tpu.concatenate %slice3A_736, %slice3A_737 in 1 : vector<64x16xi32>, vector<64x112xi32> -> vector<64x128xi32>
    %slice3A_739 = vector.extract_strided_slice %select_n3A_729 {offsets = [0, 16], sizes = [64, 112], strides = [1, 1]} : vector<64x128xi32> to vector<64x112xi32>
    %slice3A_740 = vector.extract_strided_slice %select_n3A_729 {offsets = [0, 0], sizes = [64, 16], strides = [1, 1]} : vector<64x128xi32> to vector<64x16xi32>
    %concatenate3A_741 = tpu.concatenate %slice3A_739, %slice3A_740 in 1 : vector<64x112xi32>, vector<64x16xi32> -> vector<64x128xi32>
    %and3A_742 = arith.constant 16 : i32
    %and3A_743 = vector.broadcast %and3A_742 : i32 to vector<64x128xi32>
    %and3A_744 = arith.andi %add3A, %and3A_743 : vector<64x128xi32>
    %ne3A_745 = arith.constant 0 : i32
    %ne3A_746 = vector.broadcast %ne3A_745 : i32 to vector<64x128xi32>
    %ne3A_747 = arith.cmpi ne, %and3A_744, %ne3A_746 : vector<64x128xi32>
    %select_n3A_748 = arith.select %ne3A_747, %concatenate3A_732, %concatenate3A_735 : vector<64x128xi1>, vector<64x128xf32>
    %select_n3A_749 = arith.select %ne3A_747, %concatenate3A_738, %concatenate3A_741 : vector<64x128xi1>, vector<64x128xi32>
    %gt3A_750 = arith.cmpf ogt, %select_n3A_748, %select_n3A_728 : vector<64x128xf32>
    %eq3A_751 = arith.cmpf oeq, %select_n3A_748, %select_n3A_728 : vector<64x128xf32>
    %lt3A_752 = arith.cmpi slt, %select_n3A_749, %select_n3A_729 : vector<64x128xi32>
    %and3A_753 = arith.andi %eq3A_751, %lt3A_752 : vector<64x128xi1>
    %or3A_754 = arith.ori %gt3A_750, %and3A_753 : vector<64x128xi1>
    %ne3A_755 = arith.xori %or3A_754, %ne3A_747 : vector<64x128xi1>
    %ne3A_756 = arith.xori %ne3A_755, %ne3A_671 : vector<64x128xi1>
    %select_n3A_757 = arith.select %ne3A_756, %select_n3A_748, %select_n3A_728 : vector<64x128xi1>, vector<64x128xf32>
    %select_n3A_758 = arith.select %ne3A_756, %select_n3A_749, %select_n3A_729 : vector<64x128xi1>, vector<64x128xi32>
    %slice3A_759 = vector.extract_strided_slice %select_n3A_757 {offsets = [0, 120], sizes = [64, 8], strides = [1, 1]} : vector<64x128xf32> to vector<64x8xf32>
    %slice3A_760 = vector.extract_strided_slice %select_n3A_757 {offsets = [0, 0], sizes = [64, 120], strides = [1, 1]} : vector<64x128xf32> to vector<64x120xf32>
    %concatenate3A_761 = tpu.concatenate %slice3A_759, %slice3A_760 in 1 : vector<64x8xf32>, vector<64x120xf32> -> vector<64x128xf32>
    %slice3A_762 = vector.extract_strided_slice %select_n3A_757 {offsets = [0, 8], sizes = [64, 120], strides = [1, 1]} : vector<64x128xf32> to vector<64x120xf32>
    %slice3A_763 = vector.extract_strided_slice %select_n3A_757 {offsets = [0, 0], sizes = [64, 8], strides = [1, 1]} : vector<64x128xf32> to vector<64x8xf32>
    %concatenate3A_764 = tpu.concatenate %slice3A_762, %slice3A_763 in 1 : vector<64x120xf32>, vector<64x8xf32> -> vector<64x128xf32>
    %slice3A_765 = vector.extract_strided_slice %select_n3A_758 {offsets = [0, 120], sizes = [64, 8], strides = [1, 1]} : vector<64x128xi32> to vector<64x8xi32>
    %slice3A_766 = vector.extract_strided_slice %select_n3A_758 {offsets = [0, 0], sizes = [64, 120], strides = [1, 1]} : vector<64x128xi32> to vector<64x120xi32>
    %concatenate3A_767 = tpu.concatenate %slice3A_765, %slice3A_766 in 1 : vector<64x8xi32>, vector<64x120xi32> -> vector<64x128xi32>
    %slice3A_768 = vector.extract_strided_slice %select_n3A_758 {offsets = [0, 8], sizes = [64, 120], strides = [1, 1]} : vector<64x128xi32> to vector<64x120xi32>
    %slice3A_769 = vector.extract_strided_slice %select_n3A_758 {offsets = [0, 0], sizes = [64, 8], strides = [1, 1]} : vector<64x128xi32> to vector<64x8xi32>
    %concatenate3A_770 = tpu.concatenate %slice3A_768, %slice3A_769 in 1 : vector<64x120xi32>, vector<64x8xi32> -> vector<64x128xi32>
    %and3A_771 = arith.constant 8 : i32
    %and3A_772 = vector.broadcast %and3A_771 : i32 to vector<64x128xi32>
    %and3A_773 = arith.andi %add3A, %and3A_772 : vector<64x128xi32>
    %ne3A_774 = arith.constant 0 : i32
    %ne3A_775 = vector.broadcast %ne3A_774 : i32 to vector<64x128xi32>
    %ne3A_776 = arith.cmpi ne, %and3A_773, %ne3A_775 : vector<64x128xi32>
    %select_n3A_777 = arith.select %ne3A_776, %concatenate3A_761, %concatenate3A_764 : vector<64x128xi1>, vector<64x128xf32>
    %select_n3A_778 = arith.select %ne3A_776, %concatenate3A_767, %concatenate3A_770 : vector<64x128xi1>, vector<64x128xi32>
    %gt3A_779 = arith.cmpf ogt, %select_n3A_777, %select_n3A_757 : vector<64x128xf32>
    %eq3A_780 = arith.cmpf oeq, %select_n3A_777, %select_n3A_757 : vector<64x128xf32>
    %lt3A_781 = arith.cmpi slt, %select_n3A_778, %select_n3A_758 : vector<64x128xi32>
    %and3A_782 = arith.andi %eq3A_780, %lt3A_781 : vector<64x128xi1>
    %or3A_783 = arith.ori %gt3A_779, %and3A_782 : vector<64x128xi1>
    %ne3A_784 = arith.xori %or3A_783, %ne3A_776 : vector<64x128xi1>
    %ne3A_785 = arith.xori %ne3A_784, %ne3A_671 : vector<64x128xi1>
    %select_n3A_786 = arith.select %ne3A_785, %select_n3A_777, %select_n3A_757 : vector<64x128xi1>, vector<64x128xf32>
    %select_n3A_787 = arith.select %ne3A_785, %select_n3A_778, %select_n3A_758 : vector<64x128xi1>, vector<64x128xi32>
    %slice3A_788 = vector.extract_strided_slice %select_n3A_786 {offsets = [0, 124], sizes = [64, 4], strides = [1, 1]} : vector<64x128xf32> to vector<64x4xf32>
    %slice3A_789 = vector.extract_strided_slice %select_n3A_786 {offsets = [0, 0], sizes = [64, 124], strides = [1, 1]} : vector<64x128xf32> to vector<64x124xf32>
    %concatenate3A_790 = tpu.concatenate %slice3A_788, %slice3A_789 in 1 : vector<64x4xf32>, vector<64x124xf32> -> vector<64x128xf32>
    %slice3A_791 = vector.extract_strided_slice %select_n3A_786 {offsets = [0, 4], sizes = [64, 124], strides = [1, 1]} : vector<64x128xf32> to vector<64x124xf32>
    %slice3A_792 = vector.extract_strided_slice %select_n3A_786 {offsets = [0, 0], sizes = [64, 4], strides = [1, 1]} : vector<64x128xf32> to vector<64x4xf32>
    %concatenate3A_793 = tpu.concatenate %slice3A_791, %slice3A_792 in 1 : vector<64x124xf32>, vector<64x4xf32> -> vector<64x128xf32>
    %slice3A_794 = vector.extract_strided_slice %select_n3A_787 {offsets = [0, 124], sizes = [64, 4], strides = [1, 1]} : vector<64x128xi32> to vector<64x4xi32>
    %slice3A_795 = vector.extract_strided_slice %select_n3A_787 {offsets = [0, 0], sizes = [64, 124], strides = [1, 1]} : vector<64x128xi32> to vector<64x124xi32>
    %concatenate3A_796 = tpu.concatenate %slice3A_794, %slice3A_795 in 1 : vector<64x4xi32>, vector<64x124xi32> -> vector<64x128xi32>
    %slice3A_797 = vector.extract_strided_slice %select_n3A_787 {offsets = [0, 4], sizes = [64, 124], strides = [1, 1]} : vector<64x128xi32> to vector<64x124xi32>
    %slice3A_798 = vector.extract_strided_slice %select_n3A_787 {offsets = [0, 0], sizes = [64, 4], strides = [1, 1]} : vector<64x128xi32> to vector<64x4xi32>
    %concatenate3A_799 = tpu.concatenate %slice3A_797, %slice3A_798 in 1 : vector<64x124xi32>, vector<64x4xi32> -> vector<64x128xi32>
    %and3A_800 = arith.constant 4 : i32
    %and3A_801 = vector.broadcast %and3A_800 : i32 to vector<64x128xi32>
    %and3A_802 = arith.andi %add3A, %and3A_801 : vector<64x128xi32>
    %ne3A_803 = arith.constant 0 : i32
    %ne3A_804 = vector.broadcast %ne3A_803 : i32 to vector<64x128xi32>
    %ne3A_805 = arith.cmpi ne, %and3A_802, %ne3A_804 : vector<64x128xi32>
    %select_n3A_806 = arith.select %ne3A_805, %concatenate3A_790, %concatenate3A_793 : vector<64x128xi1>, vector<64x128xf32>
    %select_n3A_807 = arith.select %ne3A_805, %concatenate3A_796, %concatenate3A_799 : vector<64x128xi1>, vector<64x128xi32>
    %gt3A_808 = arith.cmpf ogt, %select_n3A_806, %select_n3A_786 : vector<64x128xf32>
    %eq3A_809 = arith.cmpf oeq, %select_n3A_806, %select_n3A_786 : vector<64x128xf32>
    %lt3A_810 = arith.cmpi slt, %select_n3A_807, %select_n3A_787 : vector<64x128xi32>
    %and3A_811 = arith.andi %eq3A_809, %lt3A_810 : vector<64x128xi1>
    %or3A_812 = arith.ori %gt3A_808, %and3A_811 : vector<64x128xi1>
    %ne3A_813 = arith.xori %or3A_812, %ne3A_805 : vector<64x128xi1>
    %ne3A_814 = arith.xori %ne3A_813, %ne3A_671 : vector<64x128xi1>
    %select_n3A_815 = arith.select %ne3A_814, %select_n3A_806, %select_n3A_786 : vector<64x128xi1>, vector<64x128xf32>
    %select_n3A_816 = arith.select %ne3A_814, %select_n3A_807, %select_n3A_787 : vector<64x128xi1>, vector<64x128xi32>
    %slice3A_817 = vector.extract_strided_slice %select_n3A_815 {offsets = [0, 126], sizes = [64, 2], strides = [1, 1]} : vector<64x128xf32> to vector<64x2xf32>
    %slice3A_818 = vector.extract_strided_slice %select_n3A_815 {offsets = [0, 0], sizes = [64, 126], strides = [1, 1]} : vector<64x128xf32> to vector<64x126xf32>
    %concatenate3A_819 = tpu.concatenate %slice3A_817, %slice3A_818 in 1 : vector<64x2xf32>, vector<64x126xf32> -> vector<64x128xf32>
    %slice3A_820 = vector.extract_strided_slice %select_n3A_815 {offsets = [0, 2], sizes = [64, 126], strides = [1, 1]} : vector<64x128xf32> to vector<64x126xf32>
    %slice3A_821 = vector.extract_strided_slice %select_n3A_815 {offsets = [0, 0], sizes = [64, 2], strides = [1, 1]} : vector<64x128xf32> to vector<64x2xf32>
    %concatenate3A_822 = tpu.concatenate %slice3A_820, %slice3A_821 in 1 : vector<64x126xf32>, vector<64x2xf32> -> vector<64x128xf32>
    %slice3A_823 = vector.extract_strided_slice %select_n3A_816 {offsets = [0, 126], sizes = [64, 2], strides = [1, 1]} : vector<64x128xi32> to vector<64x2xi32>
    %slice3A_824 = vector.extract_strided_slice %select_n3A_816 {offsets = [0, 0], sizes = [64, 126], strides = [1, 1]} : vector<64x128xi32> to vector<64x126xi32>
    %concatenate3A_825 = tpu.concatenate %slice3A_823, %slice3A_824 in 1 : vector<64x2xi32>, vector<64x126xi32> -> vector<64x128xi32>
    %slice3A_826 = vector.extract_strided_slice %select_n3A_816 {offsets = [0, 2], sizes = [64, 126], strides = [1, 1]} : vector<64x128xi32> to vector<64x126xi32>
    %slice3A_827 = vector.extract_strided_slice %select_n3A_816 {offsets = [0, 0], sizes = [64, 2], strides = [1, 1]} : vector<64x128xi32> to vector<64x2xi32>
    %concatenate3A_828 = tpu.concatenate %slice3A_826, %slice3A_827 in 1 : vector<64x126xi32>, vector<64x2xi32> -> vector<64x128xi32>
    %and3A_829 = arith.constant 2 : i32
    %and3A_830 = vector.broadcast %and3A_829 : i32 to vector<64x128xi32>
    %and3A_831 = arith.andi %add3A, %and3A_830 : vector<64x128xi32>
    %ne3A_832 = arith.constant 0 : i32
    %ne3A_833 = vector.broadcast %ne3A_832 : i32 to vector<64x128xi32>
    %ne3A_834 = arith.cmpi ne, %and3A_831, %ne3A_833 : vector<64x128xi32>
    %select_n3A_835 = arith.select %ne3A_834, %concatenate3A_819, %concatenate3A_822 : vector<64x128xi1>, vector<64x128xf32>
    %select_n3A_836 = arith.select %ne3A_834, %concatenate3A_825, %concatenate3A_828 : vector<64x128xi1>, vector<64x128xi32>
    %gt3A_837 = arith.cmpf ogt, %select_n3A_835, %select_n3A_815 : vector<64x128xf32>
    %eq3A_838 = arith.cmpf oeq, %select_n3A_835, %select_n3A_815 : vector<64x128xf32>
    %lt3A_839 = arith.cmpi slt, %select_n3A_836, %select_n3A_816 : vector<64x128xi32>
    %and3A_840 = arith.andi %eq3A_838, %lt3A_839 : vector<64x128xi1>
    %or3A_841 = arith.ori %gt3A_837, %and3A_840 : vector<64x128xi1>
    %ne3A_842 = arith.xori %or3A_841, %ne3A_834 : vector<64x128xi1>
    %ne3A_843 = arith.xori %ne3A_842, %ne3A_671 : vector<64x128xi1>
    %select_n3A_844 = arith.select %ne3A_843, %select_n3A_835, %select_n3A_815 : vector<64x128xi1>, vector<64x128xf32>
    %select_n3A_845 = arith.select %ne3A_843, %select_n3A_836, %select_n3A_816 : vector<64x128xi1>, vector<64x128xi32>
    %slice3A_846 = vector.extract_strided_slice %select_n3A_844 {offsets = [0, 127], sizes = [64, 1], strides = [1, 1]} : vector<64x128xf32> to vector<64x1xf32>
    %slice3A_847 = vector.extract_strided_slice %select_n3A_844 {offsets = [0, 0], sizes = [64, 127], strides = [1, 1]} : vector<64x128xf32> to vector<64x127xf32>
    %concatenate3A_848 = tpu.concatenate %slice3A_846, %slice3A_847 in 1 : vector<64x1xf32>, vector<64x127xf32> -> vector<64x128xf32>
    %slice3A_849 = vector.extract_strided_slice %select_n3A_844 {offsets = [0, 1], sizes = [64, 127], strides = [1, 1]} : vector<64x128xf32> to vector<64x127xf32>
    %slice3A_850 = vector.extract_strided_slice %select_n3A_844 {offsets = [0, 0], sizes = [64, 1], strides = [1, 1]} : vector<64x128xf32> to vector<64x1xf32>
    %concatenate3A_851 = tpu.concatenate %slice3A_849, %slice3A_850 in 1 : vector<64x127xf32>, vector<64x1xf32> -> vector<64x128xf32>
    %slice3A_852 = vector.extract_strided_slice %select_n3A_845 {offsets = [0, 127], sizes = [64, 1], strides = [1, 1]} : vector<64x128xi32> to vector<64x1xi32>
    %slice3A_853 = vector.extract_strided_slice %select_n3A_845 {offsets = [0, 0], sizes = [64, 127], strides = [1, 1]} : vector<64x128xi32> to vector<64x127xi32>
    %concatenate3A_854 = tpu.concatenate %slice3A_852, %slice3A_853 in 1 : vector<64x1xi32>, vector<64x127xi32> -> vector<64x128xi32>
    %slice3A_855 = vector.extract_strided_slice %select_n3A_845 {offsets = [0, 1], sizes = [64, 127], strides = [1, 1]} : vector<64x128xi32> to vector<64x127xi32>
    %slice3A_856 = vector.extract_strided_slice %select_n3A_845 {offsets = [0, 0], sizes = [64, 1], strides = [1, 1]} : vector<64x128xi32> to vector<64x1xi32>
    %concatenate3A_857 = tpu.concatenate %slice3A_855, %slice3A_856 in 1 : vector<64x127xi32>, vector<64x1xi32> -> vector<64x128xi32>
    %and3A_858 = arith.constant 1 : i32
    %and3A_859 = vector.broadcast %and3A_858 : i32 to vector<64x128xi32>
    %and3A_860 = arith.andi %add3A, %and3A_859 : vector<64x128xi32>
    %ne3A_861 = arith.constant 0 : i32
    %ne3A_862 = vector.broadcast %ne3A_861 : i32 to vector<64x128xi32>
    %ne3A_863 = arith.cmpi ne, %and3A_860, %ne3A_862 : vector<64x128xi32>
    %select_n3A_864 = arith.select %ne3A_863, %concatenate3A_848, %concatenate3A_851 : vector<64x128xi1>, vector<64x128xf32>
    %select_n3A_865 = arith.select %ne3A_863, %concatenate3A_854, %concatenate3A_857 : vector<64x128xi1>, vector<64x128xi32>
    %gt3A_866 = arith.cmpf ogt, %select_n3A_864, %select_n3A_844 : vector<64x128xf32>
    %eq3A_867 = arith.cmpf oeq, %select_n3A_864, %select_n3A_844 : vector<64x128xf32>
    %lt3A_868 = arith.cmpi slt, %select_n3A_865, %select_n3A_845 : vector<64x128xi32>
    %and3A_869 = arith.andi %eq3A_867, %lt3A_868 : vector<64x128xi1>
    %or3A_870 = arith.ori %gt3A_866, %and3A_869 : vector<64x128xi1>
    %ne3A_871 = arith.xori %or3A_870, %ne3A_863 : vector<64x128xi1>
    %ne3A_872 = arith.xori %ne3A_871, %ne3A_671 : vector<64x128xi1>
    %select_n3A_873 = arith.select %ne3A_872, %select_n3A_864, %select_n3A_844 : vector<64x128xi1>, vector<64x128xf32>
    %select_n3A_874 = arith.select %ne3A_872, %select_n3A_865, %select_n3A_845 : vector<64x128xi1>, vector<64x128xi32>
    %shift_right_arithmetic3A_875 = arith.constant 8 : i32
    %shift_right_arithmetic3A_876 = vector.broadcast %shift_right_arithmetic3A_875 : i32 to vector<64x128xi32>
    %shift_right_arithmetic3A_877 = arith.shrsi %add3A, %shift_right_arithmetic3A_876 : vector<64x128xi32>
    %and3A_878 = arith.constant 1 : i32
    %and3A_879 = vector.broadcast %and3A_878 : i32 to vector<64x128xi32>
    %and3A_880 = arith.andi %shift_right_arithmetic3A_877, %and3A_879 : vector<64x128xi32>
    %ne3A_881 = arith.constant 0 : i32
    %ne3A_882 = vector.broadcast %ne3A_881 : i32 to vector<64x128xi32>
    %ne3A_883 = arith.cmpi ne, %and3A_880, %ne3A_882 : vector<64x128xi32>
    %slice3A_884 = vector.extract_strided_slice %select_n3A_873 {offsets = [63, 0], sizes = [1, 128], strides = [1, 1]} : vector<64x128xf32> to vector<1x128xf32>
    %slice3A_885 = vector.extract_strided_slice %select_n3A_873 {offsets = [0, 0], sizes = [63, 128], strides = [1, 1]} : vector<64x128xf32> to vector<63x128xf32>
    %concatenate3A_886 = tpu.concatenate %slice3A_884, %slice3A_885 in 0 : vector<1x128xf32>, vector<63x128xf32> -> vector<64x128xf32>
    %slice3A_887 = vector.extract_strided_slice %select_n3A_873 {offsets = [1, 0], sizes = [63, 128], strides = [1, 1]} : vector<64x128xf32> to vector<63x128xf32>
    %slice3A_888 = vector.extract_strided_slice %select_n3A_873 {offsets = [0, 0], sizes = [1, 128], strides = [1, 1]} : vector<64x128xf32> to vector<1x128xf32>
    %concatenate3A_889 = tpu.concatenate %slice3A_887, %slice3A_888 in 0 : vector<63x128xf32>, vector<1x128xf32> -> vector<64x128xf32>
    %slice3A_890 = vector.extract_strided_slice %select_n3A_874 {offsets = [63, 0], sizes = [1, 128], strides = [1, 1]} : vector<64x128xi32> to vector<1x128xi32>
    %slice3A_891 = vector.extract_strided_slice %select_n3A_874 {offsets = [0, 0], sizes = [63, 128], strides = [1, 1]} : vector<64x128xi32> to vector<63x128xi32>
    %concatenate3A_892 = tpu.concatenate %slice3A_890, %slice3A_891 in 0 : vector<1x128xi32>, vector<63x128xi32> -> vector<64x128xi32>
    %slice3A_893 = vector.extract_strided_slice %select_n3A_874 {offsets = [1, 0], sizes = [63, 128], strides = [1, 1]} : vector<64x128xi32> to vector<63x128xi32>
    %slice3A_894 = vector.extract_strided_slice %select_n3A_874 {offsets = [0, 0], sizes = [1, 128], strides = [1, 1]} : vector<64x128xi32> to vector<1x128xi32>
    %concatenate3A_895 = tpu.concatenate %slice3A_893, %slice3A_894 in 0 : vector<63x128xi32>, vector<1x128xi32> -> vector<64x128xi32>
    %and3A_896 = arith.constant 128 : i32
    %and3A_897 = vector.broadcast %and3A_896 : i32 to vector<64x128xi32>
    %and3A_898 = arith.andi %add3A, %and3A_897 : vector<64x128xi32>
    %ne3A_899 = arith.constant 0 : i32
    %ne3A_900 = vector.broadcast %ne3A_899 : i32 to vector<64x128xi32>
    %ne3A_901 = arith.cmpi ne, %and3A_898, %ne3A_900 : vector<64x128xi32>
    %select_n3A_902 = arith.select %ne3A_901, %concatenate3A_886, %concatenate3A_889 : vector<64x128xi1>, vector<64x128xf32>
    %select_n3A_903 = arith.select %ne3A_901, %concatenate3A_892, %concatenate3A_895 : vector<64x128xi1>, vector<64x128xi32>
    %gt3A_904 = arith.cmpf ogt, %select_n3A_902, %select_n3A_873 : vector<64x128xf32>
    %eq3A_905 = arith.cmpf oeq, %select_n3A_902, %select_n3A_873 : vector<64x128xf32>
    %lt3A_906 = arith.cmpi slt, %select_n3A_903, %select_n3A_874 : vector<64x128xi32>
    %and3A_907 = arith.andi %eq3A_905, %lt3A_906 : vector<64x128xi1>
    %or3A_908 = arith.ori %gt3A_904, %and3A_907 : vector<64x128xi1>
    %ne3A_909 = arith.xori %or3A_908, %ne3A_901 : vector<64x128xi1>
    %ne3A_910 = arith.xori %ne3A_909, %ne3A_883 : vector<64x128xi1>
    %select_n3A_911 = arith.select %ne3A_910, %select_n3A_902, %select_n3A_873 : vector<64x128xi1>, vector<64x128xf32>
    %select_n3A_912 = arith.select %ne3A_910, %select_n3A_903, %select_n3A_874 : vector<64x128xi1>, vector<64x128xi32>
    %slice3A_913 = vector.extract_strided_slice %select_n3A_911 {offsets = [0, 64], sizes = [64, 64], strides = [1, 1]} : vector<64x128xf32> to vector<64x64xf32>
    %slice3A_914 = vector.extract_strided_slice %select_n3A_911 {offsets = [0, 0], sizes = [64, 64], strides = [1, 1]} : vector<64x128xf32> to vector<64x64xf32>
    %concatenate3A_915 = tpu.concatenate %slice3A_913, %slice3A_914 in 1 : vector<64x64xf32>, vector<64x64xf32> -> vector<64x128xf32>
    %slice3A_916 = vector.extract_strided_slice %select_n3A_911 {offsets = [0, 64], sizes = [64, 64], strides = [1, 1]} : vector<64x128xf32> to vector<64x64xf32>
    %slice3A_917 = vector.extract_strided_slice %select_n3A_911 {offsets = [0, 0], sizes = [64, 64], strides = [1, 1]} : vector<64x128xf32> to vector<64x64xf32>
    %concatenate3A_918 = tpu.concatenate %slice3A_916, %slice3A_917 in 1 : vector<64x64xf32>, vector<64x64xf32> -> vector<64x128xf32>
    %slice3A_919 = vector.extract_strided_slice %select_n3A_912 {offsets = [0, 64], sizes = [64, 64], strides = [1, 1]} : vector<64x128xi32> to vector<64x64xi32>
    %slice3A_920 = vector.extract_strided_slice %select_n3A_912 {offsets = [0, 0], sizes = [64, 64], strides = [1, 1]} : vector<64x128xi32> to vector<64x64xi32>
    %concatenate3A_921 = tpu.concatenate %slice3A_919, %slice3A_920 in 1 : vector<64x64xi32>, vector<64x64xi32> -> vector<64x128xi32>
    %slice3A_922 = vector.extract_strided_slice %select_n3A_912 {offsets = [0, 64], sizes = [64, 64], strides = [1, 1]} : vector<64x128xi32> to vector<64x64xi32>
    %slice3A_923 = vector.extract_strided_slice %select_n3A_912 {offsets = [0, 0], sizes = [64, 64], strides = [1, 1]} : vector<64x128xi32> to vector<64x64xi32>
    %concatenate3A_924 = tpu.concatenate %slice3A_922, %slice3A_923 in 1 : vector<64x64xi32>, vector<64x64xi32> -> vector<64x128xi32>
    %and3A_925 = arith.constant 64 : i32
    %and3A_926 = vector.broadcast %and3A_925 : i32 to vector<64x128xi32>
    %and3A_927 = arith.andi %add3A, %and3A_926 : vector<64x128xi32>
    %ne3A_928 = arith.constant 0 : i32
    %ne3A_929 = vector.broadcast %ne3A_928 : i32 to vector<64x128xi32>
    %ne3A_930 = arith.cmpi ne, %and3A_927, %ne3A_929 : vector<64x128xi32>
    %select_n3A_931 = arith.select %ne3A_930, %concatenate3A_915, %concatenate3A_918 : vector<64x128xi1>, vector<64x128xf32>
    %select_n3A_932 = arith.select %ne3A_930, %concatenate3A_921, %concatenate3A_924 : vector<64x128xi1>, vector<64x128xi32>
    %gt3A_933 = arith.cmpf ogt, %select_n3A_931, %select_n3A_911 : vector<64x128xf32>
    %eq3A_934 = arith.cmpf oeq, %select_n3A_931, %select_n3A_911 : vector<64x128xf32>
    %lt3A_935 = arith.cmpi slt, %select_n3A_932, %select_n3A_912 : vector<64x128xi32>
    %and3A_936 = arith.andi %eq3A_934, %lt3A_935 : vector<64x128xi1>
    %or3A_937 = arith.ori %gt3A_933, %and3A_936 : vector<64x128xi1>
    %ne3A_938 = arith.xori %or3A_937, %ne3A_930 : vector<64x128xi1>
    %ne3A_939 = arith.xori %ne3A_938, %ne3A_883 : vector<64x128xi1>
    %select_n3A_940 = arith.select %ne3A_939, %select_n3A_931, %select_n3A_911 : vector<64x128xi1>, vector<64x128xf32>
    %select_n3A_941 = arith.select %ne3A_939, %select_n3A_932, %select_n3A_912 : vector<64x128xi1>, vector<64x128xi32>
    %slice3A_942 = vector.extract_strided_slice %select_n3A_940 {offsets = [0, 96], sizes = [64, 32], strides = [1, 1]} : vector<64x128xf32> to vector<64x32xf32>
    %slice3A_943 = vector.extract_strided_slice %select_n3A_940 {offsets = [0, 0], sizes = [64, 96], strides = [1, 1]} : vector<64x128xf32> to vector<64x96xf32>
    %concatenate3A_944 = tpu.concatenate %slice3A_942, %slice3A_943 in 1 : vector<64x32xf32>, vector<64x96xf32> -> vector<64x128xf32>
    %slice3A_945 = vector.extract_strided_slice %select_n3A_940 {offsets = [0, 32], sizes = [64, 96], strides = [1, 1]} : vector<64x128xf32> to vector<64x96xf32>
    %slice3A_946 = vector.extract_strided_slice %select_n3A_940 {offsets = [0, 0], sizes = [64, 32], strides = [1, 1]} : vector<64x128xf32> to vector<64x32xf32>
    %concatenate3A_947 = tpu.concatenate %slice3A_945, %slice3A_946 in 1 : vector<64x96xf32>, vector<64x32xf32> -> vector<64x128xf32>
    %slice3A_948 = vector.extract_strided_slice %select_n3A_941 {offsets = [0, 96], sizes = [64, 32], strides = [1, 1]} : vector<64x128xi32> to vector<64x32xi32>
    %slice3A_949 = vector.extract_strided_slice %select_n3A_941 {offsets = [0, 0], sizes = [64, 96], strides = [1, 1]} : vector<64x128xi32> to vector<64x96xi32>
    %concatenate3A_950 = tpu.concatenate %slice3A_948, %slice3A_949 in 1 : vector<64x32xi32>, vector<64x96xi32> -> vector<64x128xi32>
    %slice3A_951 = vector.extract_strided_slice %select_n3A_941 {offsets = [0, 32], sizes = [64, 96], strides = [1, 1]} : vector<64x128xi32> to vector<64x96xi32>
    %slice3A_952 = vector.extract_strided_slice %select_n3A_941 {offsets = [0, 0], sizes = [64, 32], strides = [1, 1]} : vector<64x128xi32> to vector<64x32xi32>
    %concatenate3A_953 = tpu.concatenate %slice3A_951, %slice3A_952 in 1 : vector<64x96xi32>, vector<64x32xi32> -> vector<64x128xi32>
    %and3A_954 = arith.constant 32 : i32
    %and3A_955 = vector.broadcast %and3A_954 : i32 to vector<64x128xi32>
    %and3A_956 = arith.andi %add3A, %and3A_955 : vector<64x128xi32>
    %ne3A_957 = arith.constant 0 : i32
    %ne3A_958 = vector.broadcast %ne3A_957 : i32 to vector<64x128xi32>
    %ne3A_959 = arith.cmpi ne, %and3A_956, %ne3A_958 : vector<64x128xi32>
    %select_n3A_960 = arith.select %ne3A_959, %concatenate3A_944, %concatenate3A_947 : vector<64x128xi1>, vector<64x128xf32>
    %select_n3A_961 = arith.select %ne3A_959, %concatenate3A_950, %concatenate3A_953 : vector<64x128xi1>, vector<64x128xi32>
    %gt3A_962 = arith.cmpf ogt, %select_n3A_960, %select_n3A_940 : vector<64x128xf32>
    %eq3A_963 = arith.cmpf oeq, %select_n3A_960, %select_n3A_940 : vector<64x128xf32>
    %lt3A_964 = arith.cmpi slt, %select_n3A_961, %select_n3A_941 : vector<64x128xi32>
    %and3A_965 = arith.andi %eq3A_963, %lt3A_964 : vector<64x128xi1>
    %or3A_966 = arith.ori %gt3A_962, %and3A_965 : vector<64x128xi1>
    %ne3A_967 = arith.xori %or3A_966, %ne3A_959 : vector<64x128xi1>
    %ne3A_968 = arith.xori %ne3A_967, %ne3A_883 : vector<64x128xi1>
    %select_n3A_969 = arith.select %ne3A_968, %select_n3A_960, %select_n3A_940 : vector<64x128xi1>, vector<64x128xf32>
    %select_n3A_970 = arith.select %ne3A_968, %select_n3A_961, %select_n3A_941 : vector<64x128xi1>, vector<64x128xi32>
    %slice3A_971 = vector.extract_strided_slice %select_n3A_969 {offsets = [0, 112], sizes = [64, 16], strides = [1, 1]} : vector<64x128xf32> to vector<64x16xf32>
    %slice3A_972 = vector.extract_strided_slice %select_n3A_969 {offsets = [0, 0], sizes = [64, 112], strides = [1, 1]} : vector<64x128xf32> to vector<64x112xf32>
    %concatenate3A_973 = tpu.concatenate %slice3A_971, %slice3A_972 in 1 : vector<64x16xf32>, vector<64x112xf32> -> vector<64x128xf32>
    %slice3A_974 = vector.extract_strided_slice %select_n3A_969 {offsets = [0, 16], sizes = [64, 112], strides = [1, 1]} : vector<64x128xf32> to vector<64x112xf32>
    %slice3A_975 = vector.extract_strided_slice %select_n3A_969 {offsets = [0, 0], sizes = [64, 16], strides = [1, 1]} : vector<64x128xf32> to vector<64x16xf32>
    %concatenate3A_976 = tpu.concatenate %slice3A_974, %slice3A_975 in 1 : vector<64x112xf32>, vector<64x16xf32> -> vector<64x128xf32>
    %slice3A_977 = vector.extract_strided_slice %select_n3A_970 {offsets = [0, 112], sizes = [64, 16], strides = [1, 1]} : vector<64x128xi32> to vector<64x16xi32>
    %slice3A_978 = vector.extract_strided_slice %select_n3A_970 {offsets = [0, 0], sizes = [64, 112], strides = [1, 1]} : vector<64x128xi32> to vector<64x112xi32>
    %concatenate3A_979 = tpu.concatenate %slice3A_977, %slice3A_978 in 1 : vector<64x16xi32>, vector<64x112xi32> -> vector<64x128xi32>
    %slice3A_980 = vector.extract_strided_slice %select_n3A_970 {offsets = [0, 16], sizes = [64, 112], strides = [1, 1]} : vector<64x128xi32> to vector<64x112xi32>
    %slice3A_981 = vector.extract_strided_slice %select_n3A_970 {offsets = [0, 0], sizes = [64, 16], strides = [1, 1]} : vector<64x128xi32> to vector<64x16xi32>
    %concatenate3A_982 = tpu.concatenate %slice3A_980, %slice3A_981 in 1 : vector<64x112xi32>, vector<64x16xi32> -> vector<64x128xi32>
    %and3A_983 = arith.constant 16 : i32
    %and3A_984 = vector.broadcast %and3A_983 : i32 to vector<64x128xi32>
    %and3A_985 = arith.andi %add3A, %and3A_984 : vector<64x128xi32>
    %ne3A_986 = arith.constant 0 : i32
    %ne3A_987 = vector.broadcast %ne3A_986 : i32 to vector<64x128xi32>
    %ne3A_988 = arith.cmpi ne, %and3A_985, %ne3A_987 : vector<64x128xi32>
    %select_n3A_989 = arith.select %ne3A_988, %concatenate3A_973, %concatenate3A_976 : vector<64x128xi1>, vector<64x128xf32>
    %select_n3A_990 = arith.select %ne3A_988, %concatenate3A_979, %concatenate3A_982 : vector<64x128xi1>, vector<64x128xi32>
    %gt3A_991 = arith.cmpf ogt, %select_n3A_989, %select_n3A_969 : vector<64x128xf32>
    %eq3A_992 = arith.cmpf oeq, %select_n3A_989, %select_n3A_969 : vector<64x128xf32>
    %lt3A_993 = arith.cmpi slt, %select_n3A_990, %select_n3A_970 : vector<64x128xi32>
    %and3A_994 = arith.andi %eq3A_992, %lt3A_993 : vector<64x128xi1>
    %or3A_995 = arith.ori %gt3A_991, %and3A_994 : vector<64x128xi1>
    %ne3A_996 = arith.xori %or3A_995, %ne3A_988 : vector<64x128xi1>
    %ne3A_997 = arith.xori %ne3A_996, %ne3A_883 : vector<64x128xi1>
    %select_n3A_998 = arith.select %ne3A_997, %select_n3A_989, %select_n3A_969 : vector<64x128xi1>, vector<64x128xf32>
    %select_n3A_999 = arith.select %ne3A_997, %select_n3A_990, %select_n3A_970 : vector<64x128xi1>, vector<64x128xi32>
    %slice3A_1000 = vector.extract_strided_slice %select_n3A_998 {offsets = [0, 120], sizes = [64, 8], strides = [1, 1]} : vector<64x128xf32> to vector<64x8xf32>
    %slice3A_1001 = vector.extract_strided_slice %select_n3A_998 {offsets = [0, 0], sizes = [64, 120], strides = [1, 1]} : vector<64x128xf32> to vector<64x120xf32>
    %concatenate3A_1002 = tpu.concatenate %slice3A_1000, %slice3A_1001 in 1 : vector<64x8xf32>, vector<64x120xf32> -> vector<64x128xf32>
    %slice3A_1003 = vector.extract_strided_slice %select_n3A_998 {offsets = [0, 8], sizes = [64, 120], strides = [1, 1]} : vector<64x128xf32> to vector<64x120xf32>
    %slice3A_1004 = vector.extract_strided_slice %select_n3A_998 {offsets = [0, 0], sizes = [64, 8], strides = [1, 1]} : vector<64x128xf32> to vector<64x8xf32>
    %concatenate3A_1005 = tpu.concatenate %slice3A_1003, %slice3A_1004 in 1 : vector<64x120xf32>, vector<64x8xf32> -> vector<64x128xf32>
    %slice3A_1006 = vector.extract_strided_slice %select_n3A_999 {offsets = [0, 120], sizes = [64, 8], strides = [1, 1]} : vector<64x128xi32> to vector<64x8xi32>
    %slice3A_1007 = vector.extract_strided_slice %select_n3A_999 {offsets = [0, 0], sizes = [64, 120], strides = [1, 1]} : vector<64x128xi32> to vector<64x120xi32>
    %concatenate3A_1008 = tpu.concatenate %slice3A_1006, %slice3A_1007 in 1 : vector<64x8xi32>, vector<64x120xi32> -> vector<64x128xi32>
    %slice3A_1009 = vector.extract_strided_slice %select_n3A_999 {offsets = [0, 8], sizes = [64, 120], strides = [1, 1]} : vector<64x128xi32> to vector<64x120xi32>
    %slice3A_1010 = vector.extract_strided_slice %select_n3A_999 {offsets = [0, 0], sizes = [64, 8], strides = [1, 1]} : vector<64x128xi32> to vector<64x8xi32>
    %concatenate3A_1011 = tpu.concatenate %slice3A_1009, %slice3A_1010 in 1 : vector<64x120xi32>, vector<64x8xi32> -> vector<64x128xi32>
    %and3A_1012 = arith.constant 8 : i32
    %and3A_1013 = vector.broadcast %and3A_1012 : i32 to vector<64x128xi32>
    %and3A_1014 = arith.andi %add3A, %and3A_1013 : vector<64x128xi32>
    %ne3A_1015 = arith.constant 0 : i32
    %ne3A_1016 = vector.broadcast %ne3A_1015 : i32 to vector<64x128xi32>
    %ne3A_1017 = arith.cmpi ne, %and3A_1014, %ne3A_1016 : vector<64x128xi32>
    %select_n3A_1018 = arith.select %ne3A_1017, %concatenate3A_1002, %concatenate3A_1005 : vector<64x128xi1>, vector<64x128xf32>
    %select_n3A_1019 = arith.select %ne3A_1017, %concatenate3A_1008, %concatenate3A_1011 : vector<64x128xi1>, vector<64x128xi32>
    %gt3A_1020 = arith.cmpf ogt, %select_n3A_1018, %select_n3A_998 : vector<64x128xf32>
    %eq3A_1021 = arith.cmpf oeq, %select_n3A_1018, %select_n3A_998 : vector<64x128xf32>
    %lt3A_1022 = arith.cmpi slt, %select_n3A_1019, %select_n3A_999 : vector<64x128xi32>
    %and3A_1023 = arith.andi %eq3A_1021, %lt3A_1022 : vector<64x128xi1>
    %or3A_1024 = arith.ori %gt3A_1020, %and3A_1023 : vector<64x128xi1>
    %ne3A_1025 = arith.xori %or3A_1024, %ne3A_1017 : vector<64x128xi1>
    %ne3A_1026 = arith.xori %ne3A_1025, %ne3A_883 : vector<64x128xi1>
    %select_n3A_1027 = arith.select %ne3A_1026, %select_n3A_1018, %select_n3A_998 : vector<64x128xi1>, vector<64x128xf32>
    %select_n3A_1028 = arith.select %ne3A_1026, %select_n3A_1019, %select_n3A_999 : vector<64x128xi1>, vector<64x128xi32>
    %slice3A_1029 = vector.extract_strided_slice %select_n3A_1027 {offsets = [0, 124], sizes = [64, 4], strides = [1, 1]} : vector<64x128xf32> to vector<64x4xf32>
    %slice3A_1030 = vector.extract_strided_slice %select_n3A_1027 {offsets = [0, 0], sizes = [64, 124], strides = [1, 1]} : vector<64x128xf32> to vector<64x124xf32>
    %concatenate3A_1031 = tpu.concatenate %slice3A_1029, %slice3A_1030 in 1 : vector<64x4xf32>, vector<64x124xf32> -> vector<64x128xf32>
    %slice3A_1032 = vector.extract_strided_slice %select_n3A_1027 {offsets = [0, 4], sizes = [64, 124], strides = [1, 1]} : vector<64x128xf32> to vector<64x124xf32>
    %slice3A_1033 = vector.extract_strided_slice %select_n3A_1027 {offsets = [0, 0], sizes = [64, 4], strides = [1, 1]} : vector<64x128xf32> to vector<64x4xf32>
    %concatenate3A_1034 = tpu.concatenate %slice3A_1032, %slice3A_1033 in 1 : vector<64x124xf32>, vector<64x4xf32> -> vector<64x128xf32>
    %slice3A_1035 = vector.extract_strided_slice %select_n3A_1028 {offsets = [0, 124], sizes = [64, 4], strides = [1, 1]} : vector<64x128xi32> to vector<64x4xi32>
    %slice3A_1036 = vector.extract_strided_slice %select_n3A_1028 {offsets = [0, 0], sizes = [64, 124], strides = [1, 1]} : vector<64x128xi32> to vector<64x124xi32>
    %concatenate3A_1037 = tpu.concatenate %slice3A_1035, %slice3A_1036 in 1 : vector<64x4xi32>, vector<64x124xi32> -> vector<64x128xi32>
    %slice3A_1038 = vector.extract_strided_slice %select_n3A_1028 {offsets = [0, 4], sizes = [64, 124], strides = [1, 1]} : vector<64x128xi32> to vector<64x124xi32>
    %slice3A_1039 = vector.extract_strided_slice %select_n3A_1028 {offsets = [0, 0], sizes = [64, 4], strides = [1, 1]} : vector<64x128xi32> to vector<64x4xi32>
    %concatenate3A_1040 = tpu.concatenate %slice3A_1038, %slice3A_1039 in 1 : vector<64x124xi32>, vector<64x4xi32> -> vector<64x128xi32>
    %and3A_1041 = arith.constant 4 : i32
    %and3A_1042 = vector.broadcast %and3A_1041 : i32 to vector<64x128xi32>
    %and3A_1043 = arith.andi %add3A, %and3A_1042 : vector<64x128xi32>
    %ne3A_1044 = arith.constant 0 : i32
    %ne3A_1045 = vector.broadcast %ne3A_1044 : i32 to vector<64x128xi32>
    %ne3A_1046 = arith.cmpi ne, %and3A_1043, %ne3A_1045 : vector<64x128xi32>
    %select_n3A_1047 = arith.select %ne3A_1046, %concatenate3A_1031, %concatenate3A_1034 : vector<64x128xi1>, vector<64x128xf32>
    %select_n3A_1048 = arith.select %ne3A_1046, %concatenate3A_1037, %concatenate3A_1040 : vector<64x128xi1>, vector<64x128xi32>
    %gt3A_1049 = arith.cmpf ogt, %select_n3A_1047, %select_n3A_1027 : vector<64x128xf32>
    %eq3A_1050 = arith.cmpf oeq, %select_n3A_1047, %select_n3A_1027 : vector<64x128xf32>
    %lt3A_1051 = arith.cmpi slt, %select_n3A_1048, %select_n3A_1028 : vector<64x128xi32>
    %and3A_1052 = arith.andi %eq3A_1050, %lt3A_1051 : vector<64x128xi1>
    %or3A_1053 = arith.ori %gt3A_1049, %and3A_1052 : vector<64x128xi1>
    %ne3A_1054 = arith.xori %or3A_1053, %ne3A_1046 : vector<64x128xi1>
    %ne3A_1055 = arith.xori %ne3A_1054, %ne3A_883 : vector<64x128xi1>
    %select_n3A_1056 = arith.select %ne3A_1055, %select_n3A_1047, %select_n3A_1027 : vector<64x128xi1>, vector<64x128xf32>
    %select_n3A_1057 = arith.select %ne3A_1055, %select_n3A_1048, %select_n3A_1028 : vector<64x128xi1>, vector<64x128xi32>
    %slice3A_1058 = vector.extract_strided_slice %select_n3A_1056 {offsets = [0, 126], sizes = [64, 2], strides = [1, 1]} : vector<64x128xf32> to vector<64x2xf32>
    %slice3A_1059 = vector.extract_strided_slice %select_n3A_1056 {offsets = [0, 0], sizes = [64, 126], strides = [1, 1]} : vector<64x128xf32> to vector<64x126xf32>
    %concatenate3A_1060 = tpu.concatenate %slice3A_1058, %slice3A_1059 in 1 : vector<64x2xf32>, vector<64x126xf32> -> vector<64x128xf32>
    %slice3A_1061 = vector.extract_strided_slice %select_n3A_1056 {offsets = [0, 2], sizes = [64, 126], strides = [1, 1]} : vector<64x128xf32> to vector<64x126xf32>
    %slice3A_1062 = vector.extract_strided_slice %select_n3A_1056 {offsets = [0, 0], sizes = [64, 2], strides = [1, 1]} : vector<64x128xf32> to vector<64x2xf32>
    %concatenate3A_1063 = tpu.concatenate %slice3A_1061, %slice3A_1062 in 1 : vector<64x126xf32>, vector<64x2xf32> -> vector<64x128xf32>
    %slice3A_1064 = vector.extract_strided_slice %select_n3A_1057 {offsets = [0, 126], sizes = [64, 2], strides = [1, 1]} : vector<64x128xi32> to vector<64x2xi32>
    %slice3A_1065 = vector.extract_strided_slice %select_n3A_1057 {offsets = [0, 0], sizes = [64, 126], strides = [1, 1]} : vector<64x128xi32> to vector<64x126xi32>
    %concatenate3A_1066 = tpu.concatenate %slice3A_1064, %slice3A_1065 in 1 : vector<64x2xi32>, vector<64x126xi32> -> vector<64x128xi32>
    %slice3A_1067 = vector.extract_strided_slice %select_n3A_1057 {offsets = [0, 2], sizes = [64, 126], strides = [1, 1]} : vector<64x128xi32> to vector<64x126xi32>
    %slice3A_1068 = vector.extract_strided_slice %select_n3A_1057 {offsets = [0, 0], sizes = [64, 2], strides = [1, 1]} : vector<64x128xi32> to vector<64x2xi32>
    %concatenate3A_1069 = tpu.concatenate %slice3A_1067, %slice3A_1068 in 1 : vector<64x126xi32>, vector<64x2xi32> -> vector<64x128xi32>
    %and3A_1070 = arith.constant 2 : i32
    %and3A_1071 = vector.broadcast %and3A_1070 : i32 to vector<64x128xi32>
    %and3A_1072 = arith.andi %add3A, %and3A_1071 : vector<64x128xi32>
    %ne3A_1073 = arith.constant 0 : i32
    %ne3A_1074 = vector.broadcast %ne3A_1073 : i32 to vector<64x128xi32>
    %ne3A_1075 = arith.cmpi ne, %and3A_1072, %ne3A_1074 : vector<64x128xi32>
    %select_n3A_1076 = arith.select %ne3A_1075, %concatenate3A_1060, %concatenate3A_1063 : vector<64x128xi1>, vector<64x128xf32>
    %select_n3A_1077 = arith.select %ne3A_1075, %concatenate3A_1066, %concatenate3A_1069 : vector<64x128xi1>, vector<64x128xi32>
    %gt3A_1078 = arith.cmpf ogt, %select_n3A_1076, %select_n3A_1056 : vector<64x128xf32>
    %eq3A_1079 = arith.cmpf oeq, %select_n3A_1076, %select_n3A_1056 : vector<64x128xf32>
    %lt3A_1080 = arith.cmpi slt, %select_n3A_1077, %select_n3A_1057 : vector<64x128xi32>
    %and3A_1081 = arith.andi %eq3A_1079, %lt3A_1080 : vector<64x128xi1>
    %or3A_1082 = arith.ori %gt3A_1078, %and3A_1081 : vector<64x128xi1>
    %ne3A_1083 = arith.xori %or3A_1082, %ne3A_1075 : vector<64x128xi1>
    %ne3A_1084 = arith.xori %ne3A_1083, %ne3A_883 : vector<64x128xi1>
    %select_n3A_1085 = arith.select %ne3A_1084, %select_n3A_1076, %select_n3A_1056 : vector<64x128xi1>, vector<64x128xf32>
    %select_n3A_1086 = arith.select %ne3A_1084, %select_n3A_1077, %select_n3A_1057 : vector<64x128xi1>, vector<64x128xi32>
    %slice3A_1087 = vector.extract_strided_slice %select_n3A_1085 {offsets = [0, 127], sizes = [64, 1], strides = [1, 1]} : vector<64x128xf32> to vector<64x1xf32>
    %slice3A_1088 = vector.extract_strided_slice %select_n3A_1085 {offsets = [0, 0], sizes = [64, 127], strides = [1, 1]} : vector<64x128xf32> to vector<64x127xf32>
    %concatenate3A_1089 = tpu.concatenate %slice3A_1087, %slice3A_1088 in 1 : vector<64x1xf32>, vector<64x127xf32> -> vector<64x128xf32>
    %slice3A_1090 = vector.extract_strided_slice %select_n3A_1085 {offsets = [0, 1], sizes = [64, 127], strides = [1, 1]} : vector<64x128xf32> to vector<64x127xf32>
    %slice3A_1091 = vector.extract_strided_slice %select_n3A_1085 {offsets = [0, 0], sizes = [64, 1], strides = [1, 1]} : vector<64x128xf32> to vector<64x1xf32>
    %concatenate3A_1092 = tpu.concatenate %slice3A_1090, %slice3A_1091 in 1 : vector<64x127xf32>, vector<64x1xf32> -> vector<64x128xf32>
    %slice3A_1093 = vector.extract_strided_slice %select_n3A_1086 {offsets = [0, 127], sizes = [64, 1], strides = [1, 1]} : vector<64x128xi32> to vector<64x1xi32>
    %slice3A_1094 = vector.extract_strided_slice %select_n3A_1086 {offsets = [0, 0], sizes = [64, 127], strides = [1, 1]} : vector<64x128xi32> to vector<64x127xi32>
    %concatenate3A_1095 = tpu.concatenate %slice3A_1093, %slice3A_1094 in 1 : vector<64x1xi32>, vector<64x127xi32> -> vector<64x128xi32>
    %slice3A_1096 = vector.extract_strided_slice %select_n3A_1086 {offsets = [0, 1], sizes = [64, 127], strides = [1, 1]} : vector<64x128xi32> to vector<64x127xi32>
    %slice3A_1097 = vector.extract_strided_slice %select_n3A_1086 {offsets = [0, 0], sizes = [64, 1], strides = [1, 1]} : vector<64x128xi32> to vector<64x1xi32>
    %concatenate3A_1098 = tpu.concatenate %slice3A_1096, %slice3A_1097 in 1 : vector<64x127xi32>, vector<64x1xi32> -> vector<64x128xi32>
    %and3A_1099 = arith.constant 1 : i32
    %and3A_1100 = vector.broadcast %and3A_1099 : i32 to vector<64x128xi32>
    %and3A_1101 = arith.andi %add3A, %and3A_1100 : vector<64x128xi32>
    %ne3A_1102 = arith.constant 0 : i32
    %ne3A_1103 = vector.broadcast %ne3A_1102 : i32 to vector<64x128xi32>
    %ne3A_1104 = arith.cmpi ne, %and3A_1101, %ne3A_1103 : vector<64x128xi32>
    %select_n3A_1105 = arith.select %ne3A_1104, %concatenate3A_1089, %concatenate3A_1092 : vector<64x128xi1>, vector<64x128xf32>
    %select_n3A_1106 = arith.select %ne3A_1104, %concatenate3A_1095, %concatenate3A_1098 : vector<64x128xi1>, vector<64x128xi32>
    %gt3A_1107 = arith.cmpf ogt, %select_n3A_1105, %select_n3A_1085 : vector<64x128xf32>
    %eq3A_1108 = arith.cmpf oeq, %select_n3A_1105, %select_n3A_1085 : vector<64x128xf32>
    %lt3A_1109 = arith.cmpi slt, %select_n3A_1106, %select_n3A_1086 : vector<64x128xi32>
    %and3A_1110 = arith.andi %eq3A_1108, %lt3A_1109 : vector<64x128xi1>
    %or3A_1111 = arith.ori %gt3A_1107, %and3A_1110 : vector<64x128xi1>
    %ne3A_1112 = arith.xori %or3A_1111, %ne3A_1104 : vector<64x128xi1>
    %ne3A_1113 = arith.xori %ne3A_1112, %ne3A_883 : vector<64x128xi1>
    %select_n3A_1114 = arith.select %ne3A_1113, %select_n3A_1105, %select_n3A_1085 : vector<64x128xi1>, vector<64x128xf32>
    %select_n3A_1115 = arith.select %ne3A_1113, %select_n3A_1106, %select_n3A_1086 : vector<64x128xi1>, vector<64x128xi32>
    %shift_right_arithmetic3A_1116 = arith.constant 9 : i32
    %shift_right_arithmetic3A_1117 = vector.broadcast %shift_right_arithmetic3A_1116 : i32 to vector<64x128xi32>
    %shift_right_arithmetic3A_1118 = arith.shrsi %add3A, %shift_right_arithmetic3A_1117 : vector<64x128xi32>
    %and3A_1119 = arith.constant 1 : i32
    %and3A_1120 = vector.broadcast %and3A_1119 : i32 to vector<64x128xi32>
    %and3A_1121 = arith.andi %shift_right_arithmetic3A_1118, %and3A_1120 : vector<64x128xi32>
    %ne3A_1122 = arith.constant 0 : i32
    %ne3A_1123 = vector.broadcast %ne3A_1122 : i32 to vector<64x128xi32>
    %ne3A_1124 = arith.cmpi ne, %and3A_1121, %ne3A_1123 : vector<64x128xi32>
    %slice3A_1125 = vector.extract_strided_slice %select_n3A_1114 {offsets = [62, 0], sizes = [2, 128], strides = [1, 1]} : vector<64x128xf32> to vector<2x128xf32>
    %slice3A_1126 = vector.extract_strided_slice %select_n3A_1114 {offsets = [0, 0], sizes = [62, 128], strides = [1, 1]} : vector<64x128xf32> to vector<62x128xf32>
    %concatenate3A_1127 = tpu.concatenate %slice3A_1125, %slice3A_1126 in 0 : vector<2x128xf32>, vector<62x128xf32> -> vector<64x128xf32>
    %slice3A_1128 = vector.extract_strided_slice %select_n3A_1114 {offsets = [2, 0], sizes = [62, 128], strides = [1, 1]} : vector<64x128xf32> to vector<62x128xf32>
    %slice3A_1129 = vector.extract_strided_slice %select_n3A_1114 {offsets = [0, 0], sizes = [2, 128], strides = [1, 1]} : vector<64x128xf32> to vector<2x128xf32>
    %concatenate3A_1130 = tpu.concatenate %slice3A_1128, %slice3A_1129 in 0 : vector<62x128xf32>, vector<2x128xf32> -> vector<64x128xf32>
    %slice3A_1131 = vector.extract_strided_slice %select_n3A_1115 {offsets = [62, 0], sizes = [2, 128], strides = [1, 1]} : vector<64x128xi32> to vector<2x128xi32>
    %slice3A_1132 = vector.extract_strided_slice %select_n3A_1115 {offsets = [0, 0], sizes = [62, 128], strides = [1, 1]} : vector<64x128xi32> to vector<62x128xi32>
    %concatenate3A_1133 = tpu.concatenate %slice3A_1131, %slice3A_1132 in 0 : vector<2x128xi32>, vector<62x128xi32> -> vector<64x128xi32>
    %slice3A_1134 = vector.extract_strided_slice %select_n3A_1115 {offsets = [2, 0], sizes = [62, 128], strides = [1, 1]} : vector<64x128xi32> to vector<62x128xi32>
    %slice3A_1135 = vector.extract_strided_slice %select_n3A_1115 {offsets = [0, 0], sizes = [2, 128], strides = [1, 1]} : vector<64x128xi32> to vector<2x128xi32>
    %concatenate3A_1136 = tpu.concatenate %slice3A_1134, %slice3A_1135 in 0 : vector<62x128xi32>, vector<2x128xi32> -> vector<64x128xi32>
    %and3A_1137 = arith.constant 256 : i32
    %and3A_1138 = vector.broadcast %and3A_1137 : i32 to vector<64x128xi32>
    %and3A_1139 = arith.andi %add3A, %and3A_1138 : vector<64x128xi32>
    %ne3A_1140 = arith.constant 0 : i32
    %ne3A_1141 = vector.broadcast %ne3A_1140 : i32 to vector<64x128xi32>
    %ne3A_1142 = arith.cmpi ne, %and3A_1139, %ne3A_1141 : vector<64x128xi32>
    %select_n3A_1143 = arith.select %ne3A_1142, %concatenate3A_1127, %concatenate3A_1130 : vector<64x128xi1>, vector<64x128xf32>
    %select_n3A_1144 = arith.select %ne3A_1142, %concatenate3A_1133, %concatenate3A_1136 : vector<64x128xi1>, vector<64x128xi32>
    %gt3A_1145 = arith.cmpf ogt, %select_n3A_1143, %select_n3A_1114 : vector<64x128xf32>
    %eq3A_1146 = arith.cmpf oeq, %select_n3A_1143, %select_n3A_1114 : vector<64x128xf32>
    %lt3A_1147 = arith.cmpi slt, %select_n3A_1144, %select_n3A_1115 : vector<64x128xi32>
    %and3A_1148 = arith.andi %eq3A_1146, %lt3A_1147 : vector<64x128xi1>
    %or3A_1149 = arith.ori %gt3A_1145, %and3A_1148 : vector<64x128xi1>
    %ne3A_1150 = arith.xori %or3A_1149, %ne3A_1142 : vector<64x128xi1>
    %ne3A_1151 = arith.xori %ne3A_1150, %ne3A_1124 : vector<64x128xi1>
    %select_n3A_1152 = arith.select %ne3A_1151, %select_n3A_1143, %select_n3A_1114 : vector<64x128xi1>, vector<64x128xf32>
    %select_n3A_1153 = arith.select %ne3A_1151, %select_n3A_1144, %select_n3A_1115 : vector<64x128xi1>, vector<64x128xi32>
    %slice3A_1154 = vector.extract_strided_slice %select_n3A_1152 {offsets = [63, 0], sizes = [1, 128], strides = [1, 1]} : vector<64x128xf32> to vector<1x128xf32>
    %slice3A_1155 = vector.extract_strided_slice %select_n3A_1152 {offsets = [0, 0], sizes = [63, 128], strides = [1, 1]} : vector<64x128xf32> to vector<63x128xf32>
    %concatenate3A_1156 = tpu.concatenate %slice3A_1154, %slice3A_1155 in 0 : vector<1x128xf32>, vector<63x128xf32> -> vector<64x128xf32>
    %slice3A_1157 = vector.extract_strided_slice %select_n3A_1152 {offsets = [1, 0], sizes = [63, 128], strides = [1, 1]} : vector<64x128xf32> to vector<63x128xf32>
    %slice3A_1158 = vector.extract_strided_slice %select_n3A_1152 {offsets = [0, 0], sizes = [1, 128], strides = [1, 1]} : vector<64x128xf32> to vector<1x128xf32>
    %concatenate3A_1159 = tpu.concatenate %slice3A_1157, %slice3A_1158 in 0 : vector<63x128xf32>, vector<1x128xf32> -> vector<64x128xf32>
    %slice3A_1160 = vector.extract_strided_slice %select_n3A_1153 {offsets = [63, 0], sizes = [1, 128], strides = [1, 1]} : vector<64x128xi32> to vector<1x128xi32>
    %slice3A_1161 = vector.extract_strided_slice %select_n3A_1153 {offsets = [0, 0], sizes = [63, 128], strides = [1, 1]} : vector<64x128xi32> to vector<63x128xi32>
    %concatenate3A_1162 = tpu.concatenate %slice3A_1160, %slice3A_1161 in 0 : vector<1x128xi32>, vector<63x128xi32> -> vector<64x128xi32>
    %slice3A_1163 = vector.extract_strided_slice %select_n3A_1153 {offsets = [1, 0], sizes = [63, 128], strides = [1, 1]} : vector<64x128xi32> to vector<63x128xi32>
    %slice3A_1164 = vector.extract_strided_slice %select_n3A_1153 {offsets = [0, 0], sizes = [1, 128], strides = [1, 1]} : vector<64x128xi32> to vector<1x128xi32>
    %concatenate3A_1165 = tpu.concatenate %slice3A_1163, %slice3A_1164 in 0 : vector<63x128xi32>, vector<1x128xi32> -> vector<64x128xi32>
    %and3A_1166 = arith.constant 128 : i32
    %and3A_1167 = vector.broadcast %and3A_1166 : i32 to vector<64x128xi32>
    %and3A_1168 = arith.andi %add3A, %and3A_1167 : vector<64x128xi32>
    %ne3A_1169 = arith.constant 0 : i32
    %ne3A_1170 = vector.broadcast %ne3A_1169 : i32 to vector<64x128xi32>
    %ne3A_1171 = arith.cmpi ne, %and3A_1168, %ne3A_1170 : vector<64x128xi32>
    %select_n3A_1172 = arith.select %ne3A_1171, %concatenate3A_1156, %concatenate3A_1159 : vector<64x128xi1>, vector<64x128xf32>
    %select_n3A_1173 = arith.select %ne3A_1171, %concatenate3A_1162, %concatenate3A_1165 : vector<64x128xi1>, vector<64x128xi32>
    %gt3A_1174 = arith.cmpf ogt, %select_n3A_1172, %select_n3A_1152 : vector<64x128xf32>
    %eq3A_1175 = arith.cmpf oeq, %select_n3A_1172, %select_n3A_1152 : vector<64x128xf32>
    %lt3A_1176 = arith.cmpi slt, %select_n3A_1173, %select_n3A_1153 : vector<64x128xi32>
    %and3A_1177 = arith.andi %eq3A_1175, %lt3A_1176 : vector<64x128xi1>
    %or3A_1178 = arith.ori %gt3A_1174, %and3A_1177 : vector<64x128xi1>
    %ne3A_1179 = arith.xori %or3A_1178, %ne3A_1171 : vector<64x128xi1>
    %ne3A_1180 = arith.xori %ne3A_1179, %ne3A_1124 : vector<64x128xi1>
    %select_n3A_1181 = arith.select %ne3A_1180, %select_n3A_1172, %select_n3A_1152 : vector<64x128xi1>, vector<64x128xf32>
    %select_n3A_1182 = arith.select %ne3A_1180, %select_n3A_1173, %select_n3A_1153 : vector<64x128xi1>, vector<64x128xi32>
    %slice3A_1183 = vector.extract_strided_slice %select_n3A_1181 {offsets = [0, 64], sizes = [64, 64], strides = [1, 1]} : vector<64x128xf32> to vector<64x64xf32>
    %slice3A_1184 = vector.extract_strided_slice %select_n3A_1181 {offsets = [0, 0], sizes = [64, 64], strides = [1, 1]} : vector<64x128xf32> to vector<64x64xf32>
    %concatenate3A_1185 = tpu.concatenate %slice3A_1183, %slice3A_1184 in 1 : vector<64x64xf32>, vector<64x64xf32> -> vector<64x128xf32>
    %slice3A_1186 = vector.extract_strided_slice %select_n3A_1181 {offsets = [0, 64], sizes = [64, 64], strides = [1, 1]} : vector<64x128xf32> to vector<64x64xf32>
    %slice3A_1187 = vector.extract_strided_slice %select_n3A_1181 {offsets = [0, 0], sizes = [64, 64], strides = [1, 1]} : vector<64x128xf32> to vector<64x64xf32>
    %concatenate3A_1188 = tpu.concatenate %slice3A_1186, %slice3A_1187 in 1 : vector<64x64xf32>, vector<64x64xf32> -> vector<64x128xf32>
    %slice3A_1189 = vector.extract_strided_slice %select_n3A_1182 {offsets = [0, 64], sizes = [64, 64], strides = [1, 1]} : vector<64x128xi32> to vector<64x64xi32>
    %slice3A_1190 = vector.extract_strided_slice %select_n3A_1182 {offsets = [0, 0], sizes = [64, 64], strides = [1, 1]} : vector<64x128xi32> to vector<64x64xi32>
    %concatenate3A_1191 = tpu.concatenate %slice3A_1189, %slice3A_1190 in 1 : vector<64x64xi32>, vector<64x64xi32> -> vector<64x128xi32>
    %slice3A_1192 = vector.extract_strided_slice %select_n3A_1182 {offsets = [0, 64], sizes = [64, 64], strides = [1, 1]} : vector<64x128xi32> to vector<64x64xi32>
    %slice3A_1193 = vector.extract_strided_slice %select_n3A_1182 {offsets = [0, 0], sizes = [64, 64], strides = [1, 1]} : vector<64x128xi32> to vector<64x64xi32>
    %concatenate3A_1194 = tpu.concatenate %slice3A_1192, %slice3A_1193 in 1 : vector<64x64xi32>, vector<64x64xi32> -> vector<64x128xi32>
    %and3A_1195 = arith.constant 64 : i32
    %and3A_1196 = vector.broadcast %and3A_1195 : i32 to vector<64x128xi32>
    %and3A_1197 = arith.andi %add3A, %and3A_1196 : vector<64x128xi32>
    %ne3A_1198 = arith.constant 0 : i32
    %ne3A_1199 = vector.broadcast %ne3A_1198 : i32 to vector<64x128xi32>
    %ne3A_1200 = arith.cmpi ne, %and3A_1197, %ne3A_1199 : vector<64x128xi32>
    %select_n3A_1201 = arith.select %ne3A_1200, %concatenate3A_1185, %concatenate3A_1188 : vector<64x128xi1>, vector<64x128xf32>
    %select_n3A_1202 = arith.select %ne3A_1200, %concatenate3A_1191, %concatenate3A_1194 : vector<64x128xi1>, vector<64x128xi32>
    %gt3A_1203 = arith.cmpf ogt, %select_n3A_1201, %select_n3A_1181 : vector<64x128xf32>
    %eq3A_1204 = arith.cmpf oeq, %select_n3A_1201, %select_n3A_1181 : vector<64x128xf32>
    %lt3A_1205 = arith.cmpi slt, %select_n3A_1202, %select_n3A_1182 : vector<64x128xi32>
    %and3A_1206 = arith.andi %eq3A_1204, %lt3A_1205 : vector<64x128xi1>
    %or3A_1207 = arith.ori %gt3A_1203, %and3A_1206 : vector<64x128xi1>
    %ne3A_1208 = arith.xori %or3A_1207, %ne3A_1200 : vector<64x128xi1>
    %ne3A_1209 = arith.xori %ne3A_1208, %ne3A_1124 : vector<64x128xi1>
    %select_n3A_1210 = arith.select %ne3A_1209, %select_n3A_1201, %select_n3A_1181 : vector<64x128xi1>, vector<64x128xf32>
    %select_n3A_1211 = arith.select %ne3A_1209, %select_n3A_1202, %select_n3A_1182 : vector<64x128xi1>, vector<64x128xi32>
    %slice3A_1212 = vector.extract_strided_slice %select_n3A_1210 {offsets = [0, 96], sizes = [64, 32], strides = [1, 1]} : vector<64x128xf32> to vector<64x32xf32>
    %slice3A_1213 = vector.extract_strided_slice %select_n3A_1210 {offsets = [0, 0], sizes = [64, 96], strides = [1, 1]} : vector<64x128xf32> to vector<64x96xf32>
    %concatenate3A_1214 = tpu.concatenate %slice3A_1212, %slice3A_1213 in 1 : vector<64x32xf32>, vector<64x96xf32> -> vector<64x128xf32>
    %slice3A_1215 = vector.extract_strided_slice %select_n3A_1210 {offsets = [0, 32], sizes = [64, 96], strides = [1, 1]} : vector<64x128xf32> to vector<64x96xf32>
    %slice3A_1216 = vector.extract_strided_slice %select_n3A_1210 {offsets = [0, 0], sizes = [64, 32], strides = [1, 1]} : vector<64x128xf32> to vector<64x32xf32>
    %concatenate3A_1217 = tpu.concatenate %slice3A_1215, %slice3A_1216 in 1 : vector<64x96xf32>, vector<64x32xf32> -> vector<64x128xf32>
    %slice3A_1218 = vector.extract_strided_slice %select_n3A_1211 {offsets = [0, 96], sizes = [64, 32], strides = [1, 1]} : vector<64x128xi32> to vector<64x32xi32>
    %slice3A_1219 = vector.extract_strided_slice %select_n3A_1211 {offsets = [0, 0], sizes = [64, 96], strides = [1, 1]} : vector<64x128xi32> to vector<64x96xi32>
    %concatenate3A_1220 = tpu.concatenate %slice3A_1218, %slice3A_1219 in 1 : vector<64x32xi32>, vector<64x96xi32> -> vector<64x128xi32>
    %slice3A_1221 = vector.extract_strided_slice %select_n3A_1211 {offsets = [0, 32], sizes = [64, 96], strides = [1, 1]} : vector<64x128xi32> to vector<64x96xi32>
    %slice3A_1222 = vector.extract_strided_slice %select_n3A_1211 {offsets = [0, 0], sizes = [64, 32], strides = [1, 1]} : vector<64x128xi32> to vector<64x32xi32>
    %concatenate3A_1223 = tpu.concatenate %slice3A_1221, %slice3A_1222 in 1 : vector<64x96xi32>, vector<64x32xi32> -> vector<64x128xi32>
    %and3A_1224 = arith.constant 32 : i32
    %and3A_1225 = vector.broadcast %and3A_1224 : i32 to vector<64x128xi32>
    %and3A_1226 = arith.andi %add3A, %and3A_1225 : vector<64x128xi32>
    %ne3A_1227 = arith.constant 0 : i32
    %ne3A_1228 = vector.broadcast %ne3A_1227 : i32 to vector<64x128xi32>
    %ne3A_1229 = arith.cmpi ne, %and3A_1226, %ne3A_1228 : vector<64x128xi32>
    %select_n3A_1230 = arith.select %ne3A_1229, %concatenate3A_1214, %concatenate3A_1217 : vector<64x128xi1>, vector<64x128xf32>
    %select_n3A_1231 = arith.select %ne3A_1229, %concatenate3A_1220, %concatenate3A_1223 : vector<64x128xi1>, vector<64x128xi32>
    %gt3A_1232 = arith.cmpf ogt, %select_n3A_1230, %select_n3A_1210 : vector<64x128xf32>
    %eq3A_1233 = arith.cmpf oeq, %select_n3A_1230, %select_n3A_1210 : vector<64x128xf32>
    %lt3A_1234 = arith.cmpi slt, %select_n3A_1231, %select_n3A_1211 : vector<64x128xi32>
    %and3A_1235 = arith.andi %eq3A_1233, %lt3A_1234 : vector<64x128xi1>
    %or3A_1236 = arith.ori %gt3A_1232, %and3A_1235 : vector<64x128xi1>
    %ne3A_1237 = arith.xori %or3A_1236, %ne3A_1229 : vector<64x128xi1>
    %ne3A_1238 = arith.xori %ne3A_1237, %ne3A_1124 : vector<64x128xi1>
    %select_n3A_1239 = arith.select %ne3A_1238, %select_n3A_1230, %select_n3A_1210 : vector<64x128xi1>, vector<64x128xf32>
    %select_n3A_1240 = arith.select %ne3A_1238, %select_n3A_1231, %select_n3A_1211 : vector<64x128xi1>, vector<64x128xi32>
    %slice3A_1241 = vector.extract_strided_slice %select_n3A_1239 {offsets = [0, 112], sizes = [64, 16], strides = [1, 1]} : vector<64x128xf32> to vector<64x16xf32>
    %slice3A_1242 = vector.extract_strided_slice %select_n3A_1239 {offsets = [0, 0], sizes = [64, 112], strides = [1, 1]} : vector<64x128xf32> to vector<64x112xf32>
    %concatenate3A_1243 = tpu.concatenate %slice3A_1241, %slice3A_1242 in 1 : vector<64x16xf32>, vector<64x112xf32> -> vector<64x128xf32>
    %slice3A_1244 = vector.extract_strided_slice %select_n3A_1239 {offsets = [0, 16], sizes = [64, 112], strides = [1, 1]} : vector<64x128xf32> to vector<64x112xf32>
    %slice3A_1245 = vector.extract_strided_slice %select_n3A_1239 {offsets = [0, 0], sizes = [64, 16], strides = [1, 1]} : vector<64x128xf32> to vector<64x16xf32>
    %concatenate3A_1246 = tpu.concatenate %slice3A_1244, %slice3A_1245 in 1 : vector<64x112xf32>, vector<64x16xf32> -> vector<64x128xf32>
    %slice3A_1247 = vector.extract_strided_slice %select_n3A_1240 {offsets = [0, 112], sizes = [64, 16], strides = [1, 1]} : vector<64x128xi32> to vector<64x16xi32>
    %slice3A_1248 = vector.extract_strided_slice %select_n3A_1240 {offsets = [0, 0], sizes = [64, 112], strides = [1, 1]} : vector<64x128xi32> to vector<64x112xi32>
    %concatenate3A_1249 = tpu.concatenate %slice3A_1247, %slice3A_1248 in 1 : vector<64x16xi32>, vector<64x112xi32> -> vector<64x128xi32>
    %slice3A_1250 = vector.extract_strided_slice %select_n3A_1240 {offsets = [0, 16], sizes = [64, 112], strides = [1, 1]} : vector<64x128xi32> to vector<64x112xi32>
    %slice3A_1251 = vector.extract_strided_slice %select_n3A_1240 {offsets = [0, 0], sizes = [64, 16], strides = [1, 1]} : vector<64x128xi32> to vector<64x16xi32>
    %concatenate3A_1252 = tpu.concatenate %slice3A_1250, %slice3A_1251 in 1 : vector<64x112xi32>, vector<64x16xi32> -> vector<64x128xi32>
    %and3A_1253 = arith.constant 16 : i32
    %and3A_1254 = vector.broadcast %and3A_1253 : i32 to vector<64x128xi32>
    %and3A_1255 = arith.andi %add3A, %and3A_1254 : vector<64x128xi32>
    %ne3A_1256 = arith.constant 0 : i32
    %ne3A_1257 = vector.broadcast %ne3A_1256 : i32 to vector<64x128xi32>
    %ne3A_1258 = arith.cmpi ne, %and3A_1255, %ne3A_1257 : vector<64x128xi32>
    %select_n3A_1259 = arith.select %ne3A_1258, %concatenate3A_1243, %concatenate3A_1246 : vector<64x128xi1>, vector<64x128xf32>
    %select_n3A_1260 = arith.select %ne3A_1258, %concatenate3A_1249, %concatenate3A_1252 : vector<64x128xi1>, vector<64x128xi32>
    %gt3A_1261 = arith.cmpf ogt, %select_n3A_1259, %select_n3A_1239 : vector<64x128xf32>
    %eq3A_1262 = arith.cmpf oeq, %select_n3A_1259, %select_n3A_1239 : vector<64x128xf32>
    %lt3A_1263 = arith.cmpi slt, %select_n3A_1260, %select_n3A_1240 : vector<64x128xi32>
    %and3A_1264 = arith.andi %eq3A_1262, %lt3A_1263 : vector<64x128xi1>
    %or3A_1265 = arith.ori %gt3A_1261, %and3A_1264 : vector<64x128xi1>
    %ne3A_1266 = arith.xori %or3A_1265, %ne3A_1258 : vector<64x128xi1>
    %ne3A_1267 = arith.xori %ne3A_1266, %ne3A_1124 : vector<64x128xi1>
    %select_n3A_1268 = arith.select %ne3A_1267, %select_n3A_1259, %select_n3A_1239 : vector<64x128xi1>, vector<64x128xf32>
    %select_n3A_1269 = arith.select %ne3A_1267, %select_n3A_1260, %select_n3A_1240 : vector<64x128xi1>, vector<64x128xi32>
    %slice3A_1270 = vector.extract_strided_slice %select_n3A_1268 {offsets = [0, 120], sizes = [64, 8], strides = [1, 1]} : vector<64x128xf32> to vector<64x8xf32>
    %slice3A_1271 = vector.extract_strided_slice %select_n3A_1268 {offsets = [0, 0], sizes = [64, 120], strides = [1, 1]} : vector<64x128xf32> to vector<64x120xf32>
    %concatenate3A_1272 = tpu.concatenate %slice3A_1270, %slice3A_1271 in 1 : vector<64x8xf32>, vector<64x120xf32> -> vector<64x128xf32>
    %slice3A_1273 = vector.extract_strided_slice %select_n3A_1268 {offsets = [0, 8], sizes = [64, 120], strides = [1, 1]} : vector<64x128xf32> to vector<64x120xf32>
    %slice3A_1274 = vector.extract_strided_slice %select_n3A_1268 {offsets = [0, 0], sizes = [64, 8], strides = [1, 1]} : vector<64x128xf32> to vector<64x8xf32>
    %concatenate3A_1275 = tpu.concatenate %slice3A_1273, %slice3A_1274 in 1 : vector<64x120xf32>, vector<64x8xf32> -> vector<64x128xf32>
    %slice3A_1276 = vector.extract_strided_slice %select_n3A_1269 {offsets = [0, 120], sizes = [64, 8], strides = [1, 1]} : vector<64x128xi32> to vector<64x8xi32>
    %slice3A_1277 = vector.extract_strided_slice %select_n3A_1269 {offsets = [0, 0], sizes = [64, 120], strides = [1, 1]} : vector<64x128xi32> to vector<64x120xi32>
    %concatenate3A_1278 = tpu.concatenate %slice3A_1276, %slice3A_1277 in 1 : vector<64x8xi32>, vector<64x120xi32> -> vector<64x128xi32>
    %slice3A_1279 = vector.extract_strided_slice %select_n3A_1269 {offsets = [0, 8], sizes = [64, 120], strides = [1, 1]} : vector<64x128xi32> to vector<64x120xi32>
    %slice3A_1280 = vector.extract_strided_slice %select_n3A_1269 {offsets = [0, 0], sizes = [64, 8], strides = [1, 1]} : vector<64x128xi32> to vector<64x8xi32>
    %concatenate3A_1281 = tpu.concatenate %slice3A_1279, %slice3A_1280 in 1 : vector<64x120xi32>, vector<64x8xi32> -> vector<64x128xi32>
    %and3A_1282 = arith.constant 8 : i32
    %and3A_1283 = vector.broadcast %and3A_1282 : i32 to vector<64x128xi32>
    %and3A_1284 = arith.andi %add3A, %and3A_1283 : vector<64x128xi32>
    %ne3A_1285 = arith.constant 0 : i32
    %ne3A_1286 = vector.broadcast %ne3A_1285 : i32 to vector<64x128xi32>
    %ne3A_1287 = arith.cmpi ne, %and3A_1284, %ne3A_1286 : vector<64x128xi32>
    %select_n3A_1288 = arith.select %ne3A_1287, %concatenate3A_1272, %concatenate3A_1275 : vector<64x128xi1>, vector<64x128xf32>
    %select_n3A_1289 = arith.select %ne3A_1287, %concatenate3A_1278, %concatenate3A_1281 : vector<64x128xi1>, vector<64x128xi32>
    %gt3A_1290 = arith.cmpf ogt, %select_n3A_1288, %select_n3A_1268 : vector<64x128xf32>
    %eq3A_1291 = arith.cmpf oeq, %select_n3A_1288, %select_n3A_1268 : vector<64x128xf32>
    %lt3A_1292 = arith.cmpi slt, %select_n3A_1289, %select_n3A_1269 : vector<64x128xi32>
    %and3A_1293 = arith.andi %eq3A_1291, %lt3A_1292 : vector<64x128xi1>
    %or3A_1294 = arith.ori %gt3A_1290, %and3A_1293 : vector<64x128xi1>
    %ne3A_1295 = arith.xori %or3A_1294, %ne3A_1287 : vector<64x128xi1>
    %ne3A_1296 = arith.xori %ne3A_1295, %ne3A_1124 : vector<64x128xi1>
    %select_n3A_1297 = arith.select %ne3A_1296, %select_n3A_1288, %select_n3A_1268 : vector<64x128xi1>, vector<64x128xf32>
    %select_n3A_1298 = arith.select %ne3A_1296, %select_n3A_1289, %select_n3A_1269 : vector<64x128xi1>, vector<64x128xi32>
    %slice3A_1299 = vector.extract_strided_slice %select_n3A_1297 {offsets = [0, 124], sizes = [64, 4], strides = [1, 1]} : vector<64x128xf32> to vector<64x4xf32>
    %slice3A_1300 = vector.extract_strided_slice %select_n3A_1297 {offsets = [0, 0], sizes = [64, 124], strides = [1, 1]} : vector<64x128xf32> to vector<64x124xf32>
    %concatenate3A_1301 = tpu.concatenate %slice3A_1299, %slice3A_1300 in 1 : vector<64x4xf32>, vector<64x124xf32> -> vector<64x128xf32>
    %slice3A_1302 = vector.extract_strided_slice %select_n3A_1297 {offsets = [0, 4], sizes = [64, 124], strides = [1, 1]} : vector<64x128xf32> to vector<64x124xf32>
    %slice3A_1303 = vector.extract_strided_slice %select_n3A_1297 {offsets = [0, 0], sizes = [64, 4], strides = [1, 1]} : vector<64x128xf32> to vector<64x4xf32>
    %concatenate3A_1304 = tpu.concatenate %slice3A_1302, %slice3A_1303 in 1 : vector<64x124xf32>, vector<64x4xf32> -> vector<64x128xf32>
    %slice3A_1305 = vector.extract_strided_slice %select_n3A_1298 {offsets = [0, 124], sizes = [64, 4], strides = [1, 1]} : vector<64x128xi32> to vector<64x4xi32>
    %slice3A_1306 = vector.extract_strided_slice %select_n3A_1298 {offsets = [0, 0], sizes = [64, 124], strides = [1, 1]} : vector<64x128xi32> to vector<64x124xi32>
    %concatenate3A_1307 = tpu.concatenate %slice3A_1305, %slice3A_1306 in 1 : vector<64x4xi32>, vector<64x124xi32> -> vector<64x128xi32>
    %slice3A_1308 = vector.extract_strided_slice %select_n3A_1298 {offsets = [0, 4], sizes = [64, 124], strides = [1, 1]} : vector<64x128xi32> to vector<64x124xi32>
    %slice3A_1309 = vector.extract_strided_slice %select_n3A_1298 {offsets = [0, 0], sizes = [64, 4], strides = [1, 1]} : vector<64x128xi32> to vector<64x4xi32>
    %concatenate3A_1310 = tpu.concatenate %slice3A_1308, %slice3A_1309 in 1 : vector<64x124xi32>, vector<64x4xi32> -> vector<64x128xi32>
    %and3A_1311 = arith.constant 4 : i32
    %and3A_1312 = vector.broadcast %and3A_1311 : i32 to vector<64x128xi32>
    %and3A_1313 = arith.andi %add3A, %and3A_1312 : vector<64x128xi32>
    %ne3A_1314 = arith.constant 0 : i32
    %ne3A_1315 = vector.broadcast %ne3A_1314 : i32 to vector<64x128xi32>
    %ne3A_1316 = arith.cmpi ne, %and3A_1313, %ne3A_1315 : vector<64x128xi32>
    %select_n3A_1317 = arith.select %ne3A_1316, %concatenate3A_1301, %concatenate3A_1304 : vector<64x128xi1>, vector<64x128xf32>
    %select_n3A_1318 = arith.select %ne3A_1316, %concatenate3A_1307, %concatenate3A_1310 : vector<64x128xi1>, vector<64x128xi32>
    %gt3A_1319 = arith.cmpf ogt, %select_n3A_1317, %select_n3A_1297 : vector<64x128xf32>
    %eq3A_1320 = arith.cmpf oeq, %select_n3A_1317, %select_n3A_1297 : vector<64x128xf32>
    %lt3A_1321 = arith.cmpi slt, %select_n3A_1318, %select_n3A_1298 : vector<64x128xi32>
    %and3A_1322 = arith.andi %eq3A_1320, %lt3A_1321 : vector<64x128xi1>
    %or3A_1323 = arith.ori %gt3A_1319, %and3A_1322 : vector<64x128xi1>
    %ne3A_1324 = arith.xori %or3A_1323, %ne3A_1316 : vector<64x128xi1>
    %ne3A_1325 = arith.xori %ne3A_1324, %ne3A_1124 : vector<64x128xi1>
    %select_n3A_1326 = arith.select %ne3A_1325, %select_n3A_1317, %select_n3A_1297 : vector<64x128xi1>, vector<64x128xf32>
    %select_n3A_1327 = arith.select %ne3A_1325, %select_n3A_1318, %select_n3A_1298 : vector<64x128xi1>, vector<64x128xi32>
    %slice3A_1328 = vector.extract_strided_slice %select_n3A_1326 {offsets = [0, 126], sizes = [64, 2], strides = [1, 1]} : vector<64x128xf32> to vector<64x2xf32>
    %slice3A_1329 = vector.extract_strided_slice %select_n3A_1326 {offsets = [0, 0], sizes = [64, 126], strides = [1, 1]} : vector<64x128xf32> to vector<64x126xf32>
    %concatenate3A_1330 = tpu.concatenate %slice3A_1328, %slice3A_1329 in 1 : vector<64x2xf32>, vector<64x126xf32> -> vector<64x128xf32>
    %slice3A_1331 = vector.extract_strided_slice %select_n3A_1326 {offsets = [0, 2], sizes = [64, 126], strides = [1, 1]} : vector<64x128xf32> to vector<64x126xf32>
    %slice3A_1332 = vector.extract_strided_slice %select_n3A_1326 {offsets = [0, 0], sizes = [64, 2], strides = [1, 1]} : vector<64x128xf32> to vector<64x2xf32>
    %concatenate3A_1333 = tpu.concatenate %slice3A_1331, %slice3A_1332 in 1 : vector<64x126xf32>, vector<64x2xf32> -> vector<64x128xf32>
    %slice3A_1334 = vector.extract_strided_slice %select_n3A_1327 {offsets = [0, 126], sizes = [64, 2], strides = [1, 1]} : vector<64x128xi32> to vector<64x2xi32>
    %slice3A_1335 = vector.extract_strided_slice %select_n3A_1327 {offsets = [0, 0], sizes = [64, 126], strides = [1, 1]} : vector<64x128xi32> to vector<64x126xi32>
    %concatenate3A_1336 = tpu.concatenate %slice3A_1334, %slice3A_1335 in 1 : vector<64x2xi32>, vector<64x126xi32> -> vector<64x128xi32>
    %slice3A_1337 = vector.extract_strided_slice %select_n3A_1327 {offsets = [0, 2], sizes = [64, 126], strides = [1, 1]} : vector<64x128xi32> to vector<64x126xi32>
    %slice3A_1338 = vector.extract_strided_slice %select_n3A_1327 {offsets = [0, 0], sizes = [64, 2], strides = [1, 1]} : vector<64x128xi32> to vector<64x2xi32>
    %concatenate3A_1339 = tpu.concatenate %slice3A_1337, %slice3A_1338 in 1 : vector<64x126xi32>, vector<64x2xi32> -> vector<64x128xi32>
    %and3A_1340 = arith.constant 2 : i32
    %and3A_1341 = vector.broadcast %and3A_1340 : i32 to vector<64x128xi32>
    %and3A_1342 = arith.andi %add3A, %and3A_1341 : vector<64x128xi32>
    %ne3A_1343 = arith.constant 0 : i32
    %ne3A_1344 = vector.broadcast %ne3A_1343 : i32 to vector<64x128xi32>
    %ne3A_1345 = arith.cmpi ne, %and3A_1342, %ne3A_1344 : vector<64x128xi32>
    %select_n3A_1346 = arith.select %ne3A_1345, %concatenate3A_1330, %concatenate3A_1333 : vector<64x128xi1>, vector<64x128xf32>
    %select_n3A_1347 = arith.select %ne3A_1345, %concatenate3A_1336, %concatenate3A_1339 : vector<64x128xi1>, vector<64x128xi32>
    %gt3A_1348 = arith.cmpf ogt, %select_n3A_1346, %select_n3A_1326 : vector<64x128xf32>
    %eq3A_1349 = arith.cmpf oeq, %select_n3A_1346, %select_n3A_1326 : vector<64x128xf32>
    %lt3A_1350 = arith.cmpi slt, %select_n3A_1347, %select_n3A_1327 : vector<64x128xi32>
    %and3A_1351 = arith.andi %eq3A_1349, %lt3A_1350 : vector<64x128xi1>
    %or3A_1352 = arith.ori %gt3A_1348, %and3A_1351 : vector<64x128xi1>
    %ne3A_1353 = arith.xori %or3A_1352, %ne3A_1345 : vector<64x128xi1>
    %ne3A_1354 = arith.xori %ne3A_1353, %ne3A_1124 : vector<64x128xi1>
    %select_n3A_1355 = arith.select %ne3A_1354, %select_n3A_1346, %select_n3A_1326 : vector<64x128xi1>, vector<64x128xf32>
    %select_n3A_1356 = arith.select %ne3A_1354, %select_n3A_1347, %select_n3A_1327 : vector<64x128xi1>, vector<64x128xi32>
    %slice3A_1357 = vector.extract_strided_slice %select_n3A_1355 {offsets = [0, 127], sizes = [64, 1], strides = [1, 1]} : vector<64x128xf32> to vector<64x1xf32>
    %slice3A_1358 = vector.extract_strided_slice %select_n3A_1355 {offsets = [0, 0], sizes = [64, 127], strides = [1, 1]} : vector<64x128xf32> to vector<64x127xf32>
    %concatenate3A_1359 = tpu.concatenate %slice3A_1357, %slice3A_1358 in 1 : vector<64x1xf32>, vector<64x127xf32> -> vector<64x128xf32>
    %slice3A_1360 = vector.extract_strided_slice %select_n3A_1355 {offsets = [0, 1], sizes = [64, 127], strides = [1, 1]} : vector<64x128xf32> to vector<64x127xf32>
    %slice3A_1361 = vector.extract_strided_slice %select_n3A_1355 {offsets = [0, 0], sizes = [64, 1], strides = [1, 1]} : vector<64x128xf32> to vector<64x1xf32>
    %concatenate3A_1362 = tpu.concatenate %slice3A_1360, %slice3A_1361 in 1 : vector<64x127xf32>, vector<64x1xf32> -> vector<64x128xf32>
    %slice3A_1363 = vector.extract_strided_slice %select_n3A_1356 {offsets = [0, 127], sizes = [64, 1], strides = [1, 1]} : vector<64x128xi32> to vector<64x1xi32>
    %slice3A_1364 = vector.extract_strided_slice %select_n3A_1356 {offsets = [0, 0], sizes = [64, 127], strides = [1, 1]} : vector<64x128xi32> to vector<64x127xi32>
    %concatenate3A_1365 = tpu.concatenate %slice3A_1363, %slice3A_1364 in 1 : vector<64x1xi32>, vector<64x127xi32> -> vector<64x128xi32>
    %slice3A_1366 = vector.extract_strided_slice %select_n3A_1356 {offsets = [0, 1], sizes = [64, 127], strides = [1, 1]} : vector<64x128xi32> to vector<64x127xi32>
    %slice3A_1367 = vector.extract_strided_slice %select_n3A_1356 {offsets = [0, 0], sizes = [64, 1], strides = [1, 1]} : vector<64x128xi32> to vector<64x1xi32>
    %concatenate3A_1368 = tpu.concatenate %slice3A_1366, %slice3A_1367 in 1 : vector<64x127xi32>, vector<64x1xi32> -> vector<64x128xi32>
    %and3A_1369 = arith.constant 1 : i32
    %and3A_1370 = vector.broadcast %and3A_1369 : i32 to vector<64x128xi32>
    %and3A_1371 = arith.andi %add3A, %and3A_1370 : vector<64x128xi32>
    %ne3A_1372 = arith.constant 0 : i32
    %ne3A_1373 = vector.broadcast %ne3A_1372 : i32 to vector<64x128xi32>
    %ne3A_1374 = arith.cmpi ne, %and3A_1371, %ne3A_1373 : vector<64x128xi32>
    %select_n3A_1375 = arith.select %ne3A_1374, %concatenate3A_1359, %concatenate3A_1362 : vector<64x128xi1>, vector<64x128xf32>
    %select_n3A_1376 = arith.select %ne3A_1374, %concatenate3A_1365, %concatenate3A_1368 : vector<64x128xi1>, vector<64x128xi32>
    %gt3A_1377 = arith.cmpf ogt, %select_n3A_1375, %select_n3A_1355 : vector<64x128xf32>
    %eq3A_1378 = arith.cmpf oeq, %select_n3A_1375, %select_n3A_1355 : vector<64x128xf32>
    %lt3A_1379 = arith.cmpi slt, %select_n3A_1376, %select_n3A_1356 : vector<64x128xi32>
    %and3A_1380 = arith.andi %eq3A_1378, %lt3A_1379 : vector<64x128xi1>
    %or3A_1381 = arith.ori %gt3A_1377, %and3A_1380 : vector<64x128xi1>
    %ne3A_1382 = arith.xori %or3A_1381, %ne3A_1374 : vector<64x128xi1>
    %ne3A_1383 = arith.xori %ne3A_1382, %ne3A_1124 : vector<64x128xi1>
    %select_n3A_1384 = arith.select %ne3A_1383, %select_n3A_1375, %select_n3A_1355 : vector<64x128xi1>, vector<64x128xf32>
    %select_n3A_1385 = arith.select %ne3A_1383, %select_n3A_1376, %select_n3A_1356 : vector<64x128xi1>, vector<64x128xi32>
    %shift_right_arithmetic3A_1386 = arith.constant 10 : i32
    %shift_right_arithmetic3A_1387 = vector.broadcast %shift_right_arithmetic3A_1386 : i32 to vector<64x128xi32>
    %shift_right_arithmetic3A_1388 = arith.shrsi %add3A, %shift_right_arithmetic3A_1387 : vector<64x128xi32>
    %and3A_1389 = arith.constant 1 : i32
    %and3A_1390 = vector.broadcast %and3A_1389 : i32 to vector<64x128xi32>
    %and3A_1391 = arith.andi %shift_right_arithmetic3A_1388, %and3A_1390 : vector<64x128xi32>
    %ne3A_1392 = arith.constant 0 : i32
    %ne3A_1393 = vector.broadcast %ne3A_1392 : i32 to vector<64x128xi32>
    %ne3A_1394 = arith.cmpi ne, %and3A_1391, %ne3A_1393 : vector<64x128xi32>
    %slice3A_1395 = vector.extract_strided_slice %select_n3A_1384 {offsets = [60, 0], sizes = [4, 128], strides = [1, 1]} : vector<64x128xf32> to vector<4x128xf32>
    %slice3A_1396 = vector.extract_strided_slice %select_n3A_1384 {offsets = [0, 0], sizes = [60, 128], strides = [1, 1]} : vector<64x128xf32> to vector<60x128xf32>
    %concatenate3A_1397 = tpu.concatenate %slice3A_1395, %slice3A_1396 in 0 : vector<4x128xf32>, vector<60x128xf32> -> vector<64x128xf32>
    %slice3A_1398 = vector.extract_strided_slice %select_n3A_1384 {offsets = [4, 0], sizes = [60, 128], strides = [1, 1]} : vector<64x128xf32> to vector<60x128xf32>
    %slice3A_1399 = vector.extract_strided_slice %select_n3A_1384 {offsets = [0, 0], sizes = [4, 128], strides = [1, 1]} : vector<64x128xf32> to vector<4x128xf32>
    %concatenate3A_1400 = tpu.concatenate %slice3A_1398, %slice3A_1399 in 0 : vector<60x128xf32>, vector<4x128xf32> -> vector<64x128xf32>
    %slice3A_1401 = vector.extract_strided_slice %select_n3A_1385 {offsets = [60, 0], sizes = [4, 128], strides = [1, 1]} : vector<64x128xi32> to vector<4x128xi32>
    %slice3A_1402 = vector.extract_strided_slice %select_n3A_1385 {offsets = [0, 0], sizes = [60, 128], strides = [1, 1]} : vector<64x128xi32> to vector<60x128xi32>
    %concatenate3A_1403 = tpu.concatenate %slice3A_1401, %slice3A_1402 in 0 : vector<4x128xi32>, vector<60x128xi32> -> vector<64x128xi32>
    %slice3A_1404 = vector.extract_strided_slice %select_n3A_1385 {offsets = [4, 0], sizes = [60, 128], strides = [1, 1]} : vector<64x128xi32> to vector<60x128xi32>
    %slice3A_1405 = vector.extract_strided_slice %select_n3A_1385 {offsets = [0, 0], sizes = [4, 128], strides = [1, 1]} : vector<64x128xi32> to vector<4x128xi32>
    %concatenate3A_1406 = tpu.concatenate %slice3A_1404, %slice3A_1405 in 0 : vector<60x128xi32>, vector<4x128xi32> -> vector<64x128xi32>
    %and3A_1407 = arith.constant 512 : i32
    %and3A_1408 = vector.broadcast %and3A_1407 : i32 to vector<64x128xi32>
    %and3A_1409 = arith.andi %add3A, %and3A_1408 : vector<64x128xi32>
    %ne3A_1410 = arith.constant 0 : i32
    %ne3A_1411 = vector.broadcast %ne3A_1410 : i32 to vector<64x128xi32>
    %ne3A_1412 = arith.cmpi ne, %and3A_1409, %ne3A_1411 : vector<64x128xi32>
    %select_n3A_1413 = arith.select %ne3A_1412, %concatenate3A_1397, %concatenate3A_1400 : vector<64x128xi1>, vector<64x128xf32>
    %select_n3A_1414 = arith.select %ne3A_1412, %concatenate3A_1403, %concatenate3A_1406 : vector<64x128xi1>, vector<64x128xi32>
    %gt3A_1415 = arith.cmpf ogt, %select_n3A_1413, %select_n3A_1384 : vector<64x128xf32>
    %eq3A_1416 = arith.cmpf oeq, %select_n3A_1413, %select_n3A_1384 : vector<64x128xf32>
    %lt3A_1417 = arith.cmpi slt, %select_n3A_1414, %select_n3A_1385 : vector<64x128xi32>
    %and3A_1418 = arith.andi %eq3A_1416, %lt3A_1417 : vector<64x128xi1>
    %or3A_1419 = arith.ori %gt3A_1415, %and3A_1418 : vector<64x128xi1>
    %ne3A_1420 = arith.xori %or3A_1419, %ne3A_1412 : vector<64x128xi1>
    %ne3A_1421 = arith.xori %ne3A_1420, %ne3A_1394 : vector<64x128xi1>
    %select_n3A_1422 = arith.select %ne3A_1421, %select_n3A_1413, %select_n3A_1384 : vector<64x128xi1>, vector<64x128xf32>
    %select_n3A_1423 = arith.select %ne3A_1421, %select_n3A_1414, %select_n3A_1385 : vector<64x128xi1>, vector<64x128xi32>
    %slice3A_1424 = vector.extract_strided_slice %select_n3A_1422 {offsets = [62, 0], sizes = [2, 128], strides = [1, 1]} : vector<64x128xf32> to vector<2x128xf32>
    %slice3A_1425 = vector.extract_strided_slice %select_n3A_1422 {offsets = [0, 0], sizes = [62, 128], strides = [1, 1]} : vector<64x128xf32> to vector<62x128xf32>
    %concatenate3A_1426 = tpu.concatenate %slice3A_1424, %slice3A_1425 in 0 : vector<2x128xf32>, vector<62x128xf32> -> vector<64x128xf32>
    %slice3A_1427 = vector.extract_strided_slice %select_n3A_1422 {offsets = [2, 0], sizes = [62, 128], strides = [1, 1]} : vector<64x128xf32> to vector<62x128xf32>
    %slice3A_1428 = vector.extract_strided_slice %select_n3A_1422 {offsets = [0, 0], sizes = [2, 128], strides = [1, 1]} : vector<64x128xf32> to vector<2x128xf32>
    %concatenate3A_1429 = tpu.concatenate %slice3A_1427, %slice3A_1428 in 0 : vector<62x128xf32>, vector<2x128xf32> -> vector<64x128xf32>
    %slice3A_1430 = vector.extract_strided_slice %select_n3A_1423 {offsets = [62, 0], sizes = [2, 128], strides = [1, 1]} : vector<64x128xi32> to vector<2x128xi32>
    %slice3A_1431 = vector.extract_strided_slice %select_n3A_1423 {offsets = [0, 0], sizes = [62, 128], strides = [1, 1]} : vector<64x128xi32> to vector<62x128xi32>
    %concatenate3A_1432 = tpu.concatenate %slice3A_1430, %slice3A_1431 in 0 : vector<2x128xi32>, vector<62x128xi32> -> vector<64x128xi32>
    %slice3A_1433 = vector.extract_strided_slice %select_n3A_1423 {offsets = [2, 0], sizes = [62, 128], strides = [1, 1]} : vector<64x128xi32> to vector<62x128xi32>
    %slice3A_1434 = vector.extract_strided_slice %select_n3A_1423 {offsets = [0, 0], sizes = [2, 128], strides = [1, 1]} : vector<64x128xi32> to vector<2x128xi32>
    %concatenate3A_1435 = tpu.concatenate %slice3A_1433, %slice3A_1434 in 0 : vector<62x128xi32>, vector<2x128xi32> -> vector<64x128xi32>
    %and3A_1436 = arith.constant 256 : i32
    %and3A_1437 = vector.broadcast %and3A_1436 : i32 to vector<64x128xi32>
    %and3A_1438 = arith.andi %add3A, %and3A_1437 : vector<64x128xi32>
    %ne3A_1439 = arith.constant 0 : i32
    %ne3A_1440 = vector.broadcast %ne3A_1439 : i32 to vector<64x128xi32>
    %ne3A_1441 = arith.cmpi ne, %and3A_1438, %ne3A_1440 : vector<64x128xi32>
    %select_n3A_1442 = arith.select %ne3A_1441, %concatenate3A_1426, %concatenate3A_1429 : vector<64x128xi1>, vector<64x128xf32>
    %select_n3A_1443 = arith.select %ne3A_1441, %concatenate3A_1432, %concatenate3A_1435 : vector<64x128xi1>, vector<64x128xi32>
    %gt3A_1444 = arith.cmpf ogt, %select_n3A_1442, %select_n3A_1422 : vector<64x128xf32>
    %eq3A_1445 = arith.cmpf oeq, %select_n3A_1442, %select_n3A_1422 : vector<64x128xf32>
    %lt3A_1446 = arith.cmpi slt, %select_n3A_1443, %select_n3A_1423 : vector<64x128xi32>
    %and3A_1447 = arith.andi %eq3A_1445, %lt3A_1446 : vector<64x128xi1>
    %or3A_1448 = arith.ori %gt3A_1444, %and3A_1447 : vector<64x128xi1>
    %ne3A_1449 = arith.xori %or3A_1448, %ne3A_1441 : vector<64x128xi1>
    %ne3A_1450 = arith.xori %ne3A_1449, %ne3A_1394 : vector<64x128xi1>
    %select_n3A_1451 = arith.select %ne3A_1450, %select_n3A_1442, %select_n3A_1422 : vector<64x128xi1>, vector<64x128xf32>
    %select_n3A_1452 = arith.select %ne3A_1450, %select_n3A_1443, %select_n3A_1423 : vector<64x128xi1>, vector<64x128xi32>
    %slice3A_1453 = vector.extract_strided_slice %select_n3A_1451 {offsets = [63, 0], sizes = [1, 128], strides = [1, 1]} : vector<64x128xf32> to vector<1x128xf32>
    %slice3A_1454 = vector.extract_strided_slice %select_n3A_1451 {offsets = [0, 0], sizes = [63, 128], strides = [1, 1]} : vector<64x128xf32> to vector<63x128xf32>
    %concatenate3A_1455 = tpu.concatenate %slice3A_1453, %slice3A_1454 in 0 : vector<1x128xf32>, vector<63x128xf32> -> vector<64x128xf32>
    %slice3A_1456 = vector.extract_strided_slice %select_n3A_1451 {offsets = [1, 0], sizes = [63, 128], strides = [1, 1]} : vector<64x128xf32> to vector<63x128xf32>
    %slice3A_1457 = vector.extract_strided_slice %select_n3A_1451 {offsets = [0, 0], sizes = [1, 128], strides = [1, 1]} : vector<64x128xf32> to vector<1x128xf32>
    %concatenate3A_1458 = tpu.concatenate %slice3A_1456, %slice3A_1457 in 0 : vector<63x128xf32>, vector<1x128xf32> -> vector<64x128xf32>
    %slice3A_1459 = vector.extract_strided_slice %select_n3A_1452 {offsets = [63, 0], sizes = [1, 128], strides = [1, 1]} : vector<64x128xi32> to vector<1x128xi32>
    %slice3A_1460 = vector.extract_strided_slice %select_n3A_1452 {offsets = [0, 0], sizes = [63, 128], strides = [1, 1]} : vector<64x128xi32> to vector<63x128xi32>
    %concatenate3A_1461 = tpu.concatenate %slice3A_1459, %slice3A_1460 in 0 : vector<1x128xi32>, vector<63x128xi32> -> vector<64x128xi32>
    %slice3A_1462 = vector.extract_strided_slice %select_n3A_1452 {offsets = [1, 0], sizes = [63, 128], strides = [1, 1]} : vector<64x128xi32> to vector<63x128xi32>
    %slice3A_1463 = vector.extract_strided_slice %select_n3A_1452 {offsets = [0, 0], sizes = [1, 128], strides = [1, 1]} : vector<64x128xi32> to vector<1x128xi32>
    %concatenate3A_1464 = tpu.concatenate %slice3A_1462, %slice3A_1463 in 0 : vector<63x128xi32>, vector<1x128xi32> -> vector<64x128xi32>
    %and3A_1465 = arith.constant 128 : i32
    %and3A_1466 = vector.broadcast %and3A_1465 : i32 to vector<64x128xi32>
    %and3A_1467 = arith.andi %add3A, %and3A_1466 : vector<64x128xi32>
    %ne3A_1468 = arith.constant 0 : i32
    %ne3A_1469 = vector.broadcast %ne3A_1468 : i32 to vector<64x128xi32>
    %ne3A_1470 = arith.cmpi ne, %and3A_1467, %ne3A_1469 : vector<64x128xi32>
    %select_n3A_1471 = arith.select %ne3A_1470, %concatenate3A_1455, %concatenate3A_1458 : vector<64x128xi1>, vector<64x128xf32>
    %select_n3A_1472 = arith.select %ne3A_1470, %concatenate3A_1461, %concatenate3A_1464 : vector<64x128xi1>, vector<64x128xi32>
    %gt3A_1473 = arith.cmpf ogt, %select_n3A_1471, %select_n3A_1451 : vector<64x128xf32>
    %eq3A_1474 = arith.cmpf oeq, %select_n3A_1471, %select_n3A_1451 : vector<64x128xf32>
    %lt3A_1475 = arith.cmpi slt, %select_n3A_1472, %select_n3A_1452 : vector<64x128xi32>
    %and3A_1476 = arith.andi %eq3A_1474, %lt3A_1475 : vector<64x128xi1>
    %or3A_1477 = arith.ori %gt3A_1473, %and3A_1476 : vector<64x128xi1>
    %ne3A_1478 = arith.xori %or3A_1477, %ne3A_1470 : vector<64x128xi1>
    %ne3A_1479 = arith.xori %ne3A_1478, %ne3A_1394 : vector<64x128xi1>
    %select_n3A_1480 = arith.select %ne3A_1479, %select_n3A_1471, %select_n3A_1451 : vector<64x128xi1>, vector<64x128xf32>
    %select_n3A_1481 = arith.select %ne3A_1479, %select_n3A_1472, %select_n3A_1452 : vector<64x128xi1>, vector<64x128xi32>
    %slice3A_1482 = vector.extract_strided_slice %select_n3A_1480 {offsets = [0, 64], sizes = [64, 64], strides = [1, 1]} : vector<64x128xf32> to vector<64x64xf32>
    %slice3A_1483 = vector.extract_strided_slice %select_n3A_1480 {offsets = [0, 0], sizes = [64, 64], strides = [1, 1]} : vector<64x128xf32> to vector<64x64xf32>
    %concatenate3A_1484 = tpu.concatenate %slice3A_1482, %slice3A_1483 in 1 : vector<64x64xf32>, vector<64x64xf32> -> vector<64x128xf32>
    %slice3A_1485 = vector.extract_strided_slice %select_n3A_1480 {offsets = [0, 64], sizes = [64, 64], strides = [1, 1]} : vector<64x128xf32> to vector<64x64xf32>
    %slice3A_1486 = vector.extract_strided_slice %select_n3A_1480 {offsets = [0, 0], sizes = [64, 64], strides = [1, 1]} : vector<64x128xf32> to vector<64x64xf32>
    %concatenate3A_1487 = tpu.concatenate %slice3A_1485, %slice3A_1486 in 1 : vector<64x64xf32>, vector<64x64xf32> -> vector<64x128xf32>
    %slice3A_1488 = vector.extract_strided_slice %select_n3A_1481 {offsets = [0, 64], sizes = [64, 64], strides = [1, 1]} : vector<64x128xi32> to vector<64x64xi32>
    %slice3A_1489 = vector.extract_strided_slice %select_n3A_1481 {offsets = [0, 0], sizes = [64, 64], strides = [1, 1]} : vector<64x128xi32> to vector<64x64xi32>
    %concatenate3A_1490 = tpu.concatenate %slice3A_1488, %slice3A_1489 in 1 : vector<64x64xi32>, vector<64x64xi32> -> vector<64x128xi32>
    %slice3A_1491 = vector.extract_strided_slice %select_n3A_1481 {offsets = [0, 64], sizes = [64, 64], strides = [1, 1]} : vector<64x128xi32> to vector<64x64xi32>
    %slice3A_1492 = vector.extract_strided_slice %select_n3A_1481 {offsets = [0, 0], sizes = [64, 64], strides = [1, 1]} : vector<64x128xi32> to vector<64x64xi32>
    %concatenate3A_1493 = tpu.concatenate %slice3A_1491, %slice3A_1492 in 1 : vector<64x64xi32>, vector<64x64xi32> -> vector<64x128xi32>
    %and3A_1494 = arith.constant 64 : i32
    %and3A_1495 = vector.broadcast %and3A_1494 : i32 to vector<64x128xi32>
    %and3A_1496 = arith.andi %add3A, %and3A_1495 : vector<64x128xi32>
    %ne3A_1497 = arith.constant 0 : i32
    %ne3A_1498 = vector.broadcast %ne3A_1497 : i32 to vector<64x128xi32>
    %ne3A_1499 = arith.cmpi ne, %and3A_1496, %ne3A_1498 : vector<64x128xi32>
    %select_n3A_1500 = arith.select %ne3A_1499, %concatenate3A_1484, %concatenate3A_1487 : vector<64x128xi1>, vector<64x128xf32>
    %select_n3A_1501 = arith.select %ne3A_1499, %concatenate3A_1490, %concatenate3A_1493 : vector<64x128xi1>, vector<64x128xi32>
    %gt3A_1502 = arith.cmpf ogt, %select_n3A_1500, %select_n3A_1480 : vector<64x128xf32>
    %eq3A_1503 = arith.cmpf oeq, %select_n3A_1500, %select_n3A_1480 : vector<64x128xf32>
    %lt3A_1504 = arith.cmpi slt, %select_n3A_1501, %select_n3A_1481 : vector<64x128xi32>
    %and3A_1505 = arith.andi %eq3A_1503, %lt3A_1504 : vector<64x128xi1>
    %or3A_1506 = arith.ori %gt3A_1502, %and3A_1505 : vector<64x128xi1>
    %ne3A_1507 = arith.xori %or3A_1506, %ne3A_1499 : vector<64x128xi1>
    %ne3A_1508 = arith.xori %ne3A_1507, %ne3A_1394 : vector<64x128xi1>
    %select_n3A_1509 = arith.select %ne3A_1508, %select_n3A_1500, %select_n3A_1480 : vector<64x128xi1>, vector<64x128xf32>
    %select_n3A_1510 = arith.select %ne3A_1508, %select_n3A_1501, %select_n3A_1481 : vector<64x128xi1>, vector<64x128xi32>
    %slice3A_1511 = vector.extract_strided_slice %select_n3A_1509 {offsets = [0, 96], sizes = [64, 32], strides = [1, 1]} : vector<64x128xf32> to vector<64x32xf32>
    %slice3A_1512 = vector.extract_strided_slice %select_n3A_1509 {offsets = [0, 0], sizes = [64, 96], strides = [1, 1]} : vector<64x128xf32> to vector<64x96xf32>
    %concatenate3A_1513 = tpu.concatenate %slice3A_1511, %slice3A_1512 in 1 : vector<64x32xf32>, vector<64x96xf32> -> vector<64x128xf32>
    %slice3A_1514 = vector.extract_strided_slice %select_n3A_1509 {offsets = [0, 32], sizes = [64, 96], strides = [1, 1]} : vector<64x128xf32> to vector<64x96xf32>
    %slice3A_1515 = vector.extract_strided_slice %select_n3A_1509 {offsets = [0, 0], sizes = [64, 32], strides = [1, 1]} : vector<64x128xf32> to vector<64x32xf32>
    %concatenate3A_1516 = tpu.concatenate %slice3A_1514, %slice3A_1515 in 1 : vector<64x96xf32>, vector<64x32xf32> -> vector<64x128xf32>
    %slice3A_1517 = vector.extract_strided_slice %select_n3A_1510 {offsets = [0, 96], sizes = [64, 32], strides = [1, 1]} : vector<64x128xi32> to vector<64x32xi32>
    %slice3A_1518 = vector.extract_strided_slice %select_n3A_1510 {offsets = [0, 0], sizes = [64, 96], strides = [1, 1]} : vector<64x128xi32> to vector<64x96xi32>
    %concatenate3A_1519 = tpu.concatenate %slice3A_1517, %slice3A_1518 in 1 : vector<64x32xi32>, vector<64x96xi32> -> vector<64x128xi32>
    %slice3A_1520 = vector.extract_strided_slice %select_n3A_1510 {offsets = [0, 32], sizes = [64, 96], strides = [1, 1]} : vector<64x128xi32> to vector<64x96xi32>
    %slice3A_1521 = vector.extract_strided_slice %select_n3A_1510 {offsets = [0, 0], sizes = [64, 32], strides = [1, 1]} : vector<64x128xi32> to vector<64x32xi32>
    %concatenate3A_1522 = tpu.concatenate %slice3A_1520, %slice3A_1521 in 1 : vector<64x96xi32>, vector<64x32xi32> -> vector<64x128xi32>
    %and3A_1523 = arith.constant 32 : i32
    %and3A_1524 = vector.broadcast %and3A_1523 : i32 to vector<64x128xi32>
    %and3A_1525 = arith.andi %add3A, %and3A_1524 : vector<64x128xi32>
    %ne3A_1526 = arith.constant 0 : i32
    %ne3A_1527 = vector.broadcast %ne3A_1526 : i32 to vector<64x128xi32>
    %ne3A_1528 = arith.cmpi ne, %and3A_1525, %ne3A_1527 : vector<64x128xi32>
    %select_n3A_1529 = arith.select %ne3A_1528, %concatenate3A_1513, %concatenate3A_1516 : vector<64x128xi1>, vector<64x128xf32>
    %select_n3A_1530 = arith.select %ne3A_1528, %concatenate3A_1519, %concatenate3A_1522 : vector<64x128xi1>, vector<64x128xi32>
    %gt3A_1531 = arith.cmpf ogt, %select_n3A_1529, %select_n3A_1509 : vector<64x128xf32>
    %eq3A_1532 = arith.cmpf oeq, %select_n3A_1529, %select_n3A_1509 : vector<64x128xf32>
    %lt3A_1533 = arith.cmpi slt, %select_n3A_1530, %select_n3A_1510 : vector<64x128xi32>
    %and3A_1534 = arith.andi %eq3A_1532, %lt3A_1533 : vector<64x128xi1>
    %or3A_1535 = arith.ori %gt3A_1531, %and3A_1534 : vector<64x128xi1>
    %ne3A_1536 = arith.xori %or3A_1535, %ne3A_1528 : vector<64x128xi1>
    %ne3A_1537 = arith.xori %ne3A_1536, %ne3A_1394 : vector<64x128xi1>
    %select_n3A_1538 = arith.select %ne3A_1537, %select_n3A_1529, %select_n3A_1509 : vector<64x128xi1>, vector<64x128xf32>
    %select_n3A_1539 = arith.select %ne3A_1537, %select_n3A_1530, %select_n3A_1510 : vector<64x128xi1>, vector<64x128xi32>
    %slice3A_1540 = vector.extract_strided_slice %select_n3A_1538 {offsets = [0, 112], sizes = [64, 16], strides = [1, 1]} : vector<64x128xf32> to vector<64x16xf32>
    %slice3A_1541 = vector.extract_strided_slice %select_n3A_1538 {offsets = [0, 0], sizes = [64, 112], strides = [1, 1]} : vector<64x128xf32> to vector<64x112xf32>
    %concatenate3A_1542 = tpu.concatenate %slice3A_1540, %slice3A_1541 in 1 : vector<64x16xf32>, vector<64x112xf32> -> vector<64x128xf32>
    %slice3A_1543 = vector.extract_strided_slice %select_n3A_1538 {offsets = [0, 16], sizes = [64, 112], strides = [1, 1]} : vector<64x128xf32> to vector<64x112xf32>
    %slice3A_1544 = vector.extract_strided_slice %select_n3A_1538 {offsets = [0, 0], sizes = [64, 16], strides = [1, 1]} : vector<64x128xf32> to vector<64x16xf32>
    %concatenate3A_1545 = tpu.concatenate %slice3A_1543, %slice3A_1544 in 1 : vector<64x112xf32>, vector<64x16xf32> -> vector<64x128xf32>
    %slice3A_1546 = vector.extract_strided_slice %select_n3A_1539 {offsets = [0, 112], sizes = [64, 16], strides = [1, 1]} : vector<64x128xi32> to vector<64x16xi32>
    %slice3A_1547 = vector.extract_strided_slice %select_n3A_1539 {offsets = [0, 0], sizes = [64, 112], strides = [1, 1]} : vector<64x128xi32> to vector<64x112xi32>
    %concatenate3A_1548 = tpu.concatenate %slice3A_1546, %slice3A_1547 in 1 : vector<64x16xi32>, vector<64x112xi32> -> vector<64x128xi32>
    %slice3A_1549 = vector.extract_strided_slice %select_n3A_1539 {offsets = [0, 16], sizes = [64, 112], strides = [1, 1]} : vector<64x128xi32> to vector<64x112xi32>
    %slice3A_1550 = vector.extract_strided_slice %select_n3A_1539 {offsets = [0, 0], sizes = [64, 16], strides = [1, 1]} : vector<64x128xi32> to vector<64x16xi32>
    %concatenate3A_1551 = tpu.concatenate %slice3A_1549, %slice3A_1550 in 1 : vector<64x112xi32>, vector<64x16xi32> -> vector<64x128xi32>
    %and3A_1552 = arith.constant 16 : i32
    %and3A_1553 = vector.broadcast %and3A_1552 : i32 to vector<64x128xi32>
    %and3A_1554 = arith.andi %add3A, %and3A_1553 : vector<64x128xi32>
    %ne3A_1555 = arith.constant 0 : i32
    %ne3A_1556 = vector.broadcast %ne3A_1555 : i32 to vector<64x128xi32>
    %ne3A_1557 = arith.cmpi ne, %and3A_1554, %ne3A_1556 : vector<64x128xi32>
    %select_n3A_1558 = arith.select %ne3A_1557, %concatenate3A_1542, %concatenate3A_1545 : vector<64x128xi1>, vector<64x128xf32>
    %select_n3A_1559 = arith.select %ne3A_1557, %concatenate3A_1548, %concatenate3A_1551 : vector<64x128xi1>, vector<64x128xi32>
    %gt3A_1560 = arith.cmpf ogt, %select_n3A_1558, %select_n3A_1538 : vector<64x128xf32>
    %eq3A_1561 = arith.cmpf oeq, %select_n3A_1558, %select_n3A_1538 : vector<64x128xf32>
    %lt3A_1562 = arith.cmpi slt, %select_n3A_1559, %select_n3A_1539 : vector<64x128xi32>
    %and3A_1563 = arith.andi %eq3A_1561, %lt3A_1562 : vector<64x128xi1>
    %or3A_1564 = arith.ori %gt3A_1560, %and3A_1563 : vector<64x128xi1>
    %ne3A_1565 = arith.xori %or3A_1564, %ne3A_1557 : vector<64x128xi1>
    %ne3A_1566 = arith.xori %ne3A_1565, %ne3A_1394 : vector<64x128xi1>
    %select_n3A_1567 = arith.select %ne3A_1566, %select_n3A_1558, %select_n3A_1538 : vector<64x128xi1>, vector<64x128xf32>
    %select_n3A_1568 = arith.select %ne3A_1566, %select_n3A_1559, %select_n3A_1539 : vector<64x128xi1>, vector<64x128xi32>
    %slice3A_1569 = vector.extract_strided_slice %select_n3A_1567 {offsets = [0, 120], sizes = [64, 8], strides = [1, 1]} : vector<64x128xf32> to vector<64x8xf32>
    %slice3A_1570 = vector.extract_strided_slice %select_n3A_1567 {offsets = [0, 0], sizes = [64, 120], strides = [1, 1]} : vector<64x128xf32> to vector<64x120xf32>
    %concatenate3A_1571 = tpu.concatenate %slice3A_1569, %slice3A_1570 in 1 : vector<64x8xf32>, vector<64x120xf32> -> vector<64x128xf32>
    %slice3A_1572 = vector.extract_strided_slice %select_n3A_1567 {offsets = [0, 8], sizes = [64, 120], strides = [1, 1]} : vector<64x128xf32> to vector<64x120xf32>
    %slice3A_1573 = vector.extract_strided_slice %select_n3A_1567 {offsets = [0, 0], sizes = [64, 8], strides = [1, 1]} : vector<64x128xf32> to vector<64x8xf32>
    %concatenate3A_1574 = tpu.concatenate %slice3A_1572, %slice3A_1573 in 1 : vector<64x120xf32>, vector<64x8xf32> -> vector<64x128xf32>
    %slice3A_1575 = vector.extract_strided_slice %select_n3A_1568 {offsets = [0, 120], sizes = [64, 8], strides = [1, 1]} : vector<64x128xi32> to vector<64x8xi32>
    %slice3A_1576 = vector.extract_strided_slice %select_n3A_1568 {offsets = [0, 0], sizes = [64, 120], strides = [1, 1]} : vector<64x128xi32> to vector<64x120xi32>
    %concatenate3A_1577 = tpu.concatenate %slice3A_1575, %slice3A_1576 in 1 : vector<64x8xi32>, vector<64x120xi32> -> vector<64x128xi32>
    %slice3A_1578 = vector.extract_strided_slice %select_n3A_1568 {offsets = [0, 8], sizes = [64, 120], strides = [1, 1]} : vector<64x128xi32> to vector<64x120xi32>
    %slice3A_1579 = vector.extract_strided_slice %select_n3A_1568 {offsets = [0, 0], sizes = [64, 8], strides = [1, 1]} : vector<64x128xi32> to vector<64x8xi32>
    %concatenate3A_1580 = tpu.concatenate %slice3A_1578, %slice3A_1579 in 1 : vector<64x120xi32>, vector<64x8xi32> -> vector<64x128xi32>
    %and3A_1581 = arith.constant 8 : i32
    %and3A_1582 = vector.broadcast %and3A_1581 : i32 to vector<64x128xi32>
    %and3A_1583 = arith.andi %add3A, %and3A_1582 : vector<64x128xi32>
    %ne3A_1584 = arith.constant 0 : i32
    %ne3A_1585 = vector.broadcast %ne3A_1584 : i32 to vector<64x128xi32>
    %ne3A_1586 = arith.cmpi ne, %and3A_1583, %ne3A_1585 : vector<64x128xi32>
    %select_n3A_1587 = arith.select %ne3A_1586, %concatenate3A_1571, %concatenate3A_1574 : vector<64x128xi1>, vector<64x128xf32>
    %select_n3A_1588 = arith.select %ne3A_1586, %concatenate3A_1577, %concatenate3A_1580 : vector<64x128xi1>, vector<64x128xi32>
    %gt3A_1589 = arith.cmpf ogt, %select_n3A_1587, %select_n3A_1567 : vector<64x128xf32>
    %eq3A_1590 = arith.cmpf oeq, %select_n3A_1587, %select_n3A_1567 : vector<64x128xf32>
    %lt3A_1591 = arith.cmpi slt, %select_n3A_1588, %select_n3A_1568 : vector<64x128xi32>
    %and3A_1592 = arith.andi %eq3A_1590, %lt3A_1591 : vector<64x128xi1>
    %or3A_1593 = arith.ori %gt3A_1589, %and3A_1592 : vector<64x128xi1>
    %ne3A_1594 = arith.xori %or3A_1593, %ne3A_1586 : vector<64x128xi1>
    %ne3A_1595 = arith.xori %ne3A_1594, %ne3A_1394 : vector<64x128xi1>
    %select_n3A_1596 = arith.select %ne3A_1595, %select_n3A_1587, %select_n3A_1567 : vector<64x128xi1>, vector<64x128xf32>
    %select_n3A_1597 = arith.select %ne3A_1595, %select_n3A_1588, %select_n3A_1568 : vector<64x128xi1>, vector<64x128xi32>
    %slice3A_1598 = vector.extract_strided_slice %select_n3A_1596 {offsets = [0, 124], sizes = [64, 4], strides = [1, 1]} : vector<64x128xf32> to vector<64x4xf32>
    %slice3A_1599 = vector.extract_strided_slice %select_n3A_1596 {offsets = [0, 0], sizes = [64, 124], strides = [1, 1]} : vector<64x128xf32> to vector<64x124xf32>
    %concatenate3A_1600 = tpu.concatenate %slice3A_1598, %slice3A_1599 in 1 : vector<64x4xf32>, vector<64x124xf32> -> vector<64x128xf32>
    %slice3A_1601 = vector.extract_strided_slice %select_n3A_1596 {offsets = [0, 4], sizes = [64, 124], strides = [1, 1]} : vector<64x128xf32> to vector<64x124xf32>
    %slice3A_1602 = vector.extract_strided_slice %select_n3A_1596 {offsets = [0, 0], sizes = [64, 4], strides = [1, 1]} : vector<64x128xf32> to vector<64x4xf32>
    %concatenate3A_1603 = tpu.concatenate %slice3A_1601, %slice3A_1602 in 1 : vector<64x124xf32>, vector<64x4xf32> -> vector<64x128xf32>
    %slice3A_1604 = vector.extract_strided_slice %select_n3A_1597 {offsets = [0, 124], sizes = [64, 4], strides = [1, 1]} : vector<64x128xi32> to vector<64x4xi32>
    %slice3A_1605 = vector.extract_strided_slice %select_n3A_1597 {offsets = [0, 0], sizes = [64, 124], strides = [1, 1]} : vector<64x128xi32> to vector<64x124xi32>
    %concatenate3A_1606 = tpu.concatenate %slice3A_1604, %slice3A_1605 in 1 : vector<64x4xi32>, vector<64x124xi32> -> vector<64x128xi32>
    %slice3A_1607 = vector.extract_strided_slice %select_n3A_1597 {offsets = [0, 4], sizes = [64, 124], strides = [1, 1]} : vector<64x128xi32> to vector<64x124xi32>
    %slice3A_1608 = vector.extract_strided_slice %select_n3A_1597 {offsets = [0, 0], sizes = [64, 4], strides = [1, 1]} : vector<64x128xi32> to vector<64x4xi32>
    %concatenate3A_1609 = tpu.concatenate %slice3A_1607, %slice3A_1608 in 1 : vector<64x124xi32>, vector<64x4xi32> -> vector<64x128xi32>
    %and3A_1610 = arith.constant 4 : i32
    %and3A_1611 = vector.broadcast %and3A_1610 : i32 to vector<64x128xi32>
    %and3A_1612 = arith.andi %add3A, %and3A_1611 : vector<64x128xi32>
    %ne3A_1613 = arith.constant 0 : i32
    %ne3A_1614 = vector.broadcast %ne3A_1613 : i32 to vector<64x128xi32>
    %ne3A_1615 = arith.cmpi ne, %and3A_1612, %ne3A_1614 : vector<64x128xi32>
    %select_n3A_1616 = arith.select %ne3A_1615, %concatenate3A_1600, %concatenate3A_1603 : vector<64x128xi1>, vector<64x128xf32>
    %select_n3A_1617 = arith.select %ne3A_1615, %concatenate3A_1606, %concatenate3A_1609 : vector<64x128xi1>, vector<64x128xi32>
    %gt3A_1618 = arith.cmpf ogt, %select_n3A_1616, %select_n3A_1596 : vector<64x128xf32>
    %eq3A_1619 = arith.cmpf oeq, %select_n3A_1616, %select_n3A_1596 : vector<64x128xf32>
    %lt3A_1620 = arith.cmpi slt, %select_n3A_1617, %select_n3A_1597 : vector<64x128xi32>
    %and3A_1621 = arith.andi %eq3A_1619, %lt3A_1620 : vector<64x128xi1>
    %or3A_1622 = arith.ori %gt3A_1618, %and3A_1621 : vector<64x128xi1>
    %ne3A_1623 = arith.xori %or3A_1622, %ne3A_1615 : vector<64x128xi1>
    %ne3A_1624 = arith.xori %ne3A_1623, %ne3A_1394 : vector<64x128xi1>
    %select_n3A_1625 = arith.select %ne3A_1624, %select_n3A_1616, %select_n3A_1596 : vector<64x128xi1>, vector<64x128xf32>
    %select_n3A_1626 = arith.select %ne3A_1624, %select_n3A_1617, %select_n3A_1597 : vector<64x128xi1>, vector<64x128xi32>
    %slice3A_1627 = vector.extract_strided_slice %select_n3A_1625 {offsets = [0, 126], sizes = [64, 2], strides = [1, 1]} : vector<64x128xf32> to vector<64x2xf32>
    %slice3A_1628 = vector.extract_strided_slice %select_n3A_1625 {offsets = [0, 0], sizes = [64, 126], strides = [1, 1]} : vector<64x128xf32> to vector<64x126xf32>
    %concatenate3A_1629 = tpu.concatenate %slice3A_1627, %slice3A_1628 in 1 : vector<64x2xf32>, vector<64x126xf32> -> vector<64x128xf32>
    %slice3A_1630 = vector.extract_strided_slice %select_n3A_1625 {offsets = [0, 2], sizes = [64, 126], strides = [1, 1]} : vector<64x128xf32> to vector<64x126xf32>
    %slice3A_1631 = vector.extract_strided_slice %select_n3A_1625 {offsets = [0, 0], sizes = [64, 2], strides = [1, 1]} : vector<64x128xf32> to vector<64x2xf32>
    %concatenate3A_1632 = tpu.concatenate %slice3A_1630, %slice3A_1631 in 1 : vector<64x126xf32>, vector<64x2xf32> -> vector<64x128xf32>
    %slice3A_1633 = vector.extract_strided_slice %select_n3A_1626 {offsets = [0, 126], sizes = [64, 2], strides = [1, 1]} : vector<64x128xi32> to vector<64x2xi32>
    %slice3A_1634 = vector.extract_strided_slice %select_n3A_1626 {offsets = [0, 0], sizes = [64, 126], strides = [1, 1]} : vector<64x128xi32> to vector<64x126xi32>
    %concatenate3A_1635 = tpu.concatenate %slice3A_1633, %slice3A_1634 in 1 : vector<64x2xi32>, vector<64x126xi32> -> vector<64x128xi32>
    %slice3A_1636 = vector.extract_strided_slice %select_n3A_1626 {offsets = [0, 2], sizes = [64, 126], strides = [1, 1]} : vector<64x128xi32> to vector<64x126xi32>
    %slice3A_1637 = vector.extract_strided_slice %select_n3A_1626 {offsets = [0, 0], sizes = [64, 2], strides = [1, 1]} : vector<64x128xi32> to vector<64x2xi32>
    %concatenate3A_1638 = tpu.concatenate %slice3A_1636, %slice3A_1637 in 1 : vector<64x126xi32>, vector<64x2xi32> -> vector<64x128xi32>
    %and3A_1639 = arith.constant 2 : i32
    %and3A_1640 = vector.broadcast %and3A_1639 : i32 to vector<64x128xi32>
    %and3A_1641 = arith.andi %add3A, %and3A_1640 : vector<64x128xi32>
    %ne3A_1642 = arith.constant 0 : i32
    %ne3A_1643 = vector.broadcast %ne3A_1642 : i32 to vector<64x128xi32>
    %ne3A_1644 = arith.cmpi ne, %and3A_1641, %ne3A_1643 : vector<64x128xi32>
    %select_n3A_1645 = arith.select %ne3A_1644, %concatenate3A_1629, %concatenate3A_1632 : vector<64x128xi1>, vector<64x128xf32>
    %select_n3A_1646 = arith.select %ne3A_1644, %concatenate3A_1635, %concatenate3A_1638 : vector<64x128xi1>, vector<64x128xi32>
    %gt3A_1647 = arith.cmpf ogt, %select_n3A_1645, %select_n3A_1625 : vector<64x128xf32>
    %eq3A_1648 = arith.cmpf oeq, %select_n3A_1645, %select_n3A_1625 : vector<64x128xf32>
    %lt3A_1649 = arith.cmpi slt, %select_n3A_1646, %select_n3A_1626 : vector<64x128xi32>
    %and3A_1650 = arith.andi %eq3A_1648, %lt3A_1649 : vector<64x128xi1>
    %or3A_1651 = arith.ori %gt3A_1647, %and3A_1650 : vector<64x128xi1>
    %ne3A_1652 = arith.xori %or3A_1651, %ne3A_1644 : vector<64x128xi1>
    %ne3A_1653 = arith.xori %ne3A_1652, %ne3A_1394 : vector<64x128xi1>
    %select_n3A_1654 = arith.select %ne3A_1653, %select_n3A_1645, %select_n3A_1625 : vector<64x128xi1>, vector<64x128xf32>
    %select_n3A_1655 = arith.select %ne3A_1653, %select_n3A_1646, %select_n3A_1626 : vector<64x128xi1>, vector<64x128xi32>
    %slice3A_1656 = vector.extract_strided_slice %select_n3A_1654 {offsets = [0, 127], sizes = [64, 1], strides = [1, 1]} : vector<64x128xf32> to vector<64x1xf32>
    %slice3A_1657 = vector.extract_strided_slice %select_n3A_1654 {offsets = [0, 0], sizes = [64, 127], strides = [1, 1]} : vector<64x128xf32> to vector<64x127xf32>
    %concatenate3A_1658 = tpu.concatenate %slice3A_1656, %slice3A_1657 in 1 : vector<64x1xf32>, vector<64x127xf32> -> vector<64x128xf32>
    %slice3A_1659 = vector.extract_strided_slice %select_n3A_1654 {offsets = [0, 1], sizes = [64, 127], strides = [1, 1]} : vector<64x128xf32> to vector<64x127xf32>
    %slice3A_1660 = vector.extract_strided_slice %select_n3A_1654 {offsets = [0, 0], sizes = [64, 1], strides = [1, 1]} : vector<64x128xf32> to vector<64x1xf32>
    %concatenate3A_1661 = tpu.concatenate %slice3A_1659, %slice3A_1660 in 1 : vector<64x127xf32>, vector<64x1xf32> -> vector<64x128xf32>
    %slice3A_1662 = vector.extract_strided_slice %select_n3A_1655 {offsets = [0, 127], sizes = [64, 1], strides = [1, 1]} : vector<64x128xi32> to vector<64x1xi32>
    %slice3A_1663 = vector.extract_strided_slice %select_n3A_1655 {offsets = [0, 0], sizes = [64, 127], strides = [1, 1]} : vector<64x128xi32> to vector<64x127xi32>
    %concatenate3A_1664 = tpu.concatenate %slice3A_1662, %slice3A_1663 in 1 : vector<64x1xi32>, vector<64x127xi32> -> vector<64x128xi32>
    %slice3A_1665 = vector.extract_strided_slice %select_n3A_1655 {offsets = [0, 1], sizes = [64, 127], strides = [1, 1]} : vector<64x128xi32> to vector<64x127xi32>
    %slice3A_1666 = vector.extract_strided_slice %select_n3A_1655 {offsets = [0, 0], sizes = [64, 1], strides = [1, 1]} : vector<64x128xi32> to vector<64x1xi32>
    %concatenate3A_1667 = tpu.concatenate %slice3A_1665, %slice3A_1666 in 1 : vector<64x127xi32>, vector<64x1xi32> -> vector<64x128xi32>
    %and3A_1668 = arith.constant 1 : i32
    %and3A_1669 = vector.broadcast %and3A_1668 : i32 to vector<64x128xi32>
    %and3A_1670 = arith.andi %add3A, %and3A_1669 : vector<64x128xi32>
    %ne3A_1671 = arith.constant 0 : i32
    %ne3A_1672 = vector.broadcast %ne3A_1671 : i32 to vector<64x128xi32>
    %ne3A_1673 = arith.cmpi ne, %and3A_1670, %ne3A_1672 : vector<64x128xi32>
    %select_n3A_1674 = arith.select %ne3A_1673, %concatenate3A_1658, %concatenate3A_1661 : vector<64x128xi1>, vector<64x128xf32>
    %select_n3A_1675 = arith.select %ne3A_1673, %concatenate3A_1664, %concatenate3A_1667 : vector<64x128xi1>, vector<64x128xi32>
    %gt3A_1676 = arith.cmpf ogt, %select_n3A_1674, %select_n3A_1654 : vector<64x128xf32>
    %eq3A_1677 = arith.cmpf oeq, %select_n3A_1674, %select_n3A_1654 : vector<64x128xf32>
    %lt3A_1678 = arith.cmpi slt, %select_n3A_1675, %select_n3A_1655 : vector<64x128xi32>
    %and3A_1679 = arith.andi %eq3A_1677, %lt3A_1678 : vector<64x128xi1>
    %or3A_1680 = arith.ori %gt3A_1676, %and3A_1679 : vector<64x128xi1>
    %ne3A_1681 = arith.xori %or3A_1680, %ne3A_1673 : vector<64x128xi1>
    %ne3A_1682 = arith.xori %ne3A_1681, %ne3A_1394 : vector<64x128xi1>
    %select_n3A_1683 = arith.select %ne3A_1682, %select_n3A_1674, %select_n3A_1654 : vector<64x128xi1>, vector<64x128xf32>
    %select_n3A_1684 = arith.select %ne3A_1682, %select_n3A_1675, %select_n3A_1655 : vector<64x128xi1>, vector<64x128xi32>
    %shift_right_arithmetic3A_1685 = arith.constant 11 : i32
    %shift_right_arithmetic3A_1686 = vector.broadcast %shift_right_arithmetic3A_1685 : i32 to vector<64x128xi32>
    %shift_right_arithmetic3A_1687 = arith.shrsi %add3A, %shift_right_arithmetic3A_1686 : vector<64x128xi32>
    %and3A_1688 = arith.constant 1 : i32
    %and3A_1689 = vector.broadcast %and3A_1688 : i32 to vector<64x128xi32>
    %and3A_1690 = arith.andi %shift_right_arithmetic3A_1687, %and3A_1689 : vector<64x128xi32>
    %ne3A_1691 = arith.constant 0 : i32
    %ne3A_1692 = vector.broadcast %ne3A_1691 : i32 to vector<64x128xi32>
    %ne3A_1693 = arith.cmpi ne, %and3A_1690, %ne3A_1692 : vector<64x128xi32>
    %slice3A_1694 = vector.extract_strided_slice %select_n3A_1683 {offsets = [56, 0], sizes = [8, 128], strides = [1, 1]} : vector<64x128xf32> to vector<8x128xf32>
    %slice3A_1695 = vector.extract_strided_slice %select_n3A_1683 {offsets = [0, 0], sizes = [56, 128], strides = [1, 1]} : vector<64x128xf32> to vector<56x128xf32>
    %concatenate3A_1696 = tpu.concatenate %slice3A_1694, %slice3A_1695 in 0 : vector<8x128xf32>, vector<56x128xf32> -> vector<64x128xf32>
    %slice3A_1697 = vector.extract_strided_slice %select_n3A_1683 {offsets = [8, 0], sizes = [56, 128], strides = [1, 1]} : vector<64x128xf32> to vector<56x128xf32>
    %slice3A_1698 = vector.extract_strided_slice %select_n3A_1683 {offsets = [0, 0], sizes = [8, 128], strides = [1, 1]} : vector<64x128xf32> to vector<8x128xf32>
    %concatenate3A_1699 = tpu.concatenate %slice3A_1697, %slice3A_1698 in 0 : vector<56x128xf32>, vector<8x128xf32> -> vector<64x128xf32>
    %slice3A_1700 = vector.extract_strided_slice %select_n3A_1684 {offsets = [56, 0], sizes = [8, 128], strides = [1, 1]} : vector<64x128xi32> to vector<8x128xi32>
    %slice3A_1701 = vector.extract_strided_slice %select_n3A_1684 {offsets = [0, 0], sizes = [56, 128], strides = [1, 1]} : vector<64x128xi32> to vector<56x128xi32>
    %concatenate3A_1702 = tpu.concatenate %slice3A_1700, %slice3A_1701 in 0 : vector<8x128xi32>, vector<56x128xi32> -> vector<64x128xi32>
    %slice3A_1703 = vector.extract_strided_slice %select_n3A_1684 {offsets = [8, 0], sizes = [56, 128], strides = [1, 1]} : vector<64x128xi32> to vector<56x128xi32>
    %slice3A_1704 = vector.extract_strided_slice %select_n3A_1684 {offsets = [0, 0], sizes = [8, 128], strides = [1, 1]} : vector<64x128xi32> to vector<8x128xi32>
    %concatenate3A_1705 = tpu.concatenate %slice3A_1703, %slice3A_1704 in 0 : vector<56x128xi32>, vector<8x128xi32> -> vector<64x128xi32>
    %and3A_1706 = arith.constant 1024 : i32
    %and3A_1707 = vector.broadcast %and3A_1706 : i32 to vector<64x128xi32>
    %and3A_1708 = arith.andi %add3A, %and3A_1707 : vector<64x128xi32>
    %ne3A_1709 = arith.constant 0 : i32
    %ne3A_1710 = vector.broadcast %ne3A_1709 : i32 to vector<64x128xi32>
    %ne3A_1711 = arith.cmpi ne, %and3A_1708, %ne3A_1710 : vector<64x128xi32>
    %select_n3A_1712 = arith.select %ne3A_1711, %concatenate3A_1696, %concatenate3A_1699 : vector<64x128xi1>, vector<64x128xf32>
    %select_n3A_1713 = arith.select %ne3A_1711, %concatenate3A_1702, %concatenate3A_1705 : vector<64x128xi1>, vector<64x128xi32>
    %gt3A_1714 = arith.cmpf ogt, %select_n3A_1712, %select_n3A_1683 : vector<64x128xf32>
    %eq3A_1715 = arith.cmpf oeq, %select_n3A_1712, %select_n3A_1683 : vector<64x128xf32>
    %lt3A_1716 = arith.cmpi slt, %select_n3A_1713, %select_n3A_1684 : vector<64x128xi32>
    %and3A_1717 = arith.andi %eq3A_1715, %lt3A_1716 : vector<64x128xi1>
    %or3A_1718 = arith.ori %gt3A_1714, %and3A_1717 : vector<64x128xi1>
    %ne3A_1719 = arith.xori %or3A_1718, %ne3A_1711 : vector<64x128xi1>
    %ne3A_1720 = arith.xori %ne3A_1719, %ne3A_1693 : vector<64x128xi1>
    %select_n3A_1721 = arith.select %ne3A_1720, %select_n3A_1712, %select_n3A_1683 : vector<64x128xi1>, vector<64x128xf32>
    %select_n3A_1722 = arith.select %ne3A_1720, %select_n3A_1713, %select_n3A_1684 : vector<64x128xi1>, vector<64x128xi32>
    %slice3A_1723 = vector.extract_strided_slice %select_n3A_1721 {offsets = [60, 0], sizes = [4, 128], strides = [1, 1]} : vector<64x128xf32> to vector<4x128xf32>
    %slice3A_1724 = vector.extract_strided_slice %select_n3A_1721 {offsets = [0, 0], sizes = [60, 128], strides = [1, 1]} : vector<64x128xf32> to vector<60x128xf32>
    %concatenate3A_1725 = tpu.concatenate %slice3A_1723, %slice3A_1724 in 0 : vector<4x128xf32>, vector<60x128xf32> -> vector<64x128xf32>
    %slice3A_1726 = vector.extract_strided_slice %select_n3A_1721 {offsets = [4, 0], sizes = [60, 128], strides = [1, 1]} : vector<64x128xf32> to vector<60x128xf32>
    %slice3A_1727 = vector.extract_strided_slice %select_n3A_1721 {offsets = [0, 0], sizes = [4, 128], strides = [1, 1]} : vector<64x128xf32> to vector<4x128xf32>
    %concatenate3A_1728 = tpu.concatenate %slice3A_1726, %slice3A_1727 in 0 : vector<60x128xf32>, vector<4x128xf32> -> vector<64x128xf32>
    %slice3A_1729 = vector.extract_strided_slice %select_n3A_1722 {offsets = [60, 0], sizes = [4, 128], strides = [1, 1]} : vector<64x128xi32> to vector<4x128xi32>
    %slice3A_1730 = vector.extract_strided_slice %select_n3A_1722 {offsets = [0, 0], sizes = [60, 128], strides = [1, 1]} : vector<64x128xi32> to vector<60x128xi32>
    %concatenate3A_1731 = tpu.concatenate %slice3A_1729, %slice3A_1730 in 0 : vector<4x128xi32>, vector<60x128xi32> -> vector<64x128xi32>
    %slice3A_1732 = vector.extract_strided_slice %select_n3A_1722 {offsets = [4, 0], sizes = [60, 128], strides = [1, 1]} : vector<64x128xi32> to vector<60x128xi32>
    %slice3A_1733 = vector.extract_strided_slice %select_n3A_1722 {offsets = [0, 0], sizes = [4, 128], strides = [1, 1]} : vector<64x128xi32> to vector<4x128xi32>
    %concatenate3A_1734 = tpu.concatenate %slice3A_1732, %slice3A_1733 in 0 : vector<60x128xi32>, vector<4x128xi32> -> vector<64x128xi32>
    %and3A_1735 = arith.constant 512 : i32
    %and3A_1736 = vector.broadcast %and3A_1735 : i32 to vector<64x128xi32>
    %and3A_1737 = arith.andi %add3A, %and3A_1736 : vector<64x128xi32>
    %ne3A_1738 = arith.constant 0 : i32
    %ne3A_1739 = vector.broadcast %ne3A_1738 : i32 to vector<64x128xi32>
    %ne3A_1740 = arith.cmpi ne, %and3A_1737, %ne3A_1739 : vector<64x128xi32>
    %select_n3A_1741 = arith.select %ne3A_1740, %concatenate3A_1725, %concatenate3A_1728 : vector<64x128xi1>, vector<64x128xf32>
    %select_n3A_1742 = arith.select %ne3A_1740, %concatenate3A_1731, %concatenate3A_1734 : vector<64x128xi1>, vector<64x128xi32>
    %gt3A_1743 = arith.cmpf ogt, %select_n3A_1741, %select_n3A_1721 : vector<64x128xf32>
    %eq3A_1744 = arith.cmpf oeq, %select_n3A_1741, %select_n3A_1721 : vector<64x128xf32>
    %lt3A_1745 = arith.cmpi slt, %select_n3A_1742, %select_n3A_1722 : vector<64x128xi32>
    %and3A_1746 = arith.andi %eq3A_1744, %lt3A_1745 : vector<64x128xi1>
    %or3A_1747 = arith.ori %gt3A_1743, %and3A_1746 : vector<64x128xi1>
    %ne3A_1748 = arith.xori %or3A_1747, %ne3A_1740 : vector<64x128xi1>
    %ne3A_1749 = arith.xori %ne3A_1748, %ne3A_1693 : vector<64x128xi1>
    %select_n3A_1750 = arith.select %ne3A_1749, %select_n3A_1741, %select_n3A_1721 : vector<64x128xi1>, vector<64x128xf32>
    %select_n3A_1751 = arith.select %ne3A_1749, %select_n3A_1742, %select_n3A_1722 : vector<64x128xi1>, vector<64x128xi32>
    %slice3A_1752 = vector.extract_strided_slice %select_n3A_1750 {offsets = [62, 0], sizes = [2, 128], strides = [1, 1]} : vector<64x128xf32> to vector<2x128xf32>
    %slice3A_1753 = vector.extract_strided_slice %select_n3A_1750 {offsets = [0, 0], sizes = [62, 128], strides = [1, 1]} : vector<64x128xf32> to vector<62x128xf32>
    %concatenate3A_1754 = tpu.concatenate %slice3A_1752, %slice3A_1753 in 0 : vector<2x128xf32>, vector<62x128xf32> -> vector<64x128xf32>
    %slice3A_1755 = vector.extract_strided_slice %select_n3A_1750 {offsets = [2, 0], sizes = [62, 128], strides = [1, 1]} : vector<64x128xf32> to vector<62x128xf32>
    %slice3A_1756 = vector.extract_strided_slice %select_n3A_1750 {offsets = [0, 0], sizes = [2, 128], strides = [1, 1]} : vector<64x128xf32> to vector<2x128xf32>
    %concatenate3A_1757 = tpu.concatenate %slice3A_1755, %slice3A_1756 in 0 : vector<62x128xf32>, vector<2x128xf32> -> vector<64x128xf32>
    %slice3A_1758 = vector.extract_strided_slice %select_n3A_1751 {offsets = [62, 0], sizes = [2, 128], strides = [1, 1]} : vector<64x128xi32> to vector<2x128xi32>
    %slice3A_1759 = vector.extract_strided_slice %select_n3A_1751 {offsets = [0, 0], sizes = [62, 128], strides = [1, 1]} : vector<64x128xi32> to vector<62x128xi32>
    %concatenate3A_1760 = tpu.concatenate %slice3A_1758, %slice3A_1759 in 0 : vector<2x128xi32>, vector<62x128xi32> -> vector<64x128xi32>
    %slice3A_1761 = vector.extract_strided_slice %select_n3A_1751 {offsets = [2, 0], sizes = [62, 128], strides = [1, 1]} : vector<64x128xi32> to vector<62x128xi32>
    %slice3A_1762 = vector.extract_strided_slice %select_n3A_1751 {offsets = [0, 0], sizes = [2, 128], strides = [1, 1]} : vector<64x128xi32> to vector<2x128xi32>
    %concatenate3A_1763 = tpu.concatenate %slice3A_1761, %slice3A_1762 in 0 : vector<62x128xi32>, vector<2x128xi32> -> vector<64x128xi32>
    %and3A_1764 = arith.constant 256 : i32
    %and3A_1765 = vector.broadcast %and3A_1764 : i32 to vector<64x128xi32>
    %and3A_1766 = arith.andi %add3A, %and3A_1765 : vector<64x128xi32>
    %ne3A_1767 = arith.constant 0 : i32
    %ne3A_1768 = vector.broadcast %ne3A_1767 : i32 to vector<64x128xi32>
    %ne3A_1769 = arith.cmpi ne, %and3A_1766, %ne3A_1768 : vector<64x128xi32>
    %select_n3A_1770 = arith.select %ne3A_1769, %concatenate3A_1754, %concatenate3A_1757 : vector<64x128xi1>, vector<64x128xf32>
    %select_n3A_1771 = arith.select %ne3A_1769, %concatenate3A_1760, %concatenate3A_1763 : vector<64x128xi1>, vector<64x128xi32>
    %gt3A_1772 = arith.cmpf ogt, %select_n3A_1770, %select_n3A_1750 : vector<64x128xf32>
    %eq3A_1773 = arith.cmpf oeq, %select_n3A_1770, %select_n3A_1750 : vector<64x128xf32>
    %lt3A_1774 = arith.cmpi slt, %select_n3A_1771, %select_n3A_1751 : vector<64x128xi32>
    %and3A_1775 = arith.andi %eq3A_1773, %lt3A_1774 : vector<64x128xi1>
    %or3A_1776 = arith.ori %gt3A_1772, %and3A_1775 : vector<64x128xi1>
    %ne3A_1777 = arith.xori %or3A_1776, %ne3A_1769 : vector<64x128xi1>
    %ne3A_1778 = arith.xori %ne3A_1777, %ne3A_1693 : vector<64x128xi1>
    %select_n3A_1779 = arith.select %ne3A_1778, %select_n3A_1770, %select_n3A_1750 : vector<64x128xi1>, vector<64x128xf32>
    %select_n3A_1780 = arith.select %ne3A_1778, %select_n3A_1771, %select_n3A_1751 : vector<64x128xi1>, vector<64x128xi32>
    %slice3A_1781 = vector.extract_strided_slice %select_n3A_1779 {offsets = [63, 0], sizes = [1, 128], strides = [1, 1]} : vector<64x128xf32> to vector<1x128xf32>
    %slice3A_1782 = vector.extract_strided_slice %select_n3A_1779 {offsets = [0, 0], sizes = [63, 128], strides = [1, 1]} : vector<64x128xf32> to vector<63x128xf32>
    %concatenate3A_1783 = tpu.concatenate %slice3A_1781, %slice3A_1782 in 0 : vector<1x128xf32>, vector<63x128xf32> -> vector<64x128xf32>
    %slice3A_1784 = vector.extract_strided_slice %select_n3A_1779 {offsets = [1, 0], sizes = [63, 128], strides = [1, 1]} : vector<64x128xf32> to vector<63x128xf32>
    %slice3A_1785 = vector.extract_strided_slice %select_n3A_1779 {offsets = [0, 0], sizes = [1, 128], strides = [1, 1]} : vector<64x128xf32> to vector<1x128xf32>
    %concatenate3A_1786 = tpu.concatenate %slice3A_1784, %slice3A_1785 in 0 : vector<63x128xf32>, vector<1x128xf32> -> vector<64x128xf32>
    %slice3A_1787 = vector.extract_strided_slice %select_n3A_1780 {offsets = [63, 0], sizes = [1, 128], strides = [1, 1]} : vector<64x128xi32> to vector<1x128xi32>
    %slice3A_1788 = vector.extract_strided_slice %select_n3A_1780 {offsets = [0, 0], sizes = [63, 128], strides = [1, 1]} : vector<64x128xi32> to vector<63x128xi32>
    %concatenate3A_1789 = tpu.concatenate %slice3A_1787, %slice3A_1788 in 0 : vector<1x128xi32>, vector<63x128xi32> -> vector<64x128xi32>
    %slice3A_1790 = vector.extract_strided_slice %select_n3A_1780 {offsets = [1, 0], sizes = [63, 128], strides = [1, 1]} : vector<64x128xi32> to vector<63x128xi32>
    %slice3A_1791 = vector.extract_strided_slice %select_n3A_1780 {offsets = [0, 0], sizes = [1, 128], strides = [1, 1]} : vector<64x128xi32> to vector<1x128xi32>
    %concatenate3A_1792 = tpu.concatenate %slice3A_1790, %slice3A_1791 in 0 : vector<63x128xi32>, vector<1x128xi32> -> vector<64x128xi32>
    %and3A_1793 = arith.constant 128 : i32
    %and3A_1794 = vector.broadcast %and3A_1793 : i32 to vector<64x128xi32>
    %and3A_1795 = arith.andi %add3A, %and3A_1794 : vector<64x128xi32>
    %ne3A_1796 = arith.constant 0 : i32
    %ne3A_1797 = vector.broadcast %ne3A_1796 : i32 to vector<64x128xi32>
    %ne3A_1798 = arith.cmpi ne, %and3A_1795, %ne3A_1797 : vector<64x128xi32>
    %select_n3A_1799 = arith.select %ne3A_1798, %concatenate3A_1783, %concatenate3A_1786 : vector<64x128xi1>, vector<64x128xf32>
    %select_n3A_1800 = arith.select %ne3A_1798, %concatenate3A_1789, %concatenate3A_1792 : vector<64x128xi1>, vector<64x128xi32>
    %gt3A_1801 = arith.cmpf ogt, %select_n3A_1799, %select_n3A_1779 : vector<64x128xf32>
    %eq3A_1802 = arith.cmpf oeq, %select_n3A_1799, %select_n3A_1779 : vector<64x128xf32>
    %lt3A_1803 = arith.cmpi slt, %select_n3A_1800, %select_n3A_1780 : vector<64x128xi32>
    %and3A_1804 = arith.andi %eq3A_1802, %lt3A_1803 : vector<64x128xi1>
    %or3A_1805 = arith.ori %gt3A_1801, %and3A_1804 : vector<64x128xi1>
    %ne3A_1806 = arith.xori %or3A_1805, %ne3A_1798 : vector<64x128xi1>
    %ne3A_1807 = arith.xori %ne3A_1806, %ne3A_1693 : vector<64x128xi1>
    %select_n3A_1808 = arith.select %ne3A_1807, %select_n3A_1799, %select_n3A_1779 : vector<64x128xi1>, vector<64x128xf32>
    %select_n3A_1809 = arith.select %ne3A_1807, %select_n3A_1800, %select_n3A_1780 : vector<64x128xi1>, vector<64x128xi32>
    %slice3A_1810 = vector.extract_strided_slice %select_n3A_1808 {offsets = [0, 64], sizes = [64, 64], strides = [1, 1]} : vector<64x128xf32> to vector<64x64xf32>
    %slice3A_1811 = vector.extract_strided_slice %select_n3A_1808 {offsets = [0, 0], sizes = [64, 64], strides = [1, 1]} : vector<64x128xf32> to vector<64x64xf32>
    %concatenate3A_1812 = tpu.concatenate %slice3A_1810, %slice3A_1811 in 1 : vector<64x64xf32>, vector<64x64xf32> -> vector<64x128xf32>
    %slice3A_1813 = vector.extract_strided_slice %select_n3A_1808 {offsets = [0, 64], sizes = [64, 64], strides = [1, 1]} : vector<64x128xf32> to vector<64x64xf32>
    %slice3A_1814 = vector.extract_strided_slice %select_n3A_1808 {offsets = [0, 0], sizes = [64, 64], strides = [1, 1]} : vector<64x128xf32> to vector<64x64xf32>
    %concatenate3A_1815 = tpu.concatenate %slice3A_1813, %slice3A_1814 in 1 : vector<64x64xf32>, vector<64x64xf32> -> vector<64x128xf32>
    %slice3A_1816 = vector.extract_strided_slice %select_n3A_1809 {offsets = [0, 64], sizes = [64, 64], strides = [1, 1]} : vector<64x128xi32> to vector<64x64xi32>
    %slice3A_1817 = vector.extract_strided_slice %select_n3A_1809 {offsets = [0, 0], sizes = [64, 64], strides = [1, 1]} : vector<64x128xi32> to vector<64x64xi32>
    %concatenate3A_1818 = tpu.concatenate %slice3A_1816, %slice3A_1817 in 1 : vector<64x64xi32>, vector<64x64xi32> -> vector<64x128xi32>
    %slice3A_1819 = vector.extract_strided_slice %select_n3A_1809 {offsets = [0, 64], sizes = [64, 64], strides = [1, 1]} : vector<64x128xi32> to vector<64x64xi32>
    %slice3A_1820 = vector.extract_strided_slice %select_n3A_1809 {offsets = [0, 0], sizes = [64, 64], strides = [1, 1]} : vector<64x128xi32> to vector<64x64xi32>
    %concatenate3A_1821 = tpu.concatenate %slice3A_1819, %slice3A_1820 in 1 : vector<64x64xi32>, vector<64x64xi32> -> vector<64x128xi32>
    %and3A_1822 = arith.constant 64 : i32
    %and3A_1823 = vector.broadcast %and3A_1822 : i32 to vector<64x128xi32>
    %and3A_1824 = arith.andi %add3A, %and3A_1823 : vector<64x128xi32>
    %ne3A_1825 = arith.constant 0 : i32
    %ne3A_1826 = vector.broadcast %ne3A_1825 : i32 to vector<64x128xi32>
    %ne3A_1827 = arith.cmpi ne, %and3A_1824, %ne3A_1826 : vector<64x128xi32>
    %select_n3A_1828 = arith.select %ne3A_1827, %concatenate3A_1812, %concatenate3A_1815 : vector<64x128xi1>, vector<64x128xf32>
    %select_n3A_1829 = arith.select %ne3A_1827, %concatenate3A_1818, %concatenate3A_1821 : vector<64x128xi1>, vector<64x128xi32>
    %gt3A_1830 = arith.cmpf ogt, %select_n3A_1828, %select_n3A_1808 : vector<64x128xf32>
    %eq3A_1831 = arith.cmpf oeq, %select_n3A_1828, %select_n3A_1808 : vector<64x128xf32>
    %lt3A_1832 = arith.cmpi slt, %select_n3A_1829, %select_n3A_1809 : vector<64x128xi32>
    %and3A_1833 = arith.andi %eq3A_1831, %lt3A_1832 : vector<64x128xi1>
    %or3A_1834 = arith.ori %gt3A_1830, %and3A_1833 : vector<64x128xi1>
    %ne3A_1835 = arith.xori %or3A_1834, %ne3A_1827 : vector<64x128xi1>
    %ne3A_1836 = arith.xori %ne3A_1835, %ne3A_1693 : vector<64x128xi1>
    %select_n3A_1837 = arith.select %ne3A_1836, %select_n3A_1828, %select_n3A_1808 : vector<64x128xi1>, vector<64x128xf32>
    %select_n3A_1838 = arith.select %ne3A_1836, %select_n3A_1829, %select_n3A_1809 : vector<64x128xi1>, vector<64x128xi32>
    %slice3A_1839 = vector.extract_strided_slice %select_n3A_1837 {offsets = [0, 96], sizes = [64, 32], strides = [1, 1]} : vector<64x128xf32> to vector<64x32xf32>
    %slice3A_1840 = vector.extract_strided_slice %select_n3A_1837 {offsets = [0, 0], sizes = [64, 96], strides = [1, 1]} : vector<64x128xf32> to vector<64x96xf32>
    %concatenate3A_1841 = tpu.concatenate %slice3A_1839, %slice3A_1840 in 1 : vector<64x32xf32>, vector<64x96xf32> -> vector<64x128xf32>
    %slice3A_1842 = vector.extract_strided_slice %select_n3A_1837 {offsets = [0, 32], sizes = [64, 96], strides = [1, 1]} : vector<64x128xf32> to vector<64x96xf32>
    %slice3A_1843 = vector.extract_strided_slice %select_n3A_1837 {offsets = [0, 0], sizes = [64, 32], strides = [1, 1]} : vector<64x128xf32> to vector<64x32xf32>
    %concatenate3A_1844 = tpu.concatenate %slice3A_1842, %slice3A_1843 in 1 : vector<64x96xf32>, vector<64x32xf32> -> vector<64x128xf32>
    %slice3A_1845 = vector.extract_strided_slice %select_n3A_1838 {offsets = [0, 96], sizes = [64, 32], strides = [1, 1]} : vector<64x128xi32> to vector<64x32xi32>
    %slice3A_1846 = vector.extract_strided_slice %select_n3A_1838 {offsets = [0, 0], sizes = [64, 96], strides = [1, 1]} : vector<64x128xi32> to vector<64x96xi32>
    %concatenate3A_1847 = tpu.concatenate %slice3A_1845, %slice3A_1846 in 1 : vector<64x32xi32>, vector<64x96xi32> -> vector<64x128xi32>
    %slice3A_1848 = vector.extract_strided_slice %select_n3A_1838 {offsets = [0, 32], sizes = [64, 96], strides = [1, 1]} : vector<64x128xi32> to vector<64x96xi32>
    %slice3A_1849 = vector.extract_strided_slice %select_n3A_1838 {offsets = [0, 0], sizes = [64, 32], strides = [1, 1]} : vector<64x128xi32> to vector<64x32xi32>
    %concatenate3A_1850 = tpu.concatenate %slice3A_1848, %slice3A_1849 in 1 : vector<64x96xi32>, vector<64x32xi32> -> vector<64x128xi32>
    %and3A_1851 = arith.constant 32 : i32
    %and3A_1852 = vector.broadcast %and3A_1851 : i32 to vector<64x128xi32>
    %and3A_1853 = arith.andi %add3A, %and3A_1852 : vector<64x128xi32>
    %ne3A_1854 = arith.constant 0 : i32
    %ne3A_1855 = vector.broadcast %ne3A_1854 : i32 to vector<64x128xi32>
    %ne3A_1856 = arith.cmpi ne, %and3A_1853, %ne3A_1855 : vector<64x128xi32>
    %select_n3A_1857 = arith.select %ne3A_1856, %concatenate3A_1841, %concatenate3A_1844 : vector<64x128xi1>, vector<64x128xf32>
    %select_n3A_1858 = arith.select %ne3A_1856, %concatenate3A_1847, %concatenate3A_1850 : vector<64x128xi1>, vector<64x128xi32>
    %gt3A_1859 = arith.cmpf ogt, %select_n3A_1857, %select_n3A_1837 : vector<64x128xf32>
    %eq3A_1860 = arith.cmpf oeq, %select_n3A_1857, %select_n3A_1837 : vector<64x128xf32>
    %lt3A_1861 = arith.cmpi slt, %select_n3A_1858, %select_n3A_1838 : vector<64x128xi32>
    %and3A_1862 = arith.andi %eq3A_1860, %lt3A_1861 : vector<64x128xi1>
    %or3A_1863 = arith.ori %gt3A_1859, %and3A_1862 : vector<64x128xi1>
    %ne3A_1864 = arith.xori %or3A_1863, %ne3A_1856 : vector<64x128xi1>
    %ne3A_1865 = arith.xori %ne3A_1864, %ne3A_1693 : vector<64x128xi1>
    %select_n3A_1866 = arith.select %ne3A_1865, %select_n3A_1857, %select_n3A_1837 : vector<64x128xi1>, vector<64x128xf32>
    %select_n3A_1867 = arith.select %ne3A_1865, %select_n3A_1858, %select_n3A_1838 : vector<64x128xi1>, vector<64x128xi32>
    %slice3A_1868 = vector.extract_strided_slice %select_n3A_1866 {offsets = [0, 112], sizes = [64, 16], strides = [1, 1]} : vector<64x128xf32> to vector<64x16xf32>
    %slice3A_1869 = vector.extract_strided_slice %select_n3A_1866 {offsets = [0, 0], sizes = [64, 112], strides = [1, 1]} : vector<64x128xf32> to vector<64x112xf32>
    %concatenate3A_1870 = tpu.concatenate %slice3A_1868, %slice3A_1869 in 1 : vector<64x16xf32>, vector<64x112xf32> -> vector<64x128xf32>
    %slice3A_1871 = vector.extract_strided_slice %select_n3A_1866 {offsets = [0, 16], sizes = [64, 112], strides = [1, 1]} : vector<64x128xf32> to vector<64x112xf32>
    %slice3A_1872 = vector.extract_strided_slice %select_n3A_1866 {offsets = [0, 0], sizes = [64, 16], strides = [1, 1]} : vector<64x128xf32> to vector<64x16xf32>
    %concatenate3A_1873 = tpu.concatenate %slice3A_1871, %slice3A_1872 in 1 : vector<64x112xf32>, vector<64x16xf32> -> vector<64x128xf32>
    %slice3A_1874 = vector.extract_strided_slice %select_n3A_1867 {offsets = [0, 112], sizes = [64, 16], strides = [1, 1]} : vector<64x128xi32> to vector<64x16xi32>
    %slice3A_1875 = vector.extract_strided_slice %select_n3A_1867 {offsets = [0, 0], sizes = [64, 112], strides = [1, 1]} : vector<64x128xi32> to vector<64x112xi32>
    %concatenate3A_1876 = tpu.concatenate %slice3A_1874, %slice3A_1875 in 1 : vector<64x16xi32>, vector<64x112xi32> -> vector<64x128xi32>
    %slice3A_1877 = vector.extract_strided_slice %select_n3A_1867 {offsets = [0, 16], sizes = [64, 112], strides = [1, 1]} : vector<64x128xi32> to vector<64x112xi32>
    %slice3A_1878 = vector.extract_strided_slice %select_n3A_1867 {offsets = [0, 0], sizes = [64, 16], strides = [1, 1]} : vector<64x128xi32> to vector<64x16xi32>
    %concatenate3A_1879 = tpu.concatenate %slice3A_1877, %slice3A_1878 in 1 : vector<64x112xi32>, vector<64x16xi32> -> vector<64x128xi32>
    %and3A_1880 = arith.constant 16 : i32
    %and3A_1881 = vector.broadcast %and3A_1880 : i32 to vector<64x128xi32>
    %and3A_1882 = arith.andi %add3A, %and3A_1881 : vector<64x128xi32>
    %ne3A_1883 = arith.constant 0 : i32
    %ne3A_1884 = vector.broadcast %ne3A_1883 : i32 to vector<64x128xi32>
    %ne3A_1885 = arith.cmpi ne, %and3A_1882, %ne3A_1884 : vector<64x128xi32>
    %select_n3A_1886 = arith.select %ne3A_1885, %concatenate3A_1870, %concatenate3A_1873 : vector<64x128xi1>, vector<64x128xf32>
    %select_n3A_1887 = arith.select %ne3A_1885, %concatenate3A_1876, %concatenate3A_1879 : vector<64x128xi1>, vector<64x128xi32>
    %gt3A_1888 = arith.cmpf ogt, %select_n3A_1886, %select_n3A_1866 : vector<64x128xf32>
    %eq3A_1889 = arith.cmpf oeq, %select_n3A_1886, %select_n3A_1866 : vector<64x128xf32>
    %lt3A_1890 = arith.cmpi slt, %select_n3A_1887, %select_n3A_1867 : vector<64x128xi32>
    %and3A_1891 = arith.andi %eq3A_1889, %lt3A_1890 : vector<64x128xi1>
    %or3A_1892 = arith.ori %gt3A_1888, %and3A_1891 : vector<64x128xi1>
    %ne3A_1893 = arith.xori %or3A_1892, %ne3A_1885 : vector<64x128xi1>
    %ne3A_1894 = arith.xori %ne3A_1893, %ne3A_1693 : vector<64x128xi1>
    %select_n3A_1895 = arith.select %ne3A_1894, %select_n3A_1886, %select_n3A_1866 : vector<64x128xi1>, vector<64x128xf32>
    %select_n3A_1896 = arith.select %ne3A_1894, %select_n3A_1887, %select_n3A_1867 : vector<64x128xi1>, vector<64x128xi32>
    %slice3A_1897 = vector.extract_strided_slice %select_n3A_1895 {offsets = [0, 120], sizes = [64, 8], strides = [1, 1]} : vector<64x128xf32> to vector<64x8xf32>
    %slice3A_1898 = vector.extract_strided_slice %select_n3A_1895 {offsets = [0, 0], sizes = [64, 120], strides = [1, 1]} : vector<64x128xf32> to vector<64x120xf32>
    %concatenate3A_1899 = tpu.concatenate %slice3A_1897, %slice3A_1898 in 1 : vector<64x8xf32>, vector<64x120xf32> -> vector<64x128xf32>
    %slice3A_1900 = vector.extract_strided_slice %select_n3A_1895 {offsets = [0, 8], sizes = [64, 120], strides = [1, 1]} : vector<64x128xf32> to vector<64x120xf32>
    %slice3A_1901 = vector.extract_strided_slice %select_n3A_1895 {offsets = [0, 0], sizes = [64, 8], strides = [1, 1]} : vector<64x128xf32> to vector<64x8xf32>
    %concatenate3A_1902 = tpu.concatenate %slice3A_1900, %slice3A_1901 in 1 : vector<64x120xf32>, vector<64x8xf32> -> vector<64x128xf32>
    %slice3A_1903 = vector.extract_strided_slice %select_n3A_1896 {offsets = [0, 120], sizes = [64, 8], strides = [1, 1]} : vector<64x128xi32> to vector<64x8xi32>
    %slice3A_1904 = vector.extract_strided_slice %select_n3A_1896 {offsets = [0, 0], sizes = [64, 120], strides = [1, 1]} : vector<64x128xi32> to vector<64x120xi32>
    %concatenate3A_1905 = tpu.concatenate %slice3A_1903, %slice3A_1904 in 1 : vector<64x8xi32>, vector<64x120xi32> -> vector<64x128xi32>
    %slice3A_1906 = vector.extract_strided_slice %select_n3A_1896 {offsets = [0, 8], sizes = [64, 120], strides = [1, 1]} : vector<64x128xi32> to vector<64x120xi32>
    %slice3A_1907 = vector.extract_strided_slice %select_n3A_1896 {offsets = [0, 0], sizes = [64, 8], strides = [1, 1]} : vector<64x128xi32> to vector<64x8xi32>
    %concatenate3A_1908 = tpu.concatenate %slice3A_1906, %slice3A_1907 in 1 : vector<64x120xi32>, vector<64x8xi32> -> vector<64x128xi32>
    %and3A_1909 = arith.constant 8 : i32
    %and3A_1910 = vector.broadcast %and3A_1909 : i32 to vector<64x128xi32>
    %and3A_1911 = arith.andi %add3A, %and3A_1910 : vector<64x128xi32>
    %ne3A_1912 = arith.constant 0 : i32
    %ne3A_1913 = vector.broadcast %ne3A_1912 : i32 to vector<64x128xi32>
    %ne3A_1914 = arith.cmpi ne, %and3A_1911, %ne3A_1913 : vector<64x128xi32>
    %select_n3A_1915 = arith.select %ne3A_1914, %concatenate3A_1899, %concatenate3A_1902 : vector<64x128xi1>, vector<64x128xf32>
    %select_n3A_1916 = arith.select %ne3A_1914, %concatenate3A_1905, %concatenate3A_1908 : vector<64x128xi1>, vector<64x128xi32>
    %gt3A_1917 = arith.cmpf ogt, %select_n3A_1915, %select_n3A_1895 : vector<64x128xf32>
    %eq3A_1918 = arith.cmpf oeq, %select_n3A_1915, %select_n3A_1895 : vector<64x128xf32>
    %lt3A_1919 = arith.cmpi slt, %select_n3A_1916, %select_n3A_1896 : vector<64x128xi32>
    %and3A_1920 = arith.andi %eq3A_1918, %lt3A_1919 : vector<64x128xi1>
    %or3A_1921 = arith.ori %gt3A_1917, %and3A_1920 : vector<64x128xi1>
    %ne3A_1922 = arith.xori %or3A_1921, %ne3A_1914 : vector<64x128xi1>
    %ne3A_1923 = arith.xori %ne3A_1922, %ne3A_1693 : vector<64x128xi1>
    %select_n3A_1924 = arith.select %ne3A_1923, %select_n3A_1915, %select_n3A_1895 : vector<64x128xi1>, vector<64x128xf32>
    %select_n3A_1925 = arith.select %ne3A_1923, %select_n3A_1916, %select_n3A_1896 : vector<64x128xi1>, vector<64x128xi32>
    %slice3A_1926 = vector.extract_strided_slice %select_n3A_1924 {offsets = [0, 124], sizes = [64, 4], strides = [1, 1]} : vector<64x128xf32> to vector<64x4xf32>
    %slice3A_1927 = vector.extract_strided_slice %select_n3A_1924 {offsets = [0, 0], sizes = [64, 124], strides = [1, 1]} : vector<64x128xf32> to vector<64x124xf32>
    %concatenate3A_1928 = tpu.concatenate %slice3A_1926, %slice3A_1927 in 1 : vector<64x4xf32>, vector<64x124xf32> -> vector<64x128xf32>
    %slice3A_1929 = vector.extract_strided_slice %select_n3A_1924 {offsets = [0, 4], sizes = [64, 124], strides = [1, 1]} : vector<64x128xf32> to vector<64x124xf32>
    %slice3A_1930 = vector.extract_strided_slice %select_n3A_1924 {offsets = [0, 0], sizes = [64, 4], strides = [1, 1]} : vector<64x128xf32> to vector<64x4xf32>
    %concatenate3A_1931 = tpu.concatenate %slice3A_1929, %slice3A_1930 in 1 : vector<64x124xf32>, vector<64x4xf32> -> vector<64x128xf32>
    %slice3A_1932 = vector.extract_strided_slice %select_n3A_1925 {offsets = [0, 124], sizes = [64, 4], strides = [1, 1]} : vector<64x128xi32> to vector<64x4xi32>
    %slice3A_1933 = vector.extract_strided_slice %select_n3A_1925 {offsets = [0, 0], sizes = [64, 124], strides = [1, 1]} : vector<64x128xi32> to vector<64x124xi32>
    %concatenate3A_1934 = tpu.concatenate %slice3A_1932, %slice3A_1933 in 1 : vector<64x4xi32>, vector<64x124xi32> -> vector<64x128xi32>
    %slice3A_1935 = vector.extract_strided_slice %select_n3A_1925 {offsets = [0, 4], sizes = [64, 124], strides = [1, 1]} : vector<64x128xi32> to vector<64x124xi32>
    %slice3A_1936 = vector.extract_strided_slice %select_n3A_1925 {offsets = [0, 0], sizes = [64, 4], strides = [1, 1]} : vector<64x128xi32> to vector<64x4xi32>
    %concatenate3A_1937 = tpu.concatenate %slice3A_1935, %slice3A_1936 in 1 : vector<64x124xi32>, vector<64x4xi32> -> vector<64x128xi32>
    %and3A_1938 = arith.constant 4 : i32
    %and3A_1939 = vector.broadcast %and3A_1938 : i32 to vector<64x128xi32>
    %and3A_1940 = arith.andi %add3A, %and3A_1939 : vector<64x128xi32>
    %ne3A_1941 = arith.constant 0 : i32
    %ne3A_1942 = vector.broadcast %ne3A_1941 : i32 to vector<64x128xi32>
    %ne3A_1943 = arith.cmpi ne, %and3A_1940, %ne3A_1942 : vector<64x128xi32>
    %select_n3A_1944 = arith.select %ne3A_1943, %concatenate3A_1928, %concatenate3A_1931 : vector<64x128xi1>, vector<64x128xf32>
    %select_n3A_1945 = arith.select %ne3A_1943, %concatenate3A_1934, %concatenate3A_1937 : vector<64x128xi1>, vector<64x128xi32>
    %gt3A_1946 = arith.cmpf ogt, %select_n3A_1944, %select_n3A_1924 : vector<64x128xf32>
    %eq3A_1947 = arith.cmpf oeq, %select_n3A_1944, %select_n3A_1924 : vector<64x128xf32>
    %lt3A_1948 = arith.cmpi slt, %select_n3A_1945, %select_n3A_1925 : vector<64x128xi32>
    %and3A_1949 = arith.andi %eq3A_1947, %lt3A_1948 : vector<64x128xi1>
    %or3A_1950 = arith.ori %gt3A_1946, %and3A_1949 : vector<64x128xi1>
    %ne3A_1951 = arith.xori %or3A_1950, %ne3A_1943 : vector<64x128xi1>
    %ne3A_1952 = arith.xori %ne3A_1951, %ne3A_1693 : vector<64x128xi1>
    %select_n3A_1953 = arith.select %ne3A_1952, %select_n3A_1944, %select_n3A_1924 : vector<64x128xi1>, vector<64x128xf32>
    %select_n3A_1954 = arith.select %ne3A_1952, %select_n3A_1945, %select_n3A_1925 : vector<64x128xi1>, vector<64x128xi32>
    %slice3A_1955 = vector.extract_strided_slice %select_n3A_1953 {offsets = [0, 126], sizes = [64, 2], strides = [1, 1]} : vector<64x128xf32> to vector<64x2xf32>
    %slice3A_1956 = vector.extract_strided_slice %select_n3A_1953 {offsets = [0, 0], sizes = [64, 126], strides = [1, 1]} : vector<64x128xf32> to vector<64x126xf32>
    %concatenate3A_1957 = tpu.concatenate %slice3A_1955, %slice3A_1956 in 1 : vector<64x2xf32>, vector<64x126xf32> -> vector<64x128xf32>
    %slice3A_1958 = vector.extract_strided_slice %select_n3A_1953 {offsets = [0, 2], sizes = [64, 126], strides = [1, 1]} : vector<64x128xf32> to vector<64x126xf32>
    %slice3A_1959 = vector.extract_strided_slice %select_n3A_1953 {offsets = [0, 0], sizes = [64, 2], strides = [1, 1]} : vector<64x128xf32> to vector<64x2xf32>
    %concatenate3A_1960 = tpu.concatenate %slice3A_1958, %slice3A_1959 in 1 : vector<64x126xf32>, vector<64x2xf32> -> vector<64x128xf32>
    %slice3A_1961 = vector.extract_strided_slice %select_n3A_1954 {offsets = [0, 126], sizes = [64, 2], strides = [1, 1]} : vector<64x128xi32> to vector<64x2xi32>
    %slice3A_1962 = vector.extract_strided_slice %select_n3A_1954 {offsets = [0, 0], sizes = [64, 126], strides = [1, 1]} : vector<64x128xi32> to vector<64x126xi32>
    %concatenate3A_1963 = tpu.concatenate %slice3A_1961, %slice3A_1962 in 1 : vector<64x2xi32>, vector<64x126xi32> -> vector<64x128xi32>
    %slice3A_1964 = vector.extract_strided_slice %select_n3A_1954 {offsets = [0, 2], sizes = [64, 126], strides = [1, 1]} : vector<64x128xi32> to vector<64x126xi32>
    %slice3A_1965 = vector.extract_strided_slice %select_n3A_1954 {offsets = [0, 0], sizes = [64, 2], strides = [1, 1]} : vector<64x128xi32> to vector<64x2xi32>
    %concatenate3A_1966 = tpu.concatenate %slice3A_1964, %slice3A_1965 in 1 : vector<64x126xi32>, vector<64x2xi32> -> vector<64x128xi32>
    %and3A_1967 = arith.constant 2 : i32
    %and3A_1968 = vector.broadcast %and3A_1967 : i32 to vector<64x128xi32>
    %and3A_1969 = arith.andi %add3A, %and3A_1968 : vector<64x128xi32>
    %ne3A_1970 = arith.constant 0 : i32
    %ne3A_1971 = vector.broadcast %ne3A_1970 : i32 to vector<64x128xi32>
    %ne3A_1972 = arith.cmpi ne, %and3A_1969, %ne3A_1971 : vector<64x128xi32>
    %select_n3A_1973 = arith.select %ne3A_1972, %concatenate3A_1957, %concatenate3A_1960 : vector<64x128xi1>, vector<64x128xf32>
    %select_n3A_1974 = arith.select %ne3A_1972, %concatenate3A_1963, %concatenate3A_1966 : vector<64x128xi1>, vector<64x128xi32>
    %gt3A_1975 = arith.cmpf ogt, %select_n3A_1973, %select_n3A_1953 : vector<64x128xf32>
    %eq3A_1976 = arith.cmpf oeq, %select_n3A_1973, %select_n3A_1953 : vector<64x128xf32>
    %lt3A_1977 = arith.cmpi slt, %select_n3A_1974, %select_n3A_1954 : vector<64x128xi32>
    %and3A_1978 = arith.andi %eq3A_1976, %lt3A_1977 : vector<64x128xi1>
    %or3A_1979 = arith.ori %gt3A_1975, %and3A_1978 : vector<64x128xi1>
    %ne3A_1980 = arith.xori %or3A_1979, %ne3A_1972 : vector<64x128xi1>
    %ne3A_1981 = arith.xori %ne3A_1980, %ne3A_1693 : vector<64x128xi1>
    %select_n3A_1982 = arith.select %ne3A_1981, %select_n3A_1973, %select_n3A_1953 : vector<64x128xi1>, vector<64x128xf32>
    %select_n3A_1983 = arith.select %ne3A_1981, %select_n3A_1974, %select_n3A_1954 : vector<64x128xi1>, vector<64x128xi32>
    %slice3A_1984 = vector.extract_strided_slice %select_n3A_1982 {offsets = [0, 127], sizes = [64, 1], strides = [1, 1]} : vector<64x128xf32> to vector<64x1xf32>
    %slice3A_1985 = vector.extract_strided_slice %select_n3A_1982 {offsets = [0, 0], sizes = [64, 127], strides = [1, 1]} : vector<64x128xf32> to vector<64x127xf32>
    %concatenate3A_1986 = tpu.concatenate %slice3A_1984, %slice3A_1985 in 1 : vector<64x1xf32>, vector<64x127xf32> -> vector<64x128xf32>
    %slice3A_1987 = vector.extract_strided_slice %select_n3A_1982 {offsets = [0, 1], sizes = [64, 127], strides = [1, 1]} : vector<64x128xf32> to vector<64x127xf32>
    %slice3A_1988 = vector.extract_strided_slice %select_n3A_1982 {offsets = [0, 0], sizes = [64, 1], strides = [1, 1]} : vector<64x128xf32> to vector<64x1xf32>
    %concatenate3A_1989 = tpu.concatenate %slice3A_1987, %slice3A_1988 in 1 : vector<64x127xf32>, vector<64x1xf32> -> vector<64x128xf32>
    %slice3A_1990 = vector.extract_strided_slice %select_n3A_1983 {offsets = [0, 127], sizes = [64, 1], strides = [1, 1]} : vector<64x128xi32> to vector<64x1xi32>
    %slice3A_1991 = vector.extract_strided_slice %select_n3A_1983 {offsets = [0, 0], sizes = [64, 127], strides = [1, 1]} : vector<64x128xi32> to vector<64x127xi32>
    %concatenate3A_1992 = tpu.concatenate %slice3A_1990, %slice3A_1991 in 1 : vector<64x1xi32>, vector<64x127xi32> -> vector<64x128xi32>
    %slice3A_1993 = vector.extract_strided_slice %select_n3A_1983 {offsets = [0, 1], sizes = [64, 127], strides = [1, 1]} : vector<64x128xi32> to vector<64x127xi32>
    %slice3A_1994 = vector.extract_strided_slice %select_n3A_1983 {offsets = [0, 0], sizes = [64, 1], strides = [1, 1]} : vector<64x128xi32> to vector<64x1xi32>
    %concatenate3A_1995 = tpu.concatenate %slice3A_1993, %slice3A_1994 in 1 : vector<64x127xi32>, vector<64x1xi32> -> vector<64x128xi32>
    %and3A_1996 = arith.constant 1 : i32
    %and3A_1997 = vector.broadcast %and3A_1996 : i32 to vector<64x128xi32>
    %and3A_1998 = arith.andi %add3A, %and3A_1997 : vector<64x128xi32>
    %ne3A_1999 = arith.constant 0 : i32
    %ne3A_2000 = vector.broadcast %ne3A_1999 : i32 to vector<64x128xi32>
    %ne3A_2001 = arith.cmpi ne, %and3A_1998, %ne3A_2000 : vector<64x128xi32>
    %select_n3A_2002 = arith.select %ne3A_2001, %concatenate3A_1986, %concatenate3A_1989 : vector<64x128xi1>, vector<64x128xf32>
    %select_n3A_2003 = arith.select %ne3A_2001, %concatenate3A_1992, %concatenate3A_1995 : vector<64x128xi1>, vector<64x128xi32>
    %gt3A_2004 = arith.cmpf ogt, %select_n3A_2002, %select_n3A_1982 : vector<64x128xf32>
    %eq3A_2005 = arith.cmpf oeq, %select_n3A_2002, %select_n3A_1982 : vector<64x128xf32>
    %lt3A_2006 = arith.cmpi slt, %select_n3A_2003, %select_n3A_1983 : vector<64x128xi32>
    %and3A_2007 = arith.andi %eq3A_2005, %lt3A_2006 : vector<64x128xi1>
    %or3A_2008 = arith.ori %gt3A_2004, %and3A_2007 : vector<64x128xi1>
    %ne3A_2009 = arith.xori %or3A_2008, %ne3A_2001 : vector<64x128xi1>
    %ne3A_2010 = arith.xori %ne3A_2009, %ne3A_1693 : vector<64x128xi1>
    %select_n3A_2011 = arith.select %ne3A_2010, %select_n3A_2002, %select_n3A_1982 : vector<64x128xi1>, vector<64x128xf32>
    %select_n3A_2012 = arith.select %ne3A_2010, %select_n3A_2003, %select_n3A_1983 : vector<64x128xi1>, vector<64x128xi32>
    %shift_right_arithmetic3A_2013 = arith.constant 12 : i32
    %shift_right_arithmetic3A_2014 = vector.broadcast %shift_right_arithmetic3A_2013 : i32 to vector<64x128xi32>
    %shift_right_arithmetic3A_2015 = arith.shrsi %add3A, %shift_right_arithmetic3A_2014 : vector<64x128xi32>
    %and3A_2016 = arith.constant 1 : i32
    %and3A_2017 = vector.broadcast %and3A_2016 : i32 to vector<64x128xi32>
    %and3A_2018 = arith.andi %shift_right_arithmetic3A_2015, %and3A_2017 : vector<64x128xi32>
    %ne3A_2019 = arith.constant 0 : i32
    %ne3A_2020 = vector.broadcast %ne3A_2019 : i32 to vector<64x128xi32>
    %ne3A_2021 = arith.cmpi ne, %and3A_2018, %ne3A_2020 : vector<64x128xi32>
    %slice3A_2022 = vector.extract_strided_slice %select_n3A_2011 {offsets = [48, 0], sizes = [16, 128], strides = [1, 1]} : vector<64x128xf32> to vector<16x128xf32>
    %slice3A_2023 = vector.extract_strided_slice %select_n3A_2011 {offsets = [0, 0], sizes = [48, 128], strides = [1, 1]} : vector<64x128xf32> to vector<48x128xf32>
    %concatenate3A_2024 = tpu.concatenate %slice3A_2022, %slice3A_2023 in 0 : vector<16x128xf32>, vector<48x128xf32> -> vector<64x128xf32>
    %slice3A_2025 = vector.extract_strided_slice %select_n3A_2011 {offsets = [16, 0], sizes = [48, 128], strides = [1, 1]} : vector<64x128xf32> to vector<48x128xf32>
    %slice3A_2026 = vector.extract_strided_slice %select_n3A_2011 {offsets = [0, 0], sizes = [16, 128], strides = [1, 1]} : vector<64x128xf32> to vector<16x128xf32>
    %concatenate3A_2027 = tpu.concatenate %slice3A_2025, %slice3A_2026 in 0 : vector<48x128xf32>, vector<16x128xf32> -> vector<64x128xf32>
    %slice3A_2028 = vector.extract_strided_slice %select_n3A_2012 {offsets = [48, 0], sizes = [16, 128], strides = [1, 1]} : vector<64x128xi32> to vector<16x128xi32>
    %slice3A_2029 = vector.extract_strided_slice %select_n3A_2012 {offsets = [0, 0], sizes = [48, 128], strides = [1, 1]} : vector<64x128xi32> to vector<48x128xi32>
    %concatenate3A_2030 = tpu.concatenate %slice3A_2028, %slice3A_2029 in 0 : vector<16x128xi32>, vector<48x128xi32> -> vector<64x128xi32>
    %slice3A_2031 = vector.extract_strided_slice %select_n3A_2012 {offsets = [16, 0], sizes = [48, 128], strides = [1, 1]} : vector<64x128xi32> to vector<48x128xi32>
    %slice3A_2032 = vector.extract_strided_slice %select_n3A_2012 {offsets = [0, 0], sizes = [16, 128], strides = [1, 1]} : vector<64x128xi32> to vector<16x128xi32>
    %concatenate3A_2033 = tpu.concatenate %slice3A_2031, %slice3A_2032 in 0 : vector<48x128xi32>, vector<16x128xi32> -> vector<64x128xi32>
    %and3A_2034 = arith.constant 2048 : i32
    %and3A_2035 = vector.broadcast %and3A_2034 : i32 to vector<64x128xi32>
    %and3A_2036 = arith.andi %add3A, %and3A_2035 : vector<64x128xi32>
    %ne3A_2037 = arith.constant 0 : i32
    %ne3A_2038 = vector.broadcast %ne3A_2037 : i32 to vector<64x128xi32>
    %ne3A_2039 = arith.cmpi ne, %and3A_2036, %ne3A_2038 : vector<64x128xi32>
    %select_n3A_2040 = arith.select %ne3A_2039, %concatenate3A_2024, %concatenate3A_2027 : vector<64x128xi1>, vector<64x128xf32>
    %select_n3A_2041 = arith.select %ne3A_2039, %concatenate3A_2030, %concatenate3A_2033 : vector<64x128xi1>, vector<64x128xi32>
    %gt3A_2042 = arith.cmpf ogt, %select_n3A_2040, %select_n3A_2011 : vector<64x128xf32>
    %eq3A_2043 = arith.cmpf oeq, %select_n3A_2040, %select_n3A_2011 : vector<64x128xf32>
    %lt3A_2044 = arith.cmpi slt, %select_n3A_2041, %select_n3A_2012 : vector<64x128xi32>
    %and3A_2045 = arith.andi %eq3A_2043, %lt3A_2044 : vector<64x128xi1>
    %or3A_2046 = arith.ori %gt3A_2042, %and3A_2045 : vector<64x128xi1>
    %ne3A_2047 = arith.xori %or3A_2046, %ne3A_2039 : vector<64x128xi1>
    %ne3A_2048 = arith.xori %ne3A_2047, %ne3A_2021 : vector<64x128xi1>
    %select_n3A_2049 = arith.select %ne3A_2048, %select_n3A_2040, %select_n3A_2011 : vector<64x128xi1>, vector<64x128xf32>
    %select_n3A_2050 = arith.select %ne3A_2048, %select_n3A_2041, %select_n3A_2012 : vector<64x128xi1>, vector<64x128xi32>
    %slice3A_2051 = vector.extract_strided_slice %select_n3A_2049 {offsets = [56, 0], sizes = [8, 128], strides = [1, 1]} : vector<64x128xf32> to vector<8x128xf32>
    %slice3A_2052 = vector.extract_strided_slice %select_n3A_2049 {offsets = [0, 0], sizes = [56, 128], strides = [1, 1]} : vector<64x128xf32> to vector<56x128xf32>
    %concatenate3A_2053 = tpu.concatenate %slice3A_2051, %slice3A_2052 in 0 : vector<8x128xf32>, vector<56x128xf32> -> vector<64x128xf32>
    %slice3A_2054 = vector.extract_strided_slice %select_n3A_2049 {offsets = [8, 0], sizes = [56, 128], strides = [1, 1]} : vector<64x128xf32> to vector<56x128xf32>
    %slice3A_2055 = vector.extract_strided_slice %select_n3A_2049 {offsets = [0, 0], sizes = [8, 128], strides = [1, 1]} : vector<64x128xf32> to vector<8x128xf32>
    %concatenate3A_2056 = tpu.concatenate %slice3A_2054, %slice3A_2055 in 0 : vector<56x128xf32>, vector<8x128xf32> -> vector<64x128xf32>
    %slice3A_2057 = vector.extract_strided_slice %select_n3A_2050 {offsets = [56, 0], sizes = [8, 128], strides = [1, 1]} : vector<64x128xi32> to vector<8x128xi32>
    %slice3A_2058 = vector.extract_strided_slice %select_n3A_2050 {offsets = [0, 0], sizes = [56, 128], strides = [1, 1]} : vector<64x128xi32> to vector<56x128xi32>
    %concatenate3A_2059 = tpu.concatenate %slice3A_2057, %slice3A_2058 in 0 : vector<8x128xi32>, vector<56x128xi32> -> vector<64x128xi32>
    %slice3A_2060 = vector.extract_strided_slice %select_n3A_2050 {offsets = [8, 0], sizes = [56, 128], strides = [1, 1]} : vector<64x128xi32> to vector<56x128xi32>
    %slice3A_2061 = vector.extract_strided_slice %select_n3A_2050 {offsets = [0, 0], sizes = [8, 128], strides = [1, 1]} : vector<64x128xi32> to vector<8x128xi32>
    %concatenate3A_2062 = tpu.concatenate %slice3A_2060, %slice3A_2061 in 0 : vector<56x128xi32>, vector<8x128xi32> -> vector<64x128xi32>
    %and3A_2063 = arith.constant 1024 : i32
    %and3A_2064 = vector.broadcast %and3A_2063 : i32 to vector<64x128xi32>
    %and3A_2065 = arith.andi %add3A, %and3A_2064 : vector<64x128xi32>
    %ne3A_2066 = arith.constant 0 : i32
    %ne3A_2067 = vector.broadcast %ne3A_2066 : i32 to vector<64x128xi32>
    %ne3A_2068 = arith.cmpi ne, %and3A_2065, %ne3A_2067 : vector<64x128xi32>
    %select_n3A_2069 = arith.select %ne3A_2068, %concatenate3A_2053, %concatenate3A_2056 : vector<64x128xi1>, vector<64x128xf32>
    %select_n3A_2070 = arith.select %ne3A_2068, %concatenate3A_2059, %concatenate3A_2062 : vector<64x128xi1>, vector<64x128xi32>
    %gt3A_2071 = arith.cmpf ogt, %select_n3A_2069, %select_n3A_2049 : vector<64x128xf32>
    %eq3A_2072 = arith.cmpf oeq, %select_n3A_2069, %select_n3A_2049 : vector<64x128xf32>
    %lt3A_2073 = arith.cmpi slt, %select_n3A_2070, %select_n3A_2050 : vector<64x128xi32>
    %and3A_2074 = arith.andi %eq3A_2072, %lt3A_2073 : vector<64x128xi1>
    %or3A_2075 = arith.ori %gt3A_2071, %and3A_2074 : vector<64x128xi1>
    %ne3A_2076 = arith.xori %or3A_2075, %ne3A_2068 : vector<64x128xi1>
    %ne3A_2077 = arith.xori %ne3A_2076, %ne3A_2021 : vector<64x128xi1>
    %select_n3A_2078 = arith.select %ne3A_2077, %select_n3A_2069, %select_n3A_2049 : vector<64x128xi1>, vector<64x128xf32>
    %select_n3A_2079 = arith.select %ne3A_2077, %select_n3A_2070, %select_n3A_2050 : vector<64x128xi1>, vector<64x128xi32>
    %slice3A_2080 = vector.extract_strided_slice %select_n3A_2078 {offsets = [60, 0], sizes = [4, 128], strides = [1, 1]} : vector<64x128xf32> to vector<4x128xf32>
    %slice3A_2081 = vector.extract_strided_slice %select_n3A_2078 {offsets = [0, 0], sizes = [60, 128], strides = [1, 1]} : vector<64x128xf32> to vector<60x128xf32>
    %concatenate3A_2082 = tpu.concatenate %slice3A_2080, %slice3A_2081 in 0 : vector<4x128xf32>, vector<60x128xf32> -> vector<64x128xf32>
    %slice3A_2083 = vector.extract_strided_slice %select_n3A_2078 {offsets = [4, 0], sizes = [60, 128], strides = [1, 1]} : vector<64x128xf32> to vector<60x128xf32>
    %slice3A_2084 = vector.extract_strided_slice %select_n3A_2078 {offsets = [0, 0], sizes = [4, 128], strides = [1, 1]} : vector<64x128xf32> to vector<4x128xf32>
    %concatenate3A_2085 = tpu.concatenate %slice3A_2083, %slice3A_2084 in 0 : vector<60x128xf32>, vector<4x128xf32> -> vector<64x128xf32>
    %slice3A_2086 = vector.extract_strided_slice %select_n3A_2079 {offsets = [60, 0], sizes = [4, 128], strides = [1, 1]} : vector<64x128xi32> to vector<4x128xi32>
    %slice3A_2087 = vector.extract_strided_slice %select_n3A_2079 {offsets = [0, 0], sizes = [60, 128], strides = [1, 1]} : vector<64x128xi32> to vector<60x128xi32>
    %concatenate3A_2088 = tpu.concatenate %slice3A_2086, %slice3A_2087 in 0 : vector<4x128xi32>, vector<60x128xi32> -> vector<64x128xi32>
    %slice3A_2089 = vector.extract_strided_slice %select_n3A_2079 {offsets = [4, 0], sizes = [60, 128], strides = [1, 1]} : vector<64x128xi32> to vector<60x128xi32>
    %slice3A_2090 = vector.extract_strided_slice %select_n3A_2079 {offsets = [0, 0], sizes = [4, 128], strides = [1, 1]} : vector<64x128xi32> to vector<4x128xi32>
    %concatenate3A_2091 = tpu.concatenate %slice3A_2089, %slice3A_2090 in 0 : vector<60x128xi32>, vector<4x128xi32> -> vector<64x128xi32>
    %and3A_2092 = arith.constant 512 : i32
    %and3A_2093 = vector.broadcast %and3A_2092 : i32 to vector<64x128xi32>
    %and3A_2094 = arith.andi %add3A, %and3A_2093 : vector<64x128xi32>
    %ne3A_2095 = arith.constant 0 : i32
    %ne3A_2096 = vector.broadcast %ne3A_2095 : i32 to vector<64x128xi32>
    %ne3A_2097 = arith.cmpi ne, %and3A_2094, %ne3A_2096 : vector<64x128xi32>
    %select_n3A_2098 = arith.select %ne3A_2097, %concatenate3A_2082, %concatenate3A_2085 : vector<64x128xi1>, vector<64x128xf32>
    %select_n3A_2099 = arith.select %ne3A_2097, %concatenate3A_2088, %concatenate3A_2091 : vector<64x128xi1>, vector<64x128xi32>
    %gt3A_2100 = arith.cmpf ogt, %select_n3A_2098, %select_n3A_2078 : vector<64x128xf32>
    %eq3A_2101 = arith.cmpf oeq, %select_n3A_2098, %select_n3A_2078 : vector<64x128xf32>
    %lt3A_2102 = arith.cmpi slt, %select_n3A_2099, %select_n3A_2079 : vector<64x128xi32>
    %and3A_2103 = arith.andi %eq3A_2101, %lt3A_2102 : vector<64x128xi1>
    %or3A_2104 = arith.ori %gt3A_2100, %and3A_2103 : vector<64x128xi1>
    %ne3A_2105 = arith.xori %or3A_2104, %ne3A_2097 : vector<64x128xi1>
    %ne3A_2106 = arith.xori %ne3A_2105, %ne3A_2021 : vector<64x128xi1>
    %select_n3A_2107 = arith.select %ne3A_2106, %select_n3A_2098, %select_n3A_2078 : vector<64x128xi1>, vector<64x128xf32>
    %select_n3A_2108 = arith.select %ne3A_2106, %select_n3A_2099, %select_n3A_2079 : vector<64x128xi1>, vector<64x128xi32>
    %slice3A_2109 = vector.extract_strided_slice %select_n3A_2107 {offsets = [62, 0], sizes = [2, 128], strides = [1, 1]} : vector<64x128xf32> to vector<2x128xf32>
    %slice3A_2110 = vector.extract_strided_slice %select_n3A_2107 {offsets = [0, 0], sizes = [62, 128], strides = [1, 1]} : vector<64x128xf32> to vector<62x128xf32>
    %concatenate3A_2111 = tpu.concatenate %slice3A_2109, %slice3A_2110 in 0 : vector<2x128xf32>, vector<62x128xf32> -> vector<64x128xf32>
    %slice3A_2112 = vector.extract_strided_slice %select_n3A_2107 {offsets = [2, 0], sizes = [62, 128], strides = [1, 1]} : vector<64x128xf32> to vector<62x128xf32>
    %slice3A_2113 = vector.extract_strided_slice %select_n3A_2107 {offsets = [0, 0], sizes = [2, 128], strides = [1, 1]} : vector<64x128xf32> to vector<2x128xf32>
    %concatenate3A_2114 = tpu.concatenate %slice3A_2112, %slice3A_2113 in 0 : vector<62x128xf32>, vector<2x128xf32> -> vector<64x128xf32>
    %slice3A_2115 = vector.extract_strided_slice %select_n3A_2108 {offsets = [62, 0], sizes = [2, 128], strides = [1, 1]} : vector<64x128xi32> to vector<2x128xi32>
    %slice3A_2116 = vector.extract_strided_slice %select_n3A_2108 {offsets = [0, 0], sizes = [62, 128], strides = [1, 1]} : vector<64x128xi32> to vector<62x128xi32>
    %concatenate3A_2117 = tpu.concatenate %slice3A_2115, %slice3A_2116 in 0 : vector<2x128xi32>, vector<62x128xi32> -> vector<64x128xi32>
    %slice3A_2118 = vector.extract_strided_slice %select_n3A_2108 {offsets = [2, 0], sizes = [62, 128], strides = [1, 1]} : vector<64x128xi32> to vector<62x128xi32>
    %slice3A_2119 = vector.extract_strided_slice %select_n3A_2108 {offsets = [0, 0], sizes = [2, 128], strides = [1, 1]} : vector<64x128xi32> to vector<2x128xi32>
    %concatenate3A_2120 = tpu.concatenate %slice3A_2118, %slice3A_2119 in 0 : vector<62x128xi32>, vector<2x128xi32> -> vector<64x128xi32>
    %and3A_2121 = arith.constant 256 : i32
    %and3A_2122 = vector.broadcast %and3A_2121 : i32 to vector<64x128xi32>
    %and3A_2123 = arith.andi %add3A, %and3A_2122 : vector<64x128xi32>
    %ne3A_2124 = arith.constant 0 : i32
    %ne3A_2125 = vector.broadcast %ne3A_2124 : i32 to vector<64x128xi32>
    %ne3A_2126 = arith.cmpi ne, %and3A_2123, %ne3A_2125 : vector<64x128xi32>
    %select_n3A_2127 = arith.select %ne3A_2126, %concatenate3A_2111, %concatenate3A_2114 : vector<64x128xi1>, vector<64x128xf32>
    %select_n3A_2128 = arith.select %ne3A_2126, %concatenate3A_2117, %concatenate3A_2120 : vector<64x128xi1>, vector<64x128xi32>
    %gt3A_2129 = arith.cmpf ogt, %select_n3A_2127, %select_n3A_2107 : vector<64x128xf32>
    %eq3A_2130 = arith.cmpf oeq, %select_n3A_2127, %select_n3A_2107 : vector<64x128xf32>
    %lt3A_2131 = arith.cmpi slt, %select_n3A_2128, %select_n3A_2108 : vector<64x128xi32>
    %and3A_2132 = arith.andi %eq3A_2130, %lt3A_2131 : vector<64x128xi1>
    %or3A_2133 = arith.ori %gt3A_2129, %and3A_2132 : vector<64x128xi1>
    %ne3A_2134 = arith.xori %or3A_2133, %ne3A_2126 : vector<64x128xi1>
    %ne3A_2135 = arith.xori %ne3A_2134, %ne3A_2021 : vector<64x128xi1>
    %select_n3A_2136 = arith.select %ne3A_2135, %select_n3A_2127, %select_n3A_2107 : vector<64x128xi1>, vector<64x128xf32>
    %select_n3A_2137 = arith.select %ne3A_2135, %select_n3A_2128, %select_n3A_2108 : vector<64x128xi1>, vector<64x128xi32>
    %slice3A_2138 = vector.extract_strided_slice %select_n3A_2136 {offsets = [63, 0], sizes = [1, 128], strides = [1, 1]} : vector<64x128xf32> to vector<1x128xf32>
    %slice3A_2139 = vector.extract_strided_slice %select_n3A_2136 {offsets = [0, 0], sizes = [63, 128], strides = [1, 1]} : vector<64x128xf32> to vector<63x128xf32>
    %concatenate3A_2140 = tpu.concatenate %slice3A_2138, %slice3A_2139 in 0 : vector<1x128xf32>, vector<63x128xf32> -> vector<64x128xf32>
    %slice3A_2141 = vector.extract_strided_slice %select_n3A_2136 {offsets = [1, 0], sizes = [63, 128], strides = [1, 1]} : vector<64x128xf32> to vector<63x128xf32>
    %slice3A_2142 = vector.extract_strided_slice %select_n3A_2136 {offsets = [0, 0], sizes = [1, 128], strides = [1, 1]} : vector<64x128xf32> to vector<1x128xf32>
    %concatenate3A_2143 = tpu.concatenate %slice3A_2141, %slice3A_2142 in 0 : vector<63x128xf32>, vector<1x128xf32> -> vector<64x128xf32>
    %slice3A_2144 = vector.extract_strided_slice %select_n3A_2137 {offsets = [63, 0], sizes = [1, 128], strides = [1, 1]} : vector<64x128xi32> to vector<1x128xi32>
    %slice3A_2145 = vector.extract_strided_slice %select_n3A_2137 {offsets = [0, 0], sizes = [63, 128], strides = [1, 1]} : vector<64x128xi32> to vector<63x128xi32>
    %concatenate3A_2146 = tpu.concatenate %slice3A_2144, %slice3A_2145 in 0 : vector<1x128xi32>, vector<63x128xi32> -> vector<64x128xi32>
    %slice3A_2147 = vector.extract_strided_slice %select_n3A_2137 {offsets = [1, 0], sizes = [63, 128], strides = [1, 1]} : vector<64x128xi32> to vector<63x128xi32>
    %slice3A_2148 = vector.extract_strided_slice %select_n3A_2137 {offsets = [0, 0], sizes = [1, 128], strides = [1, 1]} : vector<64x128xi32> to vector<1x128xi32>
    %concatenate3A_2149 = tpu.concatenate %slice3A_2147, %slice3A_2148 in 0 : vector<63x128xi32>, vector<1x128xi32> -> vector<64x128xi32>
    %and3A_2150 = arith.constant 128 : i32
    %and3A_2151 = vector.broadcast %and3A_2150 : i32 to vector<64x128xi32>
    %and3A_2152 = arith.andi %add3A, %and3A_2151 : vector<64x128xi32>
    %ne3A_2153 = arith.constant 0 : i32
    %ne3A_2154 = vector.broadcast %ne3A_2153 : i32 to vector<64x128xi32>
    %ne3A_2155 = arith.cmpi ne, %and3A_2152, %ne3A_2154 : vector<64x128xi32>
    %select_n3A_2156 = arith.select %ne3A_2155, %concatenate3A_2140, %concatenate3A_2143 : vector<64x128xi1>, vector<64x128xf32>
    %select_n3A_2157 = arith.select %ne3A_2155, %concatenate3A_2146, %concatenate3A_2149 : vector<64x128xi1>, vector<64x128xi32>
    %gt3A_2158 = arith.cmpf ogt, %select_n3A_2156, %select_n3A_2136 : vector<64x128xf32>
    %eq3A_2159 = arith.cmpf oeq, %select_n3A_2156, %select_n3A_2136 : vector<64x128xf32>
    %lt3A_2160 = arith.cmpi slt, %select_n3A_2157, %select_n3A_2137 : vector<64x128xi32>
    %and3A_2161 = arith.andi %eq3A_2159, %lt3A_2160 : vector<64x128xi1>
    %or3A_2162 = arith.ori %gt3A_2158, %and3A_2161 : vector<64x128xi1>
    %ne3A_2163 = arith.xori %or3A_2162, %ne3A_2155 : vector<64x128xi1>
    %ne3A_2164 = arith.xori %ne3A_2163, %ne3A_2021 : vector<64x128xi1>
    %select_n3A_2165 = arith.select %ne3A_2164, %select_n3A_2156, %select_n3A_2136 : vector<64x128xi1>, vector<64x128xf32>
    %select_n3A_2166 = arith.select %ne3A_2164, %select_n3A_2157, %select_n3A_2137 : vector<64x128xi1>, vector<64x128xi32>
    %slice3A_2167 = vector.extract_strided_slice %select_n3A_2165 {offsets = [0, 64], sizes = [64, 64], strides = [1, 1]} : vector<64x128xf32> to vector<64x64xf32>
    %slice3A_2168 = vector.extract_strided_slice %select_n3A_2165 {offsets = [0, 0], sizes = [64, 64], strides = [1, 1]} : vector<64x128xf32> to vector<64x64xf32>
    %concatenate3A_2169 = tpu.concatenate %slice3A_2167, %slice3A_2168 in 1 : vector<64x64xf32>, vector<64x64xf32> -> vector<64x128xf32>
    %slice3A_2170 = vector.extract_strided_slice %select_n3A_2165 {offsets = [0, 64], sizes = [64, 64], strides = [1, 1]} : vector<64x128xf32> to vector<64x64xf32>
    %slice3A_2171 = vector.extract_strided_slice %select_n3A_2165 {offsets = [0, 0], sizes = [64, 64], strides = [1, 1]} : vector<64x128xf32> to vector<64x64xf32>
    %concatenate3A_2172 = tpu.concatenate %slice3A_2170, %slice3A_2171 in 1 : vector<64x64xf32>, vector<64x64xf32> -> vector<64x128xf32>
    %slice3A_2173 = vector.extract_strided_slice %select_n3A_2166 {offsets = [0, 64], sizes = [64, 64], strides = [1, 1]} : vector<64x128xi32> to vector<64x64xi32>
    %slice3A_2174 = vector.extract_strided_slice %select_n3A_2166 {offsets = [0, 0], sizes = [64, 64], strides = [1, 1]} : vector<64x128xi32> to vector<64x64xi32>
    %concatenate3A_2175 = tpu.concatenate %slice3A_2173, %slice3A_2174 in 1 : vector<64x64xi32>, vector<64x64xi32> -> vector<64x128xi32>
    %slice3A_2176 = vector.extract_strided_slice %select_n3A_2166 {offsets = [0, 64], sizes = [64, 64], strides = [1, 1]} : vector<64x128xi32> to vector<64x64xi32>
    %slice3A_2177 = vector.extract_strided_slice %select_n3A_2166 {offsets = [0, 0], sizes = [64, 64], strides = [1, 1]} : vector<64x128xi32> to vector<64x64xi32>
    %concatenate3A_2178 = tpu.concatenate %slice3A_2176, %slice3A_2177 in 1 : vector<64x64xi32>, vector<64x64xi32> -> vector<64x128xi32>
    %and3A_2179 = arith.constant 64 : i32
    %and3A_2180 = vector.broadcast %and3A_2179 : i32 to vector<64x128xi32>
    %and3A_2181 = arith.andi %add3A, %and3A_2180 : vector<64x128xi32>
    %ne3A_2182 = arith.constant 0 : i32
    %ne3A_2183 = vector.broadcast %ne3A_2182 : i32 to vector<64x128xi32>
    %ne3A_2184 = arith.cmpi ne, %and3A_2181, %ne3A_2183 : vector<64x128xi32>
    %select_n3A_2185 = arith.select %ne3A_2184, %concatenate3A_2169, %concatenate3A_2172 : vector<64x128xi1>, vector<64x128xf32>
    %select_n3A_2186 = arith.select %ne3A_2184, %concatenate3A_2175, %concatenate3A_2178 : vector<64x128xi1>, vector<64x128xi32>
    %gt3A_2187 = arith.cmpf ogt, %select_n3A_2185, %select_n3A_2165 : vector<64x128xf32>
    %eq3A_2188 = arith.cmpf oeq, %select_n3A_2185, %select_n3A_2165 : vector<64x128xf32>
    %lt3A_2189 = arith.cmpi slt, %select_n3A_2186, %select_n3A_2166 : vector<64x128xi32>
    %and3A_2190 = arith.andi %eq3A_2188, %lt3A_2189 : vector<64x128xi1>
    %or3A_2191 = arith.ori %gt3A_2187, %and3A_2190 : vector<64x128xi1>
    %ne3A_2192 = arith.xori %or3A_2191, %ne3A_2184 : vector<64x128xi1>
    %ne3A_2193 = arith.xori %ne3A_2192, %ne3A_2021 : vector<64x128xi1>
    %select_n3A_2194 = arith.select %ne3A_2193, %select_n3A_2185, %select_n3A_2165 : vector<64x128xi1>, vector<64x128xf32>
    %select_n3A_2195 = arith.select %ne3A_2193, %select_n3A_2186, %select_n3A_2166 : vector<64x128xi1>, vector<64x128xi32>
    %slice3A_2196 = vector.extract_strided_slice %select_n3A_2194 {offsets = [0, 96], sizes = [64, 32], strides = [1, 1]} : vector<64x128xf32> to vector<64x32xf32>
    %slice3A_2197 = vector.extract_strided_slice %select_n3A_2194 {offsets = [0, 0], sizes = [64, 96], strides = [1, 1]} : vector<64x128xf32> to vector<64x96xf32>
    %concatenate3A_2198 = tpu.concatenate %slice3A_2196, %slice3A_2197 in 1 : vector<64x32xf32>, vector<64x96xf32> -> vector<64x128xf32>
    %slice3A_2199 = vector.extract_strided_slice %select_n3A_2194 {offsets = [0, 32], sizes = [64, 96], strides = [1, 1]} : vector<64x128xf32> to vector<64x96xf32>
    %slice3A_2200 = vector.extract_strided_slice %select_n3A_2194 {offsets = [0, 0], sizes = [64, 32], strides = [1, 1]} : vector<64x128xf32> to vector<64x32xf32>
    %concatenate3A_2201 = tpu.concatenate %slice3A_2199, %slice3A_2200 in 1 : vector<64x96xf32>, vector<64x32xf32> -> vector<64x128xf32>
    %slice3A_2202 = vector.extract_strided_slice %select_n3A_2195 {offsets = [0, 96], sizes = [64, 32], strides = [1, 1]} : vector<64x128xi32> to vector<64x32xi32>
    %slice3A_2203 = vector.extract_strided_slice %select_n3A_2195 {offsets = [0, 0], sizes = [64, 96], strides = [1, 1]} : vector<64x128xi32> to vector<64x96xi32>
    %concatenate3A_2204 = tpu.concatenate %slice3A_2202, %slice3A_2203 in 1 : vector<64x32xi32>, vector<64x96xi32> -> vector<64x128xi32>
    %slice3A_2205 = vector.extract_strided_slice %select_n3A_2195 {offsets = [0, 32], sizes = [64, 96], strides = [1, 1]} : vector<64x128xi32> to vector<64x96xi32>
    %slice3A_2206 = vector.extract_strided_slice %select_n3A_2195 {offsets = [0, 0], sizes = [64, 32], strides = [1, 1]} : vector<64x128xi32> to vector<64x32xi32>
    %concatenate3A_2207 = tpu.concatenate %slice3A_2205, %slice3A_2206 in 1 : vector<64x96xi32>, vector<64x32xi32> -> vector<64x128xi32>
    %and3A_2208 = arith.constant 32 : i32
    %and3A_2209 = vector.broadcast %and3A_2208 : i32 to vector<64x128xi32>
    %and3A_2210 = arith.andi %add3A, %and3A_2209 : vector<64x128xi32>
    %ne3A_2211 = arith.constant 0 : i32
    %ne3A_2212 = vector.broadcast %ne3A_2211 : i32 to vector<64x128xi32>
    %ne3A_2213 = arith.cmpi ne, %and3A_2210, %ne3A_2212 : vector<64x128xi32>
    %select_n3A_2214 = arith.select %ne3A_2213, %concatenate3A_2198, %concatenate3A_2201 : vector<64x128xi1>, vector<64x128xf32>
    %select_n3A_2215 = arith.select %ne3A_2213, %concatenate3A_2204, %concatenate3A_2207 : vector<64x128xi1>, vector<64x128xi32>
    %gt3A_2216 = arith.cmpf ogt, %select_n3A_2214, %select_n3A_2194 : vector<64x128xf32>
    %eq3A_2217 = arith.cmpf oeq, %select_n3A_2214, %select_n3A_2194 : vector<64x128xf32>
    %lt3A_2218 = arith.cmpi slt, %select_n3A_2215, %select_n3A_2195 : vector<64x128xi32>
    %and3A_2219 = arith.andi %eq3A_2217, %lt3A_2218 : vector<64x128xi1>
    %or3A_2220 = arith.ori %gt3A_2216, %and3A_2219 : vector<64x128xi1>
    %ne3A_2221 = arith.xori %or3A_2220, %ne3A_2213 : vector<64x128xi1>
    %ne3A_2222 = arith.xori %ne3A_2221, %ne3A_2021 : vector<64x128xi1>
    %select_n3A_2223 = arith.select %ne3A_2222, %select_n3A_2214, %select_n3A_2194 : vector<64x128xi1>, vector<64x128xf32>
    %select_n3A_2224 = arith.select %ne3A_2222, %select_n3A_2215, %select_n3A_2195 : vector<64x128xi1>, vector<64x128xi32>
    %slice3A_2225 = vector.extract_strided_slice %select_n3A_2223 {offsets = [0, 112], sizes = [64, 16], strides = [1, 1]} : vector<64x128xf32> to vector<64x16xf32>
    %slice3A_2226 = vector.extract_strided_slice %select_n3A_2223 {offsets = [0, 0], sizes = [64, 112], strides = [1, 1]} : vector<64x128xf32> to vector<64x112xf32>
    %concatenate3A_2227 = tpu.concatenate %slice3A_2225, %slice3A_2226 in 1 : vector<64x16xf32>, vector<64x112xf32> -> vector<64x128xf32>
    %slice3A_2228 = vector.extract_strided_slice %select_n3A_2223 {offsets = [0, 16], sizes = [64, 112], strides = [1, 1]} : vector<64x128xf32> to vector<64x112xf32>
    %slice3A_2229 = vector.extract_strided_slice %select_n3A_2223 {offsets = [0, 0], sizes = [64, 16], strides = [1, 1]} : vector<64x128xf32> to vector<64x16xf32>
    %concatenate3A_2230 = tpu.concatenate %slice3A_2228, %slice3A_2229 in 1 : vector<64x112xf32>, vector<64x16xf32> -> vector<64x128xf32>
    %slice3A_2231 = vector.extract_strided_slice %select_n3A_2224 {offsets = [0, 112], sizes = [64, 16], strides = [1, 1]} : vector<64x128xi32> to vector<64x16xi32>
    %slice3A_2232 = vector.extract_strided_slice %select_n3A_2224 {offsets = [0, 0], sizes = [64, 112], strides = [1, 1]} : vector<64x128xi32> to vector<64x112xi32>
    %concatenate3A_2233 = tpu.concatenate %slice3A_2231, %slice3A_2232 in 1 : vector<64x16xi32>, vector<64x112xi32> -> vector<64x128xi32>
    %slice3A_2234 = vector.extract_strided_slice %select_n3A_2224 {offsets = [0, 16], sizes = [64, 112], strides = [1, 1]} : vector<64x128xi32> to vector<64x112xi32>
    %slice3A_2235 = vector.extract_strided_slice %select_n3A_2224 {offsets = [0, 0], sizes = [64, 16], strides = [1, 1]} : vector<64x128xi32> to vector<64x16xi32>
    %concatenate3A_2236 = tpu.concatenate %slice3A_2234, %slice3A_2235 in 1 : vector<64x112xi32>, vector<64x16xi32> -> vector<64x128xi32>
    %and3A_2237 = arith.constant 16 : i32
    %and3A_2238 = vector.broadcast %and3A_2237 : i32 to vector<64x128xi32>
    %and3A_2239 = arith.andi %add3A, %and3A_2238 : vector<64x128xi32>
    %ne3A_2240 = arith.constant 0 : i32
    %ne3A_2241 = vector.broadcast %ne3A_2240 : i32 to vector<64x128xi32>
    %ne3A_2242 = arith.cmpi ne, %and3A_2239, %ne3A_2241 : vector<64x128xi32>
    %select_n3A_2243 = arith.select %ne3A_2242, %concatenate3A_2227, %concatenate3A_2230 : vector<64x128xi1>, vector<64x128xf32>
    %select_n3A_2244 = arith.select %ne3A_2242, %concatenate3A_2233, %concatenate3A_2236 : vector<64x128xi1>, vector<64x128xi32>
    %gt3A_2245 = arith.cmpf ogt, %select_n3A_2243, %select_n3A_2223 : vector<64x128xf32>
    %eq3A_2246 = arith.cmpf oeq, %select_n3A_2243, %select_n3A_2223 : vector<64x128xf32>
    %lt3A_2247 = arith.cmpi slt, %select_n3A_2244, %select_n3A_2224 : vector<64x128xi32>
    %and3A_2248 = arith.andi %eq3A_2246, %lt3A_2247 : vector<64x128xi1>
    %or3A_2249 = arith.ori %gt3A_2245, %and3A_2248 : vector<64x128xi1>
    %ne3A_2250 = arith.xori %or3A_2249, %ne3A_2242 : vector<64x128xi1>
    %ne3A_2251 = arith.xori %ne3A_2250, %ne3A_2021 : vector<64x128xi1>
    %select_n3A_2252 = arith.select %ne3A_2251, %select_n3A_2243, %select_n3A_2223 : vector<64x128xi1>, vector<64x128xf32>
    %select_n3A_2253 = arith.select %ne3A_2251, %select_n3A_2244, %select_n3A_2224 : vector<64x128xi1>, vector<64x128xi32>
    %slice3A_2254 = vector.extract_strided_slice %select_n3A_2252 {offsets = [0, 120], sizes = [64, 8], strides = [1, 1]} : vector<64x128xf32> to vector<64x8xf32>
    %slice3A_2255 = vector.extract_strided_slice %select_n3A_2252 {offsets = [0, 0], sizes = [64, 120], strides = [1, 1]} : vector<64x128xf32> to vector<64x120xf32>
    %concatenate3A_2256 = tpu.concatenate %slice3A_2254, %slice3A_2255 in 1 : vector<64x8xf32>, vector<64x120xf32> -> vector<64x128xf32>
    %slice3A_2257 = vector.extract_strided_slice %select_n3A_2252 {offsets = [0, 8], sizes = [64, 120], strides = [1, 1]} : vector<64x128xf32> to vector<64x120xf32>
    %slice3A_2258 = vector.extract_strided_slice %select_n3A_2252 {offsets = [0, 0], sizes = [64, 8], strides = [1, 1]} : vector<64x128xf32> to vector<64x8xf32>
    %concatenate3A_2259 = tpu.concatenate %slice3A_2257, %slice3A_2258 in 1 : vector<64x120xf32>, vector<64x8xf32> -> vector<64x128xf32>
    %slice3A_2260 = vector.extract_strided_slice %select_n3A_2253 {offsets = [0, 120], sizes = [64, 8], strides = [1, 1]} : vector<64x128xi32> to vector<64x8xi32>
    %slice3A_2261 = vector.extract_strided_slice %select_n3A_2253 {offsets = [0, 0], sizes = [64, 120], strides = [1, 1]} : vector<64x128xi32> to vector<64x120xi32>
    %concatenate3A_2262 = tpu.concatenate %slice3A_2260, %slice3A_2261 in 1 : vector<64x8xi32>, vector<64x120xi32> -> vector<64x128xi32>
    %slice3A_2263 = vector.extract_strided_slice %select_n3A_2253 {offsets = [0, 8], sizes = [64, 120], strides = [1, 1]} : vector<64x128xi32> to vector<64x120xi32>
    %slice3A_2264 = vector.extract_strided_slice %select_n3A_2253 {offsets = [0, 0], sizes = [64, 8], strides = [1, 1]} : vector<64x128xi32> to vector<64x8xi32>
    %concatenate3A_2265 = tpu.concatenate %slice3A_2263, %slice3A_2264 in 1 : vector<64x120xi32>, vector<64x8xi32> -> vector<64x128xi32>
    %and3A_2266 = arith.constant 8 : i32
    %and3A_2267 = vector.broadcast %and3A_2266 : i32 to vector<64x128xi32>
    %and3A_2268 = arith.andi %add3A, %and3A_2267 : vector<64x128xi32>
    %ne3A_2269 = arith.constant 0 : i32
    %ne3A_2270 = vector.broadcast %ne3A_2269 : i32 to vector<64x128xi32>
    %ne3A_2271 = arith.cmpi ne, %and3A_2268, %ne3A_2270 : vector<64x128xi32>
    %select_n3A_2272 = arith.select %ne3A_2271, %concatenate3A_2256, %concatenate3A_2259 : vector<64x128xi1>, vector<64x128xf32>
    %select_n3A_2273 = arith.select %ne3A_2271, %concatenate3A_2262, %concatenate3A_2265 : vector<64x128xi1>, vector<64x128xi32>
    %gt3A_2274 = arith.cmpf ogt, %select_n3A_2272, %select_n3A_2252 : vector<64x128xf32>
    %eq3A_2275 = arith.cmpf oeq, %select_n3A_2272, %select_n3A_2252 : vector<64x128xf32>
    %lt3A_2276 = arith.cmpi slt, %select_n3A_2273, %select_n3A_2253 : vector<64x128xi32>
    %and3A_2277 = arith.andi %eq3A_2275, %lt3A_2276 : vector<64x128xi1>
    %or3A_2278 = arith.ori %gt3A_2274, %and3A_2277 : vector<64x128xi1>
    %ne3A_2279 = arith.xori %or3A_2278, %ne3A_2271 : vector<64x128xi1>
    %ne3A_2280 = arith.xori %ne3A_2279, %ne3A_2021 : vector<64x128xi1>
    %select_n3A_2281 = arith.select %ne3A_2280, %select_n3A_2272, %select_n3A_2252 : vector<64x128xi1>, vector<64x128xf32>
    %select_n3A_2282 = arith.select %ne3A_2280, %select_n3A_2273, %select_n3A_2253 : vector<64x128xi1>, vector<64x128xi32>
    %slice3A_2283 = vector.extract_strided_slice %select_n3A_2281 {offsets = [0, 124], sizes = [64, 4], strides = [1, 1]} : vector<64x128xf32> to vector<64x4xf32>
    %slice3A_2284 = vector.extract_strided_slice %select_n3A_2281 {offsets = [0, 0], sizes = [64, 124], strides = [1, 1]} : vector<64x128xf32> to vector<64x124xf32>
    %concatenate3A_2285 = tpu.concatenate %slice3A_2283, %slice3A_2284 in 1 : vector<64x4xf32>, vector<64x124xf32> -> vector<64x128xf32>
    %slice3A_2286 = vector.extract_strided_slice %select_n3A_2281 {offsets = [0, 4], sizes = [64, 124], strides = [1, 1]} : vector<64x128xf32> to vector<64x124xf32>
    %slice3A_2287 = vector.extract_strided_slice %select_n3A_2281 {offsets = [0, 0], sizes = [64, 4], strides = [1, 1]} : vector<64x128xf32> to vector<64x4xf32>
    %concatenate3A_2288 = tpu.concatenate %slice3A_2286, %slice3A_2287 in 1 : vector<64x124xf32>, vector<64x4xf32> -> vector<64x128xf32>
    %slice3A_2289 = vector.extract_strided_slice %select_n3A_2282 {offsets = [0, 124], sizes = [64, 4], strides = [1, 1]} : vector<64x128xi32> to vector<64x4xi32>
    %slice3A_2290 = vector.extract_strided_slice %select_n3A_2282 {offsets = [0, 0], sizes = [64, 124], strides = [1, 1]} : vector<64x128xi32> to vector<64x124xi32>
    %concatenate3A_2291 = tpu.concatenate %slice3A_2289, %slice3A_2290 in 1 : vector<64x4xi32>, vector<64x124xi32> -> vector<64x128xi32>
    %slice3A_2292 = vector.extract_strided_slice %select_n3A_2282 {offsets = [0, 4], sizes = [64, 124], strides = [1, 1]} : vector<64x128xi32> to vector<64x124xi32>
    %slice3A_2293 = vector.extract_strided_slice %select_n3A_2282 {offsets = [0, 0], sizes = [64, 4], strides = [1, 1]} : vector<64x128xi32> to vector<64x4xi32>
    %concatenate3A_2294 = tpu.concatenate %slice3A_2292, %slice3A_2293 in 1 : vector<64x124xi32>, vector<64x4xi32> -> vector<64x128xi32>
    %and3A_2295 = arith.constant 4 : i32
    %and3A_2296 = vector.broadcast %and3A_2295 : i32 to vector<64x128xi32>
    %and3A_2297 = arith.andi %add3A, %and3A_2296 : vector<64x128xi32>
    %ne3A_2298 = arith.constant 0 : i32
    %ne3A_2299 = vector.broadcast %ne3A_2298 : i32 to vector<64x128xi32>
    %ne3A_2300 = arith.cmpi ne, %and3A_2297, %ne3A_2299 : vector<64x128xi32>
    %select_n3A_2301 = arith.select %ne3A_2300, %concatenate3A_2285, %concatenate3A_2288 : vector<64x128xi1>, vector<64x128xf32>
    %select_n3A_2302 = arith.select %ne3A_2300, %concatenate3A_2291, %concatenate3A_2294 : vector<64x128xi1>, vector<64x128xi32>
    %gt3A_2303 = arith.cmpf ogt, %select_n3A_2301, %select_n3A_2281 : vector<64x128xf32>
    %eq3A_2304 = arith.cmpf oeq, %select_n3A_2301, %select_n3A_2281 : vector<64x128xf32>
    %lt3A_2305 = arith.cmpi slt, %select_n3A_2302, %select_n3A_2282 : vector<64x128xi32>
    %and3A_2306 = arith.andi %eq3A_2304, %lt3A_2305 : vector<64x128xi1>
    %or3A_2307 = arith.ori %gt3A_2303, %and3A_2306 : vector<64x128xi1>
    %ne3A_2308 = arith.xori %or3A_2307, %ne3A_2300 : vector<64x128xi1>
    %ne3A_2309 = arith.xori %ne3A_2308, %ne3A_2021 : vector<64x128xi1>
    %select_n3A_2310 = arith.select %ne3A_2309, %select_n3A_2301, %select_n3A_2281 : vector<64x128xi1>, vector<64x128xf32>
    %select_n3A_2311 = arith.select %ne3A_2309, %select_n3A_2302, %select_n3A_2282 : vector<64x128xi1>, vector<64x128xi32>
    %slice3A_2312 = vector.extract_strided_slice %select_n3A_2310 {offsets = [0, 126], sizes = [64, 2], strides = [1, 1]} : vector<64x128xf32> to vector<64x2xf32>
    %slice3A_2313 = vector.extract_strided_slice %select_n3A_2310 {offsets = [0, 0], sizes = [64, 126], strides = [1, 1]} : vector<64x128xf32> to vector<64x126xf32>
    %concatenate3A_2314 = tpu.concatenate %slice3A_2312, %slice3A_2313 in 1 : vector<64x2xf32>, vector<64x126xf32> -> vector<64x128xf32>
    %slice3A_2315 = vector.extract_strided_slice %select_n3A_2310 {offsets = [0, 2], sizes = [64, 126], strides = [1, 1]} : vector<64x128xf32> to vector<64x126xf32>
    %slice3A_2316 = vector.extract_strided_slice %select_n3A_2310 {offsets = [0, 0], sizes = [64, 2], strides = [1, 1]} : vector<64x128xf32> to vector<64x2xf32>
    %concatenate3A_2317 = tpu.concatenate %slice3A_2315, %slice3A_2316 in 1 : vector<64x126xf32>, vector<64x2xf32> -> vector<64x128xf32>
    %slice3A_2318 = vector.extract_strided_slice %select_n3A_2311 {offsets = [0, 126], sizes = [64, 2], strides = [1, 1]} : vector<64x128xi32> to vector<64x2xi32>
    %slice3A_2319 = vector.extract_strided_slice %select_n3A_2311 {offsets = [0, 0], sizes = [64, 126], strides = [1, 1]} : vector<64x128xi32> to vector<64x126xi32>
    %concatenate3A_2320 = tpu.concatenate %slice3A_2318, %slice3A_2319 in 1 : vector<64x2xi32>, vector<64x126xi32> -> vector<64x128xi32>
    %slice3A_2321 = vector.extract_strided_slice %select_n3A_2311 {offsets = [0, 2], sizes = [64, 126], strides = [1, 1]} : vector<64x128xi32> to vector<64x126xi32>
    %slice3A_2322 = vector.extract_strided_slice %select_n3A_2311 {offsets = [0, 0], sizes = [64, 2], strides = [1, 1]} : vector<64x128xi32> to vector<64x2xi32>
    %concatenate3A_2323 = tpu.concatenate %slice3A_2321, %slice3A_2322 in 1 : vector<64x126xi32>, vector<64x2xi32> -> vector<64x128xi32>
    %and3A_2324 = arith.constant 2 : i32
    %and3A_2325 = vector.broadcast %and3A_2324 : i32 to vector<64x128xi32>
    %and3A_2326 = arith.andi %add3A, %and3A_2325 : vector<64x128xi32>
    %ne3A_2327 = arith.constant 0 : i32
    %ne3A_2328 = vector.broadcast %ne3A_2327 : i32 to vector<64x128xi32>
    %ne3A_2329 = arith.cmpi ne, %and3A_2326, %ne3A_2328 : vector<64x128xi32>
    %select_n3A_2330 = arith.select %ne3A_2329, %concatenate3A_2314, %concatenate3A_2317 : vector<64x128xi1>, vector<64x128xf32>
    %select_n3A_2331 = arith.select %ne3A_2329, %concatenate3A_2320, %concatenate3A_2323 : vector<64x128xi1>, vector<64x128xi32>
    %gt3A_2332 = arith.cmpf ogt, %select_n3A_2330, %select_n3A_2310 : vector<64x128xf32>
    %eq3A_2333 = arith.cmpf oeq, %select_n3A_2330, %select_n3A_2310 : vector<64x128xf32>
    %lt3A_2334 = arith.cmpi slt, %select_n3A_2331, %select_n3A_2311 : vector<64x128xi32>
    %and3A_2335 = arith.andi %eq3A_2333, %lt3A_2334 : vector<64x128xi1>
    %or3A_2336 = arith.ori %gt3A_2332, %and3A_2335 : vector<64x128xi1>
    %ne3A_2337 = arith.xori %or3A_2336, %ne3A_2329 : vector<64x128xi1>
    %ne3A_2338 = arith.xori %ne3A_2337, %ne3A_2021 : vector<64x128xi1>
    %select_n3A_2339 = arith.select %ne3A_2338, %select_n3A_2330, %select_n3A_2310 : vector<64x128xi1>, vector<64x128xf32>
    %select_n3A_2340 = arith.select %ne3A_2338, %select_n3A_2331, %select_n3A_2311 : vector<64x128xi1>, vector<64x128xi32>
    %slice3A_2341 = vector.extract_strided_slice %select_n3A_2339 {offsets = [0, 127], sizes = [64, 1], strides = [1, 1]} : vector<64x128xf32> to vector<64x1xf32>
    %slice3A_2342 = vector.extract_strided_slice %select_n3A_2339 {offsets = [0, 0], sizes = [64, 127], strides = [1, 1]} : vector<64x128xf32> to vector<64x127xf32>
    %concatenate3A_2343 = tpu.concatenate %slice3A_2341, %slice3A_2342 in 1 : vector<64x1xf32>, vector<64x127xf32> -> vector<64x128xf32>
    %slice3A_2344 = vector.extract_strided_slice %select_n3A_2339 {offsets = [0, 1], sizes = [64, 127], strides = [1, 1]} : vector<64x128xf32> to vector<64x127xf32>
    %slice3A_2345 = vector.extract_strided_slice %select_n3A_2339 {offsets = [0, 0], sizes = [64, 1], strides = [1, 1]} : vector<64x128xf32> to vector<64x1xf32>
    %concatenate3A_2346 = tpu.concatenate %slice3A_2344, %slice3A_2345 in 1 : vector<64x127xf32>, vector<64x1xf32> -> vector<64x128xf32>
    %slice3A_2347 = vector.extract_strided_slice %select_n3A_2340 {offsets = [0, 127], sizes = [64, 1], strides = [1, 1]} : vector<64x128xi32> to vector<64x1xi32>
    %slice3A_2348 = vector.extract_strided_slice %select_n3A_2340 {offsets = [0, 0], sizes = [64, 127], strides = [1, 1]} : vector<64x128xi32> to vector<64x127xi32>
    %concatenate3A_2349 = tpu.concatenate %slice3A_2347, %slice3A_2348 in 1 : vector<64x1xi32>, vector<64x127xi32> -> vector<64x128xi32>
    %slice3A_2350 = vector.extract_strided_slice %select_n3A_2340 {offsets = [0, 1], sizes = [64, 127], strides = [1, 1]} : vector<64x128xi32> to vector<64x127xi32>
    %slice3A_2351 = vector.extract_strided_slice %select_n3A_2340 {offsets = [0, 0], sizes = [64, 1], strides = [1, 1]} : vector<64x128xi32> to vector<64x1xi32>
    %concatenate3A_2352 = tpu.concatenate %slice3A_2350, %slice3A_2351 in 1 : vector<64x127xi32>, vector<64x1xi32> -> vector<64x128xi32>
    %and3A_2353 = arith.constant 1 : i32
    %and3A_2354 = vector.broadcast %and3A_2353 : i32 to vector<64x128xi32>
    %and3A_2355 = arith.andi %add3A, %and3A_2354 : vector<64x128xi32>
    %ne3A_2356 = arith.constant 0 : i32
    %ne3A_2357 = vector.broadcast %ne3A_2356 : i32 to vector<64x128xi32>
    %ne3A_2358 = arith.cmpi ne, %and3A_2355, %ne3A_2357 : vector<64x128xi32>
    %select_n3A_2359 = arith.select %ne3A_2358, %concatenate3A_2343, %concatenate3A_2346 : vector<64x128xi1>, vector<64x128xf32>
    %select_n3A_2360 = arith.select %ne3A_2358, %concatenate3A_2349, %concatenate3A_2352 : vector<64x128xi1>, vector<64x128xi32>
    %gt3A_2361 = arith.cmpf ogt, %select_n3A_2359, %select_n3A_2339 : vector<64x128xf32>
    %eq3A_2362 = arith.cmpf oeq, %select_n3A_2359, %select_n3A_2339 : vector<64x128xf32>
    %lt3A_2363 = arith.cmpi slt, %select_n3A_2360, %select_n3A_2340 : vector<64x128xi32>
    %and3A_2364 = arith.andi %eq3A_2362, %lt3A_2363 : vector<64x128xi1>
    %or3A_2365 = arith.ori %gt3A_2361, %and3A_2364 : vector<64x128xi1>
    %ne3A_2366 = arith.xori %or3A_2365, %ne3A_2358 : vector<64x128xi1>
    %ne3A_2367 = arith.xori %ne3A_2366, %ne3A_2021 : vector<64x128xi1>
    %select_n3A_2368 = arith.select %ne3A_2367, %select_n3A_2359, %select_n3A_2339 : vector<64x128xi1>, vector<64x128xf32>
    %select_n3A_2369 = arith.select %ne3A_2367, %select_n3A_2360, %select_n3A_2340 : vector<64x128xi1>, vector<64x128xi32>
    %shift_right_arithmetic3A_2370 = arith.constant 13 : i32
    %shift_right_arithmetic3A_2371 = vector.broadcast %shift_right_arithmetic3A_2370 : i32 to vector<64x128xi32>
    %shift_right_arithmetic3A_2372 = arith.shrsi %add3A, %shift_right_arithmetic3A_2371 : vector<64x128xi32>
    %and3A_2373 = arith.constant 1 : i32
    %and3A_2374 = vector.broadcast %and3A_2373 : i32 to vector<64x128xi32>
    %and3A_2375 = arith.andi %shift_right_arithmetic3A_2372, %and3A_2374 : vector<64x128xi32>
    %ne3A_2376 = arith.constant 0 : i32
    %ne3A_2377 = vector.broadcast %ne3A_2376 : i32 to vector<64x128xi32>
    %ne3A_2378 = arith.cmpi ne, %and3A_2375, %ne3A_2377 : vector<64x128xi32>
    %slice3A_2379 = vector.extract_strided_slice %select_n3A_2368 {offsets = [32, 0], sizes = [32, 128], strides = [1, 1]} : vector<64x128xf32> to vector<32x128xf32>
    %slice3A_2380 = vector.extract_strided_slice %select_n3A_2368 {offsets = [0, 0], sizes = [32, 128], strides = [1, 1]} : vector<64x128xf32> to vector<32x128xf32>
    %concatenate3A_2381 = tpu.concatenate %slice3A_2379, %slice3A_2380 in 0 : vector<32x128xf32>, vector<32x128xf32> -> vector<64x128xf32>
    %slice3A_2382 = vector.extract_strided_slice %select_n3A_2368 {offsets = [32, 0], sizes = [32, 128], strides = [1, 1]} : vector<64x128xf32> to vector<32x128xf32>
    %slice3A_2383 = vector.extract_strided_slice %select_n3A_2368 {offsets = [0, 0], sizes = [32, 128], strides = [1, 1]} : vector<64x128xf32> to vector<32x128xf32>
    %concatenate3A_2384 = tpu.concatenate %slice3A_2382, %slice3A_2383 in 0 : vector<32x128xf32>, vector<32x128xf32> -> vector<64x128xf32>
    %slice3A_2385 = vector.extract_strided_slice %select_n3A_2369 {offsets = [32, 0], sizes = [32, 128], strides = [1, 1]} : vector<64x128xi32> to vector<32x128xi32>
    %slice3A_2386 = vector.extract_strided_slice %select_n3A_2369 {offsets = [0, 0], sizes = [32, 128], strides = [1, 1]} : vector<64x128xi32> to vector<32x128xi32>
    %concatenate3A_2387 = tpu.concatenate %slice3A_2385, %slice3A_2386 in 0 : vector<32x128xi32>, vector<32x128xi32> -> vector<64x128xi32>
    %slice3A_2388 = vector.extract_strided_slice %select_n3A_2369 {offsets = [32, 0], sizes = [32, 128], strides = [1, 1]} : vector<64x128xi32> to vector<32x128xi32>
    %slice3A_2389 = vector.extract_strided_slice %select_n3A_2369 {offsets = [0, 0], sizes = [32, 128], strides = [1, 1]} : vector<64x128xi32> to vector<32x128xi32>
    %concatenate3A_2390 = tpu.concatenate %slice3A_2388, %slice3A_2389 in 0 : vector<32x128xi32>, vector<32x128xi32> -> vector<64x128xi32>
    %and3A_2391 = arith.constant 4096 : i32
    %and3A_2392 = vector.broadcast %and3A_2391 : i32 to vector<64x128xi32>
    %and3A_2393 = arith.andi %add3A, %and3A_2392 : vector<64x128xi32>
    %ne3A_2394 = arith.constant 0 : i32
    %ne3A_2395 = vector.broadcast %ne3A_2394 : i32 to vector<64x128xi32>
    %ne3A_2396 = arith.cmpi ne, %and3A_2393, %ne3A_2395 : vector<64x128xi32>
    %select_n3A_2397 = arith.select %ne3A_2396, %concatenate3A_2381, %concatenate3A_2384 : vector<64x128xi1>, vector<64x128xf32>
    %select_n3A_2398 = arith.select %ne3A_2396, %concatenate3A_2387, %concatenate3A_2390 : vector<64x128xi1>, vector<64x128xi32>
    %gt3A_2399 = arith.cmpf ogt, %select_n3A_2397, %select_n3A_2368 : vector<64x128xf32>
    %eq3A_2400 = arith.cmpf oeq, %select_n3A_2397, %select_n3A_2368 : vector<64x128xf32>
    %lt3A_2401 = arith.cmpi slt, %select_n3A_2398, %select_n3A_2369 : vector<64x128xi32>
    %and3A_2402 = arith.andi %eq3A_2400, %lt3A_2401 : vector<64x128xi1>
    %or3A_2403 = arith.ori %gt3A_2399, %and3A_2402 : vector<64x128xi1>
    %ne3A_2404 = arith.xori %or3A_2403, %ne3A_2396 : vector<64x128xi1>
    %ne3A_2405 = arith.xori %ne3A_2404, %ne3A_2378 : vector<64x128xi1>
    %select_n3A_2406 = arith.select %ne3A_2405, %select_n3A_2397, %select_n3A_2368 : vector<64x128xi1>, vector<64x128xf32>
    %select_n3A_2407 = arith.select %ne3A_2405, %select_n3A_2398, %select_n3A_2369 : vector<64x128xi1>, vector<64x128xi32>
    %slice3A_2408 = vector.extract_strided_slice %select_n3A_2406 {offsets = [48, 0], sizes = [16, 128], strides = [1, 1]} : vector<64x128xf32> to vector<16x128xf32>
    %slice3A_2409 = vector.extract_strided_slice %select_n3A_2406 {offsets = [0, 0], sizes = [48, 128], strides = [1, 1]} : vector<64x128xf32> to vector<48x128xf32>
    %concatenate3A_2410 = tpu.concatenate %slice3A_2408, %slice3A_2409 in 0 : vector<16x128xf32>, vector<48x128xf32> -> vector<64x128xf32>
    %slice3A_2411 = vector.extract_strided_slice %select_n3A_2406 {offsets = [16, 0], sizes = [48, 128], strides = [1, 1]} : vector<64x128xf32> to vector<48x128xf32>
    %slice3A_2412 = vector.extract_strided_slice %select_n3A_2406 {offsets = [0, 0], sizes = [16, 128], strides = [1, 1]} : vector<64x128xf32> to vector<16x128xf32>
    %concatenate3A_2413 = tpu.concatenate %slice3A_2411, %slice3A_2412 in 0 : vector<48x128xf32>, vector<16x128xf32> -> vector<64x128xf32>
    %slice3A_2414 = vector.extract_strided_slice %select_n3A_2407 {offsets = [48, 0], sizes = [16, 128], strides = [1, 1]} : vector<64x128xi32> to vector<16x128xi32>
    %slice3A_2415 = vector.extract_strided_slice %select_n3A_2407 {offsets = [0, 0], sizes = [48, 128], strides = [1, 1]} : vector<64x128xi32> to vector<48x128xi32>
    %concatenate3A_2416 = tpu.concatenate %slice3A_2414, %slice3A_2415 in 0 : vector<16x128xi32>, vector<48x128xi32> -> vector<64x128xi32>
    %slice3A_2417 = vector.extract_strided_slice %select_n3A_2407 {offsets = [16, 0], sizes = [48, 128], strides = [1, 1]} : vector<64x128xi32> to vector<48x128xi32>
    %slice3A_2418 = vector.extract_strided_slice %select_n3A_2407 {offsets = [0, 0], sizes = [16, 128], strides = [1, 1]} : vector<64x128xi32> to vector<16x128xi32>
    %concatenate3A_2419 = tpu.concatenate %slice3A_2417, %slice3A_2418 in 0 : vector<48x128xi32>, vector<16x128xi32> -> vector<64x128xi32>
    %and3A_2420 = arith.constant 2048 : i32
    %and3A_2421 = vector.broadcast %and3A_2420 : i32 to vector<64x128xi32>
    %and3A_2422 = arith.andi %add3A, %and3A_2421 : vector<64x128xi32>
    %ne3A_2423 = arith.constant 0 : i32
    %ne3A_2424 = vector.broadcast %ne3A_2423 : i32 to vector<64x128xi32>
    %ne3A_2425 = arith.cmpi ne, %and3A_2422, %ne3A_2424 : vector<64x128xi32>
    %select_n3A_2426 = arith.select %ne3A_2425, %concatenate3A_2410, %concatenate3A_2413 : vector<64x128xi1>, vector<64x128xf32>
    %select_n3A_2427 = arith.select %ne3A_2425, %concatenate3A_2416, %concatenate3A_2419 : vector<64x128xi1>, vector<64x128xi32>
    %gt3A_2428 = arith.cmpf ogt, %select_n3A_2426, %select_n3A_2406 : vector<64x128xf32>
    %eq3A_2429 = arith.cmpf oeq, %select_n3A_2426, %select_n3A_2406 : vector<64x128xf32>
    %lt3A_2430 = arith.cmpi slt, %select_n3A_2427, %select_n3A_2407 : vector<64x128xi32>
    %and3A_2431 = arith.andi %eq3A_2429, %lt3A_2430 : vector<64x128xi1>
    %or3A_2432 = arith.ori %gt3A_2428, %and3A_2431 : vector<64x128xi1>
    %ne3A_2433 = arith.xori %or3A_2432, %ne3A_2425 : vector<64x128xi1>
    %ne3A_2434 = arith.xori %ne3A_2433, %ne3A_2378 : vector<64x128xi1>
    %select_n3A_2435 = arith.select %ne3A_2434, %select_n3A_2426, %select_n3A_2406 : vector<64x128xi1>, vector<64x128xf32>
    %select_n3A_2436 = arith.select %ne3A_2434, %select_n3A_2427, %select_n3A_2407 : vector<64x128xi1>, vector<64x128xi32>
    %slice3A_2437 = vector.extract_strided_slice %select_n3A_2435 {offsets = [56, 0], sizes = [8, 128], strides = [1, 1]} : vector<64x128xf32> to vector<8x128xf32>
    %slice3A_2438 = vector.extract_strided_slice %select_n3A_2435 {offsets = [0, 0], sizes = [56, 128], strides = [1, 1]} : vector<64x128xf32> to vector<56x128xf32>
    %concatenate3A_2439 = tpu.concatenate %slice3A_2437, %slice3A_2438 in 0 : vector<8x128xf32>, vector<56x128xf32> -> vector<64x128xf32>
    %slice3A_2440 = vector.extract_strided_slice %select_n3A_2435 {offsets = [8, 0], sizes = [56, 128], strides = [1, 1]} : vector<64x128xf32> to vector<56x128xf32>
    %slice3A_2441 = vector.extract_strided_slice %select_n3A_2435 {offsets = [0, 0], sizes = [8, 128], strides = [1, 1]} : vector<64x128xf32> to vector<8x128xf32>
    %concatenate3A_2442 = tpu.concatenate %slice3A_2440, %slice3A_2441 in 0 : vector<56x128xf32>, vector<8x128xf32> -> vector<64x128xf32>
    %slice3A_2443 = vector.extract_strided_slice %select_n3A_2436 {offsets = [56, 0], sizes = [8, 128], strides = [1, 1]} : vector<64x128xi32> to vector<8x128xi32>
    %slice3A_2444 = vector.extract_strided_slice %select_n3A_2436 {offsets = [0, 0], sizes = [56, 128], strides = [1, 1]} : vector<64x128xi32> to vector<56x128xi32>
    %concatenate3A_2445 = tpu.concatenate %slice3A_2443, %slice3A_2444 in 0 : vector<8x128xi32>, vector<56x128xi32> -> vector<64x128xi32>
    %slice3A_2446 = vector.extract_strided_slice %select_n3A_2436 {offsets = [8, 0], sizes = [56, 128], strides = [1, 1]} : vector<64x128xi32> to vector<56x128xi32>
    %slice3A_2447 = vector.extract_strided_slice %select_n3A_2436 {offsets = [0, 0], sizes = [8, 128], strides = [1, 1]} : vector<64x128xi32> to vector<8x128xi32>
    %concatenate3A_2448 = tpu.concatenate %slice3A_2446, %slice3A_2447 in 0 : vector<56x128xi32>, vector<8x128xi32> -> vector<64x128xi32>
    %and3A_2449 = arith.constant 1024 : i32
    %and3A_2450 = vector.broadcast %and3A_2449 : i32 to vector<64x128xi32>
    %and3A_2451 = arith.andi %add3A, %and3A_2450 : vector<64x128xi32>
    %ne3A_2452 = arith.constant 0 : i32
    %ne3A_2453 = vector.broadcast %ne3A_2452 : i32 to vector<64x128xi32>
    %ne3A_2454 = arith.cmpi ne, %and3A_2451, %ne3A_2453 : vector<64x128xi32>
    %select_n3A_2455 = arith.select %ne3A_2454, %concatenate3A_2439, %concatenate3A_2442 : vector<64x128xi1>, vector<64x128xf32>
    %select_n3A_2456 = arith.select %ne3A_2454, %concatenate3A_2445, %concatenate3A_2448 : vector<64x128xi1>, vector<64x128xi32>
    %gt3A_2457 = arith.cmpf ogt, %select_n3A_2455, %select_n3A_2435 : vector<64x128xf32>
    %eq3A_2458 = arith.cmpf oeq, %select_n3A_2455, %select_n3A_2435 : vector<64x128xf32>
    %lt3A_2459 = arith.cmpi slt, %select_n3A_2456, %select_n3A_2436 : vector<64x128xi32>
    %and3A_2460 = arith.andi %eq3A_2458, %lt3A_2459 : vector<64x128xi1>
    %or3A_2461 = arith.ori %gt3A_2457, %and3A_2460 : vector<64x128xi1>
    %ne3A_2462 = arith.xori %or3A_2461, %ne3A_2454 : vector<64x128xi1>
    %ne3A_2463 = arith.xori %ne3A_2462, %ne3A_2378 : vector<64x128xi1>
    %select_n3A_2464 = arith.select %ne3A_2463, %select_n3A_2455, %select_n3A_2435 : vector<64x128xi1>, vector<64x128xf32>
    %select_n3A_2465 = arith.select %ne3A_2463, %select_n3A_2456, %select_n3A_2436 : vector<64x128xi1>, vector<64x128xi32>
    %slice3A_2466 = vector.extract_strided_slice %select_n3A_2464 {offsets = [60, 0], sizes = [4, 128], strides = [1, 1]} : vector<64x128xf32> to vector<4x128xf32>
    %slice3A_2467 = vector.extract_strided_slice %select_n3A_2464 {offsets = [0, 0], sizes = [60, 128], strides = [1, 1]} : vector<64x128xf32> to vector<60x128xf32>
    %concatenate3A_2468 = tpu.concatenate %slice3A_2466, %slice3A_2467 in 0 : vector<4x128xf32>, vector<60x128xf32> -> vector<64x128xf32>
    %slice3A_2469 = vector.extract_strided_slice %select_n3A_2464 {offsets = [4, 0], sizes = [60, 128], strides = [1, 1]} : vector<64x128xf32> to vector<60x128xf32>
    %slice3A_2470 = vector.extract_strided_slice %select_n3A_2464 {offsets = [0, 0], sizes = [4, 128], strides = [1, 1]} : vector<64x128xf32> to vector<4x128xf32>
    %concatenate3A_2471 = tpu.concatenate %slice3A_2469, %slice3A_2470 in 0 : vector<60x128xf32>, vector<4x128xf32> -> vector<64x128xf32>
    %slice3A_2472 = vector.extract_strided_slice %select_n3A_2465 {offsets = [60, 0], sizes = [4, 128], strides = [1, 1]} : vector<64x128xi32> to vector<4x128xi32>
    %slice3A_2473 = vector.extract_strided_slice %select_n3A_2465 {offsets = [0, 0], sizes = [60, 128], strides = [1, 1]} : vector<64x128xi32> to vector<60x128xi32>
    %concatenate3A_2474 = tpu.concatenate %slice3A_2472, %slice3A_2473 in 0 : vector<4x128xi32>, vector<60x128xi32> -> vector<64x128xi32>
    %slice3A_2475 = vector.extract_strided_slice %select_n3A_2465 {offsets = [4, 0], sizes = [60, 128], strides = [1, 1]} : vector<64x128xi32> to vector<60x128xi32>
    %slice3A_2476 = vector.extract_strided_slice %select_n3A_2465 {offsets = [0, 0], sizes = [4, 128], strides = [1, 1]} : vector<64x128xi32> to vector<4x128xi32>
    %concatenate3A_2477 = tpu.concatenate %slice3A_2475, %slice3A_2476 in 0 : vector<60x128xi32>, vector<4x128xi32> -> vector<64x128xi32>
    %and3A_2478 = arith.constant 512 : i32
    %and3A_2479 = vector.broadcast %and3A_2478 : i32 to vector<64x128xi32>
    %and3A_2480 = arith.andi %add3A, %and3A_2479 : vector<64x128xi32>
    %ne3A_2481 = arith.constant 0 : i32
    %ne3A_2482 = vector.broadcast %ne3A_2481 : i32 to vector<64x128xi32>
    %ne3A_2483 = arith.cmpi ne, %and3A_2480, %ne3A_2482 : vector<64x128xi32>
    %select_n3A_2484 = arith.select %ne3A_2483, %concatenate3A_2468, %concatenate3A_2471 : vector<64x128xi1>, vector<64x128xf32>
    %select_n3A_2485 = arith.select %ne3A_2483, %concatenate3A_2474, %concatenate3A_2477 : vector<64x128xi1>, vector<64x128xi32>
    %gt3A_2486 = arith.cmpf ogt, %select_n3A_2484, %select_n3A_2464 : vector<64x128xf32>
    %eq3A_2487 = arith.cmpf oeq, %select_n3A_2484, %select_n3A_2464 : vector<64x128xf32>
    %lt3A_2488 = arith.cmpi slt, %select_n3A_2485, %select_n3A_2465 : vector<64x128xi32>
    %and3A_2489 = arith.andi %eq3A_2487, %lt3A_2488 : vector<64x128xi1>
    %or3A_2490 = arith.ori %gt3A_2486, %and3A_2489 : vector<64x128xi1>
    %ne3A_2491 = arith.xori %or3A_2490, %ne3A_2483 : vector<64x128xi1>
    %ne3A_2492 = arith.xori %ne3A_2491, %ne3A_2378 : vector<64x128xi1>
    %select_n3A_2493 = arith.select %ne3A_2492, %select_n3A_2484, %select_n3A_2464 : vector<64x128xi1>, vector<64x128xf32>
    %select_n3A_2494 = arith.select %ne3A_2492, %select_n3A_2485, %select_n3A_2465 : vector<64x128xi1>, vector<64x128xi32>
    %slice3A_2495 = vector.extract_strided_slice %select_n3A_2493 {offsets = [62, 0], sizes = [2, 128], strides = [1, 1]} : vector<64x128xf32> to vector<2x128xf32>
    %slice3A_2496 = vector.extract_strided_slice %select_n3A_2493 {offsets = [0, 0], sizes = [62, 128], strides = [1, 1]} : vector<64x128xf32> to vector<62x128xf32>
    %concatenate3A_2497 = tpu.concatenate %slice3A_2495, %slice3A_2496 in 0 : vector<2x128xf32>, vector<62x128xf32> -> vector<64x128xf32>
    %slice3A_2498 = vector.extract_strided_slice %select_n3A_2493 {offsets = [2, 0], sizes = [62, 128], strides = [1, 1]} : vector<64x128xf32> to vector<62x128xf32>
    %slice3A_2499 = vector.extract_strided_slice %select_n3A_2493 {offsets = [0, 0], sizes = [2, 128], strides = [1, 1]} : vector<64x128xf32> to vector<2x128xf32>
    %concatenate3A_2500 = tpu.concatenate %slice3A_2498, %slice3A_2499 in 0 : vector<62x128xf32>, vector<2x128xf32> -> vector<64x128xf32>
    %slice3A_2501 = vector.extract_strided_slice %select_n3A_2494 {offsets = [62, 0], sizes = [2, 128], strides = [1, 1]} : vector<64x128xi32> to vector<2x128xi32>
    %slice3A_2502 = vector.extract_strided_slice %select_n3A_2494 {offsets = [0, 0], sizes = [62, 128], strides = [1, 1]} : vector<64x128xi32> to vector<62x128xi32>
    %concatenate3A_2503 = tpu.concatenate %slice3A_2501, %slice3A_2502 in 0 : vector<2x128xi32>, vector<62x128xi32> -> vector<64x128xi32>
    %slice3A_2504 = vector.extract_strided_slice %select_n3A_2494 {offsets = [2, 0], sizes = [62, 128], strides = [1, 1]} : vector<64x128xi32> to vector<62x128xi32>
    %slice3A_2505 = vector.extract_strided_slice %select_n3A_2494 {offsets = [0, 0], sizes = [2, 128], strides = [1, 1]} : vector<64x128xi32> to vector<2x128xi32>
    %concatenate3A_2506 = tpu.concatenate %slice3A_2504, %slice3A_2505 in 0 : vector<62x128xi32>, vector<2x128xi32> -> vector<64x128xi32>
    %and3A_2507 = arith.constant 256 : i32
    %and3A_2508 = vector.broadcast %and3A_2507 : i32 to vector<64x128xi32>
    %and3A_2509 = arith.andi %add3A, %and3A_2508 : vector<64x128xi32>
    %ne3A_2510 = arith.constant 0 : i32
    %ne3A_2511 = vector.broadcast %ne3A_2510 : i32 to vector<64x128xi32>
    %ne3A_2512 = arith.cmpi ne, %and3A_2509, %ne3A_2511 : vector<64x128xi32>
    %select_n3A_2513 = arith.select %ne3A_2512, %concatenate3A_2497, %concatenate3A_2500 : vector<64x128xi1>, vector<64x128xf32>
    %select_n3A_2514 = arith.select %ne3A_2512, %concatenate3A_2503, %concatenate3A_2506 : vector<64x128xi1>, vector<64x128xi32>
    %gt3A_2515 = arith.cmpf ogt, %select_n3A_2513, %select_n3A_2493 : vector<64x128xf32>
    %eq3A_2516 = arith.cmpf oeq, %select_n3A_2513, %select_n3A_2493 : vector<64x128xf32>
    %lt3A_2517 = arith.cmpi slt, %select_n3A_2514, %select_n3A_2494 : vector<64x128xi32>
    %and3A_2518 = arith.andi %eq3A_2516, %lt3A_2517 : vector<64x128xi1>
    %or3A_2519 = arith.ori %gt3A_2515, %and3A_2518 : vector<64x128xi1>
    %ne3A_2520 = arith.xori %or3A_2519, %ne3A_2512 : vector<64x128xi1>
    %ne3A_2521 = arith.xori %ne3A_2520, %ne3A_2378 : vector<64x128xi1>
    %select_n3A_2522 = arith.select %ne3A_2521, %select_n3A_2513, %select_n3A_2493 : vector<64x128xi1>, vector<64x128xf32>
    %select_n3A_2523 = arith.select %ne3A_2521, %select_n3A_2514, %select_n3A_2494 : vector<64x128xi1>, vector<64x128xi32>
    %slice3A_2524 = vector.extract_strided_slice %select_n3A_2522 {offsets = [63, 0], sizes = [1, 128], strides = [1, 1]} : vector<64x128xf32> to vector<1x128xf32>
    %slice3A_2525 = vector.extract_strided_slice %select_n3A_2522 {offsets = [0, 0], sizes = [63, 128], strides = [1, 1]} : vector<64x128xf32> to vector<63x128xf32>
    %concatenate3A_2526 = tpu.concatenate %slice3A_2524, %slice3A_2525 in 0 : vector<1x128xf32>, vector<63x128xf32> -> vector<64x128xf32>
    %slice3A_2527 = vector.extract_strided_slice %select_n3A_2522 {offsets = [1, 0], sizes = [63, 128], strides = [1, 1]} : vector<64x128xf32> to vector<63x128xf32>
    %slice3A_2528 = vector.extract_strided_slice %select_n3A_2522 {offsets = [0, 0], sizes = [1, 128], strides = [1, 1]} : vector<64x128xf32> to vector<1x128xf32>
    %concatenate3A_2529 = tpu.concatenate %slice3A_2527, %slice3A_2528 in 0 : vector<63x128xf32>, vector<1x128xf32> -> vector<64x128xf32>
    %slice3A_2530 = vector.extract_strided_slice %select_n3A_2523 {offsets = [63, 0], sizes = [1, 128], strides = [1, 1]} : vector<64x128xi32> to vector<1x128xi32>
    %slice3A_2531 = vector.extract_strided_slice %select_n3A_2523 {offsets = [0, 0], sizes = [63, 128], strides = [1, 1]} : vector<64x128xi32> to vector<63x128xi32>
    %concatenate3A_2532 = tpu.concatenate %slice3A_2530, %slice3A_2531 in 0 : vector<1x128xi32>, vector<63x128xi32> -> vector<64x128xi32>
    %slice3A_2533 = vector.extract_strided_slice %select_n3A_2523 {offsets = [1, 0], sizes = [63, 128], strides = [1, 1]} : vector<64x128xi32> to vector<63x128xi32>
    %slice3A_2534 = vector.extract_strided_slice %select_n3A_2523 {offsets = [0, 0], sizes = [1, 128], strides = [1, 1]} : vector<64x128xi32> to vector<1x128xi32>
    %concatenate3A_2535 = tpu.concatenate %slice3A_2533, %slice3A_2534 in 0 : vector<63x128xi32>, vector<1x128xi32> -> vector<64x128xi32>
    %and3A_2536 = arith.constant 128 : i32
    %and3A_2537 = vector.broadcast %and3A_2536 : i32 to vector<64x128xi32>
    %and3A_2538 = arith.andi %add3A, %and3A_2537 : vector<64x128xi32>
    %ne3A_2539 = arith.constant 0 : i32
    %ne3A_2540 = vector.broadcast %ne3A_2539 : i32 to vector<64x128xi32>
    %ne3A_2541 = arith.cmpi ne, %and3A_2538, %ne3A_2540 : vector<64x128xi32>
    %select_n3A_2542 = arith.select %ne3A_2541, %concatenate3A_2526, %concatenate3A_2529 : vector<64x128xi1>, vector<64x128xf32>
    %select_n3A_2543 = arith.select %ne3A_2541, %concatenate3A_2532, %concatenate3A_2535 : vector<64x128xi1>, vector<64x128xi32>
    %gt3A_2544 = arith.cmpf ogt, %select_n3A_2542, %select_n3A_2522 : vector<64x128xf32>
    %eq3A_2545 = arith.cmpf oeq, %select_n3A_2542, %select_n3A_2522 : vector<64x128xf32>
    %lt3A_2546 = arith.cmpi slt, %select_n3A_2543, %select_n3A_2523 : vector<64x128xi32>
    %and3A_2547 = arith.andi %eq3A_2545, %lt3A_2546 : vector<64x128xi1>
    %or3A_2548 = arith.ori %gt3A_2544, %and3A_2547 : vector<64x128xi1>
    %ne3A_2549 = arith.xori %or3A_2548, %ne3A_2541 : vector<64x128xi1>
    %ne3A_2550 = arith.xori %ne3A_2549, %ne3A_2378 : vector<64x128xi1>
    %select_n3A_2551 = arith.select %ne3A_2550, %select_n3A_2542, %select_n3A_2522 : vector<64x128xi1>, vector<64x128xf32>
    %select_n3A_2552 = arith.select %ne3A_2550, %select_n3A_2543, %select_n3A_2523 : vector<64x128xi1>, vector<64x128xi32>
    %slice3A_2553 = vector.extract_strided_slice %select_n3A_2551 {offsets = [0, 64], sizes = [64, 64], strides = [1, 1]} : vector<64x128xf32> to vector<64x64xf32>
    %slice3A_2554 = vector.extract_strided_slice %select_n3A_2551 {offsets = [0, 0], sizes = [64, 64], strides = [1, 1]} : vector<64x128xf32> to vector<64x64xf32>
    %concatenate3A_2555 = tpu.concatenate %slice3A_2553, %slice3A_2554 in 1 : vector<64x64xf32>, vector<64x64xf32> -> vector<64x128xf32>
    %slice3A_2556 = vector.extract_strided_slice %select_n3A_2551 {offsets = [0, 64], sizes = [64, 64], strides = [1, 1]} : vector<64x128xf32> to vector<64x64xf32>
    %slice3A_2557 = vector.extract_strided_slice %select_n3A_2551 {offsets = [0, 0], sizes = [64, 64], strides = [1, 1]} : vector<64x128xf32> to vector<64x64xf32>
    %concatenate3A_2558 = tpu.concatenate %slice3A_2556, %slice3A_2557 in 1 : vector<64x64xf32>, vector<64x64xf32> -> vector<64x128xf32>
    %slice3A_2559 = vector.extract_strided_slice %select_n3A_2552 {offsets = [0, 64], sizes = [64, 64], strides = [1, 1]} : vector<64x128xi32> to vector<64x64xi32>
    %slice3A_2560 = vector.extract_strided_slice %select_n3A_2552 {offsets = [0, 0], sizes = [64, 64], strides = [1, 1]} : vector<64x128xi32> to vector<64x64xi32>
    %concatenate3A_2561 = tpu.concatenate %slice3A_2559, %slice3A_2560 in 1 : vector<64x64xi32>, vector<64x64xi32> -> vector<64x128xi32>
    %slice3A_2562 = vector.extract_strided_slice %select_n3A_2552 {offsets = [0, 64], sizes = [64, 64], strides = [1, 1]} : vector<64x128xi32> to vector<64x64xi32>
    %slice3A_2563 = vector.extract_strided_slice %select_n3A_2552 {offsets = [0, 0], sizes = [64, 64], strides = [1, 1]} : vector<64x128xi32> to vector<64x64xi32>
    %concatenate3A_2564 = tpu.concatenate %slice3A_2562, %slice3A_2563 in 1 : vector<64x64xi32>, vector<64x64xi32> -> vector<64x128xi32>
    %and3A_2565 = arith.constant 64 : i32
    %and3A_2566 = vector.broadcast %and3A_2565 : i32 to vector<64x128xi32>
    %and3A_2567 = arith.andi %add3A, %and3A_2566 : vector<64x128xi32>
    %ne3A_2568 = arith.constant 0 : i32
    %ne3A_2569 = vector.broadcast %ne3A_2568 : i32 to vector<64x128xi32>
    %ne3A_2570 = arith.cmpi ne, %and3A_2567, %ne3A_2569 : vector<64x128xi32>
    %select_n3A_2571 = arith.select %ne3A_2570, %concatenate3A_2555, %concatenate3A_2558 : vector<64x128xi1>, vector<64x128xf32>
    %select_n3A_2572 = arith.select %ne3A_2570, %concatenate3A_2561, %concatenate3A_2564 : vector<64x128xi1>, vector<64x128xi32>
    %gt3A_2573 = arith.cmpf ogt, %select_n3A_2571, %select_n3A_2551 : vector<64x128xf32>
    %eq3A_2574 = arith.cmpf oeq, %select_n3A_2571, %select_n3A_2551 : vector<64x128xf32>
    %lt3A_2575 = arith.cmpi slt, %select_n3A_2572, %select_n3A_2552 : vector<64x128xi32>
    %and3A_2576 = arith.andi %eq3A_2574, %lt3A_2575 : vector<64x128xi1>
    %or3A_2577 = arith.ori %gt3A_2573, %and3A_2576 : vector<64x128xi1>
    %ne3A_2578 = arith.xori %or3A_2577, %ne3A_2570 : vector<64x128xi1>
    %ne3A_2579 = arith.xori %ne3A_2578, %ne3A_2378 : vector<64x128xi1>
    %select_n3A_2580 = arith.select %ne3A_2579, %select_n3A_2571, %select_n3A_2551 : vector<64x128xi1>, vector<64x128xf32>
    %select_n3A_2581 = arith.select %ne3A_2579, %select_n3A_2572, %select_n3A_2552 : vector<64x128xi1>, vector<64x128xi32>
    %slice3A_2582 = vector.extract_strided_slice %select_n3A_2580 {offsets = [0, 96], sizes = [64, 32], strides = [1, 1]} : vector<64x128xf32> to vector<64x32xf32>
    %slice3A_2583 = vector.extract_strided_slice %select_n3A_2580 {offsets = [0, 0], sizes = [64, 96], strides = [1, 1]} : vector<64x128xf32> to vector<64x96xf32>
    %concatenate3A_2584 = tpu.concatenate %slice3A_2582, %slice3A_2583 in 1 : vector<64x32xf32>, vector<64x96xf32> -> vector<64x128xf32>
    %slice3A_2585 = vector.extract_strided_slice %select_n3A_2580 {offsets = [0, 32], sizes = [64, 96], strides = [1, 1]} : vector<64x128xf32> to vector<64x96xf32>
    %slice3A_2586 = vector.extract_strided_slice %select_n3A_2580 {offsets = [0, 0], sizes = [64, 32], strides = [1, 1]} : vector<64x128xf32> to vector<64x32xf32>
    %concatenate3A_2587 = tpu.concatenate %slice3A_2585, %slice3A_2586 in 1 : vector<64x96xf32>, vector<64x32xf32> -> vector<64x128xf32>
    %slice3A_2588 = vector.extract_strided_slice %select_n3A_2581 {offsets = [0, 96], sizes = [64, 32], strides = [1, 1]} : vector<64x128xi32> to vector<64x32xi32>
    %slice3A_2589 = vector.extract_strided_slice %select_n3A_2581 {offsets = [0, 0], sizes = [64, 96], strides = [1, 1]} : vector<64x128xi32> to vector<64x96xi32>
    %concatenate3A_2590 = tpu.concatenate %slice3A_2588, %slice3A_2589 in 1 : vector<64x32xi32>, vector<64x96xi32> -> vector<64x128xi32>
    %slice3A_2591 = vector.extract_strided_slice %select_n3A_2581 {offsets = [0, 32], sizes = [64, 96], strides = [1, 1]} : vector<64x128xi32> to vector<64x96xi32>
    %slice3A_2592 = vector.extract_strided_slice %select_n3A_2581 {offsets = [0, 0], sizes = [64, 32], strides = [1, 1]} : vector<64x128xi32> to vector<64x32xi32>
    %concatenate3A_2593 = tpu.concatenate %slice3A_2591, %slice3A_2592 in 1 : vector<64x96xi32>, vector<64x32xi32> -> vector<64x128xi32>
    %and3A_2594 = arith.constant 32 : i32
    %and3A_2595 = vector.broadcast %and3A_2594 : i32 to vector<64x128xi32>
    %and3A_2596 = arith.andi %add3A, %and3A_2595 : vector<64x128xi32>
    %ne3A_2597 = arith.constant 0 : i32
    %ne3A_2598 = vector.broadcast %ne3A_2597 : i32 to vector<64x128xi32>
    %ne3A_2599 = arith.cmpi ne, %and3A_2596, %ne3A_2598 : vector<64x128xi32>
    %select_n3A_2600 = arith.select %ne3A_2599, %concatenate3A_2584, %concatenate3A_2587 : vector<64x128xi1>, vector<64x128xf32>
    %select_n3A_2601 = arith.select %ne3A_2599, %concatenate3A_2590, %concatenate3A_2593 : vector<64x128xi1>, vector<64x128xi32>
    %gt3A_2602 = arith.cmpf ogt, %select_n3A_2600, %select_n3A_2580 : vector<64x128xf32>
    %eq3A_2603 = arith.cmpf oeq, %select_n3A_2600, %select_n3A_2580 : vector<64x128xf32>
    %lt3A_2604 = arith.cmpi slt, %select_n3A_2601, %select_n3A_2581 : vector<64x128xi32>
    %and3A_2605 = arith.andi %eq3A_2603, %lt3A_2604 : vector<64x128xi1>
    %or3A_2606 = arith.ori %gt3A_2602, %and3A_2605 : vector<64x128xi1>
    %ne3A_2607 = arith.xori %or3A_2606, %ne3A_2599 : vector<64x128xi1>
    %ne3A_2608 = arith.xori %ne3A_2607, %ne3A_2378 : vector<64x128xi1>
    %select_n3A_2609 = arith.select %ne3A_2608, %select_n3A_2600, %select_n3A_2580 : vector<64x128xi1>, vector<64x128xf32>
    %select_n3A_2610 = arith.select %ne3A_2608, %select_n3A_2601, %select_n3A_2581 : vector<64x128xi1>, vector<64x128xi32>
    %slice3A_2611 = vector.extract_strided_slice %select_n3A_2609 {offsets = [0, 112], sizes = [64, 16], strides = [1, 1]} : vector<64x128xf32> to vector<64x16xf32>
    %slice3A_2612 = vector.extract_strided_slice %select_n3A_2609 {offsets = [0, 0], sizes = [64, 112], strides = [1, 1]} : vector<64x128xf32> to vector<64x112xf32>
    %concatenate3A_2613 = tpu.concatenate %slice3A_2611, %slice3A_2612 in 1 : vector<64x16xf32>, vector<64x112xf32> -> vector<64x128xf32>
    %slice3A_2614 = vector.extract_strided_slice %select_n3A_2609 {offsets = [0, 16], sizes = [64, 112], strides = [1, 1]} : vector<64x128xf32> to vector<64x112xf32>
    %slice3A_2615 = vector.extract_strided_slice %select_n3A_2609 {offsets = [0, 0], sizes = [64, 16], strides = [1, 1]} : vector<64x128xf32> to vector<64x16xf32>
    %concatenate3A_2616 = tpu.concatenate %slice3A_2614, %slice3A_2615 in 1 : vector<64x112xf32>, vector<64x16xf32> -> vector<64x128xf32>
    %slice3A_2617 = vector.extract_strided_slice %select_n3A_2610 {offsets = [0, 112], sizes = [64, 16], strides = [1, 1]} : vector<64x128xi32> to vector<64x16xi32>
    %slice3A_2618 = vector.extract_strided_slice %select_n3A_2610 {offsets = [0, 0], sizes = [64, 112], strides = [1, 1]} : vector<64x128xi32> to vector<64x112xi32>
    %concatenate3A_2619 = tpu.concatenate %slice3A_2617, %slice3A_2618 in 1 : vector<64x16xi32>, vector<64x112xi32> -> vector<64x128xi32>
    %slice3A_2620 = vector.extract_strided_slice %select_n3A_2610 {offsets = [0, 16], sizes = [64, 112], strides = [1, 1]} : vector<64x128xi32> to vector<64x112xi32>
    %slice3A_2621 = vector.extract_strided_slice %select_n3A_2610 {offsets = [0, 0], sizes = [64, 16], strides = [1, 1]} : vector<64x128xi32> to vector<64x16xi32>
    %concatenate3A_2622 = tpu.concatenate %slice3A_2620, %slice3A_2621 in 1 : vector<64x112xi32>, vector<64x16xi32> -> vector<64x128xi32>
    %and3A_2623 = arith.constant 16 : i32
    %and3A_2624 = vector.broadcast %and3A_2623 : i32 to vector<64x128xi32>
    %and3A_2625 = arith.andi %add3A, %and3A_2624 : vector<64x128xi32>
    %ne3A_2626 = arith.constant 0 : i32
    %ne3A_2627 = vector.broadcast %ne3A_2626 : i32 to vector<64x128xi32>
    %ne3A_2628 = arith.cmpi ne, %and3A_2625, %ne3A_2627 : vector<64x128xi32>
    %select_n3A_2629 = arith.select %ne3A_2628, %concatenate3A_2613, %concatenate3A_2616 : vector<64x128xi1>, vector<64x128xf32>
    %select_n3A_2630 = arith.select %ne3A_2628, %concatenate3A_2619, %concatenate3A_2622 : vector<64x128xi1>, vector<64x128xi32>
    %gt3A_2631 = arith.cmpf ogt, %select_n3A_2629, %select_n3A_2609 : vector<64x128xf32>
    %eq3A_2632 = arith.cmpf oeq, %select_n3A_2629, %select_n3A_2609 : vector<64x128xf32>
    %lt3A_2633 = arith.cmpi slt, %select_n3A_2630, %select_n3A_2610 : vector<64x128xi32>
    %and3A_2634 = arith.andi %eq3A_2632, %lt3A_2633 : vector<64x128xi1>
    %or3A_2635 = arith.ori %gt3A_2631, %and3A_2634 : vector<64x128xi1>
    %ne3A_2636 = arith.xori %or3A_2635, %ne3A_2628 : vector<64x128xi1>
    %ne3A_2637 = arith.xori %ne3A_2636, %ne3A_2378 : vector<64x128xi1>
    %select_n3A_2638 = arith.select %ne3A_2637, %select_n3A_2629, %select_n3A_2609 : vector<64x128xi1>, vector<64x128xf32>
    %select_n3A_2639 = arith.select %ne3A_2637, %select_n3A_2630, %select_n3A_2610 : vector<64x128xi1>, vector<64x128xi32>
    %slice3A_2640 = vector.extract_strided_slice %select_n3A_2638 {offsets = [0, 120], sizes = [64, 8], strides = [1, 1]} : vector<64x128xf32> to vector<64x8xf32>
    %slice3A_2641 = vector.extract_strided_slice %select_n3A_2638 {offsets = [0, 0], sizes = [64, 120], strides = [1, 1]} : vector<64x128xf32> to vector<64x120xf32>
    %concatenate3A_2642 = tpu.concatenate %slice3A_2640, %slice3A_2641 in 1 : vector<64x8xf32>, vector<64x120xf32> -> vector<64x128xf32>
    %slice3A_2643 = vector.extract_strided_slice %select_n3A_2638 {offsets = [0, 8], sizes = [64, 120], strides = [1, 1]} : vector<64x128xf32> to vector<64x120xf32>
    %slice3A_2644 = vector.extract_strided_slice %select_n3A_2638 {offsets = [0, 0], sizes = [64, 8], strides = [1, 1]} : vector<64x128xf32> to vector<64x8xf32>
    %concatenate3A_2645 = tpu.concatenate %slice3A_2643, %slice3A_2644 in 1 : vector<64x120xf32>, vector<64x8xf32> -> vector<64x128xf32>
    %slice3A_2646 = vector.extract_strided_slice %select_n3A_2639 {offsets = [0, 120], sizes = [64, 8], strides = [1, 1]} : vector<64x128xi32> to vector<64x8xi32>
    %slice3A_2647 = vector.extract_strided_slice %select_n3A_2639 {offsets = [0, 0], sizes = [64, 120], strides = [1, 1]} : vector<64x128xi32> to vector<64x120xi32>
    %concatenate3A_2648 = tpu.concatenate %slice3A_2646, %slice3A_2647 in 1 : vector<64x8xi32>, vector<64x120xi32> -> vector<64x128xi32>
    %slice3A_2649 = vector.extract_strided_slice %select_n3A_2639 {offsets = [0, 8], sizes = [64, 120], strides = [1, 1]} : vector<64x128xi32> to vector<64x120xi32>
    %slice3A_2650 = vector.extract_strided_slice %select_n3A_2639 {offsets = [0, 0], sizes = [64, 8], strides = [1, 1]} : vector<64x128xi32> to vector<64x8xi32>
    %concatenate3A_2651 = tpu.concatenate %slice3A_2649, %slice3A_2650 in 1 : vector<64x120xi32>, vector<64x8xi32> -> vector<64x128xi32>
    %and3A_2652 = arith.constant 8 : i32
    %and3A_2653 = vector.broadcast %and3A_2652 : i32 to vector<64x128xi32>
    %and3A_2654 = arith.andi %add3A, %and3A_2653 : vector<64x128xi32>
    %ne3A_2655 = arith.constant 0 : i32
    %ne3A_2656 = vector.broadcast %ne3A_2655 : i32 to vector<64x128xi32>
    %ne3A_2657 = arith.cmpi ne, %and3A_2654, %ne3A_2656 : vector<64x128xi32>
    %select_n3A_2658 = arith.select %ne3A_2657, %concatenate3A_2642, %concatenate3A_2645 : vector<64x128xi1>, vector<64x128xf32>
    %select_n3A_2659 = arith.select %ne3A_2657, %concatenate3A_2648, %concatenate3A_2651 : vector<64x128xi1>, vector<64x128xi32>
    %gt3A_2660 = arith.cmpf ogt, %select_n3A_2658, %select_n3A_2638 : vector<64x128xf32>
    %eq3A_2661 = arith.cmpf oeq, %select_n3A_2658, %select_n3A_2638 : vector<64x128xf32>
    %lt3A_2662 = arith.cmpi slt, %select_n3A_2659, %select_n3A_2639 : vector<64x128xi32>
    %and3A_2663 = arith.andi %eq3A_2661, %lt3A_2662 : vector<64x128xi1>
    %or3A_2664 = arith.ori %gt3A_2660, %and3A_2663 : vector<64x128xi1>
    %ne3A_2665 = arith.xori %or3A_2664, %ne3A_2657 : vector<64x128xi1>
    %ne3A_2666 = arith.xori %ne3A_2665, %ne3A_2378 : vector<64x128xi1>
    %select_n3A_2667 = arith.select %ne3A_2666, %select_n3A_2658, %select_n3A_2638 : vector<64x128xi1>, vector<64x128xf32>
    %select_n3A_2668 = arith.select %ne3A_2666, %select_n3A_2659, %select_n3A_2639 : vector<64x128xi1>, vector<64x128xi32>
    %slice3A_2669 = vector.extract_strided_slice %select_n3A_2667 {offsets = [0, 124], sizes = [64, 4], strides = [1, 1]} : vector<64x128xf32> to vector<64x4xf32>
    %slice3A_2670 = vector.extract_strided_slice %select_n3A_2667 {offsets = [0, 0], sizes = [64, 124], strides = [1, 1]} : vector<64x128xf32> to vector<64x124xf32>
    %concatenate3A_2671 = tpu.concatenate %slice3A_2669, %slice3A_2670 in 1 : vector<64x4xf32>, vector<64x124xf32> -> vector<64x128xf32>
    %slice3A_2672 = vector.extract_strided_slice %select_n3A_2667 {offsets = [0, 4], sizes = [64, 124], strides = [1, 1]} : vector<64x128xf32> to vector<64x124xf32>
    %slice3A_2673 = vector.extract_strided_slice %select_n3A_2667 {offsets = [0, 0], sizes = [64, 4], strides = [1, 1]} : vector<64x128xf32> to vector<64x4xf32>
    %concatenate3A_2674 = tpu.concatenate %slice3A_2672, %slice3A_2673 in 1 : vector<64x124xf32>, vector<64x4xf32> -> vector<64x128xf32>
    %slice3A_2675 = vector.extract_strided_slice %select_n3A_2668 {offsets = [0, 124], sizes = [64, 4], strides = [1, 1]} : vector<64x128xi32> to vector<64x4xi32>
    %slice3A_2676 = vector.extract_strided_slice %select_n3A_2668 {offsets = [0, 0], sizes = [64, 124], strides = [1, 1]} : vector<64x128xi32> to vector<64x124xi32>
    %concatenate3A_2677 = tpu.concatenate %slice3A_2675, %slice3A_2676 in 1 : vector<64x4xi32>, vector<64x124xi32> -> vector<64x128xi32>
    %slice3A_2678 = vector.extract_strided_slice %select_n3A_2668 {offsets = [0, 4], sizes = [64, 124], strides = [1, 1]} : vector<64x128xi32> to vector<64x124xi32>
    %slice3A_2679 = vector.extract_strided_slice %select_n3A_2668 {offsets = [0, 0], sizes = [64, 4], strides = [1, 1]} : vector<64x128xi32> to vector<64x4xi32>
    %concatenate3A_2680 = tpu.concatenate %slice3A_2678, %slice3A_2679 in 1 : vector<64x124xi32>, vector<64x4xi32> -> vector<64x128xi32>
    %and3A_2681 = arith.constant 4 : i32
    %and3A_2682 = vector.broadcast %and3A_2681 : i32 to vector<64x128xi32>
    %and3A_2683 = arith.andi %add3A, %and3A_2682 : vector<64x128xi32>
    %ne3A_2684 = arith.constant 0 : i32
    %ne3A_2685 = vector.broadcast %ne3A_2684 : i32 to vector<64x128xi32>
    %ne3A_2686 = arith.cmpi ne, %and3A_2683, %ne3A_2685 : vector<64x128xi32>
    %select_n3A_2687 = arith.select %ne3A_2686, %concatenate3A_2671, %concatenate3A_2674 : vector<64x128xi1>, vector<64x128xf32>
    %select_n3A_2688 = arith.select %ne3A_2686, %concatenate3A_2677, %concatenate3A_2680 : vector<64x128xi1>, vector<64x128xi32>
    %gt3A_2689 = arith.cmpf ogt, %select_n3A_2687, %select_n3A_2667 : vector<64x128xf32>
    %eq3A_2690 = arith.cmpf oeq, %select_n3A_2687, %select_n3A_2667 : vector<64x128xf32>
    %lt3A_2691 = arith.cmpi slt, %select_n3A_2688, %select_n3A_2668 : vector<64x128xi32>
    %and3A_2692 = arith.andi %eq3A_2690, %lt3A_2691 : vector<64x128xi1>
    %or3A_2693 = arith.ori %gt3A_2689, %and3A_2692 : vector<64x128xi1>
    %ne3A_2694 = arith.xori %or3A_2693, %ne3A_2686 : vector<64x128xi1>
    %ne3A_2695 = arith.xori %ne3A_2694, %ne3A_2378 : vector<64x128xi1>
    %select_n3A_2696 = arith.select %ne3A_2695, %select_n3A_2687, %select_n3A_2667 : vector<64x128xi1>, vector<64x128xf32>
    %select_n3A_2697 = arith.select %ne3A_2695, %select_n3A_2688, %select_n3A_2668 : vector<64x128xi1>, vector<64x128xi32>
    %slice3A_2698 = vector.extract_strided_slice %select_n3A_2696 {offsets = [0, 126], sizes = [64, 2], strides = [1, 1]} : vector<64x128xf32> to vector<64x2xf32>
    %slice3A_2699 = vector.extract_strided_slice %select_n3A_2696 {offsets = [0, 0], sizes = [64, 126], strides = [1, 1]} : vector<64x128xf32> to vector<64x126xf32>
    %concatenate3A_2700 = tpu.concatenate %slice3A_2698, %slice3A_2699 in 1 : vector<64x2xf32>, vector<64x126xf32> -> vector<64x128xf32>
    %slice3A_2701 = vector.extract_strided_slice %select_n3A_2696 {offsets = [0, 2], sizes = [64, 126], strides = [1, 1]} : vector<64x128xf32> to vector<64x126xf32>
    %slice3A_2702 = vector.extract_strided_slice %select_n3A_2696 {offsets = [0, 0], sizes = [64, 2], strides = [1, 1]} : vector<64x128xf32> to vector<64x2xf32>
    %concatenate3A_2703 = tpu.concatenate %slice3A_2701, %slice3A_2702 in 1 : vector<64x126xf32>, vector<64x2xf32> -> vector<64x128xf32>
    %slice3A_2704 = vector.extract_strided_slice %select_n3A_2697 {offsets = [0, 126], sizes = [64, 2], strides = [1, 1]} : vector<64x128xi32> to vector<64x2xi32>
    %slice3A_2705 = vector.extract_strided_slice %select_n3A_2697 {offsets = [0, 0], sizes = [64, 126], strides = [1, 1]} : vector<64x128xi32> to vector<64x126xi32>
    %concatenate3A_2706 = tpu.concatenate %slice3A_2704, %slice3A_2705 in 1 : vector<64x2xi32>, vector<64x126xi32> -> vector<64x128xi32>
    %slice3A_2707 = vector.extract_strided_slice %select_n3A_2697 {offsets = [0, 2], sizes = [64, 126], strides = [1, 1]} : vector<64x128xi32> to vector<64x126xi32>
    %slice3A_2708 = vector.extract_strided_slice %select_n3A_2697 {offsets = [0, 0], sizes = [64, 2], strides = [1, 1]} : vector<64x128xi32> to vector<64x2xi32>
    %concatenate3A_2709 = tpu.concatenate %slice3A_2707, %slice3A_2708 in 1 : vector<64x126xi32>, vector<64x2xi32> -> vector<64x128xi32>
    %and3A_2710 = arith.constant 2 : i32
    %and3A_2711 = vector.broadcast %and3A_2710 : i32 to vector<64x128xi32>
    %and3A_2712 = arith.andi %add3A, %and3A_2711 : vector<64x128xi32>
    %ne3A_2713 = arith.constant 0 : i32
    %ne3A_2714 = vector.broadcast %ne3A_2713 : i32 to vector<64x128xi32>
    %ne3A_2715 = arith.cmpi ne, %and3A_2712, %ne3A_2714 : vector<64x128xi32>
    %select_n3A_2716 = arith.select %ne3A_2715, %concatenate3A_2700, %concatenate3A_2703 : vector<64x128xi1>, vector<64x128xf32>
    %select_n3A_2717 = arith.select %ne3A_2715, %concatenate3A_2706, %concatenate3A_2709 : vector<64x128xi1>, vector<64x128xi32>
    %gt3A_2718 = arith.cmpf ogt, %select_n3A_2716, %select_n3A_2696 : vector<64x128xf32>
    %eq3A_2719 = arith.cmpf oeq, %select_n3A_2716, %select_n3A_2696 : vector<64x128xf32>
    %lt3A_2720 = arith.cmpi slt, %select_n3A_2717, %select_n3A_2697 : vector<64x128xi32>
    %and3A_2721 = arith.andi %eq3A_2719, %lt3A_2720 : vector<64x128xi1>
    %or3A_2722 = arith.ori %gt3A_2718, %and3A_2721 : vector<64x128xi1>
    %ne3A_2723 = arith.xori %or3A_2722, %ne3A_2715 : vector<64x128xi1>
    %ne3A_2724 = arith.xori %ne3A_2723, %ne3A_2378 : vector<64x128xi1>
    %select_n3A_2725 = arith.select %ne3A_2724, %select_n3A_2716, %select_n3A_2696 : vector<64x128xi1>, vector<64x128xf32>
    %select_n3A_2726 = arith.select %ne3A_2724, %select_n3A_2717, %select_n3A_2697 : vector<64x128xi1>, vector<64x128xi32>
    %slice3A_2727 = vector.extract_strided_slice %select_n3A_2725 {offsets = [0, 127], sizes = [64, 1], strides = [1, 1]} : vector<64x128xf32> to vector<64x1xf32>
    %slice3A_2728 = vector.extract_strided_slice %select_n3A_2725 {offsets = [0, 0], sizes = [64, 127], strides = [1, 1]} : vector<64x128xf32> to vector<64x127xf32>
    %concatenate3A_2729 = tpu.concatenate %slice3A_2727, %slice3A_2728 in 1 : vector<64x1xf32>, vector<64x127xf32> -> vector<64x128xf32>
    %slice3A_2730 = vector.extract_strided_slice %select_n3A_2725 {offsets = [0, 1], sizes = [64, 127], strides = [1, 1]} : vector<64x128xf32> to vector<64x127xf32>
    %slice3A_2731 = vector.extract_strided_slice %select_n3A_2725 {offsets = [0, 0], sizes = [64, 1], strides = [1, 1]} : vector<64x128xf32> to vector<64x1xf32>
    %concatenate3A_2732 = tpu.concatenate %slice3A_2730, %slice3A_2731 in 1 : vector<64x127xf32>, vector<64x1xf32> -> vector<64x128xf32>
    %slice3A_2733 = vector.extract_strided_slice %select_n3A_2726 {offsets = [0, 127], sizes = [64, 1], strides = [1, 1]} : vector<64x128xi32> to vector<64x1xi32>
    %slice3A_2734 = vector.extract_strided_slice %select_n3A_2726 {offsets = [0, 0], sizes = [64, 127], strides = [1, 1]} : vector<64x128xi32> to vector<64x127xi32>
    %concatenate3A_2735 = tpu.concatenate %slice3A_2733, %slice3A_2734 in 1 : vector<64x1xi32>, vector<64x127xi32> -> vector<64x128xi32>
    %slice3A_2736 = vector.extract_strided_slice %select_n3A_2726 {offsets = [0, 1], sizes = [64, 127], strides = [1, 1]} : vector<64x128xi32> to vector<64x127xi32>
    %slice3A_2737 = vector.extract_strided_slice %select_n3A_2726 {offsets = [0, 0], sizes = [64, 1], strides = [1, 1]} : vector<64x128xi32> to vector<64x1xi32>
    %concatenate3A_2738 = tpu.concatenate %slice3A_2736, %slice3A_2737 in 1 : vector<64x127xi32>, vector<64x1xi32> -> vector<64x128xi32>
    %and3A_2739 = arith.constant 1 : i32
    %and3A_2740 = vector.broadcast %and3A_2739 : i32 to vector<64x128xi32>
    %and3A_2741 = arith.andi %add3A, %and3A_2740 : vector<64x128xi32>
    %ne3A_2742 = arith.constant 0 : i32
    %ne3A_2743 = vector.broadcast %ne3A_2742 : i32 to vector<64x128xi32>
    %ne3A_2744 = arith.cmpi ne, %and3A_2741, %ne3A_2743 : vector<64x128xi32>
    %select_n3A_2745 = arith.select %ne3A_2744, %concatenate3A_2729, %concatenate3A_2732 : vector<64x128xi1>, vector<64x128xf32>
    %select_n3A_2746 = arith.select %ne3A_2744, %concatenate3A_2735, %concatenate3A_2738 : vector<64x128xi1>, vector<64x128xi32>
    %gt3A_2747 = arith.cmpf ogt, %select_n3A_2745, %select_n3A_2725 : vector<64x128xf32>
    %eq3A_2748 = arith.cmpf oeq, %select_n3A_2745, %select_n3A_2725 : vector<64x128xf32>
    %lt3A_2749 = arith.cmpi slt, %select_n3A_2746, %select_n3A_2726 : vector<64x128xi32>
    %and3A_2750 = arith.andi %eq3A_2748, %lt3A_2749 : vector<64x128xi1>
    %or3A_2751 = arith.ori %gt3A_2747, %and3A_2750 : vector<64x128xi1>
    %ne3A_2752 = arith.xori %or3A_2751, %ne3A_2744 : vector<64x128xi1>
    %ne3A_2753 = arith.xori %ne3A_2752, %ne3A_2378 : vector<64x128xi1>
    %select_n3A_2754 = arith.select %ne3A_2753, %select_n3A_2745, %select_n3A_2725 : vector<64x128xi1>, vector<64x128xf32>
    %select_n3A_2755 = arith.select %ne3A_2753, %select_n3A_2746, %select_n3A_2726 : vector<64x128xi1>, vector<64x128xi32>
    %add3A_2756 = arith.constant 4 : i32
    %add3A_2757 = vector.broadcast %add3A_2756 : i32 to vector<64x128xi32>
    %add3A_2758 = arith.addi %select_n3A_2755, %add3A_2757 : vector<64x128xi32>
    %reshape3A_2759 = vector.shape_cast %add3A_2758 : vector<64x128xi32> to vector<8192xi32>
    %iota3A_2760 = tpu.iota {dimensions = array<i32: 1>} : vector<1x4xi32>
    %iota3A_2761 = vector.shape_cast %iota3A_2760 : vector<1x4xi32> to vector<4xi32>
    %slice3A_2762 = vector.extract_strided_slice %reshape3A_2759 {offsets = [0], sizes = [2453], strides = [1]} : vector<8192xi32> to vector<2453xi32>
    %concatenate3A_2763 = tpu.concatenate %iota3A_2761, %slice3A_2762 in 0 : vector<4xi32>, vector<2453xi32> -> vector<2457xi32>
    %swap3A = arith.constant 0 : index
    %swap3A_2764 = arith.constant 0 : index
    %swap3A_2765 = arith.constant 0 : index
    %swap3A_2766 = vector.load %arg2[%swap3A, %swap3A_2764, %swap3A_2765] : memref<1x1x2457xi32, #tpu.memory_space<vmem>>, vector<1x1x2457xi32>
    %swap3A_2767 = vector.shape_cast %swap3A_2766 : vector<1x1x2457xi32> to vector<2457xi32>
    %swap3A_2768 = vector.shape_cast %concatenate3A_2763 : vector<2457xi32> to vector<1x1x2457xi32>
    tpu.vector_store %arg2[%swap3A, %swap3A_2764, %swap3A_2765], %swap3A_2768 {strides = array<i32>} : memref<1x1x2457xi32, #tpu.memory_space<vmem>>, vector<1x1x2457xi32>,
    %slice3A_2769 = vector.extract_strided_slice %select_n3A_2754 {offsets = [19, 20], sizes = [1, 1], strides = [1, 1]} : vector<64x128xf32> to vector<1x1xf32>
    %squeeze3A = vector.extract %slice3A_2769[0, 0] : f32 from vector<1x1xf32>
    %slice3A_2770 = vector.extract_strided_slice %select_n3A_2755 {offsets = [19, 20], sizes = [1, 1], strides = [1, 1]} : vector<64x128xi32> to vector<1x1xi32>
    %squeeze3A_2771 = vector.extract %slice3A_2770[0, 0] : i32 from vector<1x1xi32>
    %slice3A_2772 = vector.extract_strided_slice %reshape3A_2759 {offsets = [2452], sizes = [1], strides = [1]} : vector<8192xi32> to vector<1xi32>
    %squeeze3A_2773 = vector.extract %slice3A_2772[0] : i32 from vector<1xi32>
    %broadcast_in_dim3A_2774 = arith.constant 0 : i32
    %broadcast_in_dim3A_2775 = vector.broadcast %broadcast_in_dim3A_2774 : i32 to vector<103xi32>
    %add3A_2776 = vector.broadcast %squeeze3A_2773 : i32 to vector<103xi32>
    %add3A_2777 = arith.addi %broadcast_in_dim3A_2775, %add3A_2776 : vector<103xi32>
    %concatenate3A_2778 = tpu.concatenate %concatenate3A_2763, %add3A_2777 in 0 : vector<2457xi32>, vector<103xi32> -> vector<2560xi32>
    %mul3A_2779 = arith.constant 8192 : i32
    %mul3A_2780 = arith.muli %arg0, %mul3A_2779 : i32
    %add3A_2781 = vector.broadcast %mul3A_2780 : i32 to vector<2560xi32>
    %add3A_2782 = arith.addi %concatenate3A_2778, %add3A_2781 : vector<2560xi32>
    %swap3A_2783 = arith.constant 0 : index
    %swap3A_2784 = arith.constant 0 : index
    %swap3A_2785 = arith.constant 0 : index
    %swap3A_2786 = vector.load %arg3[%swap3A_2783, %swap3A_2784, %swap3A_2785] : memref<1x1x2560xi32, #tpu.memory_space<vmem>>, vector<1x1x2560xi32>
    %swap3A_2787 = vector.shape_cast %swap3A_2786 : vector<1x1x2560xi32> to vector<2560xi32>
    %swap3A_2788 = vector.shape_cast %add3A_2782 : vector<2560xi32> to vector<1x1x2560xi32>
    tpu.vector_store %arg3[%swap3A_2783, %swap3A_2784, %swap3A_2785], %swap3A_2788 {strides = array<i32>} : memref<1x1x2560xi32, #tpu.memory_space<vmem>>, vector<1x1x2560xi32>,
    %reshape3A_2789 = vector.shape_cast %get3A_3 : vector<8192xf32> to vector<64x128xf32>
    %lt3A_2790 = arith.constant 4 : i32
    %lt3A_2791 = vector.broadcast %lt3A_2790 : i32 to vector<64x128xi32>
    %lt3A_2792 = arith.cmpi slt, %add3A, %lt3A_2791 : vector<64x128xi32>
    %gt3A_2793 = vector.broadcast %squeeze3A : f32 to vector<64x128xf32>
    %gt3A_2794 = arith.cmpf ogt, %reshape3A_2789, %gt3A_2793 : vector<64x128xf32>
    %or3A_2795 = arith.ori %lt3A_2792, %gt3A_2794 : vector<64x128xi1>
    %eq3A_2796 = vector.broadcast %squeeze3A : f32 to vector<64x128xf32>
    %eq3A_2797 = arith.cmpf oeq, %reshape3A_2789, %eq3A_2796 : vector<64x128xf32>
    %add3A_2798 = arith.constant 4 : i32
    %add3A_2799 = arith.addi %squeeze3A_2771, %add3A_2798 : i32
    %add3A_2800 = arith.constant 1 : i32
    %add3A_2801 = arith.addi %add3A_2799, %add3A_2800 : i32
    %lt3A_2802 = vector.broadcast %add3A_2801 : i32 to vector<64x128xi32>
    %lt3A_2803 = arith.cmpi slt, %add3A, %lt3A_2802 : vector<64x128xi32>
    %and3A_2804 = arith.andi %eq3A_2797, %lt3A_2803 : vector<64x128xi1>
    %or3A_2805 = arith.ori %or3A_2795, %and3A_2804 : vector<64x128xi1>
    %convert_element_type3A = arith.extui %or3A_2805 : vector<64x128xi1> to vector<64x128xi32>
    %reshape3A_2806 = vector.shape_cast %convert_element_type3A : vector<64x128xi32> to vector<8192xi32>
    %swap3A_2807 = arith.constant 0 : index
    %swap3A_2808 = arith.constant 0 : index
    %swap3A_2809 = arith.constant 0 : index
    %swap3A_2810 = vector.load %arg4[%swap3A_2807, %swap3A_2808, %swap3A_2809] : memref<1x1x8192xi32, #tpu.memory_space<vmem>>, vector<1x1x8192xi32>
    %swap3A_2811 = vector.shape_cast %swap3A_2810 : vector<1x1x8192xi32> to vector<8192xi32>
    %swap3A_2812 = vector.shape_cast %reshape3A_2806 : vector<8192xi32> to vector<1x1x8192xi32>
    tpu.vector_store %arg4[%swap3A_2807, %swap3A_2808, %swap3A_2809], %swap3A_2812 {strides = array<i32>} : memref<1x1x8192xi32, #tpu.memory_space<vmem>>, vector<1x1x8192xi32>,
    return
  }
  func.func @transform_0(%arg0: i32) -> (i32, i32, i32) {
    %c0_i32 = arith.constant 0 : i32
    %c0_i32_0 = arith.constant 0 : i32
    %c0_i32_1 = arith.constant 0 : i32
    return %arg0, %c0_i32, %c0_i32_0 : i32, i32, i32
  }
  func.func @transform_1(%arg0: i32) -> (i32, i32, i32) {
    %c0_i32 = arith.constant 0 : i32
    %c0_i32_0 = arith.constant 0 : i32
    %c0_i32_1 = arith.constant 0 : i32
    return %arg0, %c0_i32, %c0_i32_0 : i32, i32, i32
  }
  func.func @transform_2(%arg0: i32) -> (i32, i32, i32) {
    %c0_i32 = arith.constant 0 : i32
    %c0_i32_0 = arith.constant 0 : i32
    %c0_i32_1 = arith.constant 0 : i32
    return %arg0, %c0_i32, %c0_i32_0 : i32, i32, i32
  }
  func.func @transform_3(%arg0: i32) -> (i32, i32, i32) {
    %c0_i32 = arith.constant 0 : i32
    %c0_i32_0 = arith.constant 0 : i32
    %c0_i32_1 = arith.constant 0 : i32
    return %arg0, %c0_i32, %c0_i32_0 : i32, i32, i32
  }
}

</mosaic_0001>

<sc_bundles>
// kernel: kernel.4.cloned.1.call-start
scs
__scs_entry_jumppad:
0x0: {  	(pc) =	sbr.rel $0x88, $3  }
0x1: {  	(tag) =	ssettag $0x0;
	lr =	simm.s32 $0x1  }
0x2: {  	[smem:$0x3F9D] =	sst lr;
	_ =	strace $0xD0000000  }
0x3: {  	_ = 	snop  }
0x4: {  	_ = 	snop  }
0x5: {  	_ = 	snop  }
0x6: {  	_ = 	snop  }
0x7: {  	_ = 	snop  }
__scs_overlays_trampoline_lowered:
0x8: {  	[smem:$0x3FAC] =	sst s0  }
0x9: {  	[smem:$0x3FAD] =	sst s1  }
0xa: {  	[smem:$0x3FAE] =	sst s2  }
0xb: {  	[smem:$0x3FAF] =	sst s3  }
0xc: {  	[smem:$0x3FB0] =	sst s4  }
0xd: {  	[smem:$0x3FB1] =	sst s5  }
0xe: {  	[smem:$0x3FB2] =	sst s6  }
0xf: {  	[smem:$0x3FB3] =	sst s7  }
0x10: {  	[smem:$0x3FB4] =	sst s8  }
0x11: {  	[smem:$0x3FB5] =	sst s9;
	s0 =	simm.s32 @!p0 $0x0  }
0x12: {  	s1 =	sld [smem:$0x3F9B];
	s0 =	simm.s32 @p0 $0x1  }
0x13: {  	[smem:$0x3FB6] =	sst s0;
	s0 =	simm.s32 @!p1 $0x0  }
0x14: {  	s2 =	sld [smem:$0x3F9A];
	s0 =	simm.s32 @p1 $0x1  }
0x15: {  	[smem:$0x3FB7] =	sst s0;
	s0 =	simm.s32 @!p2 $0x0  }
0x16: {  	s3 =	sld [smem:$0x3FDB];
	s0 =	simm.s32 @p2 $0x1  }
0x17: {  	s4 =	simm.s32 $0x1BF5;
	[smem:$0x3FB9] =	sst s0  }
0x18: {  	s0 =	sld [smem:$0x3F9C];
	_ =	swait.ge [sflag:s4], $0x0  }
0x19: {  	s7 =	sld [smem:$0x3F9D]  }
0x1a: {  	s8 =	sadd.s32 $0xFFFFE003, lr  }
0x1b: {  	s9 =	sadd.s32 $0xFFFFFEF7, lr;
	s5 =	simm.s32 $0xFFFFFFFF;
	p2 =	slt.u32 s8, $0xFFFFF086  }
0x1c: {  	p1 =	slt.u32 s9, $0xF7A;
	s5 =	simm.s32 @!p2 $0x0  }
0x1d: {  	s5 =	simm.s32 @p1 $0x1;
	p0 =	seq.s32 s7, s2  }
0x1e: {  	s7 =	smul.u32 @!p0 $0xF7A, s2;
	p2 =	seq.s32 @!p0 s5, $0x0  }
0x1f: {  	s9 =	smul.u32 $0xF7A, s1;
	s8 =	simm.s32 @!p0 $0x1BF5;
	p2 =	por !p2, p0  }
0x20: {  	[sflag:s8] =	ssyncset.s32 @!p0 $0xFFFFF086;
	s6 =	sadd.s32 @!p0 s3, s7;
	s7 =	simm.s32 @!p0 $0x108  }
0x21: {  	s3 =	sadd.s32 s3, s9;
	s6 =	sadd.s32 @!p0 $0x88, s6;
	s7 =	simm.s32 @p2 $0x1082  }
0x22: {  	[simem:s7], [sflag:s8] =	dma.local @!p0 [hbm:s6], $0xF7A  }
0x23: {  	s9 =	sor.u32 $0xD0000000, s2;
	s6 =	simm.s32 $0x108;
	_ =	swait.ge @!p0 [sflag:s8], $0x0  }
0x24: {  	s3 =	sadd.s32 $0x88, s3;
	s6 =	simm.s32 @!p1 $0x1082;
	[sflag:s4] =	ssyncset.s32 $0xFFFFF086  }
0x25: {  	[simem:s6], [sflag:s4] =	dma.local [hbm:s3], $0xF7A  }
0x26: {  	[smem:$0x3F9D] =	sst s1;
	(tag) =	ssettag s2;
	_ =	strace s9  }
0x27: {  	s1 =	sld [smem:$0x3FAD]  }
0x28: {  	s2 =	sld [smem:$0x3FAE]  }
0x29: {  	s4 =	sld [smem:$0x3FB0]  }
0x2a: {  	p0 =	seq.s32 s5, $0x0;
	s5 =	sld [smem:$0x3FB1]  }
0x2b: {  	s6 =	sld [smem:$0x3FB2]  }
0x2c: {  	s7 =	sld [smem:$0x3FB3]  }
0x2d: {  	s3 =	simm.s32 $0x108;
	s8 =	sld [smem:$0x3FB4]  }
0x2e: {  	s3 =	simm.s32 @!p0 $0x1082;
	s9 =	sld [smem:$0x3FB5]  }
0x2f: {  	lr =	sadd.s32 s0, s3;
	s0 =	sld [smem:$0x3FAC]  }
0x30: {  	s3 =	sld [smem:$0x3FAF]  }
0x31: {  	[smem:$0x3FB8] =	sst s10  }
0x32: {  	s10 =	sld [smem:$0x3FB6];
	_ =	sdelay $0x3  }
0x33: {  	p0 =	seq.s32 s10, $0x1;
	s10 =	sld [smem:$0x3FB8];
	_ =	sdelay $0x3  }
0x34: {  	[smem:$0x3FB8] =	sst s10  }
0x35: {  	s10 =	sld [smem:$0x3FB7];
	_ =	sdelay $0x3  }
0x36: {  	p1 =	seq.s32 s10, $0x1;
	s10 =	sld [smem:$0x3FB8];
	_ =	sdelay $0x3  }
0x37: {  	[smem:$0x3FB8] =	sst s10  }
0x38: {  	s10 =	sld [smem:$0x3FB9]  }
0x39: {  	_ = 	snop;
	(pc) =	sbr.ind lr, $3  }
0x3a: {  	_ = 	snop  }
0x3b: {  	_ = 	snop  }
0x3c: {  	p2 =	seq.s32 s10, $0x1;
	s10 =	sld [smem:$0x3FB8]  }
0x3d: {  	_ =	shalt  }
0x3e: {  	_ =	shalt  }
0x3f: {  	_ =	shalt  }
0x40: {  	_ =	shalt  }
0x41: {  	_ =	shalt  }
0x42: {  	_ =	shalt  }
0x43: {  	_ =	shalt  }
0x44: {  	_ =	shalt  }
0x45: {  	_ =	shalt  }
0x46: {  	_ =	shalt  }
0x47: {  	_ =	shalt  }
0x48: {  	_ =	shalt  }
0x49: {  	_ =	shalt  }
0x4a: {  	_ =	shalt  }
0x4b: {  	_ =	shalt  }
0x4c: {  	_ =	shalt  }
0x4d: {  	_ =	shalt  }
0x4e: {  	_ =	shalt  }
0x4f: {  	_ =	shalt  }
0x50: {  	_ =	shalt  }
0x51: {  	_ =	shalt  }
0x52: {  	_ =	shalt  }
0x53: {  	_ =	shalt  }
0x54: {  	_ =	shalt  }
0x55: {  	_ =	shalt  }
0x56: {  	_ =	shalt  }
0x57: {  	_ =	shalt  }
0x58: {  	_ =	shalt  }
0x59: {  	_ =	shalt  }
0x5a: {  	_ =	shalt  }
0x5b: {  	_ =	shalt  }
0x5c: {  	_ =	shalt  }
0x5d: {  	_ =	shalt  }
0x5e: {  	_ =	shalt  }
0x5f: {  	_ =	shalt  }
0x60: {  	_ =	shalt  }
0x61: {  	_ =	shalt  }
0x62: {  	_ =	shalt  }
0x63: {  	_ =	shalt  }
0x64: {  	_ =	shalt  }
0x65: {  	_ =	shalt  }
0x66: {  	_ =	shalt  }
0x67: {  	_ =	shalt  }
0x68: {  	_ =	shalt  }
0x69: {  	_ =	shalt  }
0x6a: {  	_ =	shalt  }
0x6b: {  	_ =	shalt  }
0x6c: {  	_ =	shalt  }
0x6d: {  	_ =	shalt  }
0x6e: {  	_ =	shalt  }
0x6f: {  	_ =	shalt  }
0x70: {  	_ =	shalt  }
0x71: {  	_ =	shalt  }
0x72: {  	_ =	shalt  }
0x73: {  	_ =	shalt  }
0x74: {  	_ =	shalt  }
0x75: {  	_ =	shalt  }
0x76: {  	_ =	shalt  }
0x77: {  	_ =	shalt  }
0x78: {  	_ =	shalt  }
0x79: {  	_ =	shalt  }
0x7a: {  	_ =	shalt  }
0x7b: {  	_ =	shalt  }
0x7c: {  	_ =	shalt  }
0x7d: {  	_ =	shalt  }
0x7e: {  	_ =	shalt  }
0x7f: {  	_ =	shalt  }
0x80: {  	_ =	shalt  }
0x81: {  	_ =	shalt  }
0x82: {  	_ =	shalt  }
0x83: {  	_ =	shalt  }
0x84: {  	_ =	shalt  }
0x85: {  	_ =	shalt  }
0x86: {  	_ =	shalt  }
0x87: {  	_ =	shalt  }
.Lfunc_end0:
.L_simem_size_0:
called_computation_lowered:
.L_overlay_start_0:
0x88: {  	s2 =	sld [smem:$0x3FD9]  }
0x89: {  	s3 =	sld [smem:$0x3FFE];
	_ =	sdelay $0x1  }
0x8a: {  	s1 =	srdreg.scid  }
0x8b: {  	s0 =	sand.u32 $0x1, s1  }
0x8c: {  	s14 =	sshll.u32 s0, $0xA;
	s2 =	sadd.s32 s3, s2  }
0x8d: {  	s2 =	sadd.s32 s2, s14  }
0x8e: {  	[smem:$0x3FC4] =	sst s2  }
0x8f: {  	_ = 	snop  }
0x90: {  	s2 =	sld [smem:$0x3FD0];
	_ =	sdelay $0x2  }
0x91: {  	s4 =	simm.s32 $0xA;
	s5 =	simm.s32 $0x10;
	s15 =	sld [smem:$0x3FC9]  }
0x92: {  	[smem:s5], [sflag:s4] =	dma.local [hbm:s2], $0x1  }
0x93: {  	_ =	swait.eq [sflag:s4], $0x1  }
0x94: {  	[sflag:s4] =	ssyncset.done $0x0  }
0x95: {  	[sflag:s4] =	ssyncadd.s32 $0xFFFFFFFF  }
0x96: {  	s16 =	sld [smem:$0x10];
	(tm) =	ssettm $0x1  }
0x97: {  	s17 =	sld [smem:$0x3FFB];
	_ =	sdelay $0x3  }
0x98: {  	_ =	strace s17  }
0x99: {  	s4 =	sld [smem:$0x3FFC];
	_ =	sdelay $0x3  }
0x9a: {  	_ =	strace s4  }
0x9b: {  	s4 =	sld [smem:$0x3FFD];
	_ =	sdelay $0x3  }
0x9c: {  	_ =	strace s4  }
0x9d: {  	_ =	strace $0x8FFFFFFF  }
0x9e: {  	s18 =	sld [smem:$0x3FDB];
	_ =	sdelay $0x1  }
0x9f: {  	s19 =	simm.s32 $_scs_section_size  }
0xa0: {  	s6 =	simm.s32 $_size__tile_overlayer_lowered;
	s7 =	simm.s32 $_tile_overlayer_lowered  }
0xa1: {  	s22 =	simm.s32 $0x1BFF;
	s21 =	sshll.u32 s7, $0x1;
	s4 =	sadd.s32 s19, s18  }
0xa2: {  	s8 =	simm.s32 $0x0;
	s20 =	sshll.u32 s6, $0x1;
	s6 =	sadd.s32 s21, s4  }
0xa3: {  	[timem:s8], [sflag:s22] =	dma.local [hbm:s6], s20  }
0xa4: {  	_ =	swait.ge [sflag:s22], s20  }
0xa5: {  	s5 =	ssub.s32 $0x0, s20;
	[sflag:s22] =	ssyncset.done $0x0  }
0xa6: {  	[sflag:s22] =	ssyncadd.s32 s5;
	_ =	sdelay $0x1  }
0xa7: {  	s23 =	simm.s32 $0x1B8B  }
0xa8: {  	_ =	swait.ge [sflag:s23], $0x1  }
0xa9: {  	[sflag:s23] =	ssyncset.done $0x0  }
0xaa: {  	s25 =	simm.s32 $0x1B8E;
	s24 =	sld [smem:$0x3FFE];
	[sflag:s23] =	ssyncadd.s32 $0xFFFFFFFF  }
0xab: {  	s26 =	simm.s32 $execute0_lowered;
	[smem:$0x3FD2] =	sst s25  }
0xac: {  	s6 =	sshll.u32 s26, $0x1;
	_ =	strace $0x80000046;
	[dreg:$0x1] =	wrdreg $0xFFFFFFFF  }
0xad: {  	s28 =	simm.s32 $_size_execute0_lowered;
	s4 =	sadd.s32 s4, s6;
	[dreg:$0x0] =	wrdreg $0x0  }
0xae: {  	s6 =	sshll.u32 s28, $0x1;
	[dreg:$0x2] =	wrdreg s4  }
0xaf: {  	[dreg:$0x3] =	wrdreg s6  }
0xb0: {  	[dreg:$0x4] =	wrdreg $0xC0  }
0xb1: {  	_ =	task [dreg:s8], $0x5FFFF  }
0xb2: {  	[dreg:$0x1] =	wrdreg $0xFFFFFFFF  }
0xb3: {  	[dreg:$0x0] =	wrdreg $0x60  }
0xb4: {  	[dreg:$0x2] =	wrdreg s15  }
0xb5: {  	[dreg:$0x3] =	wrdreg s16  }
0xb6: {  	[dreg:$0x4] =	wrdreg s24  }
0xb7: {  	[dreg:$0x5] =	wrdreg $0x9  }
0xb8: {  	_ =	task.clear_ibuf [dreg:s8], $0x6FFFF;
	_ =	strace $0x90000046  }
0xb9: {  	s29 =	simm.s32 $0x9;
	_ =	strace $0x80000048  }
0xba: {  	_ =	swait.ge [sflag:s29], $0x1  }
0xbb: {  	[sflag:s29] =	ssyncadd.s32 $0xFFFFFFFF  }
0xbc: {  	_ =	strace $0x90000048  }
0xbd: {  	_ =	sfence  }
0xbe: {  	s30 =	sld [smem:$0x0];
	_ =	sdelay $0x2  }
0xbf: {  	s31 =	sshll.u32 s1, $0xD;
	s1 =	sshrl.u32 s1, $0x2  }
0xc0: {  	s3 =	sand.u32 $0x4000, s31;
	s1 =	sadd.s32 s1, s30  }
0xc1: {  	s0 =	sor.u32 s3, s0;
	s1 =	sshll.u32 s1, $0x11  }
0xc2: {  	s0 =	sor.u32 s1, s0  }
0xc3: {  	s0 =	sadd.s32 $0x8F2B, s0  }
0xc4: {  	[sflag:s0] =	ssyncadd.remote.s32 $0x1  }
0xc5: {  	_ =	sfence.sel $0xFFFF  }
0xc6: {  	[dreg:$0x0] =	wrdreg $0xFFFFFFFF;
	(pc) =	sbr.abs _section_cstart, $3  }
0xc7: {  	[dreg:$0x1] =	wrdreg $0xFFFFFFFF  }
0xc8: {  	_ =	task.clear_ibuf [dreg:s8], $0x2FFFF;
	_ =	strace $0x9FFFFFFF  }
0xc9: {  	(tm) =	ssettm $0x7FFFFFFF  }
tec
execute0_lowered:
.L_overlay_start_1:
0x0: {  	(tag) =	ssettag $0x1  }
0x1: {  	s1 =	srdreg.scid;
	s0 =	stileid.u32  }
0x2: {  	s2 =	sand.u32 $0x1, s1;
	s23 =	sshll.u32 s0, $0x1  }
0x3: {  	s1 =	sor.u32 s2, s23  }
0x4: {  	s5 =	smul.u32 $0x50, s1  }
0x5: {  	v21 =	vlaneseq.u32  }
0x6: {  	s1 =	sadd.s32 $0x10, s5;
	v0 =	vor.u32 s5, v21  }
0x7: {  	s24 =	sadd.s32 $0x20, s5;
	s25 =	sadd.s32 $0x30, s5;
	s3 =	sadd.s32 $0x40, s5;
	v1 =	vor.u32 s1, v21;
	v0 =	vmin.u32 v0, $0x998  }
0x8: {  	v2 =	vor.u32 s24, v21;
	v3 =	vor.u32 s25, v21;
	v4 =	vor.u32 s3, v21  }
0x9: {  	vm0 =	vlt.s32 v1, $0x998;
	vm1 =	vlt.s32 v4, $0x998;
	v5 =	vshll.u32 v0, $0x2  }
0xa: {  	v6 =	vand.u32 $0x7, v0;
	v1 =	vnsel vm0, $0x998, v1;
	vm0 =	vlt.s32 v2, $0x998  }
0xb: {  	v4 =	vnsel vm1, $0x998, v4;
	v7 =	vand.u32 $0x3FE0, v5;
	v5 =	vadd.s32 $0x999, v0  }
0xc: {  	v2 =	vnsel vm0, $0x998, v2;
	vm0 =	vlt.s32 v3, $0x998;
	v23 =	vor.u32 v6, v7  }
0xd: {  	v6 =	vadd.s32 $0x999, v1;
	v8 =	vshll.u32 v5, $0x2;
	v10 =	vand.u32 $0x7, v5  }
0xe: {  	s6 =	rddreg [dreg:$0x1];
	v9 =	vadd.s32 $0x999, v4;
	v14 =	vadd.s32 $0x1332, v4;
	v19 =	vadd.s32 $0x1CCB, v4  }
0xf: {  	s4 =	simm.s32 $0x0;
	s9 =	simm.s32 $0x3;
	s11 =	simm.s32 $0x900;
	v3 =	vnsel vm0, $0x998, v3;
	v7 =	vadd.s32 $0x999, v2;
	v11 =	vand.u32 $0x7FFFFFE0, v8  }
0x10: {  	s12 =	simm.s32 $0x1100;
	s13 =	simm.s32 $0x1900;
	s14 =	simm.s32 $0x2100;
	v12 =	vadd.s32 $0x1332, v2;
	v24 =	vor.u32 v10, v11;
	v10 =	vadd.s32 $0x1332, v0  }
0x11: {  	s15 =	simm.s32 $0x2900;
	s16 =	simm.s32 $0x3100;
	s17 =	simm.s32 $0x3900;
	vm0 =	vmmov $0xffff;
	v8 =	vadd.s32 $0x999, v3;
	v15 =	vshll.u32 v10, $0x2  }
0x12: {  	s10 =	simm.s32 $0x100;
	s18 =	simm.s32 $0x4100;
	s19 =	simm.s32 $0x4900;
	v11 =	vadd.s32 $0x1332, v1;
	v17 =	vand.u32 $0x7FFFFFE0, v15;
	v15 =	vadd.s32 $0x1CCB, v0  }
0x13: {  	s20 =	simm.s32 $0x5100;
	s21 =	simm.s32 $0x5900;
	s22 =	simm.s32 $0x6100;
	v13 =	vadd.s32 $0x1332, v3;
	v16 =	vand.u32 $0x7, v10;
	v18 =	vshll.u32 v15, $0x2  }
0x14: {  	s28 =	simm.s32 $0x8900;
	s29 =	simm.s32 $0x9100;
	s30 =	simm.s32 $0x9900;
	v25 =	vor.u32 v16, v17;
	v20 =	vand.u32 $0x7, v15;
	v22 =	vand.u32 $0x7FFFFFE0, v18  }
0x15: {  	s31 =	simm.s32 $0x1;
	[smem:$0x7FF] =	sst s4;
	s2 =	ssub.s32 $0x2, s2;
	v16 =	vadd.s32 $0x1CCB, v1;
	v26 =	vor.u32 v20, v22;
	v20 =	vand.u32 $0x7, v21  }
0x16: {  	s23 =	simm.s32 $0x6900;
	s7 =	sshrl.u32 s2, $0x1;
	s5 =	sshrl.u32 s5, $0x3;
	v22 =	vshrl.u32 v21, $0x3;
	v21 =	vor.u32 $0x8, v21;
	v27 =	vperm.xlane v23, v20  }
0x17: {  	s2 =	ssub.s32 s2, s7;
	s1 =	rddreg [dreg:$0x0];
	s5 =	sadd.s32 s6, s5;
	v17 =	vadd.s32 $0x1CCB, v2;
	v28 =	vperm.xlane v23, v21;
	v29 =	vperm.xlane v24, v20  }
0x18: {  	s3 =	rddreg [dreg:$0x2];
	_ =	strace $0x80000047;
	s6 =	sadd.s32 $0x140, s5;
	v22 =	vmul.u32 $0x8, v22;
	v30 =	vperm.xlane v24, v21;
	v31 =	vperm.xlane v25, v21  }
0x19: {  	s24 =	simm.s32 $0x7100;
	s26 =	sadd.s32 $0x280, s5;
	[dreg:$0x4] =	wrdreg s6;
	v18 =	vadd.s32 $0x1CCB, v3;
	v32 =	vperm.xlane v26, v20;
	v33 =	vperm.xlane v26, v21  }
0x1a: {  	s25 =	simm.s32 $0x7900;
	s8 =	sadd.s32 $0x3C0, s5;
	[dreg:$0x5] =	wrdreg s26;
	v23 =	vadd.s32 v22, v27;
	v27 =	vperm.xlane v25, v20;
	v24 =	vadd.s32 v22, v28  }
0x1b: {  	s7 =	sadd.s32 $0x100, s3;
	s6 =	sadd.s32 $0x100, s1;
	[dreg:$0x6] =	wrdreg s8;
	v25 =	vadd.s32 v22, v29;
	v26 =	vadd.s32 v22, v30;
	v28 =	vadd.s32 v22, v31  }
0x1c: {  	s8 =	smax.u32 s2, $0x1;
	s26 =	simm.s32 $0x8100;
	s2 =	simm.s32 $0x2;
	v29 =	vadd.s32 v22, v32;
	v30 =	vadd.s32 v22, v33;
	v27 =	vadd.s32 v22, v27  }
.LBB2_1:
0x1d: {  	[tilespmem:s4], [sflag:$0x3] =	stream.linear.gather [hbm4b:s5+s4], $0x50, $0x38;
	[tilespmem:$0xA100] =	vst v63  }
0x1e: {  	_ =	swait.ge [sflag:s9], $0x50  }
0x1f: {  	[sflag:s9] =	ssyncset.done $0x0  }
0x20: {  	[sflag:s9] =	ssyncadd.s32 $0xFFFFFFB0  }
0x21: {  	v31 =	vld [tilespmem:$0x0];
	_ =	sdelay $0x4  }
0x22: {  	v32 =	vshll.u32 v31, $0x2  }
0x23: {  	v31 =	vand.u32 $0x7, v31;
	v32 =	vand.u32 $0xFFFFFFE0, v32  }
0x24: {  	v31 =	vor.u32 v31, v32  }
0x25: {  	v32 =	vperm.xlane v31, v20;
	_ =	sdelay $0x1  }
0x26: {  	v32 =	vadd.s32 v22, v32;
	_ =	sdelay $0x1  }
0x27: {  	v31 =	vperm.xlane v31, v21;
	_ =	sdelay $0x1  }
0x28: {  	v31 =	vadd.s32 v22, v31  }
0x29: {  	[tilespmem:s10], [sflag:$0x1] =	stream.indirect_vreg.gather [hbm4b:s1+s4], $0x80, v32, vm0, $0xb8;
	[tilespmem:$0xA100] =	vst v63  }
0x2a: {  	_ = 	snop  }
0x2b: {  	[tilespmem:s11], [sflag:$0x1] =	stream.indirect_vreg.gather [hbm4b:s6+s4], $0x80, v32, vm0, $0xb8;
	[tilespmem:$0xA100] =	vst v63  }
0x2c: {  	_ = 	snop  }
0x2d: {  	[tilespmem:s12], [sflag:$0x1] =	stream.indirect_vreg.gather [hbm4b:s1+s4], $0x80, v31, vm0, $0xb8;
	[tilespmem:$0xA100] =	vst v63  }
0x2e: {  	_ = 	snop  }
0x2f: {  	[tilespmem:s13], [sflag:$0x1] =	stream.indirect_vreg.gather [hbm4b:s6+s4], $0x80, v31, vm0, $0xb8;
	[tilespmem:$0xA100] =	vst v63  }
0x30: {  	v31 =	vld [tilespmem:$0x10];
	_ =	sdelay $0x4  }
0x31: {  	v57 =	vshll.u32 v31, $0x2  }
0x32: {  	v31 =	vand.u32 $0x7, v31;
	v32 =	vand.u32 $0xFFFFFFE0, v57  }
0x33: {  	v31 =	vor.u32 v31, v32  }
0x34: {  	v32 =	vperm.xlane v31, v20;
	_ =	sdelay $0x1  }
0x35: {  	v32 =	vadd.s32 v22, v32;
	_ =	sdelay $0x1  }
0x36: {  	v31 =	vperm.xlane v31, v21;
	_ =	sdelay $0x1  }
0x37: {  	v31 =	vadd.s32 v22, v31  }
0x38: {  	[tilespmem:s14], [sflag:$0x1] =	stream.indirect_vreg.gather [hbm4b:s1+s4], $0x80, v32, vm0, $0xb8;
	[tilespmem:$0xA100] =	vst v63  }
0x39: {  	_ = 	snop  }
0x3a: {  	[tilespmem:s15], [sflag:$0x1] =	stream.indirect_vreg.gather [hbm4b:s6+s4], $0x80, v32, vm0, $0xb8;
	[tilespmem:$0xA100] =	vst v63  }
0x3b: {  	_ = 	snop  }
0x3c: {  	[tilespmem:s16], [sflag:$0x1] =	stream.indirect_vreg.gather [hbm4b:s1+s4], $0x80, v31, vm0, $0xb8;
	[tilespmem:$0xA100] =	vst v63  }
0x3d: {  	_ = 	snop  }
0x3e: {  	[tilespmem:s17], [sflag:$0x1] =	stream.indirect_vreg.gather [hbm4b:s6+s4], $0x80, v31, vm0, $0xb8;
	[tilespmem:$0xA100] =	vst v63  }
0x3f: {  	v31 =	vld [tilespmem:$0x20];
	_ =	sdelay $0x4  }
0x40: {  	v58 =	vshll.u32 v31, $0x2  }
0x41: {  	v31 =	vand.u32 $0x7, v31;
	v32 =	vand.u32 $0xFFFFFFE0, v58  }
0x42: {  	v31 =	vor.u32 v31, v32  }
0x43: {  	v32 =	vperm.xlane v31, v20;
	_ =	sdelay $0x1  }
0x44: {  	v32 =	vadd.s32 v22, v32;
	_ =	sdelay $0x1  }
0x45: {  	v31 =	vperm.xlane v31, v21;
	_ =	sdelay $0x1  }
0x46: {  	v31 =	vadd.s32 v22, v31  }
0x47: {  	[tilespmem:s18], [sflag:$0x1] =	stream.indirect_vreg.gather [hbm4b:s1+s4], $0x80, v32, vm0, $0xb8;
	[tilespmem:$0xA100] =	vst v63  }
0x48: {  	_ = 	snop  }
0x49: {  	[tilespmem:s19], [sflag:$0x1] =	stream.indirect_vreg.gather [hbm4b:s6+s4], $0x80, v32, vm0, $0xb8;
	[tilespmem:$0xA100] =	vst v63  }
0x4a: {  	_ = 	snop  }
0x4b: {  	[tilespmem:s20], [sflag:$0x1] =	stream.indirect_vreg.gather [hbm4b:s1+s4], $0x80, v31, vm0, $0xb8;
	[tilespmem:$0xA100] =	vst v63  }
0x4c: {  	_ = 	snop  }
0x4d: {  	[tilespmem:s21], [sflag:$0x1] =	stream.indirect_vreg.gather [hbm4b:s6+s4], $0x80, v31, vm0, $0xb8;
	[tilespmem:$0xA100] =	vst v63  }
0x4e: {  	v31 =	vld [tilespmem:$0x30];
	_ =	sdelay $0x4  }
0x4f: {  	v59 =	vshll.u32 v31, $0x2  }
0x50: {  	v31 =	vand.u32 $0x7, v31;
	v32 =	vand.u32 $0xFFFFFFE0, v59  }
0x51: {  	v31 =	vor.u32 v31, v32  }
0x52: {  	v32 =	vperm.xlane v31, v20;
	_ =	sdelay $0x1  }
0x53: {  	v32 =	vadd.s32 v22, v32;
	_ =	sdelay $0x1  }
0x54: {  	v31 =	vperm.xlane v31, v21;
	_ =	sdelay $0x1  }
0x55: {  	v31 =	vadd.s32 v22, v31  }
0x56: {  	[tilespmem:s22], [sflag:$0x1] =	stream.indirect_vreg.gather [hbm4b:s1+s4], $0x80, v32, vm0, $0xb8;
	[tilespmem:$0xA100] =	vst v63  }
0x57: {  	_ = 	snop  }
0x58: {  	[tilespmem:s23], [sflag:$0x1] =	stream.indirect_vreg.gather [hbm4b:s6+s4], $0x80, v32, vm0, $0xb8;
	[tilespmem:$0xA100] =	vst v63  }
0x59: {  	_ = 	snop  }
0x5a: {  	[tilespmem:s24], [sflag:$0x1] =	stream.indirect_vreg.gather [hbm4b:s1+s4], $0x80, v31, vm0, $0xb8;
	[tilespmem:$0xA100] =	vst v63  }
0x5b: {  	_ = 	snop  }
0x5c: {  	[tilespmem:s25], [sflag:$0x1] =	stream.indirect_vreg.gather [hbm4b:s6+s4], $0x80, v31, vm0, $0xb8;
	[tilespmem:$0xA100] =	vst v63  }
0x5d: {  	v31 =	vld [tilespmem:$0x40];
	_ =	sdelay $0x4  }
0x5e: {  	v60 =	vshll.u32 v31, $0x2  }
0x5f: {  	v31 =	vand.u32 $0x7, v31;
	v32 =	vand.u32 $0xFFFFFFE0, v60  }
0x60: {  	v31 =	vor.u32 v31, v32  }
0x61: {  	v32 =	vperm.xlane v31, v20;
	_ =	sdelay $0x1  }
0x62: {  	v32 =	vadd.s32 v22, v32;
	_ =	sdelay $0x1  }
0x63: {  	v31 =	vperm.xlane v31, v21;
	_ =	sdelay $0x1  }
0x64: {  	v31 =	vadd.s32 v22, v31  }
0x65: {  	[tilespmem:s26], [sflag:$0x1] =	stream.indirect_vreg.gather [hbm4b:s1+s4], $0x80, v32, vm0, $0xb8;
	[tilespmem:$0xA100] =	vst v63  }
0x66: {  	_ = 	snop  }
0x67: {  	[tilespmem:s28], [sflag:$0x1] =	stream.indirect_vreg.gather [hbm4b:s6+s4], $0x80, v32, vm0, $0xb8;
	[tilespmem:$0xA100] =	vst v63  }
0x68: {  	_ = 	snop  }
0x69: {  	[tilespmem:s29], [sflag:$0x1] =	stream.indirect_vreg.gather [hbm4b:s1+s4], $0x80, v31, vm0, $0xb8;
	[tilespmem:$0xA100] =	vst v63  }
0x6a: {  	_ = 	snop  }
0x6b: {  	[tilespmem:s30], [sflag:$0x1] =	stream.indirect_vreg.gather [hbm4b:s6+s4], $0x80, v31, vm0, $0xb8;
	[tilespmem:$0xA100] =	vst v63  }
0x6c: {  	_ =	swait.ge [sflag:s31], $0xA000  }
0x6d: {  	[sflag:s31] =	ssyncset.done $0x0  }
0x6e: {  	[sflag:s31] =	ssyncadd.s32 $0xFFFF6000  }
0x6f: {  	[tilespmem:$0x80] =	vst v0  }
0x70: {  	[tilespmem:$0x90] =	vst v1  }
0x71: {  	[tilespmem:$0xA0] =	vst v2  }
0x72: {  	[tilespmem:$0xB0] =	vst v3  }
0x73: {  	[tilespmem:$0xC0] =	vst v4  }
0x74: {  	[hbm4b:s3+s4] =	stream.indirect_vreg.scatter [tilespmem:s10], [sflag:$0x2], $0x80, v23, vm0, $0xb8;
	[tilespmem:$0xA100] =	vst v63  }
0x75: {  	_ = 	snop  }
0x76: {  	[hbm4b:s7+s4] =	stream.indirect_vreg.scatter [tilespmem:s11], [sflag:$0x2], $0x80, v23, vm0, $0xb8;
	[tilespmem:$0xA100] =	vst v63  }
0x77: {  	_ = 	snop  }
0x78: {  	[hbm4b:s3+s4] =	stream.indirect_vreg.scatter [tilespmem:s12], [sflag:$0x2], $0x80, v24, vm0, $0xb8;
	[tilespmem:$0xA100] =	vst v63  }
0x79: {  	_ = 	snop  }
0x7a: {  	[hbm4b:s7+s4] =	stream.indirect_vreg.scatter [tilespmem:s13], [sflag:$0x2], $0x80, v24, vm0, $0xb8;
	[tilespmem:$0xA100] =	vst v63  }
0x7b: {  	v31 =	vld [tilespmem:$0x90];
	_ =	sdelay $0x4  }
0x7c: {  	v61 =	vshll.u32 v31, $0x2  }
0x7d: {  	v31 =	vand.u32 $0x7, v31;
	v32 =	vand.u32 $0xFFFFFFE0, v61  }
0x7e: {  	v31 =	vor.u32 v31, v32  }
0x7f: {  	v32 =	vperm.xlane v31, v20;
	_ =	sdelay $0x1  }
0x80: {  	v32 =	vadd.s32 v22, v32;
	_ =	sdelay $0x1  }
0x81: {  	v31 =	vperm.xlane v31, v21;
	_ =	sdelay $0x1  }
0x82: {  	v31 =	vadd.s32 v22, v31  }
0x83: {  	[hbm4b:s3+s4] =	stream.indirect_vreg.scatter [tilespmem:s14], [sflag:$0x2], $0x80, v32, vm0, $0xb8;
	[tilespmem:$0xA100] =	vst v63  }
0x84: {  	_ = 	snop  }
0x85: {  	[hbm4b:s7+s4] =	stream.indirect_vreg.scatter [tilespmem:s15], [sflag:$0x2], $0x80, v32, vm0, $0xb8;
	[tilespmem:$0xA100] =	vst v63  }
0x86: {  	_ = 	snop  }
0x87: {  	[hbm4b:s3+s4] =	stream.indirect_vreg.scatter [tilespmem:s16], [sflag:$0x2], $0x80, v31, vm0, $0xb8;
	[tilespmem:$0xA100] =	vst v63  }
0x88: {  	_ = 	snop  }
0x89: {  	[hbm4b:s7+s4] =	stream.indirect_vreg.scatter [tilespmem:s17], [sflag:$0x2], $0x80, v31, vm0, $0xb8;
	[tilespmem:$0xA100] =	vst v63  }
0x8a: {  	v31 =	vld [tilespmem:$0xA0];
	_ =	sdelay $0x4  }
0x8b: {  	v62 =	vshll.u32 v31, $0x2  }
0x8c: {  	v31 =	vand.u32 $0x7, v31;
	v32 =	vand.u32 $0xFFFFFFE0, v62  }
0x8d: {  	v31 =	vor.u32 v31, v32  }
0x8e: {  	v32 =	vperm.xlane v31, v20;
	_ =	sdelay $0x1  }
0x8f: {  	v32 =	vadd.s32 v22, v32;
	_ =	sdelay $0x1  }
0x90: {  	v31 =	vperm.xlane v31, v21;
	_ =	sdelay $0x1  }
0x91: {  	v31 =	vadd.s32 v22, v31  }
0x92: {  	[hbm4b:s3+s4] =	stream.indirect_vreg.scatter [tilespmem:s18], [sflag:$0x2], $0x80, v32, vm0, $0xb8;
	[tilespmem:$0xA100] =	vst v63  }
0x93: {  	_ = 	snop  }
0x94: {  	[hbm4b:s7+s4] =	stream.indirect_vreg.scatter [tilespmem:s19], [sflag:$0x2], $0x80, v32, vm0, $0xb8;
	[tilespmem:$0xA100] =	vst v63  }
0x95: {  	_ = 	snop  }
0x96: {  	[hbm4b:s3+s4] =	stream.indirect_vreg.scatter [tilespmem:s20], [sflag:$0x2], $0x80, v31, vm0, $0xb8;
	[tilespmem:$0xA100] =	vst v63  }
0x97: {  	_ = 	snop  }
0x98: {  	[hbm4b:s7+s4] =	stream.indirect_vreg.scatter [tilespmem:s21], [sflag:$0x2], $0x80, v31, vm0, $0xb8;
	[tilespmem:$0xA100] =	vst v63  }
0x99: {  	v31 =	vld [tilespmem:$0xB0];
	_ =	sdelay $0x4  }
0x9a: {  	v63 =	vshll.u32 v31, $0x2  }
0x9b: {  	v31 =	vand.u32 $0x7, v31;
	v32 =	vand.u32 $0xFFFFFFE0, v63  }
0x9c: {  	v31 =	vor.u32 v31, v32  }
0x9d: {  	v32 =	vperm.xlane v31, v20;
	_ =	sdelay $0x1  }
0x9e: {  	v32 =	vadd.s32 v22, v32;
	_ =	sdelay $0x1  }
0x9f: {  	v31 =	vperm.xlane v31, v21;
	_ =	sdelay $0x1  }
0xa0: {  	v31 =	vadd.s32 v22, v31  }
0xa1: {  	[hbm4b:s3+s4] =	stream.indirect_vreg.scatter [tilespmem:s22], [sflag:$0x2], $0x80, v32, vm0, $0xb8;
	[tilespmem:$0xA100] =	vst v63  }
0xa2: {  	_ = 	snop  }
0xa3: {  	[hbm4b:s7+s4] =	stream.indirect_vreg.scatter [tilespmem:s23], [sflag:$0x2], $0x80, v32, vm0, $0xb8;
	[tilespmem:$0xA100] =	vst v63  }
0xa4: {  	_ = 	snop  }
0xa5: {  	[hbm4b:s3+s4] =	stream.indirect_vreg.scatter [tilespmem:s24], [sflag:$0x2], $0x80, v31, vm0, $0xb8;
	[tilespmem:$0xA100] =	vst v63  }
0xa6: {  	_ = 	snop  }
0xa7: {  	[hbm4b:s7+s4] =	stream.indirect_vreg.scatter [tilespmem:s25], [sflag:$0x2], $0x80, v31, vm0, $0xb8;
	[tilespmem:$0xA100] =	vst v63  }
0xa8: {  	v31 =	vld [tilespmem:$0xC0];
	_ =	sdelay $0x4  }
0xa9: {  	v36 =	vshll.u32 v31, $0x2  }
0xaa: {  	v31 =	vand.u32 $0x7, v31;
	v32 =	vand.u32 $0xFFFFFFE0, v36  }
0xab: {  	v31 =	vor.u32 v31, v32  }
0xac: {  	v32 =	vperm.xlane v31, v20;
	_ =	sdelay $0x1  }
0xad: {  	v32 =	vadd.s32 v22, v32;
	_ =	sdelay $0x1  }
0xae: {  	v31 =	vperm.xlane v31, v21;
	_ =	sdelay $0x1  }
0xaf: {  	v31 =	vadd.s32 v22, v31  }
0xb0: {  	[hbm4b:s3+s4] =	stream.indirect_vreg.scatter [tilespmem:s26], [sflag:$0x2], $0x80, v32, vm0, $0xb8;
	[tilespmem:$0xA100] =	vst v63  }
0xb1: {  	_ = 	snop  }
0xb2: {  	[hbm4b:s7+s4] =	stream.indirect_vreg.scatter [tilespmem:s28], [sflag:$0x2], $0x80, v32, vm0, $0xb8;
	[tilespmem:$0xA100] =	vst v63  }
0xb3: {  	_ = 	snop  }
0xb4: {  	[hbm4b:s3+s4] =	stream.indirect_vreg.scatter [tilespmem:s29], [sflag:$0x2], $0x80, v31, vm0, $0xb8;
	[tilespmem:$0xA100] =	vst v63  }
0xb5: {  	_ = 	snop  }
0xb6: {  	[hbm4b:s7+s4] =	stream.indirect_vreg.scatter [tilespmem:s30], [sflag:$0x2], $0x80, v31, vm0, $0xb8;
	[tilespmem:$0xA100] =	vst v63  }
0xb7: {  	_ =	swait.ge [sflag:s2], $0xA000  }
0xb8: {  	[sflag:s2] =	ssyncset.done $0x0  }
0xb9: {  	s0 =	rddreg [dreg:$0x4];
	[sflag:s2] =	ssyncadd.s32 $0xFFFF6000  }
0xba: {  	[tilespmem:s4], [sflag:$0x3] =	stream.linear.gather [hbm4b:s0+s4], $0x50, $0x38;
	[tilespmem:$0xA100] =	vst v63  }
0xbb: {  	_ =	swait.ge [sflag:s9], $0x50  }
0xbc: {  	[sflag:s9] =	ssyncset.done $0x0  }
0xbd: {  	[sflag:s9] =	ssyncadd.s32 $0xFFFFFFB0  }
0xbe: {  	v31 =	vld [tilespmem:$0x0];
	_ =	sdelay $0x4  }
0xbf: {  	v37 =	vshll.u32 v31, $0x2  }
0xc0: {  	v31 =	vand.u32 $0x7, v31;
	v32 =	vand.u32 $0xFFFFFFE0, v37  }
0xc1: {  	v31 =	vor.u32 v31, v32  }
0xc2: {  	v32 =	vperm.xlane v31, v20;
	_ =	sdelay $0x1  }
0xc3: {  	v32 =	vadd.s32 v22, v32;
	_ =	sdelay $0x1  }
0xc4: {  	v31 =	vperm.xlane v31, v21;
	_ =	sdelay $0x1  }
0xc5: {  	v31 =	vadd.s32 v22, v31  }
0xc6: {  	[tilespmem:s10], [sflag:$0x1] =	stream.indirect_vreg.gather [hbm4b:s1+s4], $0x80, v32, vm0, $0xb8;
	[tilespmem:$0xA100] =	vst v63  }
0xc7: {  	_ = 	snop  }
0xc8: {  	[tilespmem:s11], [sflag:$0x1] =	stream.indirect_vreg.gather [hbm4b:s6+s4], $0x80, v32, vm0, $0xb8;
	[tilespmem:$0xA100] =	vst v63  }
0xc9: {  	_ = 	snop  }
0xca: {  	[tilespmem:s12], [sflag:$0x1] =	stream.indirect_vreg.gather [hbm4b:s1+s4], $0x80, v31, vm0, $0xb8;
	[tilespmem:$0xA100] =	vst v63  }
0xcb: {  	_ = 	snop  }
0xcc: {  	[tilespmem:s13], [sflag:$0x1] =	stream.indirect_vreg.gather [hbm4b:s6+s4], $0x80, v31, vm0, $0xb8;
	[tilespmem:$0xA100] =	vst v63  }
0xcd: {  	v31 =	vld [tilespmem:$0x10];
	_ =	sdelay $0x4  }
0xce: {  	v38 =	vshll.u32 v31, $0x2  }
0xcf: {  	v31 =	vand.u32 $0x7, v31;
	v32 =	vand.u32 $0xFFFFFFE0, v38  }
0xd0: {  	v31 =	vor.u32 v31, v32  }
0xd1: {  	v32 =	vperm.xlane v31, v20;
	_ =	sdelay $0x1  }
0xd2: {  	v32 =	vadd.s32 v22, v32;
	_ =	sdelay $0x1  }
0xd3: {  	v31 =	vperm.xlane v31, v21;
	_ =	sdelay $0x1  }
0xd4: {  	v31 =	vadd.s32 v22, v31  }
0xd5: {  	[tilespmem:s14], [sflag:$0x1] =	stream.indirect_vreg.gather [hbm4b:s1+s4], $0x80, v32, vm0, $0xb8;
	[tilespmem:$0xA100] =	vst v63  }
0xd6: {  	_ = 	snop  }
0xd7: {  	[tilespmem:s15], [sflag:$0x1] =	stream.indirect_vreg.gather [hbm4b:s6+s4], $0x80, v32, vm0, $0xb8;
	[tilespmem:$0xA100] =	vst v63  }
0xd8: {  	_ = 	snop  }
0xd9: {  	[tilespmem:s16], [sflag:$0x1] =	stream.indirect_vreg.gather [hbm4b:s1+s4], $0x80, v31, vm0, $0xb8;
	[tilespmem:$0xA100] =	vst v63  }
0xda: {  	_ = 	snop  }
0xdb: {  	[tilespmem:s17], [sflag:$0x1] =	stream.indirect_vreg.gather [hbm4b:s6+s4], $0x80, v31, vm0, $0xb8;
	[tilespmem:$0xA100] =	vst v63  }
0xdc: {  	v31 =	vld [tilespmem:$0x20];
	_ =	sdelay $0x4  }
0xdd: {  	v39 =	vshll.u32 v31, $0x2  }
0xde: {  	v31 =	vand.u32 $0x7, v31;
	v32 =	vand.u32 $0xFFFFFFE0, v39  }
0xdf: {  	v31 =	vor.u32 v31, v32  }
0xe0: {  	v32 =	vperm.xlane v31, v20;
	_ =	sdelay $0x1  }
0xe1: {  	v32 =	vadd.s32 v22, v32;
	_ =	sdelay $0x1  }
0xe2: {  	v31 =	vperm.xlane v31, v21;
	_ =	sdelay $0x1  }
0xe3: {  	v31 =	vadd.s32 v22, v31  }
0xe4: {  	[tilespmem:s18], [sflag:$0x1] =	stream.indirect_vreg.gather [hbm4b:s1+s4], $0x80, v32, vm0, $0xb8;
	[tilespmem:$0xA100] =	vst v63  }
0xe5: {  	_ = 	snop  }
0xe6: {  	[tilespmem:s19], [sflag:$0x1] =	stream.indirect_vreg.gather [hbm4b:s6+s4], $0x80, v32, vm0, $0xb8;
	[tilespmem:$0xA100] =	vst v63  }
0xe7: {  	_ = 	snop  }
0xe8: {  	[tilespmem:s20], [sflag:$0x1] =	stream.indirect_vreg.gather [hbm4b:s1+s4], $0x80, v31, vm0, $0xb8;
	[tilespmem:$0xA100] =	vst v63  }
0xe9: {  	_ = 	snop  }
0xea: {  	[tilespmem:s21], [sflag:$0x1] =	stream.indirect_vreg.gather [hbm4b:s6+s4], $0x80, v31, vm0, $0xb8;
	[tilespmem:$0xA100] =	vst v63  }
0xeb: {  	v31 =	vld [tilespmem:$0x30];
	_ =	sdelay $0x4  }
0xec: {  	v40 =	vshll.u32 v31, $0x2  }
0xed: {  	v31 =	vand.u32 $0x7, v31;
	v32 =	vand.u32 $0xFFFFFFE0, v40  }
0xee: {  	v31 =	vor.u32 v31, v32  }
0xef: {  	v32 =	vperm.xlane v31, v20;
	_ =	sdelay $0x1  }
0xf0: {  	v32 =	vadd.s32 v22, v32;
	_ =	sdelay $0x1  }
0xf1: {  	v31 =	vperm.xlane v31, v21;
	_ =	sdelay $0x1  }
0xf2: {  	v31 =	vadd.s32 v22, v31  }
0xf3: {  	[tilespmem:s22], [sflag:$0x1] =	stream.indirect_vreg.gather [hbm4b:s1+s4], $0x80, v32, vm0, $0xb8;
	[tilespmem:$0xA100] =	vst v63  }
0xf4: {  	_ = 	snop  }
0xf5: {  	[tilespmem:s23], [sflag:$0x1] =	stream.indirect_vreg.gather [hbm4b:s6+s4], $0x80, v32, vm0, $0xb8;
	[tilespmem:$0xA100] =	vst v63  }
0xf6: {  	_ = 	snop  }
0xf7: {  	[tilespmem:s24], [sflag:$0x1] =	stream.indirect_vreg.gather [hbm4b:s1+s4], $0x80, v31, vm0, $0xb8;
	[tilespmem:$0xA100] =	vst v63  }
0xf8: {  	_ = 	snop  }
0xf9: {  	[tilespmem:s25], [sflag:$0x1] =	stream.indirect_vreg.gather [hbm4b:s6+s4], $0x80, v31, vm0, $0xb8;
	[tilespmem:$0xA100] =	vst v63  }
0xfa: {  	v31 =	vld [tilespmem:$0x40];
	_ =	sdelay $0x4  }
0xfb: {  	v41 =	vshll.u32 v31, $0x2  }
0xfc: {  	v31 =	vand.u32 $0x7, v31;
	v32 =	vand.u32 $0xFFFFFFE0, v41  }
0xfd: {  	v31 =	vor.u32 v31, v32  }
0xfe: {  	v32 =	vperm.xlane v31, v20;
	_ =	sdelay $0x1  }
0xff: {  	v32 =	vadd.s32 v22, v32;
	_ =	sdelay $0x1  }
0x100: {  	v31 =	vperm.xlane v31, v21;
	_ =	sdelay $0x1  }
0x101: {  	v31 =	vadd.s32 v22, v31  }
0x102: {  	[tilespmem:s26], [sflag:$0x1] =	stream.indirect_vreg.gather [hbm4b:s1+s4], $0x80, v32, vm0, $0xb8;
	[tilespmem:$0xA100] =	vst v63  }
0x103: {  	_ = 	snop  }
0x104: {  	[tilespmem:s28], [sflag:$0x1] =	stream.indirect_vreg.gather [hbm4b:s6+s4], $0x80, v32, vm0, $0xb8;
	[tilespmem:$0xA100] =	vst v63  }
0x105: {  	_ = 	snop  }
0x106: {  	[tilespmem:s29], [sflag:$0x1] =	stream.indirect_vreg.gather [hbm4b:s1+s4], $0x80, v31, vm0, $0xb8;
	[tilespmem:$0xA100] =	vst v63  }
0x107: {  	_ = 	snop  }
0x108: {  	[tilespmem:s30], [sflag:$0x1] =	stream.indirect_vreg.gather [hbm4b:s6+s4], $0x80, v31, vm0, $0xb8;
	[tilespmem:$0xA100] =	vst v63  }
0x109: {  	_ =	swait.ge [sflag:s31], $0xA000  }
0x10a: {  	[sflag:s31] =	ssyncset.done $0x0  }
0x10b: {  	[sflag:s31] =	ssyncadd.s32 $0xFFFF6000  }
0x10c: {  	[tilespmem:$0x80] =	vst v5  }
0x10d: {  	[tilespmem:$0x90] =	vst v6  }
0x10e: {  	[tilespmem:$0xA0] =	vst v7  }
0x10f: {  	[tilespmem:$0xB0] =	vst v8  }
0x110: {  	[tilespmem:$0xC0] =	vst v9  }
0x111: {  	[hbm4b:s3+s4] =	stream.indirect_vreg.scatter [tilespmem:s10], [sflag:$0x2], $0x80, v25, vm0, $0xb8;
	[tilespmem:$0xA100] =	vst v63  }
0x112: {  	_ = 	snop  }
0x113: {  	[hbm4b:s7+s4] =	stream.indirect_vreg.scatter [tilespmem:s11], [sflag:$0x2], $0x80, v25, vm0, $0xb8;
	[tilespmem:$0xA100] =	vst v63  }
0x114: {  	_ = 	snop  }
0x115: {  	[hbm4b:s3+s4] =	stream.indirect_vreg.scatter [tilespmem:s12], [sflag:$0x2], $0x80, v26, vm0, $0xb8;
	[tilespmem:$0xA100] =	vst v63  }
0x116: {  	_ = 	snop  }
0x117: {  	[hbm4b:s7+s4] =	stream.indirect_vreg.scatter [tilespmem:s13], [sflag:$0x2], $0x80, v26, vm0, $0xb8;
	[tilespmem:$0xA100] =	vst v63  }
0x118: {  	v31 =	vld [tilespmem:$0x90];
	_ =	sdelay $0x4  }
0x119: {  	v42 =	vshll.u32 v31, $0x2  }
0x11a: {  	v31 =	vand.u32 $0x7, v31;
	v32 =	vand.u32 $0xFFFFFFE0, v42  }
0x11b: {  	v31 =	vor.u32 v31, v32  }
0x11c: {  	v32 =	vperm.xlane v31, v20;
	_ =	sdelay $0x1  }
0x11d: {  	v32 =	vadd.s32 v22, v32;
	_ =	sdelay $0x1  }
0x11e: {  	v31 =	vperm.xlane v31, v21;
	_ =	sdelay $0x1  }
0x11f: {  	v31 =	vadd.s32 v22, v31  }
0x120: {  	[hbm4b:s3+s4] =	stream.indirect_vreg.scatter [tilespmem:s14], [sflag:$0x2], $0x80, v32, vm0, $0xb8;
	[tilespmem:$0xA100] =	vst v63  }
0x121: {  	_ = 	snop  }
0x122: {  	[hbm4b:s7+s4] =	stream.indirect_vreg.scatter [tilespmem:s15], [sflag:$0x2], $0x80, v32, vm0, $0xb8;
	[tilespmem:$0xA100] =	vst v63  }
0x123: {  	_ = 	snop  }
0x124: {  	[hbm4b:s3+s4] =	stream.indirect_vreg.scatter [tilespmem:s16], [sflag:$0x2], $0x80, v31, vm0, $0xb8;
	[tilespmem:$0xA100] =	vst v63  }
0x125: {  	_ = 	snop  }
0x126: {  	[hbm4b:s7+s4] =	stream.indirect_vreg.scatter [tilespmem:s17], [sflag:$0x2], $0x80, v31, vm0, $0xb8;
	[tilespmem:$0xA100] =	vst v63  }
0x127: {  	v31 =	vld [tilespmem:$0xA0];
	_ =	sdelay $0x4  }
0x128: {  	v43 =	vshll.u32 v31, $0x2  }
0x129: {  	v31 =	vand.u32 $0x7, v31;
	v32 =	vand.u32 $0xFFFFFFE0, v43  }
0x12a: {  	v31 =	vor.u32 v31, v32  }
0x12b: {  	v32 =	vperm.xlane v31, v20;
	_ =	sdelay $0x1  }
0x12c: {  	v32 =	vadd.s32 v22, v32;
	_ =	sdelay $0x1  }
0x12d: {  	v31 =	vperm.xlane v31, v21;
	_ =	sdelay $0x1  }
0x12e: {  	v31 =	vadd.s32 v22, v31  }
0x12f: {  	[hbm4b:s3+s4] =	stream.indirect_vreg.scatter [tilespmem:s18], [sflag:$0x2], $0x80, v32, vm0, $0xb8;
	[tilespmem:$0xA100] =	vst v63  }
0x130: {  	_ = 	snop  }
0x131: {  	[hbm4b:s7+s4] =	stream.indirect_vreg.scatter [tilespmem:s19], [sflag:$0x2], $0x80, v32, vm0, $0xb8;
	[tilespmem:$0xA100] =	vst v63  }
0x132: {  	_ = 	snop  }
0x133: {  	[hbm4b:s3+s4] =	stream.indirect_vreg.scatter [tilespmem:s20], [sflag:$0x2], $0x80, v31, vm0, $0xb8;
	[tilespmem:$0xA100] =	vst v63  }
0x134: {  	_ = 	snop  }
0x135: {  	[hbm4b:s7+s4] =	stream.indirect_vreg.scatter [tilespmem:s21], [sflag:$0x2], $0x80, v31, vm0, $0xb8;
	[tilespmem:$0xA100] =	vst v63  }
0x136: {  	v31 =	vld [tilespmem:$0xB0];
	_ =	sdelay $0x4  }
0x137: {  	v44 =	vshll.u32 v31, $0x2  }
0x138: {  	v31 =	vand.u32 $0x7, v31;
	v32 =	vand.u32 $0xFFFFFFE0, v44  }
0x139: {  	v31 =	vor.u32 v31, v32  }
0x13a: {  	v32 =	vperm.xlane v31, v20;
	_ =	sdelay $0x1  }
0x13b: {  	v32 =	vadd.s32 v22, v32;
	_ =	sdelay $0x1  }
0x13c: {  	v31 =	vperm.xlane v31, v21;
	_ =	sdelay $0x1  }
0x13d: {  	v31 =	vadd.s32 v22, v31  }
0x13e: {  	[hbm4b:s3+s4] =	stream.indirect_vreg.scatter [tilespmem:s22], [sflag:$0x2], $0x80, v32, vm0, $0xb8;
	[tilespmem:$0xA100] =	vst v63  }
0x13f: {  	_ = 	snop  }
0x140: {  	[hbm4b:s7+s4] =	stream.indirect_vreg.scatter [tilespmem:s23], [sflag:$0x2], $0x80, v32, vm0, $0xb8;
	[tilespmem:$0xA100] =	vst v63  }
0x141: {  	_ = 	snop  }
0x142: {  	[hbm4b:s3+s4] =	stream.indirect_vreg.scatter [tilespmem:s24], [sflag:$0x2], $0x80, v31, vm0, $0xb8;
	[tilespmem:$0xA100] =	vst v63  }
0x143: {  	_ = 	snop  }
0x144: {  	[hbm4b:s7+s4] =	stream.indirect_vreg.scatter [tilespmem:s25], [sflag:$0x2], $0x80, v31, vm0, $0xb8;
	[tilespmem:$0xA100] =	vst v63  }
0x145: {  	v31 =	vld [tilespmem:$0xC0];
	_ =	sdelay $0x4  }
0x146: {  	v45 =	vshll.u32 v31, $0x2  }
0x147: {  	v31 =	vand.u32 $0x7, v31;
	v32 =	vand.u32 $0xFFFFFFE0, v45  }
0x148: {  	v31 =	vor.u32 v31, v32  }
0x149: {  	v32 =	vperm.xlane v31, v20;
	_ =	sdelay $0x1  }
0x14a: {  	v32 =	vadd.s32 v22, v32;
	_ =	sdelay $0x1  }
0x14b: {  	v31 =	vperm.xlane v31, v21;
	_ =	sdelay $0x1  }
0x14c: {  	v31 =	vadd.s32 v22, v31  }
0x14d: {  	[hbm4b:s3+s4] =	stream.indirect_vreg.scatter [tilespmem:s26], [sflag:$0x2], $0x80, v32, vm0, $0xb8;
	[tilespmem:$0xA100] =	vst v63  }
0x14e: {  	_ = 	snop  }
0x14f: {  	[hbm4b:s7+s4] =	stream.indirect_vreg.scatter [tilespmem:s28], [sflag:$0x2], $0x80, v32, vm0, $0xb8;
	[tilespmem:$0xA100] =	vst v63  }
0x150: {  	_ = 	snop  }
0x151: {  	[hbm4b:s3+s4] =	stream.indirect_vreg.scatter [tilespmem:s29], [sflag:$0x2], $0x80, v31, vm0, $0xb8;
	[tilespmem:$0xA100] =	vst v63  }
0x152: {  	_ = 	snop  }
0x153: {  	[hbm4b:s7+s4] =	stream.indirect_vreg.scatter [tilespmem:s30], [sflag:$0x2], $0x80, v31, vm0, $0xb8;
	[tilespmem:$0xA100] =	vst v63  }
0x154: {  	_ =	swait.ge [sflag:s2], $0xA000  }
0x155: {  	[sflag:s2] =	ssyncset.done $0x0  }
0x156: {  	s0 =	rddreg [dreg:$0x5];
	[sflag:s2] =	ssyncadd.s32 $0xFFFF6000  }
0x157: {  	[tilespmem:s4], [sflag:$0x3] =	stream.linear.gather [hbm4b:s0+s4], $0x50, $0x38;
	[tilespmem:$0xA100] =	vst v63  }
0x158: {  	_ =	swait.ge [sflag:s9], $0x50  }
0x159: {  	[sflag:s9] =	ssyncset.done $0x0  }
0x15a: {  	[sflag:s9] =	ssyncadd.s32 $0xFFFFFFB0  }
0x15b: {  	v31 =	vld [tilespmem:$0x0];
	_ =	sdelay $0x4  }
0x15c: {  	v46 =	vshll.u32 v31, $0x2  }
0x15d: {  	v31 =	vand.u32 $0x7, v31;
	v32 =	vand.u32 $0xFFFFFFE0, v46  }
0x15e: {  	v31 =	vor.u32 v31, v32  }
0x15f: {  	v32 =	vperm.xlane v31, v20;
	_ =	sdelay $0x1  }
0x160: {  	v32 =	vadd.s32 v22, v32;
	_ =	sdelay $0x1  }
0x161: {  	v31 =	vperm.xlane v31, v21;
	_ =	sdelay $0x1  }
0x162: {  	v31 =	vadd.s32 v22, v31  }
0x163: {  	[tilespmem:s10], [sflag:$0x1] =	stream.indirect_vreg.gather [hbm4b:s1+s4], $0x80, v32, vm0, $0xb8;
	[tilespmem:$0xA100] =	vst v63  }
0x164: {  	_ = 	snop  }
0x165: {  	[tilespmem:s11], [sflag:$0x1] =	stream.indirect_vreg.gather [hbm4b:s6+s4], $0x80, v32, vm0, $0xb8;
	[tilespmem:$0xA100] =	vst v63  }
0x166: {  	_ = 	snop  }
0x167: {  	[tilespmem:s12], [sflag:$0x1] =	stream.indirect_vreg.gather [hbm4b:s1+s4], $0x80, v31, vm0, $0xb8;
	[tilespmem:$0xA100] =	vst v63  }
0x168: {  	_ = 	snop  }
0x169: {  	[tilespmem:s13], [sflag:$0x1] =	stream.indirect_vreg.gather [hbm4b:s6+s4], $0x80, v31, vm0, $0xb8;
	[tilespmem:$0xA100] =	vst v63  }
0x16a: {  	v31 =	vld [tilespmem:$0x10];
	_ =	sdelay $0x4  }
0x16b: {  	v47 =	vshll.u32 v31, $0x2  }
0x16c: {  	v31 =	vand.u32 $0x7, v31;
	v32 =	vand.u32 $0xFFFFFFE0, v47  }
0x16d: {  	v31 =	vor.u32 v31, v32  }
0x16e: {  	v32 =	vperm.xlane v31, v20;
	_ =	sdelay $0x1  }
0x16f: {  	v32 =	vadd.s32 v22, v32;
	_ =	sdelay $0x1  }
0x170: {  	v31 =	vperm.xlane v31, v21;
	_ =	sdelay $0x1  }
0x171: {  	v31 =	vadd.s32 v22, v31  }
0x172: {  	[tilespmem:s14], [sflag:$0x1] =	stream.indirect_vreg.gather [hbm4b:s1+s4], $0x80, v32, vm0, $0xb8;
	[tilespmem:$0xA100] =	vst v63  }
0x173: {  	_ = 	snop  }
0x174: {  	[tilespmem:s15], [sflag:$0x1] =	stream.indirect_vreg.gather [hbm4b:s6+s4], $0x80, v32, vm0, $0xb8;
	[tilespmem:$0xA100] =	vst v63  }
0x175: {  	_ = 	snop  }
0x176: {  	[tilespmem:s16], [sflag:$0x1] =	stream.indirect_vreg.gather [hbm4b:s1+s4], $0x80, v31, vm0, $0xb8;
	[tilespmem:$0xA100] =	vst v63  }
0x177: {  	_ = 	snop  }
0x178: {  	[tilespmem:s17], [sflag:$0x1] =	stream.indirect_vreg.gather [hbm4b:s6+s4], $0x80, v31, vm0, $0xb8;
	[tilespmem:$0xA100] =	vst v63  }
0x179: {  	v31 =	vld [tilespmem:$0x20];
	_ =	sdelay $0x4  }
0x17a: {  	v48 =	vshll.u32 v31, $0x2  }
0x17b: {  	v31 =	vand.u32 $0x7, v31;
	v32 =	vand.u32 $0xFFFFFFE0, v48  }
0x17c: {  	v31 =	vor.u32 v31, v32  }
0x17d: {  	v32 =	vperm.xlane v31, v20;
	_ =	sdelay $0x1  }
0x17e: {  	v32 =	vadd.s32 v22, v32;
	_ =	sdelay $0x1  }
0x17f: {  	v31 =	vperm.xlane v31, v21;
	_ =	sdelay $0x1  }
0x180: {  	v31 =	vadd.s32 v22, v31  }
0x181: {  	[tilespmem:s18], [sflag:$0x1] =	stream.indirect_vreg.gather [hbm4b:s1+s4], $0x80, v32, vm0, $0xb8;
	[tilespmem:$0xA100] =	vst v63  }
0x182: {  	_ = 	snop  }
0x183: {  	[tilespmem:s19], [sflag:$0x1] =	stream.indirect_vreg.gather [hbm4b:s6+s4], $0x80, v32, vm0, $0xb8;
	[tilespmem:$0xA100] =	vst v63  }
0x184: {  	_ = 	snop  }
0x185: {  	[tilespmem:s20], [sflag:$0x1] =	stream.indirect_vreg.gather [hbm4b:s1+s4], $0x80, v31, vm0, $0xb8;
	[tilespmem:$0xA100] =	vst v63  }
0x186: {  	_ = 	snop  }
0x187: {  	[tilespmem:s21], [sflag:$0x1] =	stream.indirect_vreg.gather [hbm4b:s6+s4], $0x80, v31, vm0, $0xb8;
	[tilespmem:$0xA100] =	vst v63  }
0x188: {  	v31 =	vld [tilespmem:$0x30];
	_ =	sdelay $0x4  }
0x189: {  	v49 =	vshll.u32 v31, $0x2  }
0x18a: {  	v31 =	vand.u32 $0x7, v31;
	v32 =	vand.u32 $0xFFFFFFE0, v49  }
0x18b: {  	v31 =	vor.u32 v31, v32  }
0x18c: {  	v32 =	vperm.xlane v31, v20;
	_ =	sdelay $0x1  }
0x18d: {  	v32 =	vadd.s32 v22, v32;
	_ =	sdelay $0x1  }
0x18e: {  	v31 =	vperm.xlane v31, v21;
	_ =	sdelay $0x1  }
0x18f: {  	v31 =	vadd.s32 v22, v31  }
0x190: {  	[tilespmem:s22], [sflag:$0x1] =	stream.indirect_vreg.gather [hbm4b:s1+s4], $0x80, v32, vm0, $0xb8;
	[tilespmem:$0xA100] =	vst v63  }
0x191: {  	_ = 	snop  }
0x192: {  	[tilespmem:s23], [sflag:$0x1] =	stream.indirect_vreg.gather [hbm4b:s6+s4], $0x80, v32, vm0, $0xb8;
	[tilespmem:$0xA100] =	vst v63  }
0x193: {  	_ = 	snop  }
0x194: {  	[tilespmem:s24], [sflag:$0x1] =	stream.indirect_vreg.gather [hbm4b:s1+s4], $0x80, v31, vm0, $0xb8;
	[tilespmem:$0xA100] =	vst v63  }
0x195: {  	_ = 	snop  }
0x196: {  	[tilespmem:s25], [sflag:$0x1] =	stream.indirect_vreg.gather [hbm4b:s6+s4], $0x80, v31, vm0, $0xb8;
	[tilespmem:$0xA100] =	vst v63  }
0x197: {  	v31 =	vld [tilespmem:$0x40];
	_ =	sdelay $0x4  }
0x198: {  	v50 =	vshll.u32 v31, $0x2  }
0x199: {  	v31 =	vand.u32 $0x7, v31;
	v32 =	vand.u32 $0xFFFFFFE0, v50  }
0x19a: {  	v31 =	vor.u32 v31, v32  }
0x19b: {  	v32 =	vperm.xlane v31, v20;
	_ =	sdelay $0x1  }
0x19c: {  	v32 =	vadd.s32 v22, v32;
	_ =	sdelay $0x1  }
0x19d: {  	v31 =	vperm.xlane v31, v21;
	_ =	sdelay $0x1  }
0x19e: {  	v31 =	vadd.s32 v22, v31  }
0x19f: {  	[tilespmem:s26], [sflag:$0x1] =	stream.indirect_vreg.gather [hbm4b:s1+s4], $0x80, v32, vm0, $0xb8;
	[tilespmem:$0xA100] =	vst v63  }
0x1a0: {  	_ = 	snop  }
0x1a1: {  	[tilespmem:s28], [sflag:$0x1] =	stream.indirect_vreg.gather [hbm4b:s6+s4], $0x80, v32, vm0, $0xb8;
	[tilespmem:$0xA100] =	vst v63  }
0x1a2: {  	_ = 	snop  }
0x1a3: {  	[tilespmem:s29], [sflag:$0x1] =	stream.indirect_vreg.gather [hbm4b:s1+s4], $0x80, v31, vm0, $0xb8;
	[tilespmem:$0xA100] =	vst v63  }
0x1a4: {  	_ = 	snop  }
0x1a5: {  	[tilespmem:s30], [sflag:$0x1] =	stream.indirect_vreg.gather [hbm4b:s6+s4], $0x80, v31, vm0, $0xb8;
	[tilespmem:$0xA100] =	vst v63  }
0x1a6: {  	_ =	swait.ge [sflag:s31], $0xA000  }
0x1a7: {  	[sflag:s31] =	ssyncset.done $0x0  }
0x1a8: {  	[sflag:s31] =	ssyncadd.s32 $0xFFFF6000  }
0x1a9: {  	[tilespmem:$0x80] =	vst v10  }
0x1aa: {  	[tilespmem:$0x90] =	vst v11  }
0x1ab: {  	[tilespmem:$0xA0] =	vst v12  }
0x1ac: {  	[tilespmem:$0xB0] =	vst v13  }
0x1ad: {  	[tilespmem:$0xC0] =	vst v14  }
0x1ae: {  	[hbm4b:s3+s4] =	stream.indirect_vreg.scatter [tilespmem:s10], [sflag:$0x2], $0x80, v27, vm0, $0xb8;
	[tilespmem:$0xA100] =	vst v63  }
0x1af: {  	_ = 	snop  }
0x1b0: {  	[hbm4b:s7+s4] =	stream.indirect_vreg.scatter [tilespmem:s11], [sflag:$0x2], $0x80, v27, vm0, $0xb8;
	[tilespmem:$0xA100] =	vst v63  }
0x1b1: {  	_ = 	snop  }
0x1b2: {  	[hbm4b:s3+s4] =	stream.indirect_vreg.scatter [tilespmem:s12], [sflag:$0x2], $0x80, v28, vm0, $0xb8;
	[tilespmem:$0xA100] =	vst v63  }
0x1b3: {  	_ = 	snop  }
0x1b4: {  	[hbm4b:s7+s4] =	stream.indirect_vreg.scatter [tilespmem:s13], [sflag:$0x2], $0x80, v28, vm0, $0xb8;
	[tilespmem:$0xA100] =	vst v63  }
0x1b5: {  	v31 =	vld [tilespmem:$0x90];
	_ =	sdelay $0x4  }
0x1b6: {  	v51 =	vshll.u32 v31, $0x2  }
0x1b7: {  	v31 =	vand.u32 $0x7, v31;
	v32 =	vand.u32 $0xFFFFFFE0, v51  }
0x1b8: {  	v31 =	vor.u32 v31, v32  }
0x1b9: {  	v32 =	vperm.xlane v31, v20;
	_ =	sdelay $0x1  }
0x1ba: {  	v32 =	vadd.s32 v22, v32;
	_ =	sdelay $0x1  }
0x1bb: {  	v31 =	vperm.xlane v31, v21;
	_ =	sdelay $0x1  }
0x1bc: {  	v31 =	vadd.s32 v22, v31  }
0x1bd: {  	[hbm4b:s3+s4] =	stream.indirect_vreg.scatter [tilespmem:s14], [sflag:$0x2], $0x80, v32, vm0, $0xb8;
	[tilespmem:$0xA100] =	vst v63  }
0x1be: {  	_ = 	snop  }
0x1bf: {  	[hbm4b:s7+s4] =	stream.indirect_vreg.scatter [tilespmem:s15], [sflag:$0x2], $0x80, v32, vm0, $0xb8;
	[tilespmem:$0xA100] =	vst v63  }
0x1c0: {  	_ = 	snop  }
0x1c1: {  	[hbm4b:s3+s4] =	stream.indirect_vreg.scatter [tilespmem:s16], [sflag:$0x2], $0x80, v31, vm0, $0xb8;
	[tilespmem:$0xA100] =	vst v63  }
0x1c2: {  	_ = 	snop  }
0x1c3: {  	[hbm4b:s7+s4] =	stream.indirect_vreg.scatter [tilespmem:s17], [sflag:$0x2], $0x80, v31, vm0, $0xb8;
	[tilespmem:$0xA100] =	vst v63  }
0x1c4: {  	v31 =	vld [tilespmem:$0xA0];
	_ =	sdelay $0x4  }
0x1c5: {  	v52 =	vshll.u32 v31, $0x2  }
0x1c6: {  	v31 =	vand.u32 $0x7, v31;
	v32 =	vand.u32 $0xFFFFFFE0, v52  }
0x1c7: {  	v31 =	vor.u32 v31, v32  }
0x1c8: {  	v32 =	vperm.xlane v31, v20;
	_ =	sdelay $0x1  }
0x1c9: {  	v32 =	vadd.s32 v22, v32;
	_ =	sdelay $0x1  }
0x1ca: {  	v31 =	vperm.xlane v31, v21;
	_ =	sdelay $0x1  }
0x1cb: {  	v31 =	vadd.s32 v22, v31  }
0x1cc: {  	[hbm4b:s3+s4] =	stream.indirect_vreg.scatter [tilespmem:s18], [sflag:$0x2], $0x80, v32, vm0, $0xb8;
	[tilespmem:$0xA100] =	vst v63  }
0x1cd: {  	_ = 	snop  }
0x1ce: {  	[hbm4b:s7+s4] =	stream.indirect_vreg.scatter [tilespmem:s19], [sflag:$0x2], $0x80, v32, vm0, $0xb8;
	[tilespmem:$0xA100] =	vst v63  }
0x1cf: {  	_ = 	snop  }
0x1d0: {  	[hbm4b:s3+s4] =	stream.indirect_vreg.scatter [tilespmem:s20], [sflag:$0x2], $0x80, v31, vm0, $0xb8;
	[tilespmem:$0xA100] =	vst v63  }
0x1d1: {  	_ = 	snop  }
0x1d2: {  	[hbm4b:s7+s4] =	stream.indirect_vreg.scatter [tilespmem:s21], [sflag:$0x2], $0x80, v31, vm0, $0xb8;
	[tilespmem:$0xA100] =	vst v63  }
0x1d3: {  	v31 =	vld [tilespmem:$0xB0];
	_ =	sdelay $0x4  }
0x1d4: {  	v53 =	vshll.u32 v31, $0x2  }
0x1d5: {  	v31 =	vand.u32 $0x7, v31;
	v32 =	vand.u32 $0xFFFFFFE0, v53  }
0x1d6: {  	v31 =	vor.u32 v31, v32  }
0x1d7: {  	v32 =	vperm.xlane v31, v20;
	_ =	sdelay $0x1  }
0x1d8: {  	v32 =	vadd.s32 v22, v32;
	_ =	sdelay $0x1  }
0x1d9: {  	v31 =	vperm.xlane v31, v21;
	_ =	sdelay $0x1  }
0x1da: {  	v31 =	vadd.s32 v22, v31  }
0x1db: {  	[hbm4b:s3+s4] =	stream.indirect_vreg.scatter [tilespmem:s22], [sflag:$0x2], $0x80, v32, vm0, $0xb8;
	[tilespmem:$0xA100] =	vst v63  }
0x1dc: {  	_ = 	snop  }
0x1dd: {  	[hbm4b:s7+s4] =	stream.indirect_vreg.scatter [tilespmem:s23], [sflag:$0x2], $0x80, v32, vm0, $0xb8;
	[tilespmem:$0xA100] =	vst v63  }
0x1de: {  	_ = 	snop  }
0x1df: {  	[hbm4b:s3+s4] =	stream.indirect_vreg.scatter [tilespmem:s24], [sflag:$0x2], $0x80, v31, vm0, $0xb8;
	[tilespmem:$0xA100] =	vst v63  }
0x1e0: {  	_ = 	snop  }
0x1e1: {  	[hbm4b:s7+s4] =	stream.indirect_vreg.scatter [tilespmem:s25], [sflag:$0x2], $0x80, v31, vm0, $0xb8;
	[tilespmem:$0xA100] =	vst v63  }
0x1e2: {  	v31 =	vld [tilespmem:$0xC0];
	_ =	sdelay $0x4  }
0x1e3: {  	v54 =	vshll.u32 v31, $0x2  }
0x1e4: {  	v31 =	vand.u32 $0x7, v31;
	v32 =	vand.u32 $0xFFFFFFE0, v54  }
0x1e5: {  	v31 =	vor.u32 v31, v32  }
0x1e6: {  	v32 =	vperm.xlane v31, v20;
	_ =	sdelay $0x1  }
0x1e7: {  	v32 =	vadd.s32 v22, v32;
	_ =	sdelay $0x1  }
0x1e8: {  	v31 =	vperm.xlane v31, v21;
	_ =	sdelay $0x1  }
0x1e9: {  	v31 =	vadd.s32 v22, v31  }
0x1ea: {  	[hbm4b:s3+s4] =	stream.indirect_vreg.scatter [tilespmem:s26], [sflag:$0x2], $0x80, v32, vm0, $0xb8;
	[tilespmem:$0xA100] =	vst v63  }
0x1eb: {  	_ = 	snop  }
0x1ec: {  	[hbm4b:s7+s4] =	stream.indirect_vreg.scatter [tilespmem:s28], [sflag:$0x2], $0x80, v32, vm0, $0xb8;
	[tilespmem:$0xA100] =	vst v63  }
0x1ed: {  	_ = 	snop  }
0x1ee: {  	[hbm4b:s3+s4] =	stream.indirect_vreg.scatter [tilespmem:s29], [sflag:$0x2], $0x80, v31, vm0, $0xb8;
	[tilespmem:$0xA100] =	vst v63  }
0x1ef: {  	_ = 	snop  }
0x1f0: {  	[hbm4b:s7+s4] =	stream.indirect_vreg.scatter [tilespmem:s30], [sflag:$0x2], $0x80, v31, vm0, $0xb8;
	[tilespmem:$0xA100] =	vst v63  }
0x1f1: {  	_ =	swait.ge [sflag:s2], $0xA000  }
0x1f2: {  	[sflag:s2] =	ssyncset.done $0x0  }
0x1f3: {  	s0 =	rddreg [dreg:$0x6];
	[sflag:s2] =	ssyncadd.s32 $0xFFFF6000  }
0x1f4: {  	[tilespmem:s4], [sflag:$0x3] =	stream.linear.gather [hbm4b:s0+s4], $0x50, $0x38;
	[tilespmem:$0xA100] =	vst v63  }
0x1f5: {  	_ =	swait.ge [sflag:s9], $0x50  }
0x1f6: {  	[sflag:s9] =	ssyncset.done $0x0  }
0x1f7: {  	[sflag:s9] =	ssyncadd.s32 $0xFFFFFFB0  }
0x1f8: {  	v31 =	vld [tilespmem:$0x0];
	_ =	sdelay $0x4  }
0x1f9: {  	v55 =	vshll.u32 v31, $0x2  }
0x1fa: {  	v31 =	vand.u32 $0x7, v31;
	v32 =	vand.u32 $0xFFFFFFE0, v55  }
0x1fb: {  	v31 =	vor.u32 v31, v32  }
0x1fc: {  	v32 =	vperm.xlane v31, v20;
	_ =	sdelay $0x1  }
0x1fd: {  	v32 =	vadd.s32 v22, v32;
	_ =	sdelay $0x1  }
0x1fe: {  	v31 =	vperm.xlane v31, v21;
	_ =	sdelay $0x1  }
0x1ff: {  	v31 =	vadd.s32 v22, v31  }
0x200: {  	[tilespmem:s10], [sflag:$0x1] =	stream.indirect_vreg.gather [hbm4b:s1+s4], $0x80, v32, vm0, $0xb8;
	[tilespmem:$0xA100] =	vst v63  }
0x201: {  	_ = 	snop  }
0x202: {  	[tilespmem:s11], [sflag:$0x1] =	stream.indirect_vreg.gather [hbm4b:s6+s4], $0x80, v32, vm0, $0xb8;
	[tilespmem:$0xA100] =	vst v63  }
0x203: {  	_ = 	snop  }
0x204: {  	[tilespmem:s12], [sflag:$0x1] =	stream.indirect_vreg.gather [hbm4b:s1+s4], $0x80, v31, vm0, $0xb8;
	[tilespmem:$0xA100] =	vst v63  }
0x205: {  	_ = 	snop  }
0x206: {  	[tilespmem:s13], [sflag:$0x1] =	stream.indirect_vreg.gather [hbm4b:s6+s4], $0x80, v31, vm0, $0xb8;
	[tilespmem:$0xA100] =	vst v63  }
0x207: {  	v31 =	vld [tilespmem:$0x10];
	_ =	sdelay $0x4  }
0x208: {  	v56 =	vshll.u32 v31, $0x2  }
0x209: {  	v31 =	vand.u32 $0x7, v31;
	v32 =	vand.u32 $0xFFFFFFE0, v56  }
0x20a: {  	v31 =	vor.u32 v31, v32  }
0x20b: {  	v32 =	vperm.xlane v31, v20;
	_ =	sdelay $0x1  }
0x20c: {  	v32 =	vadd.s32 v22, v32;
	_ =	sdelay $0x1  }
0x20d: {  	v31 =	vperm.xlane v31, v21;
	_ =	sdelay $0x1  }
0x20e: {  	v31 =	vadd.s32 v22, v31  }
0x20f: {  	[tilespmem:s14], [sflag:$0x1] =	stream.indirect_vreg.gather [hbm4b:s1+s4], $0x80, v32, vm0, $0xb8;
	[tilespmem:$0xA100] =	vst v63  }
0x210: {  	_ = 	snop  }
0x211: {  	[tilespmem:s15], [sflag:$0x1] =	stream.indirect_vreg.gather [hbm4b:s6+s4], $0x80, v32, vm0, $0xb8;
	[tilespmem:$0xA100] =	vst v63  }
0x212: {  	_ = 	snop  }
0x213: {  	[tilespmem:s16], [sflag:$0x1] =	stream.indirect_vreg.gather [hbm4b:s1+s4], $0x80, v31, vm0, $0xb8;
	[tilespmem:$0xA100] =	vst v63  }
0x214: {  	_ = 	snop  }
0x215: {  	[tilespmem:s17], [sflag:$0x1] =	stream.indirect_vreg.gather [hbm4b:s6+s4], $0x80, v31, vm0, $0xb8;
	[tilespmem:$0xA100] =	vst v63  }
0x216: {  	v31 =	vld [tilespmem:$0x20];
	_ =	sdelay $0x4  }
0x217: {  	v57 =	vshll.u32 v31, $0x2  }
0x218: {  	v31 =	vand.u32 $0x7, v31;
	v32 =	vand.u32 $0xFFFFFFE0, v57  }
0x219: {  	v31 =	vor.u32 v31, v32  }
0x21a: {  	v32 =	vperm.xlane v31, v20;
	_ =	sdelay $0x1  }
0x21b: {  	v32 =	vadd.s32 v22, v32;
	_ =	sdelay $0x1  }
0x21c: {  	v31 =	vperm.xlane v31, v21;
	_ =	sdelay $0x1  }
0x21d: {  	v31 =	vadd.s32 v22, v31  }
0x21e: {  	[tilespmem:s18], [sflag:$0x1] =	stream.indirect_vreg.gather [hbm4b:s1+s4], $0x80, v32, vm0, $0xb8;
	[tilespmem:$0xA100] =	vst v63  }
0x21f: {  	_ = 	snop  }
0x220: {  	[tilespmem:s19], [sflag:$0x1] =	stream.indirect_vreg.gather [hbm4b:s6+s4], $0x80, v32, vm0, $0xb8;
	[tilespmem:$0xA100] =	vst v63  }
0x221: {  	_ = 	snop  }
0x222: {  	[tilespmem:s20], [sflag:$0x1] =	stream.indirect_vreg.gather [hbm4b:s1+s4], $0x80, v31, vm0, $0xb8;
	[tilespmem:$0xA100] =	vst v63  }
0x223: {  	_ = 	snop  }
0x224: {  	[tilespmem:s21], [sflag:$0x1] =	stream.indirect_vreg.gather [hbm4b:s6+s4], $0x80, v31, vm0, $0xb8;
	[tilespmem:$0xA100] =	vst v63  }
0x225: {  	v31 =	vld [tilespmem:$0x30];
	_ =	sdelay $0x4  }
0x226: {  	v58 =	vshll.u32 v31, $0x2  }
0x227: {  	v31 =	vand.u32 $0x7, v31;
	v32 =	vand.u32 $0xFFFFFFE0, v58  }
0x228: {  	v31 =	vor.u32 v31, v32  }
0x229: {  	v32 =	vperm.xlane v31, v20;
	_ =	sdelay $0x1  }
0x22a: {  	v32 =	vadd.s32 v22, v32;
	_ =	sdelay $0x1  }
0x22b: {  	v31 =	vperm.xlane v31, v21;
	_ =	sdelay $0x1  }
0x22c: {  	v31 =	vadd.s32 v22, v31  }
0x22d: {  	[tilespmem:s22], [sflag:$0x1] =	stream.indirect_vreg.gather [hbm4b:s1+s4], $0x80, v32, vm0, $0xb8;
	[tilespmem:$0xA100] =	vst v63  }
0x22e: {  	_ = 	snop  }
0x22f: {  	[tilespmem:s23], [sflag:$0x1] =	stream.indirect_vreg.gather [hbm4b:s6+s4], $0x80, v32, vm0, $0xb8;
	[tilespmem:$0xA100] =	vst v63  }
0x230: {  	_ = 	snop  }
0x231: {  	[tilespmem:s24], [sflag:$0x1] =	stream.indirect_vreg.gather [hbm4b:s1+s4], $0x80, v31, vm0, $0xb8;
	[tilespmem:$0xA100] =	vst v63  }
0x232: {  	_ = 	snop  }
0x233: {  	[tilespmem:s25], [sflag:$0x1] =	stream.indirect_vreg.gather [hbm4b:s6+s4], $0x80, v31, vm0, $0xb8;
	[tilespmem:$0xA100] =	vst v63  }
0x234: {  	v31 =	vld [tilespmem:$0x40];
	_ =	sdelay $0x4  }
0x235: {  	v59 =	vshll.u32 v31, $0x2  }
0x236: {  	v31 =	vand.u32 $0x7, v31;
	v32 =	vand.u32 $0xFFFFFFE0, v59  }
0x237: {  	v31 =	vor.u32 v31, v32  }
0x238: {  	v32 =	vperm.xlane v31, v20;
	_ =	sdelay $0x1  }
0x239: {  	v32 =	vadd.s32 v22, v32;
	_ =	sdelay $0x1  }
0x23a: {  	v31 =	vperm.xlane v31, v21;
	_ =	sdelay $0x1  }
0x23b: {  	v31 =	vadd.s32 v22, v31  }
0x23c: {  	[tilespmem:s26], [sflag:$0x1] =	stream.indirect_vreg.gather [hbm4b:s1+s4], $0x80, v32, vm0, $0xb8;
	[tilespmem:$0xA100] =	vst v63  }
0x23d: {  	_ = 	snop  }
0x23e: {  	[tilespmem:s28], [sflag:$0x1] =	stream.indirect_vreg.gather [hbm4b:s6+s4], $0x80, v32, vm0, $0xb8;
	[tilespmem:$0xA100] =	vst v63  }
0x23f: {  	_ = 	snop  }
0x240: {  	[tilespmem:s29], [sflag:$0x1] =	stream.indirect_vreg.gather [hbm4b:s1+s4], $0x80, v31, vm0, $0xb8;
	[tilespmem:$0xA100] =	vst v63  }
0x241: {  	_ = 	snop  }
0x242: {  	[tilespmem:s30], [sflag:$0x1] =	stream.indirect_vreg.gather [hbm4b:s6+s4], $0x80, v31, vm0, $0xb8;
	[tilespmem:$0xA100] =	vst v63  }
0x243: {  	_ =	swait.ge [sflag:s31], $0xA000  }
0x244: {  	[sflag:s31] =	ssyncset.done $0x0  }
0x245: {  	[sflag:s31] =	ssyncadd.s32 $0xFFFF6000  }
0x246: {  	[tilespmem:$0x80] =	vst v15  }
0x247: {  	[tilespmem:$0x90] =	vst v16  }
0x248: {  	[tilespmem:$0xA0] =	vst v17  }
0x249: {  	[tilespmem:$0xB0] =	vst v18  }
0x24a: {  	[tilespmem:$0xC0] =	vst v19  }
0x24b: {  	[hbm4b:s3+s4] =	stream.indirect_vreg.scatter [tilespmem:s10], [sflag:$0x2], $0x80, v29, vm0, $0xb8;
	[tilespmem:$0xA100] =	vst v63  }
0x24c: {  	_ = 	snop  }
0x24d: {  	[hbm4b:s7+s4] =	stream.indirect_vreg.scatter [tilespmem:s11], [sflag:$0x2], $0x80, v29, vm0, $0xb8;
	[tilespmem:$0xA100] =	vst v63  }
0x24e: {  	_ = 	snop  }
0x24f: {  	[hbm4b:s3+s4] =	stream.indirect_vreg.scatter [tilespmem:s12], [sflag:$0x2], $0x80, v30, vm0, $0xb8;
	[tilespmem:$0xA100] =	vst v63  }
0x250: {  	_ = 	snop  }
0x251: {  	[hbm4b:s7+s4] =	stream.indirect_vreg.scatter [tilespmem:s13], [sflag:$0x2], $0x80, v30, vm0, $0xb8;
	[tilespmem:$0xA100] =	vst v63  }
0x252: {  	v31 =	vld [tilespmem:$0x90];
	_ =	sdelay $0x4  }
0x253: {  	v60 =	vshll.u32 v31, $0x2  }
0x254: {  	v31 =	vand.u32 $0x7, v31;
	v32 =	vand.u32 $0xFFFFFFE0, v60  }
0x255: {  	v31 =	vor.u32 v31, v32  }
0x256: {  	v32 =	vperm.xlane v31, v20;
	_ =	sdelay $0x1  }
0x257: {  	v32 =	vadd.s32 v22, v32;
	_ =	sdelay $0x1  }
0x258: {  	v31 =	vperm.xlane v31, v21;
	_ =	sdelay $0x1  }
0x259: {  	v31 =	vadd.s32 v22, v31  }
0x25a: {  	[hbm4b:s3+s4] =	stream.indirect_vreg.scatter [tilespmem:s14], [sflag:$0x2], $0x80, v32, vm0, $0xb8;
	[tilespmem:$0xA100] =	vst v63  }
0x25b: {  	_ = 	snop  }
0x25c: {  	[hbm4b:s7+s4] =	stream.indirect_vreg.scatter [tilespmem:s15], [sflag:$0x2], $0x80, v32, vm0, $0xb8;
	[tilespmem:$0xA100] =	vst v63  }
0x25d: {  	_ = 	snop  }
0x25e: {  	[hbm4b:s3+s4] =	stream.indirect_vreg.scatter [tilespmem:s16], [sflag:$0x2], $0x80, v31, vm0, $0xb8;
	[tilespmem:$0xA100] =	vst v63  }
0x25f: {  	_ = 	snop  }
0x260: {  	[hbm4b:s7+s4] =	stream.indirect_vreg.scatter [tilespmem:s17], [sflag:$0x2], $0x80, v31, vm0, $0xb8;
	[tilespmem:$0xA100] =	vst v63  }
0x261: {  	v31 =	vld [tilespmem:$0xA0];
	_ =	sdelay $0x4  }
0x262: {  	v61 =	vshll.u32 v31, $0x2  }
0x263: {  	v31 =	vand.u32 $0x7, v31;
	v32 =	vand.u32 $0xFFFFFFE0, v61  }
0x264: {  	v31 =	vor.u32 v31, v32  }
0x265: {  	v32 =	vperm.xlane v31, v20;
	_ =	sdelay $0x1  }
0x266: {  	v32 =	vadd.s32 v22, v32;
	_ =	sdelay $0x1  }
0x267: {  	v31 =	vperm.xlane v31, v21;
	_ =	sdelay $0x1  }
0x268: {  	v31 =	vadd.s32 v22, v31  }
0x269: {  	[hbm4b:s3+s4] =	stream.indirect_vreg.scatter [tilespmem:s18], [sflag:$0x2], $0x80, v32, vm0, $0xb8;
	[tilespmem:$0xA100] =	vst v63  }
0x26a: {  	_ = 	snop  }
0x26b: {  	[hbm4b:s7+s4] =	stream.indirect_vreg.scatter [tilespmem:s19], [sflag:$0x2], $0x80, v32, vm0, $0xb8;
	[tilespmem:$0xA100] =	vst v63  }
0x26c: {  	_ = 	snop  }
0x26d: {  	[hbm4b:s3+s4] =	stream.indirect_vreg.scatter [tilespmem:s20], [sflag:$0x2], $0x80, v31, vm0, $0xb8;
	[tilespmem:$0xA100] =	vst v63  }
0x26e: {  	_ = 	snop  }
0x26f: {  	[hbm4b:s7+s4] =	stream.indirect_vreg.scatter [tilespmem:s21], [sflag:$0x2], $0x80, v31, vm0, $0xb8;
	[tilespmem:$0xA100] =	vst v63  }
0x270: {  	v31 =	vld [tilespmem:$0xB0];
	_ =	sdelay $0x4  }
0x271: {  	v62 =	vshll.u32 v31, $0x2  }
0x272: {  	v31 =	vand.u32 $0x7, v31;
	v32 =	vand.u32 $0xFFFFFFE0, v62  }
0x273: {  	v31 =	vor.u32 v31, v32  }
0x274: {  	v32 =	vperm.xlane v31, v20;
	_ =	sdelay $0x1  }
0x275: {  	v32 =	vadd.s32 v22, v32;
	_ =	sdelay $0x1  }
0x276: {  	v31 =	vperm.xlane v31, v21;
	_ =	sdelay $0x1  }
0x277: {  	v31 =	vadd.s32 v22, v31  }
0x278: {  	[hbm4b:s3+s4] =	stream.indirect_vreg.scatter [tilespmem:s22], [sflag:$0x2], $0x80, v32, vm0, $0xb8;
	[tilespmem:$0xA100] =	vst v63  }
0x279: {  	_ = 	snop  }
0x27a: {  	[hbm4b:s7+s4] =	stream.indirect_vreg.scatter [tilespmem:s23], [sflag:$0x2], $0x80, v32, vm0, $0xb8;
	[tilespmem:$0xA100] =	vst v63  }
0x27b: {  	_ = 	snop  }
0x27c: {  	[hbm4b:s3+s4] =	stream.indirect_vreg.scatter [tilespmem:s24], [sflag:$0x2], $0x80, v31, vm0, $0xb8;
	[tilespmem:$0xA100] =	vst v63  }
0x27d: {  	_ = 	snop  }
0x27e: {  	[hbm4b:s7+s4] =	stream.indirect_vreg.scatter [tilespmem:s25], [sflag:$0x2], $0x80, v31, vm0, $0xb8;
	[tilespmem:$0xA100] =	vst v63  }
0x27f: {  	v31 =	vld [tilespmem:$0xC0];
	_ =	sdelay $0x4  }
0x280: {  	v63 =	vshll.u32 v31, $0x2  }
0x281: {  	v31 =	vand.u32 $0x7, v31;
	v32 =	vand.u32 $0xFFFFFFE0, v63  }
0x282: {  	v31 =	vor.u32 v31, v32  }
0x283: {  	v32 =	vperm.xlane v31, v20;
	_ =	sdelay $0x1  }
0x284: {  	v32 =	vadd.s32 v22, v32;
	_ =	sdelay $0x1  }
0x285: {  	v31 =	vperm.xlane v31, v21;
	_ =	sdelay $0x1  }
0x286: {  	v31 =	vadd.s32 v22, v31  }
0x287: {  	[hbm4b:s3+s4] =	stream.indirect_vreg.scatter [tilespmem:s26], [sflag:$0x2], $0x80, v32, vm0, $0xb8;
	[tilespmem:$0xA100] =	vst v63  }
0x288: {  	_ = 	snop  }
0x289: {  	[hbm4b:s7+s4] =	stream.indirect_vreg.scatter [tilespmem:s28], [sflag:$0x2], $0x80, v32, vm0, $0xb8;
	[tilespmem:$0xA100] =	vst v63  }
0x28a: {  	p0 =	sne.s32 s8, $0x1  }
0x28b: {  	[hbm4b:s3+s4] =	stream.indirect_vreg.scatter [tilespmem:s29], [sflag:$0x2], $0x80, v31, vm0, $0xb8;
	[tilespmem:$0xA100] =	vst v63  }
.Ltmp0:
0x28c: {  	_ = 	snop;
	(pc) =	sbr.rel @p0 .LBB2_1-.Ltmp0, $4  }
0x28d: {  	[hbm4b:s7+s4] =	stream.indirect_vreg.scatter [tilespmem:s30], [sflag:$0x2], $0x80, v31, vm0, $0xb8;
	[tilespmem:$0xA100] =	vst v63  }
0x28e: {  	_ =	swait.ge [sflag:s2], $0xA000  }
0x28f: {  	[sflag:s2] =	ssyncset.done $0x0  }
0x290: {  	s8 =	sadd.s32 $0xFFFFFFFF, s8;
	[sflag:s2] =	ssyncadd.s32 $0xFFFF6000  }
0x291: {  	_ =	sfence.sel $0x180000  }
0x292: {  	[bflag:$0x0] =	sbarrier.arrive $0xFFFF  }
0x293: {  	_ =	strace $0x90000047  }
0x294: {  	s0 =	stileid.u32;
	[bflag:$0x2] =	sbarrier.arrive $0xFFFF  }
0x295: {  	p0 =	sne.s32 s0, $0x0;
	s0 =	rddreg [dreg:$0x3]  }
0x296: {  	s0 =	sadd.s32 @!p0 $0x100000, s0  }
0x297: {  	[sflag:s0] =	ssyncadd.tile.s32 @!p0 $0x1;
	_ =	shalt  }
.Lfunc_end2:
_tile_overlayer_lowered:
.L_overlay_start_2:
0x298: {  	(tag) =	ssettag $0x2  }
0x299: {  	s0 =	rddreg [dreg:$0x0];
	s2 =	stileid.u32  }
0x29a: {  	s1 =	rddreg [dreg:$0x1];
	p0 =	sne.s32 s2, $0x0  }
0x29b: {  	s3 =	rddreg [dreg:$0x2];
	[bflag:$0x3] =	sbarrier.arrive $0xFFFF;
	s2 =	simm.s32 @!p0 $0x1C03  }
0x29c: {  	[timem:s3], [sflag:s2] =	dma.local @!p0 [hbm:s0], s1  }
0x29d: {  	s0 =	simm.s32 @!p0 $0x3  }
0x29e: {  	_ =	swait.ge @!p0 [sflag:s0], s1  }
0x29f: {  	s1 =	ssub.s32 @!p0 $0x0, s1;
	[sflag:s0] =	ssyncset.done @!p0 $0x0  }
0x2a0: {  	[sflag:s0] =	ssyncadd.s32 @!p0 s1  }
0x2a1: {  	[bflag:$0x3] =	sbarrier.arrive $0xFFFF  }
0x2a2: {  	_ =	shalt  }

</sc_bundles>
